<compile_context>
chip_gen: v7x
topology: tpu7x:2x2x1
jax: 0.10.2.dev20260603
libtpu: 0.0.44.dev20260713+nightly
codegen_flags: <defaults>
</compile_context>

<pallas_src>
import numpy as np
import jax
import jax.numpy as jnp
from jax import lax
from jax.experimental import pallas as pl
from jax.experimental.pallas import tpu as pltpu
from jax.experimental.pallas import tpu_sc as plsc

_N = 100000
_D = 128
_B = 4096

_TILE_N = 2048
_NPAD = 100352
_NSTEPS = _NPAD // _TILE_N
_R = 8

_K0 = np.uint32(2247515013)
_K1 = np.uint32(2545468385)
_KS2 = np.uint32(_K0 ^ _K1 ^ np.uint32(0x1BD11BDA))
_KS = (int(_K0), int(_K1), int(_KS2))
_INJ = tuple(
    (np.uint32(_KS[i % 3]), np.uint32((_KS[(i + 1) % 3] + i) & 0xFFFFFFFF))
    for i in range(1, 6))

_TINY = np.float32(np.finfo(np.float32).tiny)
_ROT_A = (13, 15, 26, 6)
_ROT_B = (17, 29, 16, 24)


def _threefry_bits(x1):
    x0 = jnp.full(x1.shape, _K0, dtype=jnp.uint32)
    for i, (c0, c1) in enumerate(_INJ):
        rots = _ROT_A if i % 2 == 0 else _ROT_B
        for r in rots:
            x0 = x0 + x1
            x1 = (x1 << jnp.uint32(r)) | (x1 >> jnp.uint32(32 - r))
            x1 = x1 ^ x0
        x0 = x0 + c0
        x1 = x1 + c1
    return x0 ^ x1


def _gumbel_from_bits(bits):
    fb = (bits >> jnp.uint32(9)) | jnp.uint32(0x3F800000)
    f = lax.bitcast_convert_type(fb, jnp.float32) - jnp.float32(1.0)
    u = jnp.maximum(f, _TINY)
    return -jnp.log(-jnp.log(u))


def _sampler_body(w_ref, idx_ref):
    b0 = pl.program_id(0)
    row = lax.broadcasted_iota(jnp.uint32, (_R, _TILE_N), 0)
    col = lax.broadcasted_iota(jnp.uint32, (_R, _TILE_N), 1)
    px1 = ((jnp.uint32(b0) * jnp.uint32(_R) + row) * jnp.uint32(_N)
           + col + jnp.uint32(_K1))

    def step(t, carry):
        bv, bt = carry
        n0 = t * _TILE_N
        g = _gumbel_from_bits(_threefry_bits(px1 + n0.astype(jnp.uint32)))
        wt = w_ref[0:1, pl.ds(n0, _TILE_N)]
        c = g + wt
        mask = c > bv
        bv = jnp.where(mask, c, bv)
        bt = jnp.where(mask, t, bt)
        return bv, bt

    init = (
        jnp.full((_R, _TILE_N), -jnp.inf, dtype=jnp.float32),
        jnp.zeros((_R, _TILE_N), dtype=jnp.int32),
    )
    bv, bt = lax.fori_loop(0, _NSTEPS, step, init, unroll=7)

    coli = lax.broadcasted_iota(jnp.int32, (_R, _TILE_N), 1)
    ncand = bt * _TILE_N + coli
    m = jnp.max(bv, axis=1, keepdims=True)
    big = jnp.int32(np.int32(2**31 - 1))
    idx = jnp.min(jnp.where(bv == m, ncand, big), axis=1, keepdims=True)
    idx_ref[0, :, :] = idx


def _lse_body(w_ref, out_ref):
    w = w_ref[...]
    m = jnp.max(w)
    s = jnp.sum(jnp.exp(w - m))
    out_ref[...] = jnp.broadcast_to(m + jnp.log(s), (1, 16))


_NC = 2
_NS = 16
_NW = _NC * _NS
_BPW = _B // _NW


def _gather_body(table_ref, w_hbm_ref, lse_ref, idx_ref,
                 out_ref, logw_ref,
                 idx_v, rows_v, wv, logw_v, lse_v, sem, sem2):
    wid = lax.axis_index("s") * _NC + lax.axis_index("c")
    base = wid * _BPW
    pltpu.sync_copy(idx_ref.at[pl.ds(base, _BPW)], idx_v)
    c1 = pltpu.async_copy(table_ref.at[idx_v], rows_v, sem)
    c2 = pltpu.async_copy(w_hbm_ref.at[idx_v], wv, sem2)
    pltpu.sync_copy(lse_ref, lse_v)
    c2.wait()
    lv = lse_v[...]
    for j in range(_BPW // 16):
        logw_v[pl.ds(j * 16, 16)] = wv[pl.ds(j * 16, 16)] - lv
    c1.wait()
    pltpu.sync_copy(rows_v, out_ref.at[pl.ds(base, _BPW)])
    pltpu.sync_copy(logw_v, logw_ref.at[pl.ds(base, _BPW)])


_B_SC = 1184
_B_TC = _B - _B_SC
_NB_TC = _B_TC // _R
_NB_SC = _B_SC // _R
_RPW = _B_SC // _NW


def _scbits_body(out_ref, buf):
    wid = lax.axis_index("s") * _NC + lax.axis_index("c")
    iota16 = lax.iota(jnp.int32, 16).astype(jnp.uint32)

    def row_loop(rr, _):
        r = wid * _RPW + rr
        rowbase = ((_B_TC + r).astype(jnp.uint32) * jnp.uint32(_N)
                   + jnp.uint32(_K1) + iota16)

        def body(v, _):
            pv = rowbase + (v * 16).astype(jnp.uint32)
            buf[pl.ds(v * 16, 16)] = _threefry_bits(pv)
            return 0

        lax.fori_loop(0, _NPAD // 16, body, 0, unroll=8)
        pltpu.sync_copy(buf, out_ref.at[r])
        return 0

    lax.fori_loop(0, _RPW, row_loop, 0)


def _finisher_body(w_ref, bits_ref, idx_ref):
    def step(t, carry):
        bv, bt = carry
        n0 = t * _TILE_N
        g = _gumbel_from_bits(bits_ref[:, pl.ds(n0, _TILE_N)])
        wt = w_ref[0:1, pl.ds(n0, _TILE_N)]
        c = g + wt
        mask = c > bv
        bv = jnp.where(mask, c, bv)
        bt = jnp.where(mask, t, bt)
        return bv, bt

    init = (
        jnp.full((_R, _TILE_N), -jnp.inf, dtype=jnp.float32),
        jnp.zeros((_R, _TILE_N), dtype=jnp.int32),
    )
    bv, bt = lax.fori_loop(0, _NSTEPS, step, init, unroll=7)

    coli = lax.broadcasted_iota(jnp.int32, (_R, _TILE_N), 1)
    ncand = bt * _TILE_N + coli
    m = jnp.max(bv, axis=1, keepdims=True)
    big = jnp.int32(np.int32(2**31 - 1))
    idx = jnp.min(jnp.where(bv == m, ncand, big), axis=1, keepdims=True)
    idx_ref[0, :, :] = idx


def kernel(data, weights):
    w_pad = jnp.pad(
        weights.reshape(1, _N), ((0, 0), (0, _NPAD - _N)),
        constant_values=-np.inf)

    lse = pl.pallas_call(
        _lse_body,
        out_shape=jax.ShapeDtypeStruct((1, 16), jnp.float32),
        in_specs=[pl.BlockSpec((1, _NPAD), lambda: (0, 0))],
        out_specs=pl.BlockSpec((1, 16), lambda: (0, 0)),
    )(w_pad)

    scbits = pl.kernel(
        _scbits_body,
        out_type=jax.ShapeDtypeStruct((_B_SC, _NPAD), jnp.uint32),
        mesh=plsc.VectorSubcoreMesh(core_axis_name="c", subcore_axis_name="s"),
        scratch_types=[pltpu.VMEM((_NPAD,), jnp.uint32)],
    )()

    idx3 = pl.pallas_call(
        _sampler_body,
        grid=(_NB_TC,),
        out_shape=jax.ShapeDtypeStruct((_NB_TC, _R, 1), jnp.int32),
        in_specs=[pl.BlockSpec((1, _NPAD), lambda i: (0, 0))],
        out_specs=pl.BlockSpec((1, _R, 1), lambda i: (i, 0, 0)),
        compiler_params=pltpu.CompilerParams(
            dimension_semantics=("parallel",)),
    )(w_pad)

    idx3b = pl.pallas_call(
        _finisher_body,
        grid=(_NB_SC,),
        out_shape=jax.ShapeDtypeStruct((_NB_SC, _R, 1), jnp.int32),
        in_specs=[
            pl.BlockSpec((1, _NPAD), lambda i: (0, 0)),
            pl.BlockSpec((_R, _NPAD), lambda i: (i, 0)),
        ],
        out_specs=pl.BlockSpec((1, _R, 1), lambda i: (i, 0, 0)),
        compiler_params=pltpu.CompilerParams(
            dimension_semantics=("parallel",)),
    )(w_pad, scbits)

    indices = jnp.concatenate(
        [idx3.reshape(_B_TC), idx3b.reshape(_B_SC)])

    mesh = plsc.VectorSubcoreMesh(core_axis_name="c", subcore_axis_name="s")
    gather = pl.kernel(
        _gather_body,
        out_type=(
            jax.ShapeDtypeStruct((_B, _D), jnp.float32),
            jax.ShapeDtypeStruct((_B,), jnp.float32),
        ),
        mesh=mesh,
        scratch_types=[
            pltpu.VMEM((_BPW,), jnp.int32),
            pltpu.VMEM((_BPW, _D), jnp.float32),
            pltpu.VMEM((_BPW,), jnp.float32),
            pltpu.VMEM((_BPW,), jnp.float32),
            pltpu.VMEM((16,), jnp.float32),
            pltpu.SemaphoreType.DMA,
            pltpu.SemaphoreType.DMA,
        ],
    )
    batch, logw = gather(data, weights, lse.reshape(16), indices)
    return (batch, logw, indices)

# --- scband reference (transcript-rebuilt; emitter-appended) ---
"""Pipeline reference for scband-weighted-data-distribution-81827716924172 (READ-ONLY COPY).

The authoritative reference and input builder live on the scoring server;
editing this copy changes nothing except your own understanding.
"""

import jax, jax.numpy as jnp
import numpy as np

N = 100000
D = 128
B = 4096


def setup_inputs(seed: int = 0) -> dict:
    key = jax.random.key(seed)
    k1, k2 = jax.random.split(key)
    data = jax.random.normal(k1, (N, D), dtype=jnp.float32)
    # nn.Parameter weight initialized with normal_() per init_meta
    weights = jax.random.normal(k2, (N,), dtype=jnp.float32)
    return {"data": data, "weights": weights}


def reference(data, weights):
    # WeightedInfiniteSampler: Categorical(logits=self.weights).sample() -> batch of indices
    skey = jax.random.fold_in(jax.random.key(0), 123)
    indices = jax.random.categorical(skey, weights, shape=(B,))
    # sample(): weight = self.weight.log_softmax(dim=0); weight = weight[indices]
    logw = jax.nn.log_softmax(weights, axis=0)[indices]
    # MetaDataset returns (data[index], index); DataLoader collates the batch
    batch = jnp.take(data, indices, axis=0)
    return (batch, logw, indices)

if __name__ == "__main__":
    import jax
    _d = setup_inputs()
    print(jax.jit(kernel)(*tuple(_d.values())))

</pallas_src>

<mosaic_0001>
#map = affine_map<(d0, d1) -> (0, 0)>
module attributes {stable_mosaic.version = 14 : i64} {
  func.func @_scbits_body(%arg0: i32, %arg1: i32, %arg2: memref<1184x100352xi32, #tpu.memory_space<hbm>>, %arg3: memref<100352xi32, #tpu.memory_space<vmem>>) attributes {dimension_semantics = [#tpu.dimension_semantics<core_parallel>, #tpu.dimension_semantics<subcore_parallel>], iteration_bounds = array<i64: 2, 16>, scalar_prefetch = 0 : i64, scratch_operands = 1 : i64, tpu.core_type = #tpu.core_type<sc_vector_subcore>, window_params = [{transform_indices = #map}]} {
    %mul3A = arith.constant 2 : i32
    %mul3A_0 = arith.muli %arg1, %mul3A : i32
    %add3A = arith.addi %mul3A_0, %arg0 : i32
    %iota3A = tpu.iota {dimensions = array<i32: 0>} : vector<16xi32>
    %scan3A = arith.constant 0 : i32
    %scan3A_1 = arith.constant 0 : i32
    %scan3A_2 = arith.constant 37 : i32
    %scan3A_3 = arith.addi %scan3A_1, %scan3A_2 : i32
    %scan3A_4 = arith.constant 1 : i32
    %scan3A_5 = scf.for %scan3A_7 = %scan3A_1 to %scan3A_3 step %scan3A_4 iter_args(%scan3A_8 = %scan3A) -> (i32)  : i32 {
      %mul3A_9 = arith.constant 37 : i32
      %mul3A_10 = arith.muli %add3A, %mul3A_9 : i32
      %add3A_11 = arith.addi %mul3A_10, %scan3A_7 : i32
      %add3A_12 = arith.constant 2912 : i32
      %add3A_13 = arith.addi %add3A_12, %add3A_11 : i32
      %mul3A_14 = arith.constant 100000 : i32
      %mul3A_15 = arith.muli %add3A_13, %mul3A_14 : i32
      %add3A_16 = arith.constant -1749498911 : i32
      %add3A_17 = arith.addi %mul3A_15, %add3A_16 : i32
      %add3A_18 = vector.broadcast %add3A_17 : i32 to vector<16xi32>
      %add3A_19 = arith.addi %add3A_18, %iota3A : vector<16xi32>
      %scan3A_20 = arith.constant 0 : i32
      %scan3A_21 = arith.constant 0 : i32
      %scan3A_22 = arith.constant 6272 : i32
      %scan3A_23 = arith.addi %scan3A_21, %scan3A_22 : i32
      %scan3A_24 = arith.constant 8 : i32
      %scan3A_25 = scf.for %scan3A_28 = %scan3A_21 to %scan3A_23 step %scan3A_24 iter_args(%scan3A_29 = %scan3A_20) -> (i32)  : i32 {
        %mul3A_30 = arith.constant 16 : i32
        %mul3A_31 = arith.muli %scan3A_28, %mul3A_30 : i32
        %add3A_32 = vector.broadcast %mul3A_31 : i32 to vector<16xi32>
        %add3A_33 = arith.addi %add3A_19, %add3A_32 : vector<16xi32>
        %broadcast_in_dim3A = arith.constant -2047452283 : i32
        %broadcast_in_dim3A_34 = vector.broadcast %broadcast_in_dim3A : i32 to vector<16xi32>
        %add3A_35 = arith.addi %broadcast_in_dim3A_34, %add3A_33 : vector<16xi32>
        %shift_left3A = arith.constant 13 : i32
        %shift_left3A_36 = vector.broadcast %shift_left3A : i32 to vector<16xi32>
        %shift_left3A_37 = arith.shli %add3A_33, %shift_left3A_36 : vector<16xi32>
        %shift_right_logical3A = arith.constant 19 : i32
        %shift_right_logical3A_38 = vector.broadcast %shift_right_logical3A : i32 to vector<16xi32>
        %shift_right_logical3A_39 = arith.shrui %add3A_33, %shift_right_logical3A_38 : vector<16xi32>
        %or3A = arith.ori %shift_left3A_37, %shift_right_logical3A_39 : vector<16xi32>
        %xor3A = arith.xori %or3A, %add3A_35 : vector<16xi32>
        %add3A_40 = arith.addi %add3A_35, %xor3A : vector<16xi32>
        %shift_left3A_41 = arith.constant 15 : i32
        %shift_left3A_42 = vector.broadcast %shift_left3A_41 : i32 to vector<16xi32>
        %shift_left3A_43 = arith.shli %xor3A, %shift_left3A_42 : vector<16xi32>
        %shift_right_logical3A_44 = arith.constant 17 : i32
        %shift_right_logical3A_45 = vector.broadcast %shift_right_logical3A_44 : i32 to vector<16xi32>
        %shift_right_logical3A_46 = arith.shrui %xor3A, %shift_right_logical3A_45 : vector<16xi32>
        %or3A_47 = arith.ori %shift_left3A_43, %shift_right_logical3A_46 : vector<16xi32>
        %xor3A_48 = arith.xori %or3A_47, %add3A_40 : vector<16xi32>
        %add3A_49 = arith.addi %add3A_40, %xor3A_48 : vector<16xi32>
        %shift_left3A_50 = arith.constant 26 : i32
        %shift_left3A_51 = vector.broadcast %shift_left3A_50 : i32 to vector<16xi32>
        %shift_left3A_52 = arith.shli %xor3A_48, %shift_left3A_51 : vector<16xi32>
        %shift_right_logical3A_53 = arith.constant 6 : i32
        %shift_right_logical3A_54 = vector.broadcast %shift_right_logical3A_53 : i32 to vector<16xi32>
        %shift_right_logical3A_55 = arith.shrui %xor3A_48, %shift_right_logical3A_54 : vector<16xi32>
        %or3A_56 = arith.ori %shift_left3A_52, %shift_right_logical3A_55 : vector<16xi32>
        %xor3A_57 = arith.xori %or3A_56, %add3A_49 : vector<16xi32>
        %add3A_58 = arith.addi %add3A_49, %xor3A_57 : vector<16xi32>
        %shift_left3A_59 = arith.constant 6 : i32
        %shift_left3A_60 = vector.broadcast %shift_left3A_59 : i32 to vector<16xi32>
        %shift_left3A_61 = arith.shli %xor3A_57, %shift_left3A_60 : vector<16xi32>
        %shift_right_logical3A_62 = arith.constant 26 : i32
        %shift_right_logical3A_63 = vector.broadcast %shift_right_logical3A_62 : i32 to vector<16xi32>
        %shift_right_logical3A_64 = arith.shrui %xor3A_57, %shift_right_logical3A_63 : vector<16xi32>
        %or3A_65 = arith.ori %shift_left3A_61, %shift_right_logical3A_64 : vector<16xi32>
        %xor3A_66 = arith.xori %or3A_65, %add3A_58 : vector<16xi32>
        %add3A_67 = arith.constant -1749498911 : i32
        %add3A_68 = vector.broadcast %add3A_67 : i32 to vector<16xi32>
        %add3A_69 = arith.addi %add3A_58, %add3A_68 : vector<16xi32>
        %add3A_70 = arith.constant 161448895 : i32
        %add3A_71 = vector.broadcast %add3A_70 : i32 to vector<16xi32>
        %add3A_72 = arith.addi %xor3A_66, %add3A_71 : vector<16xi32>
        %add3A_73 = arith.addi %add3A_69, %add3A_72 : vector<16xi32>
        %shift_left3A_74 = arith.constant 17 : i32
        %shift_left3A_75 = vector.broadcast %shift_left3A_74 : i32 to vector<16xi32>
        %shift_left3A_76 = arith.shli %add3A_72, %shift_left3A_75 : vector<16xi32>
        %shift_right_logical3A_77 = arith.constant 15 : i32
        %shift_right_logical3A_78 = vector.broadcast %shift_right_logical3A_77 : i32 to vector<16xi32>
        %shift_right_logical3A_79 = arith.shrui %add3A_72, %shift_right_logical3A_78 : vector<16xi32>
        %or3A_80 = arith.ori %shift_left3A_76, %shift_right_logical3A_79 : vector<16xi32>
        %xor3A_81 = arith.xori %or3A_80, %add3A_73 : vector<16xi32>
        %add3A_82 = arith.addi %add3A_73, %xor3A_81 : vector<16xi32>
        %shift_left3A_83 = arith.constant 29 : i32
        %shift_left3A_84 = vector.broadcast %shift_left3A_83 : i32 to vector<16xi32>
        %shift_left3A_85 = arith.shli %xor3A_81, %shift_left3A_84 : vector<16xi32>
        %shift_right_logical3A_86 = arith.constant 3 : i32
        %shift_right_logical3A_87 = vector.broadcast %shift_right_logical3A_86 : i32 to vector<16xi32>
        %shift_right_logical3A_88 = arith.shrui %xor3A_81, %shift_right_logical3A_87 : vector<16xi32>
        %or3A_89 = arith.ori %shift_left3A_85, %shift_right_logical3A_88 : vector<16xi32>
        %xor3A_90 = arith.xori %or3A_89, %add3A_82 : vector<16xi32>
        %add3A_91 = arith.addi %add3A_82, %xor3A_90 : vector<16xi32>
        %shift_left3A_92 = arith.constant 16 : i32
        %shift_left3A_93 = vector.broadcast %shift_left3A_92 : i32 to vector<16xi32>
        %shift_left3A_94 = arith.shli %xor3A_90, %shift_left3A_93 : vector<16xi32>
        %shift_right_logical3A_95 = arith.constant 16 : i32
        %shift_right_logical3A_96 = vector.broadcast %shift_right_logical3A_95 : i32 to vector<16xi32>
        %shift_right_logical3A_97 = arith.shrui %xor3A_90, %shift_right_logical3A_96 : vector<16xi32>
        %or3A_98 = arith.ori %shift_left3A_94, %shift_right_logical3A_97 : vector<16xi32>
        %xor3A_99 = arith.xori %or3A_98, %add3A_91 : vector<16xi32>
        %add3A_100 = arith.addi %add3A_91, %xor3A_99 : vector<16xi32>
        %shift_left3A_101 = arith.constant 24 : i32
        %shift_left3A_102 = vector.broadcast %shift_left3A_101 : i32 to vector<16xi32>
        %shift_left3A_103 = arith.shli %xor3A_99, %shift_left3A_102 : vector<16xi32>
        %shift_right_logical3A_104 = arith.constant 8 : i32
        %shift_right_logical3A_105 = vector.broadcast %shift_right_logical3A_104 : i32 to vector<16xi32>
        %shift_right_logical3A_106 = arith.shrui %xor3A_99, %shift_right_logical3A_105 : vector<16xi32>
        %or3A_107 = arith.ori %shift_left3A_103, %shift_right_logical3A_106 : vector<16xi32>
        %xor3A_108 = arith.xori %or3A_107, %add3A_100 : vector<16xi32>
        %add3A_109 = arith.constant 161448894 : i32
        %add3A_110 = vector.broadcast %add3A_109 : i32 to vector<16xi32>
        %add3A_111 = arith.addi %add3A_100, %add3A_110 : vector<16xi32>
        %add3A_112 = arith.constant -2047452281 : i32
        %add3A_113 = vector.broadcast %add3A_112 : i32 to vector<16xi32>
        %add3A_114 = arith.addi %xor3A_108, %add3A_113 : vector<16xi32>
        %add3A_115 = arith.addi %add3A_111, %add3A_114 : vector<16xi32>
        %shift_left3A_116 = arith.constant 13 : i32
        %shift_left3A_117 = vector.broadcast %shift_left3A_116 : i32 to vector<16xi32>
        %shift_left3A_118 = arith.shli %add3A_114, %shift_left3A_117 : vector<16xi32>
        %shift_right_logical3A_119 = arith.constant 19 : i32
        %shift_right_logical3A_120 = vector.broadcast %shift_right_logical3A_119 : i32 to vector<16xi32>
        %shift_right_logical3A_121 = arith.shrui %add3A_114, %shift_right_logical3A_120 : vector<16xi32>
        %or3A_122 = arith.ori %shift_left3A_118, %shift_right_logical3A_121 : vector<16xi32>
        %xor3A_123 = arith.xori %or3A_122, %add3A_115 : vector<16xi32>
        %add3A_124 = arith.addi %add3A_115, %xor3A_123 : vector<16xi32>
        %shift_left3A_125 = arith.constant 15 : i32
        %shift_left3A_126 = vector.broadcast %shift_left3A_125 : i32 to vector<16xi32>
        %shift_left3A_127 = arith.shli %xor3A_123, %shift_left3A_126 : vector<16xi32>
        %shift_right_logical3A_128 = arith.constant 17 : i32
        %shift_right_logical3A_129 = vector.broadcast %shift_right_logical3A_128 : i32 to vector<16xi32>
        %shift_right_logical3A_130 = arith.shrui %xor3A_123, %shift_right_logical3A_129 : vector<16xi32>
        %or3A_131 = arith.ori %shift_left3A_127, %shift_right_logical3A_130 : vector<16xi32>
        %xor3A_132 = arith.xori %or3A_131, %add3A_124 : vector<16xi32>
        %add3A_133 = arith.addi %add3A_124, %xor3A_132 : vector<16xi32>
        %shift_left3A_134 = arith.constant 26 : i32
        %shift_left3A_135 = vector.broadcast %shift_left3A_134 : i32 to vector<16xi32>
        %shift_left3A_136 = arith.shli %xor3A_132, %shift_left3A_135 : vector<16xi32>
        %shift_right_logical3A_137 = arith.constant 6 : i32
        %shift_right_logical3A_138 = vector.broadcast %shift_right_logical3A_137 : i32 to vector<16xi32>
        %shift_right_logical3A_139 = arith.shrui %xor3A_132, %shift_right_logical3A_138 : vector<16xi32>
        %or3A_140 = arith.ori %shift_left3A_136, %shift_right_logical3A_139 : vector<16xi32>
        %xor3A_141 = arith.xori %or3A_140, %add3A_133 : vector<16xi32>
        %add3A_142 = arith.addi %add3A_133, %xor3A_141 : vector<16xi32>
        %shift_left3A_143 = arith.constant 6 : i32
        %shift_left3A_144 = vector.broadcast %shift_left3A_143 : i32 to vector<16xi32>
        %shift_left3A_145 = arith.shli %xor3A_141, %shift_left3A_144 : vector<16xi32>
        %shift_right_logical3A_146 = arith.constant 26 : i32
        %shift_right_logical3A_147 = vector.broadcast %shift_right_logical3A_146 : i32 to vector<16xi32>
        %shift_right_logical3A_148 = arith.shrui %xor3A_141, %shift_right_logical3A_147 : vector<16xi32>
        %or3A_149 = arith.ori %shift_left3A_145, %shift_right_logical3A_148 : vector<16xi32>
        %xor3A_150 = arith.xori %or3A_149, %add3A_142 : vector<16xi32>
        %add3A_151 = arith.constant -2047452283 : i32
        %add3A_152 = vector.broadcast %add3A_151 : i32 to vector<16xi32>
        %add3A_153 = arith.addi %add3A_142, %add3A_152 : vector<16xi32>
        %add3A_154 = arith.constant -1749498908 : i32
        %add3A_155 = vector.broadcast %add3A_154 : i32 to vector<16xi32>
        %add3A_156 = arith.addi %xor3A_150, %add3A_155 : vector<16xi32>
        %add3A_157 = arith.addi %add3A_153, %add3A_156 : vector<16xi32>
        %shift_left3A_158 = arith.constant 17 : i32
        %shift_left3A_159 = vector.broadcast %shift_left3A_158 : i32 to vector<16xi32>
        %shift_left3A_160 = arith.shli %add3A_156, %shift_left3A_159 : vector<16xi32>
        %shift_right_logical3A_161 = arith.constant 15 : i32
        %shift_right_logical3A_162 = vector.broadcast %shift_right_logical3A_161 : i32 to vector<16xi32>
        %shift_right_logical3A_163 = arith.shrui %add3A_156, %shift_right_logical3A_162 : vector<16xi32>
        %or3A_164 = arith.ori %shift_left3A_160, %shift_right_logical3A_163 : vector<16xi32>
        %xor3A_165 = arith.xori %or3A_164, %add3A_157 : vector<16xi32>
        %add3A_166 = arith.addi %add3A_157, %xor3A_165 : vector<16xi32>
        %shift_left3A_167 = arith.constant 29 : i32
        %shift_left3A_168 = vector.broadcast %shift_left3A_167 : i32 to vector<16xi32>
        %shift_left3A_169 = arith.shli %xor3A_165, %shift_left3A_168 : vector<16xi32>
        %shift_right_logical3A_170 = arith.constant 3 : i32
        %shift_right_logical3A_171 = vector.broadcast %shift_right_logical3A_170 : i32 to vector<16xi32>
        %shift_right_logical3A_172 = arith.shrui %xor3A_165, %shift_right_logical3A_171 : vector<16xi32>
        %or3A_173 = arith.ori %shift_left3A_169, %shift_right_logical3A_172 : vector<16xi32>
        %xor3A_174 = arith.xori %or3A_173, %add3A_166 : vector<16xi32>
        %add3A_175 = arith.addi %add3A_166, %xor3A_174 : vector<16xi32>
        %shift_left3A_176 = arith.constant 16 : i32
        %shift_left3A_177 = vector.broadcast %shift_left3A_176 : i32 to vector<16xi32>
        %shift_left3A_178 = arith.shli %xor3A_174, %shift_left3A_177 : vector<16xi32>
        %shift_right_logical3A_179 = arith.constant 16 : i32
        %shift_right_logical3A_180 = vector.broadcast %shift_right_logical3A_179 : i32 to vector<16xi32>
        %shift_right_logical3A_181 = arith.shrui %xor3A_174, %shift_right_logical3A_180 : vector<16xi32>
        %or3A_182 = arith.ori %shift_left3A_178, %shift_right_logical3A_181 : vector<16xi32>
        %xor3A_183 = arith.xori %or3A_182, %add3A_175 : vector<16xi32>
        %add3A_184 = arith.addi %add3A_175, %xor3A_183 : vector<16xi32>
        %shift_left3A_185 = arith.constant 24 : i32
        %shift_left3A_186 = vector.broadcast %shift_left3A_185 : i32 to vector<16xi32>
        %shift_left3A_187 = arith.shli %xor3A_183, %shift_left3A_186 : vector<16xi32>
        %shift_right_logical3A_188 = arith.constant 8 : i32
        %shift_right_logical3A_189 = vector.broadcast %shift_right_logical3A_188 : i32 to vector<16xi32>
        %shift_right_logical3A_190 = arith.shrui %xor3A_183, %shift_right_logical3A_189 : vector<16xi32>
        %or3A_191 = arith.ori %shift_left3A_187, %shift_right_logical3A_190 : vector<16xi32>
        %xor3A_192 = arith.xori %or3A_191, %add3A_184 : vector<16xi32>
        %add3A_193 = arith.constant -1749498911 : i32
        %add3A_194 = vector.broadcast %add3A_193 : i32 to vector<16xi32>
        %add3A_195 = arith.addi %add3A_184, %add3A_194 : vector<16xi32>
        %add3A_196 = arith.constant 161448898 : i32
        %add3A_197 = vector.broadcast %add3A_196 : i32 to vector<16xi32>
        %add3A_198 = arith.addi %xor3A_192, %add3A_197 : vector<16xi32>
        %add3A_199 = arith.addi %add3A_195, %add3A_198 : vector<16xi32>
        %shift_left3A_200 = arith.constant 13 : i32
        %shift_left3A_201 = vector.broadcast %shift_left3A_200 : i32 to vector<16xi32>
        %shift_left3A_202 = arith.shli %add3A_198, %shift_left3A_201 : vector<16xi32>
        %shift_right_logical3A_203 = arith.constant 19 : i32
        %shift_right_logical3A_204 = vector.broadcast %shift_right_logical3A_203 : i32 to vector<16xi32>
        %shift_right_logical3A_205 = arith.shrui %add3A_198, %shift_right_logical3A_204 : vector<16xi32>
        %or3A_206 = arith.ori %shift_left3A_202, %shift_right_logical3A_205 : vector<16xi32>
        %xor3A_207 = arith.xori %or3A_206, %add3A_199 : vector<16xi32>
        %add3A_208 = arith.addi %add3A_199, %xor3A_207 : vector<16xi32>
        %shift_left3A_209 = arith.constant 15 : i32
        %shift_left3A_210 = vector.broadcast %shift_left3A_209 : i32 to vector<16xi32>
        %shift_left3A_211 = arith.shli %xor3A_207, %shift_left3A_210 : vector<16xi32>
        %shift_right_logical3A_212 = arith.constant 17 : i32
        %shift_right_logical3A_213 = vector.broadcast %shift_right_logical3A_212 : i32 to vector<16xi32>
        %shift_right_logical3A_214 = arith.shrui %xor3A_207, %shift_right_logical3A_213 : vector<16xi32>
        %or3A_215 = arith.ori %shift_left3A_211, %shift_right_logical3A_214 : vector<16xi32>
        %xor3A_216 = arith.xori %or3A_215, %add3A_208 : vector<16xi32>
        %add3A_217 = arith.addi %add3A_208, %xor3A_216 : vector<16xi32>
        %shift_left3A_218 = arith.constant 26 : i32
        %shift_left3A_219 = vector.broadcast %shift_left3A_218 : i32 to vector<16xi32>
        %shift_left3A_220 = arith.shli %xor3A_216, %shift_left3A_219 : vector<16xi32>
        %shift_right_logical3A_221 = arith.constant 6 : i32
        %shift_right_logical3A_222 = vector.broadcast %shift_right_logical3A_221 : i32 to vector<16xi32>
        %shift_right_logical3A_223 = arith.shrui %xor3A_216, %shift_right_logical3A_222 : vector<16xi32>
        %or3A_224 = arith.ori %shift_left3A_220, %shift_right_logical3A_223 : vector<16xi32>
        %xor3A_225 = arith.xori %or3A_224, %add3A_217 : vector<16xi32>
        %add3A_226 = arith.addi %add3A_217, %xor3A_225 : vector<16xi32>
        %shift_left3A_227 = arith.constant 6 : i32
        %shift_left3A_228 = vector.broadcast %shift_left3A_227 : i32 to vector<16xi32>
        %shift_left3A_229 = arith.shli %xor3A_225, %shift_left3A_228 : vector<16xi32>
        %shift_right_logical3A_230 = arith.constant 26 : i32
        %shift_right_logical3A_231 = vector.broadcast %shift_right_logical3A_230 : i32 to vector<16xi32>
        %shift_right_logical3A_232 = arith.shrui %xor3A_225, %shift_right_logical3A_231 : vector<16xi32>
        %or3A_233 = arith.ori %shift_left3A_229, %shift_right_logical3A_232 : vector<16xi32>
        %xor3A_234 = arith.xori %or3A_233, %add3A_226 : vector<16xi32>
        %add3A_235 = arith.constant 161448894 : i32
        %add3A_236 = vector.broadcast %add3A_235 : i32 to vector<16xi32>
        %add3A_237 = arith.addi %add3A_226, %add3A_236 : vector<16xi32>
        %add3A_238 = arith.constant -2047452278 : i32
        %add3A_239 = vector.broadcast %add3A_238 : i32 to vector<16xi32>
        %add3A_240 = arith.addi %xor3A_234, %add3A_239 : vector<16xi32>
        %xor3A_241 = arith.xori %add3A_237, %add3A_240 : vector<16xi32>
        %mul3A_242 = arith.constant 16 : i32
        %mul3A_243 = arith.muli %scan3A_28, %mul3A_242 : i32
        %swap3A = arith.index_cast %mul3A_243 : i32 to index
        %swap3A_244 = tpu.vector_load %arg3[%swap3A] {strides = array<i32>} : memref<100352xi32, #tpu.memory_space<vmem>>, vector<16xi32>,
        %swap3A_245 = vector.shape_cast %swap3A_244 : vector<16xi32> to vector<16xi32>
        %swap3A_246 = vector.shape_cast %xor3A_241 : vector<16xi32> to vector<16xi32>
        tpu.vector_store %arg3[%swap3A], %swap3A_246 {strides = array<i32>} : memref<100352xi32, #tpu.memory_space<vmem>>, vector<16xi32>,
        %scan3A_247 = arith.constant 0 : i32
        %scan3A_248 = arith.constant 1 : i32
        %scan3A_249 = arith.addi %scan3A_28, %scan3A_248 : i32
        %mul3A_250 = arith.constant 16 : i32
        %mul3A_251 = arith.muli %scan3A_249, %mul3A_250 : i32
        %add3A_252 = vector.broadcast %mul3A_251 : i32 to vector<16xi32>
        %add3A_253 = arith.addi %add3A_19, %add3A_252 : vector<16xi32>
        %broadcast_in_dim3A_254 = arith.constant -2047452283 : i32
        %broadcast_in_dim3A_255 = vector.broadcast %broadcast_in_dim3A_254 : i32 to vector<16xi32>
        %add3A_256 = arith.addi %broadcast_in_dim3A_255, %add3A_253 : vector<16xi32>
        %shift_left3A_257 = arith.constant 13 : i32
        %shift_left3A_258 = vector.broadcast %shift_left3A_257 : i32 to vector<16xi32>
        %shift_left3A_259 = arith.shli %add3A_253, %shift_left3A_258 : vector<16xi32>
        %shift_right_logical3A_260 = arith.constant 19 : i32
        %shift_right_logical3A_261 = vector.broadcast %shift_right_logical3A_260 : i32 to vector<16xi32>
        %shift_right_logical3A_262 = arith.shrui %add3A_253, %shift_right_logical3A_261 : vector<16xi32>
        %or3A_263 = arith.ori %shift_left3A_259, %shift_right_logical3A_262 : vector<16xi32>
        %xor3A_264 = arith.xori %or3A_263, %add3A_256 : vector<16xi32>
        %add3A_265 = arith.addi %add3A_256, %xor3A_264 : vector<16xi32>
        %shift_left3A_266 = arith.constant 15 : i32
        %shift_left3A_267 = vector.broadcast %shift_left3A_266 : i32 to vector<16xi32>
        %shift_left3A_268 = arith.shli %xor3A_264, %shift_left3A_267 : vector<16xi32>
        %shift_right_logical3A_269 = arith.constant 17 : i32
        %shift_right_logical3A_270 = vector.broadcast %shift_right_logical3A_269 : i32 to vector<16xi32>
        %shift_right_logical3A_271 = arith.shrui %xor3A_264, %shift_right_logical3A_270 : vector<16xi32>
        %or3A_272 = arith.ori %shift_left3A_268, %shift_right_logical3A_271 : vector<16xi32>
        %xor3A_273 = arith.xori %or3A_272, %add3A_265 : vector<16xi32>
        %add3A_274 = arith.addi %add3A_265, %xor3A_273 : vector<16xi32>
        %shift_left3A_275 = arith.constant 26 : i32
        %shift_left3A_276 = vector.broadcast %shift_left3A_275 : i32 to vector<16xi32>
        %shift_left3A_277 = arith.shli %xor3A_273, %shift_left3A_276 : vector<16xi32>
        %shift_right_logical3A_278 = arith.constant 6 : i32
        %shift_right_logical3A_279 = vector.broadcast %shift_right_logical3A_278 : i32 to vector<16xi32>
        %shift_right_logical3A_280 = arith.shrui %xor3A_273, %shift_right_logical3A_279 : vector<16xi32>
        %or3A_281 = arith.ori %shift_left3A_277, %shift_right_logical3A_280 : vector<16xi32>
        %xor3A_282 = arith.xori %or3A_281, %add3A_274 : vector<16xi32>
        %add3A_283 = arith.addi %add3A_274, %xor3A_282 : vector<16xi32>
        %shift_left3A_284 = arith.constant 6 : i32
        %shift_left3A_285 = vector.broadcast %shift_left3A_284 : i32 to vector<16xi32>
        %shift_left3A_286 = arith.shli %xor3A_282, %shift_left3A_285 : vector<16xi32>
        %shift_right_logical3A_287 = arith.constant 26 : i32
        %shift_right_logical3A_288 = vector.broadcast %shift_right_logical3A_287 : i32 to vector<16xi32>
        %shift_right_logical3A_289 = arith.shrui %xor3A_282, %shift_right_logical3A_288 : vector<16xi32>
        %or3A_290 = arith.ori %shift_left3A_286, %shift_right_logical3A_289 : vector<16xi32>
        %xor3A_291 = arith.xori %or3A_290, %add3A_283 : vector<16xi32>
        %add3A_292 = arith.constant -1749498911 : i32
        %add3A_293 = vector.broadcast %add3A_292 : i32 to vector<16xi32>
        %add3A_294 = arith.addi %add3A_283, %add3A_293 : vector<16xi32>
        %add3A_295 = arith.constant 161448895 : i32
        %add3A_296 = vector.broadcast %add3A_295 : i32 to vector<16xi32>
        %add3A_297 = arith.addi %xor3A_291, %add3A_296 : vector<16xi32>
        %add3A_298 = arith.addi %add3A_294, %add3A_297 : vector<16xi32>
        %shift_left3A_299 = arith.constant 17 : i32
        %shift_left3A_300 = vector.broadcast %shift_left3A_299 : i32 to vector<16xi32>
        %shift_left3A_301 = arith.shli %add3A_297, %shift_left3A_300 : vector<16xi32>
        %shift_right_logical3A_302 = arith.constant 15 : i32
        %shift_right_logical3A_303 = vector.broadcast %shift_right_logical3A_302 : i32 to vector<16xi32>
        %shift_right_logical3A_304 = arith.shrui %add3A_297, %shift_right_logical3A_303 : vector<16xi32>
        %or3A_305 = arith.ori %shift_left3A_301, %shift_right_logical3A_304 : vector<16xi32>
        %xor3A_306 = arith.xori %or3A_305, %add3A_298 : vector<16xi32>
        %add3A_307 = arith.addi %add3A_298, %xor3A_306 : vector<16xi32>
        %shift_left3A_308 = arith.constant 29 : i32
        %shift_left3A_309 = vector.broadcast %shift_left3A_308 : i32 to vector<16xi32>
        %shift_left3A_310 = arith.shli %xor3A_306, %shift_left3A_309 : vector<16xi32>
        %shift_right_logical3A_311 = arith.constant 3 : i32
        %shift_right_logical3A_312 = vector.broadcast %shift_right_logical3A_311 : i32 to vector<16xi32>
        %shift_right_logical3A_313 = arith.shrui %xor3A_306, %shift_right_logical3A_312 : vector<16xi32>
        %or3A_314 = arith.ori %shift_left3A_310, %shift_right_logical3A_313 : vector<16xi32>
        %xor3A_315 = arith.xori %or3A_314, %add3A_307 : vector<16xi32>
        %add3A_316 = arith.addi %add3A_307, %xor3A_315 : vector<16xi32>
        %shift_left3A_317 = arith.constant 16 : i32
        %shift_left3A_318 = vector.broadcast %shift_left3A_317 : i32 to vector<16xi32>
        %shift_left3A_319 = arith.shli %xor3A_315, %shift_left3A_318 : vector<16xi32>
        %shift_right_logical3A_320 = arith.constant 16 : i32
        %shift_right_logical3A_321 = vector.broadcast %shift_right_logical3A_320 : i32 to vector<16xi32>
        %shift_right_logical3A_322 = arith.shrui %xor3A_315, %shift_right_logical3A_321 : vector<16xi32>
        %or3A_323 = arith.ori %shift_left3A_319, %shift_right_logical3A_322 : vector<16xi32>
        %xor3A_324 = arith.xori %or3A_323, %add3A_316 : vector<16xi32>
        %add3A_325 = arith.addi %add3A_316, %xor3A_324 : vector<16xi32>
        %shift_left3A_326 = arith.constant 24 : i32
        %shift_left3A_327 = vector.broadcast %shift_left3A_326 : i32 to vector<16xi32>
        %shift_left3A_328 = arith.shli %xor3A_324, %shift_left3A_327 : vector<16xi32>
        %shift_right_logical3A_329 = arith.constant 8 : i32
        %shift_right_logical3A_330 = vector.broadcast %shift_right_logical3A_329 : i32 to vector<16xi32>
        %shift_right_logical3A_331 = arith.shrui %xor3A_324, %shift_right_logical3A_330 : vector<16xi32>
        %or3A_332 = arith.ori %shift_left3A_328, %shift_right_logical3A_331 : vector<16xi32>
        %xor3A_333 = arith.xori %or3A_332, %add3A_325 : vector<16xi32>
        %add3A_334 = arith.constant 161448894 : i32
        %add3A_335 = vector.broadcast %add3A_334 : i32 to vector<16xi32>
        %add3A_336 = arith.addi %add3A_325, %add3A_335 : vector<16xi32>
        %add3A_337 = arith.constant -2047452281 : i32
        %add3A_338 = vector.broadcast %add3A_337 : i32 to vector<16xi32>
        %add3A_339 = arith.addi %xor3A_333, %add3A_338 : vector<16xi32>
        %add3A_340 = arith.addi %add3A_336, %add3A_339 : vector<16xi32>
        %shift_left3A_341 = arith.constant 13 : i32
        %shift_left3A_342 = vector.broadcast %shift_left3A_341 : i32 to vector<16xi32>
        %shift_left3A_343 = arith.shli %add3A_339, %shift_left3A_342 : vector<16xi32>
        %shift_right_logical3A_344 = arith.constant 19 : i32
        %shift_right_logical3A_345 = vector.broadcast %shift_right_logical3A_344 : i32 to vector<16xi32>
        %shift_right_logical3A_346 = arith.shrui %add3A_339, %shift_right_logical3A_345 : vector<16xi32>
        %or3A_347 = arith.ori %shift_left3A_343, %shift_right_logical3A_346 : vector<16xi32>
        %xor3A_348 = arith.xori %or3A_347, %add3A_340 : vector<16xi32>
        %add3A_349 = arith.addi %add3A_340, %xor3A_348 : vector<16xi32>
        %shift_left3A_350 = arith.constant 15 : i32
        %shift_left3A_351 = vector.broadcast %shift_left3A_350 : i32 to vector<16xi32>
        %shift_left3A_352 = arith.shli %xor3A_348, %shift_left3A_351 : vector<16xi32>
        %shift_right_logical3A_353 = arith.constant 17 : i32
        %shift_right_logical3A_354 = vector.broadcast %shift_right_logical3A_353 : i32 to vector<16xi32>
        %shift_right_logical3A_355 = arith.shrui %xor3A_348, %shift_right_logical3A_354 : vector<16xi32>
        %or3A_356 = arith.ori %shift_left3A_352, %shift_right_logical3A_355 : vector<16xi32>
        %xor3A_357 = arith.xori %or3A_356, %add3A_349 : vector<16xi32>
        %add3A_358 = arith.addi %add3A_349, %xor3A_357 : vector<16xi32>
        %shift_left3A_359 = arith.constant 26 : i32
        %shift_left3A_360 = vector.broadcast %shift_left3A_359 : i32 to vector<16xi32>
        %shift_left3A_361 = arith.shli %xor3A_357, %shift_left3A_360 : vector<16xi32>
        %shift_right_logical3A_362 = arith.constant 6 : i32
        %shift_right_logical3A_363 = vector.broadcast %shift_right_logical3A_362 : i32 to vector<16xi32>
        %shift_right_logical3A_364 = arith.shrui %xor3A_357, %shift_right_logical3A_363 : vector<16xi32>
        %or3A_365 = arith.ori %shift_left3A_361, %shift_right_logical3A_364 : vector<16xi32>
        %xor3A_366 = arith.xori %or3A_365, %add3A_358 : vector<16xi32>
        %add3A_367 = arith.addi %add3A_358, %xor3A_366 : vector<16xi32>
        %shift_left3A_368 = arith.constant 6 : i32
        %shift_left3A_369 = vector.broadcast %shift_left3A_368 : i32 to vector<16xi32>
        %shift_left3A_370 = arith.shli %xor3A_366, %shift_left3A_369 : vector<16xi32>
        %shift_right_logical3A_371 = arith.constant 26 : i32
        %shift_right_logical3A_372 = vector.broadcast %shift_right_logical3A_371 : i32 to vector<16xi32>
        %shift_right_logical3A_373 = arith.shrui %xor3A_366, %shift_right_logical3A_372 : vector<16xi32>
        %or3A_374 = arith.ori %shift_left3A_370, %shift_right_logical3A_373 : vector<16xi32>
        %xor3A_375 = arith.xori %or3A_374, %add3A_367 : vector<16xi32>
        %add3A_376 = arith.constant -2047452283 : i32
        %add3A_377 = vector.broadcast %add3A_376 : i32 to vector<16xi32>
        %add3A_378 = arith.addi %add3A_367, %add3A_377 : vector<16xi32>
        %add3A_379 = arith.constant -1749498908 : i32
        %add3A_380 = vector.broadcast %add3A_379 : i32 to vector<16xi32>
        %add3A_381 = arith.addi %xor3A_375, %add3A_380 : vector<16xi32>
        %add3A_382 = arith.addi %add3A_378, %add3A_381 : vector<16xi32>
        %shift_left3A_383 = arith.constant 17 : i32
        %shift_left3A_384 = vector.broadcast %shift_left3A_383 : i32 to vector<16xi32>
        %shift_left3A_385 = arith.shli %add3A_381, %shift_left3A_384 : vector<16xi32>
        %shift_right_logical3A_386 = arith.constant 15 : i32
        %shift_right_logical3A_387 = vector.broadcast %shift_right_logical3A_386 : i32 to vector<16xi32>
        %shift_right_logical3A_388 = arith.shrui %add3A_381, %shift_right_logical3A_387 : vector<16xi32>
        %or3A_389 = arith.ori %shift_left3A_385, %shift_right_logical3A_388 : vector<16xi32>
        %xor3A_390 = arith.xori %or3A_389, %add3A_382 : vector<16xi32>
        %add3A_391 = arith.addi %add3A_382, %xor3A_390 : vector<16xi32>
        %shift_left3A_392 = arith.constant 29 : i32
        %shift_left3A_393 = vector.broadcast %shift_left3A_392 : i32 to vector<16xi32>
        %shift_left3A_394 = arith.shli %xor3A_390, %shift_left3A_393 : vector<16xi32>
        %shift_right_logical3A_395 = arith.constant 3 : i32
        %shift_right_logical3A_396 = vector.broadcast %shift_right_logical3A_395 : i32 to vector<16xi32>
        %shift_right_logical3A_397 = arith.shrui %xor3A_390, %shift_right_logical3A_396 : vector<16xi32>
        %or3A_398 = arith.ori %shift_left3A_394, %shift_right_logical3A_397 : vector<16xi32>
        %xor3A_399 = arith.xori %or3A_398, %add3A_391 : vector<16xi32>
        %add3A_400 = arith.addi %add3A_391, %xor3A_399 : vector<16xi32>
        %shift_left3A_401 = arith.constant 16 : i32
        %shift_left3A_402 = vector.broadcast %shift_left3A_401 : i32 to vector<16xi32>
        %shift_left3A_403 = arith.shli %xor3A_399, %shift_left3A_402 : vector<16xi32>
        %shift_right_logical3A_404 = arith.constant 16 : i32
        %shift_right_logical3A_405 = vector.broadcast %shift_right_logical3A_404 : i32 to vector<16xi32>
        %shift_right_logical3A_406 = arith.shrui %xor3A_399, %shift_right_logical3A_405 : vector<16xi32>
        %or3A_407 = arith.ori %shift_left3A_403, %shift_right_logical3A_406 : vector<16xi32>
        %xor3A_408 = arith.xori %or3A_407, %add3A_400 : vector<16xi32>
        %add3A_409 = arith.addi %add3A_400, %xor3A_408 : vector<16xi32>
        %shift_left3A_410 = arith.constant 24 : i32
        %shift_left3A_411 = vector.broadcast %shift_left3A_410 : i32 to vector<16xi32>
        %shift_left3A_412 = arith.shli %xor3A_408, %shift_left3A_411 : vector<16xi32>
        %shift_right_logical3A_413 = arith.constant 8 : i32
        %shift_right_logical3A_414 = vector.broadcast %shift_right_logical3A_413 : i32 to vector<16xi32>
        %shift_right_logical3A_415 = arith.shrui %xor3A_408, %shift_right_logical3A_414 : vector<16xi32>
        %or3A_416 = arith.ori %shift_left3A_412, %shift_right_logical3A_415 : vector<16xi32>
        %xor3A_417 = arith.xori %or3A_416, %add3A_409 : vector<16xi32>
        %add3A_418 = arith.constant -1749498911 : i32
        %add3A_419 = vector.broadcast %add3A_418 : i32 to vector<16xi32>
        %add3A_420 = arith.addi %add3A_409, %add3A_419 : vector<16xi32>
        %add3A_421 = arith.constant 161448898 : i32
        %add3A_422 = vector.broadcast %add3A_421 : i32 to vector<16xi32>
        %add3A_423 = arith.addi %xor3A_417, %add3A_422 : vector<16xi32>
        %add3A_424 = arith.addi %add3A_420, %add3A_423 : vector<16xi32>
        %shift_left3A_425 = arith.constant 13 : i32
        %shift_left3A_426 = vector.broadcast %shift_left3A_425 : i32 to vector<16xi32>
        %shift_left3A_427 = arith.shli %add3A_423, %shift_left3A_426 : vector<16xi32>
        %shift_right_logical3A_428 = arith.constant 19 : i32
        %shift_right_logical3A_429 = vector.broadcast %shift_right_logical3A_428 : i32 to vector<16xi32>
        %shift_right_logical3A_430 = arith.shrui %add3A_423, %shift_right_logical3A_429 : vector<16xi32>
        %or3A_431 = arith.ori %shift_left3A_427, %shift_right_logical3A_430 : vector<16xi32>
        %xor3A_432 = arith.xori %or3A_431, %add3A_424 : vector<16xi32>
        %add3A_433 = arith.addi %add3A_424, %xor3A_432 : vector<16xi32>
        %shift_left3A_434 = arith.constant 15 : i32
        %shift_left3A_435 = vector.broadcast %shift_left3A_434 : i32 to vector<16xi32>
        %shift_left3A_436 = arith.shli %xor3A_432, %shift_left3A_435 : vector<16xi32>
        %shift_right_logical3A_437 = arith.constant 17 : i32
        %shift_right_logical3A_438 = vector.broadcast %shift_right_logical3A_437 : i32 to vector<16xi32>
        %shift_right_logical3A_439 = arith.shrui %xor3A_432, %shift_right_logical3A_438 : vector<16xi32>
        %or3A_440 = arith.ori %shift_left3A_436, %shift_right_logical3A_439 : vector<16xi32>
        %xor3A_441 = arith.xori %or3A_440, %add3A_433 : vector<16xi32>
        %add3A_442 = arith.addi %add3A_433, %xor3A_441 : vector<16xi32>
        %shift_left3A_443 = arith.constant 26 : i32
        %shift_left3A_444 = vector.broadcast %shift_left3A_443 : i32 to vector<16xi32>
        %shift_left3A_445 = arith.shli %xor3A_441, %shift_left3A_444 : vector<16xi32>
        %shift_right_logical3A_446 = arith.constant 6 : i32
        %shift_right_logical3A_447 = vector.broadcast %shift_right_logical3A_446 : i32 to vector<16xi32>
        %shift_right_logical3A_448 = arith.shrui %xor3A_441, %shift_right_logical3A_447 : vector<16xi32>
        %or3A_449 = arith.ori %shift_left3A_445, %shift_right_logical3A_448 : vector<16xi32>
        %xor3A_450 = arith.xori %or3A_449, %add3A_442 : vector<16xi32>
        %add3A_451 = arith.addi %add3A_442, %xor3A_450 : vector<16xi32>
        %shift_left3A_452 = arith.constant 6 : i32
        %shift_left3A_453 = vector.broadcast %shift_left3A_452 : i32 to vector<16xi32>
        %shift_left3A_454 = arith.shli %xor3A_450, %shift_left3A_453 : vector<16xi32>
        %shift_right_logical3A_455 = arith.constant 26 : i32
        %shift_right_logical3A_456 = vector.broadcast %shift_right_logical3A_455 : i32 to vector<16xi32>
        %shift_right_logical3A_457 = arith.shrui %xor3A_450, %shift_right_logical3A_456 : vector<16xi32>
        %or3A_458 = arith.ori %shift_left3A_454, %shift_right_logical3A_457 : vector<16xi32>
        %xor3A_459 = arith.xori %or3A_458, %add3A_451 : vector<16xi32>
        %add3A_460 = arith.constant 161448894 : i32
        %add3A_461 = vector.broadcast %add3A_460 : i32 to vector<16xi32>
        %add3A_462 = arith.addi %add3A_451, %add3A_461 : vector<16xi32>
        %add3A_463 = arith.constant -2047452278 : i32
        %add3A_464 = vector.broadcast %add3A_463 : i32 to vector<16xi32>
        %add3A_465 = arith.addi %xor3A_459, %add3A_464 : vector<16xi32>
        %xor3A_466 = arith.xori %add3A_462, %add3A_465 : vector<16xi32>
        %mul3A_467 = arith.constant 16 : i32
        %mul3A_468 = arith.muli %scan3A_249, %mul3A_467 : i32
        %swap3A_469 = arith.index_cast %mul3A_468 : i32 to index
        %swap3A_470 = tpu.vector_load %arg3[%swap3A_469] {strides = array<i32>} : memref<100352xi32, #tpu.memory_space<vmem>>, vector<16xi32>,
        %swap3A_471 = vector.shape_cast %swap3A_470 : vector<16xi32> to vector<16xi32>
        %swap3A_472 = vector.shape_cast %xor3A_466 : vector<16xi32> to vector<16xi32>
        tpu.vector_store %arg3[%swap3A_469], %swap3A_472 {strides = array<i32>} : memref<100352xi32, #tpu.memory_space<vmem>>, vector<16xi32>,
        %scan3A_473 = arith.constant 0 : i32
        %scan3A_474 = arith.constant 2 : i32
        %scan3A_475 = arith.addi %scan3A_28, %scan3A_474 : i32
        %mul3A_476 = arith.constant 16 : i32
        %mul3A_477 = arith.muli %scan3A_475, %mul3A_476 : i32
        %add3A_478 = vector.broadcast %mul3A_477 : i32 to vector<16xi32>
        %add3A_479 = arith.addi %add3A_19, %add3A_478 : vector<16xi32>
        %broadcast_in_dim3A_480 = arith.constant -2047452283 : i32
        %broadcast_in_dim3A_481 = vector.broadcast %broadcast_in_dim3A_480 : i32 to vector<16xi32>
        %add3A_482 = arith.addi %broadcast_in_dim3A_481, %add3A_479 : vector<16xi32>
        %shift_left3A_483 = arith.constant 13 : i32
        %shift_left3A_484 = vector.broadcast %shift_left3A_483 : i32 to vector<16xi32>
        %shift_left3A_485 = arith.shli %add3A_479, %shift_left3A_484 : vector<16xi32>
        %shift_right_logical3A_486 = arith.constant 19 : i32
        %shift_right_logical3A_487 = vector.broadcast %shift_right_logical3A_486 : i32 to vector<16xi32>
        %shift_right_logical3A_488 = arith.shrui %add3A_479, %shift_right_logical3A_487 : vector<16xi32>
        %or3A_489 = arith.ori %shift_left3A_485, %shift_right_logical3A_488 : vector<16xi32>
        %xor3A_490 = arith.xori %or3A_489, %add3A_482 : vector<16xi32>
        %add3A_491 = arith.addi %add3A_482, %xor3A_490 : vector<16xi32>
        %shift_left3A_492 = arith.constant 15 : i32
        %shift_left3A_493 = vector.broadcast %shift_left3A_492 : i32 to vector<16xi32>
        %shift_left3A_494 = arith.shli %xor3A_490, %shift_left3A_493 : vector<16xi32>
        %shift_right_logical3A_495 = arith.constant 17 : i32
        %shift_right_logical3A_496 = vector.broadcast %shift_right_logical3A_495 : i32 to vector<16xi32>
        %shift_right_logical3A_497 = arith.shrui %xor3A_490, %shift_right_logical3A_496 : vector<16xi32>
        %or3A_498 = arith.ori %shift_left3A_494, %shift_right_logical3A_497 : vector<16xi32>
        %xor3A_499 = arith.xori %or3A_498, %add3A_491 : vector<16xi32>
        %add3A_500 = arith.addi %add3A_491, %xor3A_499 : vector<16xi32>
        %shift_left3A_501 = arith.constant 26 : i32
        %shift_left3A_502 = vector.broadcast %shift_left3A_501 : i32 to vector<16xi32>
        %shift_left3A_503 = arith.shli %xor3A_499, %shift_left3A_502 : vector<16xi32>
        %shift_right_logical3A_504 = arith.constant 6 : i32
        %shift_right_logical3A_505 = vector.broadcast %shift_right_logical3A_504 : i32 to vector<16xi32>
        %shift_right_logical3A_506 = arith.shrui %xor3A_499, %shift_right_logical3A_505 : vector<16xi32>
        %or3A_507 = arith.ori %shift_left3A_503, %shift_right_logical3A_506 : vector<16xi32>
        %xor3A_508 = arith.xori %or3A_507, %add3A_500 : vector<16xi32>
        %add3A_509 = arith.addi %add3A_500, %xor3A_508 : vector<16xi32>
        %shift_left3A_510 = arith.constant 6 : i32
        %shift_left3A_511 = vector.broadcast %shift_left3A_510 : i32 to vector<16xi32>
        %shift_left3A_512 = arith.shli %xor3A_508, %shift_left3A_511 : vector<16xi32>
        %shift_right_logical3A_513 = arith.constant 26 : i32
        %shift_right_logical3A_514 = vector.broadcast %shift_right_logical3A_513 : i32 to vector<16xi32>
        %shift_right_logical3A_515 = arith.shrui %xor3A_508, %shift_right_logical3A_514 : vector<16xi32>
        %or3A_516 = arith.ori %shift_left3A_512, %shift_right_logical3A_515 : vector<16xi32>
        %xor3A_517 = arith.xori %or3A_516, %add3A_509 : vector<16xi32>
        %add3A_518 = arith.constant -1749498911 : i32
        %add3A_519 = vector.broadcast %add3A_518 : i32 to vector<16xi32>
        %add3A_520 = arith.addi %add3A_509, %add3A_519 : vector<16xi32>
        %add3A_521 = arith.constant 161448895 : i32
        %add3A_522 = vector.broadcast %add3A_521 : i32 to vector<16xi32>
        %add3A_523 = arith.addi %xor3A_517, %add3A_522 : vector<16xi32>
        %add3A_524 = arith.addi %add3A_520, %add3A_523 : vector<16xi32>
        %shift_left3A_525 = arith.constant 17 : i32
        %shift_left3A_526 = vector.broadcast %shift_left3A_525 : i32 to vector<16xi32>
        %shift_left3A_527 = arith.shli %add3A_523, %shift_left3A_526 : vector<16xi32>
        %shift_right_logical3A_528 = arith.constant 15 : i32
        %shift_right_logical3A_529 = vector.broadcast %shift_right_logical3A_528 : i32 to vector<16xi32>
        %shift_right_logical3A_530 = arith.shrui %add3A_523, %shift_right_logical3A_529 : vector<16xi32>
        %or3A_531 = arith.ori %shift_left3A_527, %shift_right_logical3A_530 : vector<16xi32>
        %xor3A_532 = arith.xori %or3A_531, %add3A_524 : vector<16xi32>
        %add3A_533 = arith.addi %add3A_524, %xor3A_532 : vector<16xi32>
        %shift_left3A_534 = arith.constant 29 : i32
        %shift_left3A_535 = vector.broadcast %shift_left3A_534 : i32 to vector<16xi32>
        %shift_left3A_536 = arith.shli %xor3A_532, %shift_left3A_535 : vector<16xi32>
        %shift_right_logical3A_537 = arith.constant 3 : i32
        %shift_right_logical3A_538 = vector.broadcast %shift_right_logical3A_537 : i32 to vector<16xi32>
        %shift_right_logical3A_539 = arith.shrui %xor3A_532, %shift_right_logical3A_538 : vector<16xi32>
        %or3A_540 = arith.ori %shift_left3A_536, %shift_right_logical3A_539 : vector<16xi32>
        %xor3A_541 = arith.xori %or3A_540, %add3A_533 : vector<16xi32>
        %add3A_542 = arith.addi %add3A_533, %xor3A_541 : vector<16xi32>
        %shift_left3A_543 = arith.constant 16 : i32
        %shift_left3A_544 = vector.broadcast %shift_left3A_543 : i32 to vector<16xi32>
        %shift_left3A_545 = arith.shli %xor3A_541, %shift_left3A_544 : vector<16xi32>
        %shift_right_logical3A_546 = arith.constant 16 : i32
        %shift_right_logical3A_547 = vector.broadcast %shift_right_logical3A_546 : i32 to vector<16xi32>
        %shift_right_logical3A_548 = arith.shrui %xor3A_541, %shift_right_logical3A_547 : vector<16xi32>
        %or3A_549 = arith.ori %shift_left3A_545, %shift_right_logical3A_548 : vector<16xi32>
        %xor3A_550 = arith.xori %or3A_549, %add3A_542 : vector<16xi32>
        %add3A_551 = arith.addi %add3A_542, %xor3A_550 : vector<16xi32>
        %shift_left3A_552 = arith.constant 24 : i32
        %shift_left3A_553 = vector.broadcast %shift_left3A_552 : i32 to vector<16xi32>
        %shift_left3A_554 = arith.shli %xor3A_550, %shift_left3A_553 : vector<16xi32>
        %shift_right_logical3A_555 = arith.constant 8 : i32
        %shift_right_logical3A_556 = vector.broadcast %shift_right_logical3A_555 : i32 to vector<16xi32>
        %shift_right_logical3A_557 = arith.shrui %xor3A_550, %shift_right_logical3A_556 : vector<16xi32>
        %or3A_558 = arith.ori %shift_left3A_554, %shift_right_logical3A_557 : vector<16xi32>
        %xor3A_559 = arith.xori %or3A_558, %add3A_551 : vector<16xi32>
        %add3A_560 = arith.constant 161448894 : i32
        %add3A_561 = vector.broadcast %add3A_560 : i32 to vector<16xi32>
        %add3A_562 = arith.addi %add3A_551, %add3A_561 : vector<16xi32>
        %add3A_563 = arith.constant -2047452281 : i32
        %add3A_564 = vector.broadcast %add3A_563 : i32 to vector<16xi32>
        %add3A_565 = arith.addi %xor3A_559, %add3A_564 : vector<16xi32>
        %add3A_566 = arith.addi %add3A_562, %add3A_565 : vector<16xi32>
        %shift_left3A_567 = arith.constant 13 : i32
        %shift_left3A_568 = vector.broadcast %shift_left3A_567 : i32 to vector<16xi32>
        %shift_left3A_569 = arith.shli %add3A_565, %shift_left3A_568 : vector<16xi32>
        %shift_right_logical3A_570 = arith.constant 19 : i32
        %shift_right_logical3A_571 = vector.broadcast %shift_right_logical3A_570 : i32 to vector<16xi32>
        %shift_right_logical3A_572 = arith.shrui %add3A_565, %shift_right_logical3A_571 : vector<16xi32>
        %or3A_573 = arith.ori %shift_left3A_569, %shift_right_logical3A_572 : vector<16xi32>
        %xor3A_574 = arith.xori %or3A_573, %add3A_566 : vector<16xi32>
        %add3A_575 = arith.addi %add3A_566, %xor3A_574 : vector<16xi32>
        %shift_left3A_576 = arith.constant 15 : i32
        %shift_left3A_577 = vector.broadcast %shift_left3A_576 : i32 to vector<16xi32>
        %shift_left3A_578 = arith.shli %xor3A_574, %shift_left3A_577 : vector<16xi32>
        %shift_right_logical3A_579 = arith.constant 17 : i32
        %shift_right_logical3A_580 = vector.broadcast %shift_right_logical3A_579 : i32 to vector<16xi32>
        %shift_right_logical3A_581 = arith.shrui %xor3A_574, %shift_right_logical3A_580 : vector<16xi32>
        %or3A_582 = arith.ori %shift_left3A_578, %shift_right_logical3A_581 : vector<16xi32>
        %xor3A_583 = arith.xori %or3A_582, %add3A_575 : vector<16xi32>
        %add3A_584 = arith.addi %add3A_575, %xor3A_583 : vector<16xi32>
        %shift_left3A_585 = arith.constant 26 : i32
        %shift_left3A_586 = vector.broadcast %shift_left3A_585 : i32 to vector<16xi32>
        %shift_left3A_587 = arith.shli %xor3A_583, %shift_left3A_586 : vector<16xi32>
        %shift_right_logical3A_588 = arith.constant 6 : i32
        %shift_right_logical3A_589 = vector.broadcast %shift_right_logical3A_588 : i32 to vector<16xi32>
        %shift_right_logical3A_590 = arith.shrui %xor3A_583, %shift_right_logical3A_589 : vector<16xi32>
        %or3A_591 = arith.ori %shift_left3A_587, %shift_right_logical3A_590 : vector<16xi32>
        %xor3A_592 = arith.xori %or3A_591, %add3A_584 : vector<16xi32>
        %add3A_593 = arith.addi %add3A_584, %xor3A_592 : vector<16xi32>
        %shift_left3A_594 = arith.constant 6 : i32
        %shift_left3A_595 = vector.broadcast %shift_left3A_594 : i32 to vector<16xi32>
        %shift_left3A_596 = arith.shli %xor3A_592, %shift_left3A_595 : vector<16xi32>
        %shift_right_logical3A_597 = arith.constant 26 : i32
        %shift_right_logical3A_598 = vector.broadcast %shift_right_logical3A_597 : i32 to vector<16xi32>
        %shift_right_logical3A_599 = arith.shrui %xor3A_592, %shift_right_logical3A_598 : vector<16xi32>
        %or3A_600 = arith.ori %shift_left3A_596, %shift_right_logical3A_599 : vector<16xi32>
        %xor3A_601 = arith.xori %or3A_600, %add3A_593 : vector<16xi32>
        %add3A_602 = arith.constant -2047452283 : i32
        %add3A_603 = vector.broadcast %add3A_602 : i32 to vector<16xi32>
        %add3A_604 = arith.addi %add3A_593, %add3A_603 : vector<16xi32>
        %add3A_605 = arith.constant -1749498908 : i32
        %add3A_606 = vector.broadcast %add3A_605 : i32 to vector<16xi32>
        %add3A_607 = arith.addi %xor3A_601, %add3A_606 : vector<16xi32>
        %add3A_608 = arith.addi %add3A_604, %add3A_607 : vector<16xi32>
        %shift_left3A_609 = arith.constant 17 : i32
        %shift_left3A_610 = vector.broadcast %shift_left3A_609 : i32 to vector<16xi32>
        %shift_left3A_611 = arith.shli %add3A_607, %shift_left3A_610 : vector<16xi32>
        %shift_right_logical3A_612 = arith.constant 15 : i32
        %shift_right_logical3A_613 = vector.broadcast %shift_right_logical3A_612 : i32 to vector<16xi32>
        %shift_right_logical3A_614 = arith.shrui %add3A_607, %shift_right_logical3A_613 : vector<16xi32>
        %or3A_615 = arith.ori %shift_left3A_611, %shift_right_logical3A_614 : vector<16xi32>
        %xor3A_616 = arith.xori %or3A_615, %add3A_608 : vector<16xi32>
        %add3A_617 = arith.addi %add3A_608, %xor3A_616 : vector<16xi32>
        %shift_left3A_618 = arith.constant 29 : i32
        %shift_left3A_619 = vector.broadcast %shift_left3A_618 : i32 to vector<16xi32>
        %shift_left3A_620 = arith.shli %xor3A_616, %shift_left3A_619 : vector<16xi32>
        %shift_right_logical3A_621 = arith.constant 3 : i32
        %shift_right_logical3A_622 = vector.broadcast %shift_right_logical3A_621 : i32 to vector<16xi32>
        %shift_right_logical3A_623 = arith.shrui %xor3A_616, %shift_right_logical3A_622 : vector<16xi32>
        %or3A_624 = arith.ori %shift_left3A_620, %shift_right_logical3A_623 : vector<16xi32>
        %xor3A_625 = arith.xori %or3A_624, %add3A_617 : vector<16xi32>
        %add3A_626 = arith.addi %add3A_617, %xor3A_625 : vector<16xi32>
        %shift_left3A_627 = arith.constant 16 : i32
        %shift_left3A_628 = vector.broadcast %shift_left3A_627 : i32 to vector<16xi32>
        %shift_left3A_629 = arith.shli %xor3A_625, %shift_left3A_628 : vector<16xi32>
        %shift_right_logical3A_630 = arith.constant 16 : i32
        %shift_right_logical3A_631 = vector.broadcast %shift_right_logical3A_630 : i32 to vector<16xi32>
        %shift_right_logical3A_632 = arith.shrui %xor3A_625, %shift_right_logical3A_631 : vector<16xi32>
        %or3A_633 = arith.ori %shift_left3A_629, %shift_right_logical3A_632 : vector<16xi32>
        %xor3A_634 = arith.xori %or3A_633, %add3A_626 : vector<16xi32>
        %add3A_635 = arith.addi %add3A_626, %xor3A_634 : vector<16xi32>
        %shift_left3A_636 = arith.constant 24 : i32
        %shift_left3A_637 = vector.broadcast %shift_left3A_636 : i32 to vector<16xi32>
        %shift_left3A_638 = arith.shli %xor3A_634, %shift_left3A_637 : vector<16xi32>
        %shift_right_logical3A_639 = arith.constant 8 : i32
        %shift_right_logical3A_640 = vector.broadcast %shift_right_logical3A_639 : i32 to vector<16xi32>
        %shift_right_logical3A_641 = arith.shrui %xor3A_634, %shift_right_logical3A_640 : vector<16xi32>
        %or3A_642 = arith.ori %shift_left3A_638, %shift_right_logical3A_641 : vector<16xi32>
        %xor3A_643 = arith.xori %or3A_642, %add3A_635 : vector<16xi32>
        %add3A_644 = arith.constant -1749498911 : i32
        %add3A_645 = vector.broadcast %add3A_644 : i32 to vector<16xi32>
        %add3A_646 = arith.addi %add3A_635, %add3A_645 : vector<16xi32>
        %add3A_647 = arith.constant 161448898 : i32
        %add3A_648 = vector.broadcast %add3A_647 : i32 to vector<16xi32>
        %add3A_649 = arith.addi %xor3A_643, %add3A_648 : vector<16xi32>
        %add3A_650 = arith.addi %add3A_646, %add3A_649 : vector<16xi32>
        %shift_left3A_651 = arith.constant 13 : i32
        %shift_left3A_652 = vector.broadcast %shift_left3A_651 : i32 to vector<16xi32>
        %shift_left3A_653 = arith.shli %add3A_649, %shift_left3A_652 : vector<16xi32>
        %shift_right_logical3A_654 = arith.constant 19 : i32
        %shift_right_logical3A_655 = vector.broadcast %shift_right_logical3A_654 : i32 to vector<16xi32>
        %shift_right_logical3A_656 = arith.shrui %add3A_649, %shift_right_logical3A_655 : vector<16xi32>
        %or3A_657 = arith.ori %shift_left3A_653, %shift_right_logical3A_656 : vector<16xi32>
        %xor3A_658 = arith.xori %or3A_657, %add3A_650 : vector<16xi32>
        %add3A_659 = arith.addi %add3A_650, %xor3A_658 : vector<16xi32>
        %shift_left3A_660 = arith.constant 15 : i32
        %shift_left3A_661 = vector.broadcast %shift_left3A_660 : i32 to vector<16xi32>
        %shift_left3A_662 = arith.shli %xor3A_658, %shift_left3A_661 : vector<16xi32>
        %shift_right_logical3A_663 = arith.constant 17 : i32
        %shift_right_logical3A_664 = vector.broadcast %shift_right_logical3A_663 : i32 to vector<16xi32>
        %shift_right_logical3A_665 = arith.shrui %xor3A_658, %shift_right_logical3A_664 : vector<16xi32>
        %or3A_666 = arith.ori %shift_left3A_662, %shift_right_logical3A_665 : vector<16xi32>
        %xor3A_667 = arith.xori %or3A_666, %add3A_659 : vector<16xi32>
        %add3A_668 = arith.addi %add3A_659, %xor3A_667 : vector<16xi32>
        %shift_left3A_669 = arith.constant 26 : i32
        %shift_left3A_670 = vector.broadcast %shift_left3A_669 : i32 to vector<16xi32>
        %shift_left3A_671 = arith.shli %xor3A_667, %shift_left3A_670 : vector<16xi32>
        %shift_right_logical3A_672 = arith.constant 6 : i32
        %shift_right_logical3A_673 = vector.broadcast %shift_right_logical3A_672 : i32 to vector<16xi32>
        %shift_right_logical3A_674 = arith.shrui %xor3A_667, %shift_right_logical3A_673 : vector<16xi32>
        %or3A_675 = arith.ori %shift_left3A_671, %shift_right_logical3A_674 : vector<16xi32>
        %xor3A_676 = arith.xori %or3A_675, %add3A_668 : vector<16xi32>
        %add3A_677 = arith.addi %add3A_668, %xor3A_676 : vector<16xi32>
        %shift_left3A_678 = arith.constant 6 : i32
        %shift_left3A_679 = vector.broadcast %shift_left3A_678 : i32 to vector<16xi32>
        %shift_left3A_680 = arith.shli %xor3A_676, %shift_left3A_679 : vector<16xi32>
        %shift_right_logical3A_681 = arith.constant 26 : i32
        %shift_right_logical3A_682 = vector.broadcast %shift_right_logical3A_681 : i32 to vector<16xi32>
        %shift_right_logical3A_683 = arith.shrui %xor3A_676, %shift_right_logical3A_682 : vector<16xi32>
        %or3A_684 = arith.ori %shift_left3A_680, %shift_right_logical3A_683 : vector<16xi32>
        %xor3A_685 = arith.xori %or3A_684, %add3A_677 : vector<16xi32>
        %add3A_686 = arith.constant 161448894 : i32
        %add3A_687 = vector.broadcast %add3A_686 : i32 to vector<16xi32>
        %add3A_688 = arith.addi %add3A_677, %add3A_687 : vector<16xi32>
        %add3A_689 = arith.constant -2047452278 : i32
        %add3A_690 = vector.broadcast %add3A_689 : i32 to vector<16xi32>
        %add3A_691 = arith.addi %xor3A_685, %add3A_690 : vector<16xi32>
        %xor3A_692 = arith.xori %add3A_688, %add3A_691 : vector<16xi32>
        %mul3A_693 = arith.constant 16 : i32
        %mul3A_694 = arith.muli %scan3A_475, %mul3A_693 : i32
        %swap3A_695 = arith.index_cast %mul3A_694 : i32 to index
        %swap3A_696 = tpu.vector_load %arg3[%swap3A_695] {strides = array<i32>} : memref<100352xi32, #tpu.memory_space<vmem>>, vector<16xi32>,
        %swap3A_697 = vector.shape_cast %swap3A_696 : vector<16xi32> to vector<16xi32>
        %swap3A_698 = vector.shape_cast %xor3A_692 : vector<16xi32> to vector<16xi32>
        tpu.vector_store %arg3[%swap3A_695], %swap3A_698 {strides = array<i32>} : memref<100352xi32, #tpu.memory_space<vmem>>, vector<16xi32>,
        %scan3A_699 = arith.constant 0 : i32
        %scan3A_700 = arith.constant 3 : i32
        %scan3A_701 = arith.addi %scan3A_28, %scan3A_700 : i32
        %mul3A_702 = arith.constant 16 : i32
        %mul3A_703 = arith.muli %scan3A_701, %mul3A_702 : i32
        %add3A_704 = vector.broadcast %mul3A_703 : i32 to vector<16xi32>
        %add3A_705 = arith.addi %add3A_19, %add3A_704 : vector<16xi32>
        %broadcast_in_dim3A_706 = arith.constant -2047452283 : i32
        %broadcast_in_dim3A_707 = vector.broadcast %broadcast_in_dim3A_706 : i32 to vector<16xi32>
        %add3A_708 = arith.addi %broadcast_in_dim3A_707, %add3A_705 : vector<16xi32>
        %shift_left3A_709 = arith.constant 13 : i32
        %shift_left3A_710 = vector.broadcast %shift_left3A_709 : i32 to vector<16xi32>
        %shift_left3A_711 = arith.shli %add3A_705, %shift_left3A_710 : vector<16xi32>
        %shift_right_logical3A_712 = arith.constant 19 : i32
        %shift_right_logical3A_713 = vector.broadcast %shift_right_logical3A_712 : i32 to vector<16xi32>
        %shift_right_logical3A_714 = arith.shrui %add3A_705, %shift_right_logical3A_713 : vector<16xi32>
        %or3A_715 = arith.ori %shift_left3A_711, %shift_right_logical3A_714 : vector<16xi32>
        %xor3A_716 = arith.xori %or3A_715, %add3A_708 : vector<16xi32>
        %add3A_717 = arith.addi %add3A_708, %xor3A_716 : vector<16xi32>
        %shift_left3A_718 = arith.constant 15 : i32
        %shift_left3A_719 = vector.broadcast %shift_left3A_718 : i32 to vector<16xi32>
        %shift_left3A_720 = arith.shli %xor3A_716, %shift_left3A_719 : vector<16xi32>
        %shift_right_logical3A_721 = arith.constant 17 : i32
        %shift_right_logical3A_722 = vector.broadcast %shift_right_logical3A_721 : i32 to vector<16xi32>
        %shift_right_logical3A_723 = arith.shrui %xor3A_716, %shift_right_logical3A_722 : vector<16xi32>
        %or3A_724 = arith.ori %shift_left3A_720, %shift_right_logical3A_723 : vector<16xi32>
        %xor3A_725 = arith.xori %or3A_724, %add3A_717 : vector<16xi32>
        %add3A_726 = arith.addi %add3A_717, %xor3A_725 : vector<16xi32>
        %shift_left3A_727 = arith.constant 26 : i32
        %shift_left3A_728 = vector.broadcast %shift_left3A_727 : i32 to vector<16xi32>
        %shift_left3A_729 = arith.shli %xor3A_725, %shift_left3A_728 : vector<16xi32>
        %shift_right_logical3A_730 = arith.constant 6 : i32
        %shift_right_logical3A_731 = vector.broadcast %shift_right_logical3A_730 : i32 to vector<16xi32>
        %shift_right_logical3A_732 = arith.shrui %xor3A_725, %shift_right_logical3A_731 : vector<16xi32>
        %or3A_733 = arith.ori %shift_left3A_729, %shift_right_logical3A_732 : vector<16xi32>
        %xor3A_734 = arith.xori %or3A_733, %add3A_726 : vector<16xi32>
        %add3A_735 = arith.addi %add3A_726, %xor3A_734 : vector<16xi32>
        %shift_left3A_736 = arith.constant 6 : i32
        %shift_left3A_737 = vector.broadcast %shift_left3A_736 : i32 to vector<16xi32>
        %shift_left3A_738 = arith.shli %xor3A_734, %shift_left3A_737 : vector<16xi32>
        %shift_right_logical3A_739 = arith.constant 26 : i32
        %shift_right_logical3A_740 = vector.broadcast %shift_right_logical3A_739 : i32 to vector<16xi32>
        %shift_right_logical3A_741 = arith.shrui %xor3A_734, %shift_right_logical3A_740 : vector<16xi32>
        %or3A_742 = arith.ori %shift_left3A_738, %shift_right_logical3A_741 : vector<16xi32>
        %xor3A_743 = arith.xori %or3A_742, %add3A_735 : vector<16xi32>
        %add3A_744 = arith.constant -1749498911 : i32
        %add3A_745 = vector.broadcast %add3A_744 : i32 to vector<16xi32>
        %add3A_746 = arith.addi %add3A_735, %add3A_745 : vector<16xi32>
        %add3A_747 = arith.constant 161448895 : i32
        %add3A_748 = vector.broadcast %add3A_747 : i32 to vector<16xi32>
        %add3A_749 = arith.addi %xor3A_743, %add3A_748 : vector<16xi32>
        %add3A_750 = arith.addi %add3A_746, %add3A_749 : vector<16xi32>
        %shift_left3A_751 = arith.constant 17 : i32
        %shift_left3A_752 = vector.broadcast %shift_left3A_751 : i32 to vector<16xi32>
        %shift_left3A_753 = arith.shli %add3A_749, %shift_left3A_752 : vector<16xi32>
        %shift_right_logical3A_754 = arith.constant 15 : i32
        %shift_right_logical3A_755 = vector.broadcast %shift_right_logical3A_754 : i32 to vector<16xi32>
        %shift_right_logical3A_756 = arith.shrui %add3A_749, %shift_right_logical3A_755 : vector<16xi32>
        %or3A_757 = arith.ori %shift_left3A_753, %shift_right_logical3A_756 : vector<16xi32>
        %xor3A_758 = arith.xori %or3A_757, %add3A_750 : vector<16xi32>
        %add3A_759 = arith.addi %add3A_750, %xor3A_758 : vector<16xi32>
        %shift_left3A_760 = arith.constant 29 : i32
        %shift_left3A_761 = vector.broadcast %shift_left3A_760 : i32 to vector<16xi32>
        %shift_left3A_762 = arith.shli %xor3A_758, %shift_left3A_761 : vector<16xi32>
        %shift_right_logical3A_763 = arith.constant 3 : i32
        %shift_right_logical3A_764 = vector.broadcast %shift_right_logical3A_763 : i32 to vector<16xi32>
        %shift_right_logical3A_765 = arith.shrui %xor3A_758, %shift_right_logical3A_764 : vector<16xi32>
        %or3A_766 = arith.ori %shift_left3A_762, %shift_right_logical3A_765 : vector<16xi32>
        %xor3A_767 = arith.xori %or3A_766, %add3A_759 : vector<16xi32>
        %add3A_768 = arith.addi %add3A_759, %xor3A_767 : vector<16xi32>
        %shift_left3A_769 = arith.constant 16 : i32
        %shift_left3A_770 = vector.broadcast %shift_left3A_769 : i32 to vector<16xi32>
        %shift_left3A_771 = arith.shli %xor3A_767, %shift_left3A_770 : vector<16xi32>
        %shift_right_logical3A_772 = arith.constant 16 : i32
        %shift_right_logical3A_773 = vector.broadcast %shift_right_logical3A_772 : i32 to vector<16xi32>
        %shift_right_logical3A_774 = arith.shrui %xor3A_767, %shift_right_logical3A_773 : vector<16xi32>
        %or3A_775 = arith.ori %shift_left3A_771, %shift_right_logical3A_774 : vector<16xi32>
        %xor3A_776 = arith.xori %or3A_775, %add3A_768 : vector<16xi32>
        %add3A_777 = arith.addi %add3A_768, %xor3A_776 : vector<16xi32>
        %shift_left3A_778 = arith.constant 24 : i32
        %shift_left3A_779 = vector.broadcast %shift_left3A_778 : i32 to vector<16xi32>
        %shift_left3A_780 = arith.shli %xor3A_776, %shift_left3A_779 : vector<16xi32>
        %shift_right_logical3A_781 = arith.constant 8 : i32
        %shift_right_logical3A_782 = vector.broadcast %shift_right_logical3A_781 : i32 to vector<16xi32>
        %shift_right_logical3A_783 = arith.shrui %xor3A_776, %shift_right_logical3A_782 : vector<16xi32>
        %or3A_784 = arith.ori %shift_left3A_780, %shift_right_logical3A_783 : vector<16xi32>
        %xor3A_785 = arith.xori %or3A_784, %add3A_777 : vector<16xi32>
        %add3A_786 = arith.constant 161448894 : i32
        %add3A_787 = vector.broadcast %add3A_786 : i32 to vector<16xi32>
        %add3A_788 = arith.addi %add3A_777, %add3A_787 : vector<16xi32>
        %add3A_789 = arith.constant -2047452281 : i32
        %add3A_790 = vector.broadcast %add3A_789 : i32 to vector<16xi32>
        %add3A_791 = arith.addi %xor3A_785, %add3A_790 : vector<16xi32>
        %add3A_792 = arith.addi %add3A_788, %add3A_791 : vector<16xi32>
        %shift_left3A_793 = arith.constant 13 : i32
        %shift_left3A_794 = vector.broadcast %shift_left3A_793 : i32 to vector<16xi32>
        %shift_left3A_795 = arith.shli %add3A_791, %shift_left3A_794 : vector<16xi32>
        %shift_right_logical3A_796 = arith.constant 19 : i32
        %shift_right_logical3A_797 = vector.broadcast %shift_right_logical3A_796 : i32 to vector<16xi32>
        %shift_right_logical3A_798 = arith.shrui %add3A_791, %shift_right_logical3A_797 : vector<16xi32>
        %or3A_799 = arith.ori %shift_left3A_795, %shift_right_logical3A_798 : vector<16xi32>
        %xor3A_800 = arith.xori %or3A_799, %add3A_792 : vector<16xi32>
        %add3A_801 = arith.addi %add3A_792, %xor3A_800 : vector<16xi32>
        %shift_left3A_802 = arith.constant 15 : i32
        %shift_left3A_803 = vector.broadcast %shift_left3A_802 : i32 to vector<16xi32>
        %shift_left3A_804 = arith.shli %xor3A_800, %shift_left3A_803 : vector<16xi32>
        %shift_right_logical3A_805 = arith.constant 17 : i32
        %shift_right_logical3A_806 = vector.broadcast %shift_right_logical3A_805 : i32 to vector<16xi32>
        %shift_right_logical3A_807 = arith.shrui %xor3A_800, %shift_right_logical3A_806 : vector<16xi32>
        %or3A_808 = arith.ori %shift_left3A_804, %shift_right_logical3A_807 : vector<16xi32>
        %xor3A_809 = arith.xori %or3A_808, %add3A_801 : vector<16xi32>
        %add3A_810 = arith.addi %add3A_801, %xor3A_809 : vector<16xi32>
        %shift_left3A_811 = arith.constant 26 : i32
        %shift_left3A_812 = vector.broadcast %shift_left3A_811 : i32 to vector<16xi32>
        %shift_left3A_813 = arith.shli %xor3A_809, %shift_left3A_812 : vector<16xi32>
        %shift_right_logical3A_814 = arith.constant 6 : i32
        %shift_right_logical3A_815 = vector.broadcast %shift_right_logical3A_814 : i32 to vector<16xi32>
        %shift_right_logical3A_816 = arith.shrui %xor3A_809, %shift_right_logical3A_815 : vector<16xi32>
        %or3A_817 = arith.ori %shift_left3A_813, %shift_right_logical3A_816 : vector<16xi32>
        %xor3A_818 = arith.xori %or3A_817, %add3A_810 : vector<16xi32>
        %add3A_819 = arith.addi %add3A_810, %xor3A_818 : vector<16xi32>
        %shift_left3A_820 = arith.constant 6 : i32
        %shift_left3A_821 = vector.broadcast %shift_left3A_820 : i32 to vector<16xi32>
        %shift_left3A_822 = arith.shli %xor3A_818, %shift_left3A_821 : vector<16xi32>
        %shift_right_logical3A_823 = arith.constant 26 : i32
        %shift_right_logical3A_824 = vector.broadcast %shift_right_logical3A_823 : i32 to vector<16xi32>
        %shift_right_logical3A_825 = arith.shrui %xor3A_818, %shift_right_logical3A_824 : vector<16xi32>
        %or3A_826 = arith.ori %shift_left3A_822, %shift_right_logical3A_825 : vector<16xi32>
        %xor3A_827 = arith.xori %or3A_826, %add3A_819 : vector<16xi32>
        %add3A_828 = arith.constant -2047452283 : i32
        %add3A_829 = vector.broadcast %add3A_828 : i32 to vector<16xi32>
        %add3A_830 = arith.addi %add3A_819, %add3A_829 : vector<16xi32>
        %add3A_831 = arith.constant -1749498908 : i32
        %add3A_832 = vector.broadcast %add3A_831 : i32 to vector<16xi32>
        %add3A_833 = arith.addi %xor3A_827, %add3A_832 : vector<16xi32>
        %add3A_834 = arith.addi %add3A_830, %add3A_833 : vector<16xi32>
        %shift_left3A_835 = arith.constant 17 : i32
        %shift_left3A_836 = vector.broadcast %shift_left3A_835 : i32 to vector<16xi32>
        %shift_left3A_837 = arith.shli %add3A_833, %shift_left3A_836 : vector<16xi32>
        %shift_right_logical3A_838 = arith.constant 15 : i32
        %shift_right_logical3A_839 = vector.broadcast %shift_right_logical3A_838 : i32 to vector<16xi32>
        %shift_right_logical3A_840 = arith.shrui %add3A_833, %shift_right_logical3A_839 : vector<16xi32>
        %or3A_841 = arith.ori %shift_left3A_837, %shift_right_logical3A_840 : vector<16xi32>
        %xor3A_842 = arith.xori %or3A_841, %add3A_834 : vector<16xi32>
        %add3A_843 = arith.addi %add3A_834, %xor3A_842 : vector<16xi32>
        %shift_left3A_844 = arith.constant 29 : i32
        %shift_left3A_845 = vector.broadcast %shift_left3A_844 : i32 to vector<16xi32>
        %shift_left3A_846 = arith.shli %xor3A_842, %shift_left3A_845 : vector<16xi32>
        %shift_right_logical3A_847 = arith.constant 3 : i32
        %shift_right_logical3A_848 = vector.broadcast %shift_right_logical3A_847 : i32 to vector<16xi32>
        %shift_right_logical3A_849 = arith.shrui %xor3A_842, %shift_right_logical3A_848 : vector<16xi32>
        %or3A_850 = arith.ori %shift_left3A_846, %shift_right_logical3A_849 : vector<16xi32>
        %xor3A_851 = arith.xori %or3A_850, %add3A_843 : vector<16xi32>
        %add3A_852 = arith.addi %add3A_843, %xor3A_851 : vector<16xi32>
        %shift_left3A_853 = arith.constant 16 : i32
        %shift_left3A_854 = vector.broadcast %shift_left3A_853 : i32 to vector<16xi32>
        %shift_left3A_855 = arith.shli %xor3A_851, %shift_left3A_854 : vector<16xi32>
        %shift_right_logical3A_856 = arith.constant 16 : i32
        %shift_right_logical3A_857 = vector.broadcast %shift_right_logical3A_856 : i32 to vector<16xi32>
        %shift_right_logical3A_858 = arith.shrui %xor3A_851, %shift_right_logical3A_857 : vector<16xi32>
        %or3A_859 = arith.ori %shift_left3A_855, %shift_right_logical3A_858 : vector<16xi32>
        %xor3A_860 = arith.xori %or3A_859, %add3A_852 : vector<16xi32>
        %add3A_861 = arith.addi %add3A_852, %xor3A_860 : vector<16xi32>
        %shift_left3A_862 = arith.constant 24 : i32
        %shift_left3A_863 = vector.broadcast %shift_left3A_862 : i32 to vector<16xi32>
        %shift_left3A_864 = arith.shli %xor3A_860, %shift_left3A_863 : vector<16xi32>
        %shift_right_logical3A_865 = arith.constant 8 : i32
        %shift_right_logical3A_866 = vector.broadcast %shift_right_logical3A_865 : i32 to vector<16xi32>
        %shift_right_logical3A_867 = arith.shrui %xor3A_860, %shift_right_logical3A_866 : vector<16xi32>
        %or3A_868 = arith.ori %shift_left3A_864, %shift_right_logical3A_867 : vector<16xi32>
        %xor3A_869 = arith.xori %or3A_868, %add3A_861 : vector<16xi32>
        %add3A_870 = arith.constant -1749498911 : i32
        %add3A_871 = vector.broadcast %add3A_870 : i32 to vector<16xi32>
        %add3A_872 = arith.addi %add3A_861, %add3A_871 : vector<16xi32>
        %add3A_873 = arith.constant 161448898 : i32
        %add3A_874 = vector.broadcast %add3A_873 : i32 to vector<16xi32>
        %add3A_875 = arith.addi %xor3A_869, %add3A_874 : vector<16xi32>
        %add3A_876 = arith.addi %add3A_872, %add3A_875 : vector<16xi32>
        %shift_left3A_877 = arith.constant 13 : i32
        %shift_left3A_878 = vector.broadcast %shift_left3A_877 : i32 to vector<16xi32>
        %shift_left3A_879 = arith.shli %add3A_875, %shift_left3A_878 : vector<16xi32>
        %shift_right_logical3A_880 = arith.constant 19 : i32
        %shift_right_logical3A_881 = vector.broadcast %shift_right_logical3A_880 : i32 to vector<16xi32>
        %shift_right_logical3A_882 = arith.shrui %add3A_875, %shift_right_logical3A_881 : vector<16xi32>
        %or3A_883 = arith.ori %shift_left3A_879, %shift_right_logical3A_882 : vector<16xi32>
        %xor3A_884 = arith.xori %or3A_883, %add3A_876 : vector<16xi32>
        %add3A_885 = arith.addi %add3A_876, %xor3A_884 : vector<16xi32>
        %shift_left3A_886 = arith.constant 15 : i32
        %shift_left3A_887 = vector.broadcast %shift_left3A_886 : i32 to vector<16xi32>
        %shift_left3A_888 = arith.shli %xor3A_884, %shift_left3A_887 : vector<16xi32>
        %shift_right_logical3A_889 = arith.constant 17 : i32
        %shift_right_logical3A_890 = vector.broadcast %shift_right_logical3A_889 : i32 to vector<16xi32>
        %shift_right_logical3A_891 = arith.shrui %xor3A_884, %shift_right_logical3A_890 : vector<16xi32>
        %or3A_892 = arith.ori %shift_left3A_888, %shift_right_logical3A_891 : vector<16xi32>
        %xor3A_893 = arith.xori %or3A_892, %add3A_885 : vector<16xi32>
        %add3A_894 = arith.addi %add3A_885, %xor3A_893 : vector<16xi32>
        %shift_left3A_895 = arith.constant 26 : i32
        %shift_left3A_896 = vector.broadcast %shift_left3A_895 : i32 to vector<16xi32>
        %shift_left3A_897 = arith.shli %xor3A_893, %shift_left3A_896 : vector<16xi32>
        %shift_right_logical3A_898 = arith.constant 6 : i32
        %shift_right_logical3A_899 = vector.broadcast %shift_right_logical3A_898 : i32 to vector<16xi32>
        %shift_right_logical3A_900 = arith.shrui %xor3A_893, %shift_right_logical3A_899 : vector<16xi32>
        %or3A_901 = arith.ori %shift_left3A_897, %shift_right_logical3A_900 : vector<16xi32>
        %xor3A_902 = arith.xori %or3A_901, %add3A_894 : vector<16xi32>
        %add3A_903 = arith.addi %add3A_894, %xor3A_902 : vector<16xi32>
        %shift_left3A_904 = arith.constant 6 : i32
        %shift_left3A_905 = vector.broadcast %shift_left3A_904 : i32 to vector<16xi32>
        %shift_left3A_906 = arith.shli %xor3A_902, %shift_left3A_905 : vector<16xi32>
        %shift_right_logical3A_907 = arith.constant 26 : i32
        %shift_right_logical3A_908 = vector.broadcast %shift_right_logical3A_907 : i32 to vector<16xi32>
        %shift_right_logical3A_909 = arith.shrui %xor3A_902, %shift_right_logical3A_908 : vector<16xi32>
        %or3A_910 = arith.ori %shift_left3A_906, %shift_right_logical3A_909 : vector<16xi32>
        %xor3A_911 = arith.xori %or3A_910, %add3A_903 : vector<16xi32>
        %add3A_912 = arith.constant 161448894 : i32
        %add3A_913 = vector.broadcast %add3A_912 : i32 to vector<16xi32>
        %add3A_914 = arith.addi %add3A_903, %add3A_913 : vector<16xi32>
        %add3A_915 = arith.constant -2047452278 : i32
        %add3A_916 = vector.broadcast %add3A_915 : i32 to vector<16xi32>
        %add3A_917 = arith.addi %xor3A_911, %add3A_916 : vector<16xi32>
        %xor3A_918 = arith.xori %add3A_914, %add3A_917 : vector<16xi32>
        %mul3A_919 = arith.constant 16 : i32
        %mul3A_920 = arith.muli %scan3A_701, %mul3A_919 : i32
        %swap3A_921 = arith.index_cast %mul3A_920 : i32 to index
        %swap3A_922 = tpu.vector_load %arg3[%swap3A_921] {strides = array<i32>} : memref<100352xi32, #tpu.memory_space<vmem>>, vector<16xi32>,
        %swap3A_923 = vector.shape_cast %swap3A_922 : vector<16xi32> to vector<16xi32>
        %swap3A_924 = vector.shape_cast %xor3A_918 : vector<16xi32> to vector<16xi32>
        tpu.vector_store %arg3[%swap3A_921], %swap3A_924 {strides = array<i32>} : memref<100352xi32, #tpu.memory_space<vmem>>, vector<16xi32>,
        %scan3A_925 = arith.constant 0 : i32
        %scan3A_926 = arith.constant 4 : i32
        %scan3A_927 = arith.addi %scan3A_28, %scan3A_926 : i32
        %mul3A_928 = arith.constant 16 : i32
        %mul3A_929 = arith.muli %scan3A_927, %mul3A_928 : i32
        %add3A_930 = vector.broadcast %mul3A_929 : i32 to vector<16xi32>
        %add3A_931 = arith.addi %add3A_19, %add3A_930 : vector<16xi32>
        %broadcast_in_dim3A_932 = arith.constant -2047452283 : i32
        %broadcast_in_dim3A_933 = vector.broadcast %broadcast_in_dim3A_932 : i32 to vector<16xi32>
        %add3A_934 = arith.addi %broadcast_in_dim3A_933, %add3A_931 : vector<16xi32>
        %shift_left3A_935 = arith.constant 13 : i32
        %shift_left3A_936 = vector.broadcast %shift_left3A_935 : i32 to vector<16xi32>
        %shift_left3A_937 = arith.shli %add3A_931, %shift_left3A_936 : vector<16xi32>
        %shift_right_logical3A_938 = arith.constant 19 : i32
        %shift_right_logical3A_939 = vector.broadcast %shift_right_logical3A_938 : i32 to vector<16xi32>
        %shift_right_logical3A_940 = arith.shrui %add3A_931, %shift_right_logical3A_939 : vector<16xi32>
        %or3A_941 = arith.ori %shift_left3A_937, %shift_right_logical3A_940 : vector<16xi32>
        %xor3A_942 = arith.xori %or3A_941, %add3A_934 : vector<16xi32>
        %add3A_943 = arith.addi %add3A_934, %xor3A_942 : vector<16xi32>
        %shift_left3A_944 = arith.constant 15 : i32
        %shift_left3A_945 = vector.broadcast %shift_left3A_944 : i32 to vector<16xi32>
        %shift_left3A_946 = arith.shli %xor3A_942, %shift_left3A_945 : vector<16xi32>
        %shift_right_logical3A_947 = arith.constant 17 : i32
        %shift_right_logical3A_948 = vector.broadcast %shift_right_logical3A_947 : i32 to vector<16xi32>
        %shift_right_logical3A_949 = arith.shrui %xor3A_942, %shift_right_logical3A_948 : vector<16xi32>
        %or3A_950 = arith.ori %shift_left3A_946, %shift_right_logical3A_949 : vector<16xi32>
        %xor3A_951 = arith.xori %or3A_950, %add3A_943 : vector<16xi32>
        %add3A_952 = arith.addi %add3A_943, %xor3A_951 : vector<16xi32>
        %shift_left3A_953 = arith.constant 26 : i32
        %shift_left3A_954 = vector.broadcast %shift_left3A_953 : i32 to vector<16xi32>
        %shift_left3A_955 = arith.shli %xor3A_951, %shift_left3A_954 : vector<16xi32>
        %shift_right_logical3A_956 = arith.constant 6 : i32
        %shift_right_logical3A_957 = vector.broadcast %shift_right_logical3A_956 : i32 to vector<16xi32>
        %shift_right_logical3A_958 = arith.shrui %xor3A_951, %shift_right_logical3A_957 : vector<16xi32>
        %or3A_959 = arith.ori %shift_left3A_955, %shift_right_logical3A_958 : vector<16xi32>
        %xor3A_960 = arith.xori %or3A_959, %add3A_952 : vector<16xi32>
        %add3A_961 = arith.addi %add3A_952, %xor3A_960 : vector<16xi32>
        %shift_left3A_962 = arith.constant 6 : i32
        %shift_left3A_963 = vector.broadcast %shift_left3A_962 : i32 to vector<16xi32>
        %shift_left3A_964 = arith.shli %xor3A_960, %shift_left3A_963 : vector<16xi32>
        %shift_right_logical3A_965 = arith.constant 26 : i32
        %shift_right_logical3A_966 = vector.broadcast %shift_right_logical3A_965 : i32 to vector<16xi32>
        %shift_right_logical3A_967 = arith.shrui %xor3A_960, %shift_right_logical3A_966 : vector<16xi32>
        %or3A_968 = arith.ori %shift_left3A_964, %shift_right_logical3A_967 : vector<16xi32>
        %xor3A_969 = arith.xori %or3A_968, %add3A_961 : vector<16xi32>
        %add3A_970 = arith.constant -1749498911 : i32
        %add3A_971 = vector.broadcast %add3A_970 : i32 to vector<16xi32>
        %add3A_972 = arith.addi %add3A_961, %add3A_971 : vector<16xi32>
        %add3A_973 = arith.constant 161448895 : i32
        %add3A_974 = vector.broadcast %add3A_973 : i32 to vector<16xi32>
        %add3A_975 = arith.addi %xor3A_969, %add3A_974 : vector<16xi32>
        %add3A_976 = arith.addi %add3A_972, %add3A_975 : vector<16xi32>
        %shift_left3A_977 = arith.constant 17 : i32
        %shift_left3A_978 = vector.broadcast %shift_left3A_977 : i32 to vector<16xi32>
        %shift_left3A_979 = arith.shli %add3A_975, %shift_left3A_978 : vector<16xi32>
        %shift_right_logical3A_980 = arith.constant 15 : i32
        %shift_right_logical3A_981 = vector.broadcast %shift_right_logical3A_980 : i32 to vector<16xi32>
        %shift_right_logical3A_982 = arith.shrui %add3A_975, %shift_right_logical3A_981 : vector<16xi32>
        %or3A_983 = arith.ori %shift_left3A_979, %shift_right_logical3A_982 : vector<16xi32>
        %xor3A_984 = arith.xori %or3A_983, %add3A_976 : vector<16xi32>
        %add3A_985 = arith.addi %add3A_976, %xor3A_984 : vector<16xi32>
        %shift_left3A_986 = arith.constant 29 : i32
        %shift_left3A_987 = vector.broadcast %shift_left3A_986 : i32 to vector<16xi32>
        %shift_left3A_988 = arith.shli %xor3A_984, %shift_left3A_987 : vector<16xi32>
        %shift_right_logical3A_989 = arith.constant 3 : i32
        %shift_right_logical3A_990 = vector.broadcast %shift_right_logical3A_989 : i32 to vector<16xi32>
        %shift_right_logical3A_991 = arith.shrui %xor3A_984, %shift_right_logical3A_990 : vector<16xi32>
        %or3A_992 = arith.ori %shift_left3A_988, %shift_right_logical3A_991 : vector<16xi32>
        %xor3A_993 = arith.xori %or3A_992, %add3A_985 : vector<16xi32>
        %add3A_994 = arith.addi %add3A_985, %xor3A_993 : vector<16xi32>
        %shift_left3A_995 = arith.constant 16 : i32
        %shift_left3A_996 = vector.broadcast %shift_left3A_995 : i32 to vector<16xi32>
        %shift_left3A_997 = arith.shli %xor3A_993, %shift_left3A_996 : vector<16xi32>
        %shift_right_logical3A_998 = arith.constant 16 : i32
        %shift_right_logical3A_999 = vector.broadcast %shift_right_logical3A_998 : i32 to vector<16xi32>
        %shift_right_logical3A_1000 = arith.shrui %xor3A_993, %shift_right_logical3A_999 : vector<16xi32>
        %or3A_1001 = arith.ori %shift_left3A_997, %shift_right_logical3A_1000 : vector<16xi32>
        %xor3A_1002 = arith.xori %or3A_1001, %add3A_994 : vector<16xi32>
        %add3A_1003 = arith.addi %add3A_994, %xor3A_1002 : vector<16xi32>
        %shift_left3A_1004 = arith.constant 24 : i32
        %shift_left3A_1005 = vector.broadcast %shift_left3A_1004 : i32 to vector<16xi32>
        %shift_left3A_1006 = arith.shli %xor3A_1002, %shift_left3A_1005 : vector<16xi32>
        %shift_right_logical3A_1007 = arith.constant 8 : i32
        %shift_right_logical3A_1008 = vector.broadcast %shift_right_logical3A_1007 : i32 to vector<16xi32>
        %shift_right_logical3A_1009 = arith.shrui %xor3A_1002, %shift_right_logical3A_1008 : vector<16xi32>
        %or3A_1010 = arith.ori %shift_left3A_1006, %shift_right_logical3A_1009 : vector<16xi32>
        %xor3A_1011 = arith.xori %or3A_1010, %add3A_1003 : vector<16xi32>
        %add3A_1012 = arith.constant 161448894 : i32
        %add3A_1013 = vector.broadcast %add3A_1012 : i32 to vector<16xi32>
        %add3A_1014 = arith.addi %add3A_1003, %add3A_1013 : vector<16xi32>
        %add3A_1015 = arith.constant -2047452281 : i32
        %add3A_1016 = vector.broadcast %add3A_1015 : i32 to vector<16xi32>
        %add3A_1017 = arith.addi %xor3A_1011, %add3A_1016 : vector<16xi32>
        %add3A_1018 = arith.addi %add3A_1014, %add3A_1017 : vector<16xi32>
        %shift_left3A_1019 = arith.constant 13 : i32
        %shift_left3A_1020 = vector.broadcast %shift_left3A_1019 : i32 to vector<16xi32>
        %shift_left3A_1021 = arith.shli %add3A_1017, %shift_left3A_1020 : vector<16xi32>
        %shift_right_logical3A_1022 = arith.constant 19 : i32
        %shift_right_logical3A_1023 = vector.broadcast %shift_right_logical3A_1022 : i32 to vector<16xi32>
        %shift_right_logical3A_1024 = arith.shrui %add3A_1017, %shift_right_logical3A_1023 : vector<16xi32>
        %or3A_1025 = arith.ori %shift_left3A_1021, %shift_right_logical3A_1024 : vector<16xi32>
        %xor3A_1026 = arith.xori %or3A_1025, %add3A_1018 : vector<16xi32>
        %add3A_1027 = arith.addi %add3A_1018, %xor3A_1026 : vector<16xi32>
        %shift_left3A_1028 = arith.constant 15 : i32
        %shift_left3A_1029 = vector.broadcast %shift_left3A_1028 : i32 to vector<16xi32>
        %shift_left3A_1030 = arith.shli %xor3A_1026, %shift_left3A_1029 : vector<16xi32>
        %shift_right_logical3A_1031 = arith.constant 17 : i32
        %shift_right_logical3A_1032 = vector.broadcast %shift_right_logical3A_1031 : i32 to vector<16xi32>
        %shift_right_logical3A_1033 = arith.shrui %xor3A_1026, %shift_right_logical3A_1032 : vector<16xi32>
        %or3A_1034 = arith.ori %shift_left3A_1030, %shift_right_logical3A_1033 : vector<16xi32>
        %xor3A_1035 = arith.xori %or3A_1034, %add3A_1027 : vector<16xi32>
        %add3A_1036 = arith.addi %add3A_1027, %xor3A_1035 : vector<16xi32>
        %shift_left3A_1037 = arith.constant 26 : i32
        %shift_left3A_1038 = vector.broadcast %shift_left3A_1037 : i32 to vector<16xi32>
        %shift_left3A_1039 = arith.shli %xor3A_1035, %shift_left3A_1038 : vector<16xi32>
        %shift_right_logical3A_1040 = arith.constant 6 : i32
        %shift_right_logical3A_1041 = vector.broadcast %shift_right_logical3A_1040 : i32 to vector<16xi32>
        %shift_right_logical3A_1042 = arith.shrui %xor3A_1035, %shift_right_logical3A_1041 : vector<16xi32>
        %or3A_1043 = arith.ori %shift_left3A_1039, %shift_right_logical3A_1042 : vector<16xi32>
        %xor3A_1044 = arith.xori %or3A_1043, %add3A_1036 : vector<16xi32>
        %add3A_1045 = arith.addi %add3A_1036, %xor3A_1044 : vector<16xi32>
        %shift_left3A_1046 = arith.constant 6 : i32
        %shift_left3A_1047 = vector.broadcast %shift_left3A_1046 : i32 to vector<16xi32>
        %shift_left3A_1048 = arith.shli %xor3A_1044, %shift_left3A_1047 : vector<16xi32>
        %shift_right_logical3A_1049 = arith.constant 26 : i32
        %shift_right_logical3A_1050 = vector.broadcast %shift_right_logical3A_1049 : i32 to vector<16xi32>
        %shift_right_logical3A_1051 = arith.shrui %xor3A_1044, %shift_right_logical3A_1050 : vector<16xi32>
        %or3A_1052 = arith.ori %shift_left3A_1048, %shift_right_logical3A_1051 : vector<16xi32>
        %xor3A_1053 = arith.xori %or3A_1052, %add3A_1045 : vector<16xi32>
        %add3A_1054 = arith.constant -2047452283 : i32
        %add3A_1055 = vector.broadcast %add3A_1054 : i32 to vector<16xi32>
        %add3A_1056 = arith.addi %add3A_1045, %add3A_1055 : vector<16xi32>
        %add3A_1057 = arith.constant -1749498908 : i32
        %add3A_1058 = vector.broadcast %add3A_1057 : i32 to vector<16xi32>
        %add3A_1059 = arith.addi %xor3A_1053, %add3A_1058 : vector<16xi32>
        %add3A_1060 = arith.addi %add3A_1056, %add3A_1059 : vector<16xi32>
        %shift_left3A_1061 = arith.constant 17 : i32
        %shift_left3A_1062 = vector.broadcast %shift_left3A_1061 : i32 to vector<16xi32>
        %shift_left3A_1063 = arith.shli %add3A_1059, %shift_left3A_1062 : vector<16xi32>
        %shift_right_logical3A_1064 = arith.constant 15 : i32
        %shift_right_logical3A_1065 = vector.broadcast %shift_right_logical3A_1064 : i32 to vector<16xi32>
        %shift_right_logical3A_1066 = arith.shrui %add3A_1059, %shift_right_logical3A_1065 : vector<16xi32>
        %or3A_1067 = arith.ori %shift_left3A_1063, %shift_right_logical3A_1066 : vector<16xi32>
        %xor3A_1068 = arith.xori %or3A_1067, %add3A_1060 : vector<16xi32>
        %add3A_1069 = arith.addi %add3A_1060, %xor3A_1068 : vector<16xi32>
        %shift_left3A_1070 = arith.constant 29 : i32
        %shift_left3A_1071 = vector.broadcast %shift_left3A_1070 : i32 to vector<16xi32>
        %shift_left3A_1072 = arith.shli %xor3A_1068, %shift_left3A_1071 : vector<16xi32>
        %shift_right_logical3A_1073 = arith.constant 3 : i32
        %shift_right_logical3A_1074 = vector.broadcast %shift_right_logical3A_1073 : i32 to vector<16xi32>
        %shift_right_logical3A_1075 = arith.shrui %xor3A_1068, %shift_right_logical3A_1074 : vector<16xi32>
        %or3A_1076 = arith.ori %shift_left3A_1072, %shift_right_logical3A_1075 : vector<16xi32>
        %xor3A_1077 = arith.xori %or3A_1076, %add3A_1069 : vector<16xi32>
        %add3A_1078 = arith.addi %add3A_1069, %xor3A_1077 : vector<16xi32>
        %shift_left3A_1079 = arith.constant 16 : i32
        %shift_left3A_1080 = vector.broadcast %shift_left3A_1079 : i32 to vector<16xi32>
        %shift_left3A_1081 = arith.shli %xor3A_1077, %shift_left3A_1080 : vector<16xi32>
        %shift_right_logical3A_1082 = arith.constant 16 : i32
        %shift_right_logical3A_1083 = vector.broadcast %shift_right_logical3A_1082 : i32 to vector<16xi32>
        %shift_right_logical3A_1084 = arith.shrui %xor3A_1077, %shift_right_logical3A_1083 : vector<16xi32>
        %or3A_1085 = arith.ori %shift_left3A_1081, %shift_right_logical3A_1084 : vector<16xi32>
        %xor3A_1086 = arith.xori %or3A_1085, %add3A_1078 : vector<16xi32>
        %add3A_1087 = arith.addi %add3A_1078, %xor3A_1086 : vector<16xi32>
        %shift_left3A_1088 = arith.constant 24 : i32
        %shift_left3A_1089 = vector.broadcast %shift_left3A_1088 : i32 to vector<16xi32>
        %shift_left3A_1090 = arith.shli %xor3A_1086, %shift_left3A_1089 : vector<16xi32>
        %shift_right_logical3A_1091 = arith.constant 8 : i32
        %shift_right_logical3A_1092 = vector.broadcast %shift_right_logical3A_1091 : i32 to vector<16xi32>
        %shift_right_logical3A_1093 = arith.shrui %xor3A_1086, %shift_right_logical3A_1092 : vector<16xi32>
        %or3A_1094 = arith.ori %shift_left3A_1090, %shift_right_logical3A_1093 : vector<16xi32>
        %xor3A_1095 = arith.xori %or3A_1094, %add3A_1087 : vector<16xi32>
        %add3A_1096 = arith.constant -1749498911 : i32
        %add3A_1097 = vector.broadcast %add3A_1096 : i32 to vector<16xi32>
        %add3A_1098 = arith.addi %add3A_1087, %add3A_1097 : vector<16xi32>
        %add3A_1099 = arith.constant 161448898 : i32
        %add3A_1100 = vector.broadcast %add3A_1099 : i32 to vector<16xi32>
        %add3A_1101 = arith.addi %xor3A_1095, %add3A_1100 : vector<16xi32>
        %add3A_1102 = arith.addi %add3A_1098, %add3A_1101 : vector<16xi32>
        %shift_left3A_1103 = arith.constant 13 : i32
        %shift_left3A_1104 = vector.broadcast %shift_left3A_1103 : i32 to vector<16xi32>
        %shift_left3A_1105 = arith.shli %add3A_1101, %shift_left3A_1104 : vector<16xi32>
        %shift_right_logical3A_1106 = arith.constant 19 : i32
        %shift_right_logical3A_1107 = vector.broadcast %shift_right_logical3A_1106 : i32 to vector<16xi32>
        %shift_right_logical3A_1108 = arith.shrui %add3A_1101, %shift_right_logical3A_1107 : vector<16xi32>
        %or3A_1109 = arith.ori %shift_left3A_1105, %shift_right_logical3A_1108 : vector<16xi32>
        %xor3A_1110 = arith.xori %or3A_1109, %add3A_1102 : vector<16xi32>
        %add3A_1111 = arith.addi %add3A_1102, %xor3A_1110 : vector<16xi32>
        %shift_left3A_1112 = arith.constant 15 : i32
        %shift_left3A_1113 = vector.broadcast %shift_left3A_1112 : i32 to vector<16xi32>
        %shift_left3A_1114 = arith.shli %xor3A_1110, %shift_left3A_1113 : vector<16xi32>
        %shift_right_logical3A_1115 = arith.constant 17 : i32
        %shift_right_logical3A_1116 = vector.broadcast %shift_right_logical3A_1115 : i32 to vector<16xi32>
        %shift_right_logical3A_1117 = arith.shrui %xor3A_1110, %shift_right_logical3A_1116 : vector<16xi32>
        %or3A_1118 = arith.ori %shift_left3A_1114, %shift_right_logical3A_1117 : vector<16xi32>
        %xor3A_1119 = arith.xori %or3A_1118, %add3A_1111 : vector<16xi32>
        %add3A_1120 = arith.addi %add3A_1111, %xor3A_1119 : vector<16xi32>
        %shift_left3A_1121 = arith.constant 26 : i32
        %shift_left3A_1122 = vector.broadcast %shift_left3A_1121 : i32 to vector<16xi32>
        %shift_left3A_1123 = arith.shli %xor3A_1119, %shift_left3A_1122 : vector<16xi32>
        %shift_right_logical3A_1124 = arith.constant 6 : i32
        %shift_right_logical3A_1125 = vector.broadcast %shift_right_logical3A_1124 : i32 to vector<16xi32>
        %shift_right_logical3A_1126 = arith.shrui %xor3A_1119, %shift_right_logical3A_1125 : vector<16xi32>
        %or3A_1127 = arith.ori %shift_left3A_1123, %shift_right_logical3A_1126 : vector<16xi32>
        %xor3A_1128 = arith.xori %or3A_1127, %add3A_1120 : vector<16xi32>
        %add3A_1129 = arith.addi %add3A_1120, %xor3A_1128 : vector<16xi32>
        %shift_left3A_1130 = arith.constant 6 : i32
        %shift_left3A_1131 = vector.broadcast %shift_left3A_1130 : i32 to vector<16xi32>
        %shift_left3A_1132 = arith.shli %xor3A_1128, %shift_left3A_1131 : vector<16xi32>
        %shift_right_logical3A_1133 = arith.constant 26 : i32
        %shift_right_logical3A_1134 = vector.broadcast %shift_right_logical3A_1133 : i32 to vector<16xi32>
        %shift_right_logical3A_1135 = arith.shrui %xor3A_1128, %shift_right_logical3A_1134 : vector<16xi32>
        %or3A_1136 = arith.ori %shift_left3A_1132, %shift_right_logical3A_1135 : vector<16xi32>
        %xor3A_1137 = arith.xori %or3A_1136, %add3A_1129 : vector<16xi32>
        %add3A_1138 = arith.constant 161448894 : i32
        %add3A_1139 = vector.broadcast %add3A_1138 : i32 to vector<16xi32>
        %add3A_1140 = arith.addi %add3A_1129, %add3A_1139 : vector<16xi32>
        %add3A_1141 = arith.constant -2047452278 : i32
        %add3A_1142 = vector.broadcast %add3A_1141 : i32 to vector<16xi32>
        %add3A_1143 = arith.addi %xor3A_1137, %add3A_1142 : vector<16xi32>
        %xor3A_1144 = arith.xori %add3A_1140, %add3A_1143 : vector<16xi32>
        %mul3A_1145 = arith.constant 16 : i32
        %mul3A_1146 = arith.muli %scan3A_927, %mul3A_1145 : i32
        %swap3A_1147 = arith.index_cast %mul3A_1146 : i32 to index
        %swap3A_1148 = tpu.vector_load %arg3[%swap3A_1147] {strides = array<i32>} : memref<100352xi32, #tpu.memory_space<vmem>>, vector<16xi32>,
        %swap3A_1149 = vector.shape_cast %swap3A_1148 : vector<16xi32> to vector<16xi32>
        %swap3A_1150 = vector.shape_cast %xor3A_1144 : vector<16xi32> to vector<16xi32>
        tpu.vector_store %arg3[%swap3A_1147], %swap3A_1150 {strides = array<i32>} : memref<100352xi32, #tpu.memory_space<vmem>>, vector<16xi32>,
        %scan3A_1151 = arith.constant 0 : i32
        %scan3A_1152 = arith.constant 5 : i32
        %scan3A_1153 = arith.addi %scan3A_28, %scan3A_1152 : i32
        %mul3A_1154 = arith.constant 16 : i32
        %mul3A_1155 = arith.muli %scan3A_1153, %mul3A_1154 : i32
        %add3A_1156 = vector.broadcast %mul3A_1155 : i32 to vector<16xi32>
        %add3A_1157 = arith.addi %add3A_19, %add3A_1156 : vector<16xi32>
        %broadcast_in_dim3A_1158 = arith.constant -2047452283 : i32
        %broadcast_in_dim3A_1159 = vector.broadcast %broadcast_in_dim3A_1158 : i32 to vector<16xi32>
        %add3A_1160 = arith.addi %broadcast_in_dim3A_1159, %add3A_1157 : vector<16xi32>
        %shift_left3A_1161 = arith.constant 13 : i32
        %shift_left3A_1162 = vector.broadcast %shift_left3A_1161 : i32 to vector<16xi32>
        %shift_left3A_1163 = arith.shli %add3A_1157, %shift_left3A_1162 : vector<16xi32>
        %shift_right_logical3A_1164 = arith.constant 19 : i32
        %shift_right_logical3A_1165 = vector.broadcast %shift_right_logical3A_1164 : i32 to vector<16xi32>
        %shift_right_logical3A_1166 = arith.shrui %add3A_1157, %shift_right_logical3A_1165 : vector<16xi32>
        %or3A_1167 = arith.ori %shift_left3A_1163, %shift_right_logical3A_1166 : vector<16xi32>
        %xor3A_1168 = arith.xori %or3A_1167, %add3A_1160 : vector<16xi32>
        %add3A_1169 = arith.addi %add3A_1160, %xor3A_1168 : vector<16xi32>
        %shift_left3A_1170 = arith.constant 15 : i32
        %shift_left3A_1171 = vector.broadcast %shift_left3A_1170 : i32 to vector<16xi32>
        %shift_left3A_1172 = arith.shli %xor3A_1168, %shift_left3A_1171 : vector<16xi32>
        %shift_right_logical3A_1173 = arith.constant 17 : i32
        %shift_right_logical3A_1174 = vector.broadcast %shift_right_logical3A_1173 : i32 to vector<16xi32>
        %shift_right_logical3A_1175 = arith.shrui %xor3A_1168, %shift_right_logical3A_1174 : vector<16xi32>
        %or3A_1176 = arith.ori %shift_left3A_1172, %shift_right_logical3A_1175 : vector<16xi32>
        %xor3A_1177 = arith.xori %or3A_1176, %add3A_1169 : vector<16xi32>
        %add3A_1178 = arith.addi %add3A_1169, %xor3A_1177 : vector<16xi32>
        %shift_left3A_1179 = arith.constant 26 : i32
        %shift_left3A_1180 = vector.broadcast %shift_left3A_1179 : i32 to vector<16xi32>
        %shift_left3A_1181 = arith.shli %xor3A_1177, %shift_left3A_1180 : vector<16xi32>
        %shift_right_logical3A_1182 = arith.constant 6 : i32
        %shift_right_logical3A_1183 = vector.broadcast %shift_right_logical3A_1182 : i32 to vector<16xi32>
        %shift_right_logical3A_1184 = arith.shrui %xor3A_1177, %shift_right_logical3A_1183 : vector<16xi32>
        %or3A_1185 = arith.ori %shift_left3A_1181, %shift_right_logical3A_1184 : vector<16xi32>
        %xor3A_1186 = arith.xori %or3A_1185, %add3A_1178 : vector<16xi32>
        %add3A_1187 = arith.addi %add3A_1178, %xor3A_1186 : vector<16xi32>
        %shift_left3A_1188 = arith.constant 6 : i32
        %shift_left3A_1189 = vector.broadcast %shift_left3A_1188 : i32 to vector<16xi32>
        %shift_left3A_1190 = arith.shli %xor3A_1186, %shift_left3A_1189 : vector<16xi32>
        %shift_right_logical3A_1191 = arith.constant 26 : i32
        %shift_right_logical3A_1192 = vector.broadcast %shift_right_logical3A_1191 : i32 to vector<16xi32>
        %shift_right_logical3A_1193 = arith.shrui %xor3A_1186, %shift_right_logical3A_1192 : vector<16xi32>
        %or3A_1194 = arith.ori %shift_left3A_1190, %shift_right_logical3A_1193 : vector<16xi32>
        %xor3A_1195 = arith.xori %or3A_1194, %add3A_1187 : vector<16xi32>
        %add3A_1196 = arith.constant -1749498911 : i32
        %add3A_1197 = vector.broadcast %add3A_1196 : i32 to vector<16xi32>
        %add3A_1198 = arith.addi %add3A_1187, %add3A_1197 : vector<16xi32>
        %add3A_1199 = arith.constant 161448895 : i32
        %add3A_1200 = vector.broadcast %add3A_1199 : i32 to vector<16xi32>
        %add3A_1201 = arith.addi %xor3A_1195, %add3A_1200 : vector<16xi32>
        %add3A_1202 = arith.addi %add3A_1198, %add3A_1201 : vector<16xi32>
        %shift_left3A_1203 = arith.constant 17 : i32
        %shift_left3A_1204 = vector.broadcast %shift_left3A_1203 : i32 to vector<16xi32>
        %shift_left3A_1205 = arith.shli %add3A_1201, %shift_left3A_1204 : vector<16xi32>
        %shift_right_logical3A_1206 = arith.constant 15 : i32
        %shift_right_logical3A_1207 = vector.broadcast %shift_right_logical3A_1206 : i32 to vector<16xi32>
        %shift_right_logical3A_1208 = arith.shrui %add3A_1201, %shift_right_logical3A_1207 : vector<16xi32>
        %or3A_1209 = arith.ori %shift_left3A_1205, %shift_right_logical3A_1208 : vector<16xi32>
        %xor3A_1210 = arith.xori %or3A_1209, %add3A_1202 : vector<16xi32>
        %add3A_1211 = arith.addi %add3A_1202, %xor3A_1210 : vector<16xi32>
        %shift_left3A_1212 = arith.constant 29 : i32
        %shift_left3A_1213 = vector.broadcast %shift_left3A_1212 : i32 to vector<16xi32>
        %shift_left3A_1214 = arith.shli %xor3A_1210, %shift_left3A_1213 : vector<16xi32>
        %shift_right_logical3A_1215 = arith.constant 3 : i32
        %shift_right_logical3A_1216 = vector.broadcast %shift_right_logical3A_1215 : i32 to vector<16xi32>
        %shift_right_logical3A_1217 = arith.shrui %xor3A_1210, %shift_right_logical3A_1216 : vector<16xi32>
        %or3A_1218 = arith.ori %shift_left3A_1214, %shift_right_logical3A_1217 : vector<16xi32>
        %xor3A_1219 = arith.xori %or3A_1218, %add3A_1211 : vector<16xi32>
        %add3A_1220 = arith.addi %add3A_1211, %xor3A_1219 : vector<16xi32>
        %shift_left3A_1221 = arith.constant 16 : i32
        %shift_left3A_1222 = vector.broadcast %shift_left3A_1221 : i32 to vector<16xi32>
        %shift_left3A_1223 = arith.shli %xor3A_1219, %shift_left3A_1222 : vector<16xi32>
        %shift_right_logical3A_1224 = arith.constant 16 : i32
        %shift_right_logical3A_1225 = vector.broadcast %shift_right_logical3A_1224 : i32 to vector<16xi32>
        %shift_right_logical3A_1226 = arith.shrui %xor3A_1219, %shift_right_logical3A_1225 : vector<16xi32>
        %or3A_1227 = arith.ori %shift_left3A_1223, %shift_right_logical3A_1226 : vector<16xi32>
        %xor3A_1228 = arith.xori %or3A_1227, %add3A_1220 : vector<16xi32>
        %add3A_1229 = arith.addi %add3A_1220, %xor3A_1228 : vector<16xi32>
        %shift_left3A_1230 = arith.constant 24 : i32
        %shift_left3A_1231 = vector.broadcast %shift_left3A_1230 : i32 to vector<16xi32>
        %shift_left3A_1232 = arith.shli %xor3A_1228, %shift_left3A_1231 : vector<16xi32>
        %shift_right_logical3A_1233 = arith.constant 8 : i32
        %shift_right_logical3A_1234 = vector.broadcast %shift_right_logical3A_1233 : i32 to vector<16xi32>
        %shift_right_logical3A_1235 = arith.shrui %xor3A_1228, %shift_right_logical3A_1234 : vector<16xi32>
        %or3A_1236 = arith.ori %shift_left3A_1232, %shift_right_logical3A_1235 : vector<16xi32>
        %xor3A_1237 = arith.xori %or3A_1236, %add3A_1229 : vector<16xi32>
        %add3A_1238 = arith.constant 161448894 : i32
        %add3A_1239 = vector.broadcast %add3A_1238 : i32 to vector<16xi32>
        %add3A_1240 = arith.addi %add3A_1229, %add3A_1239 : vector<16xi32>
        %add3A_1241 = arith.constant -2047452281 : i32
        %add3A_1242 = vector.broadcast %add3A_1241 : i32 to vector<16xi32>
        %add3A_1243 = arith.addi %xor3A_1237, %add3A_1242 : vector<16xi32>
        %add3A_1244 = arith.addi %add3A_1240, %add3A_1243 : vector<16xi32>
        %shift_left3A_1245 = arith.constant 13 : i32
        %shift_left3A_1246 = vector.broadcast %shift_left3A_1245 : i32 to vector<16xi32>
        %shift_left3A_1247 = arith.shli %add3A_1243, %shift_left3A_1246 : vector<16xi32>
        %shift_right_logical3A_1248 = arith.constant 19 : i32
        %shift_right_logical3A_1249 = vector.broadcast %shift_right_logical3A_1248 : i32 to vector<16xi32>
        %shift_right_logical3A_1250 = arith.shrui %add3A_1243, %shift_right_logical3A_1249 : vector<16xi32>
        %or3A_1251 = arith.ori %shift_left3A_1247, %shift_right_logical3A_1250 : vector<16xi32>
        %xor3A_1252 = arith.xori %or3A_1251, %add3A_1244 : vector<16xi32>
        %add3A_1253 = arith.addi %add3A_1244, %xor3A_1252 : vector<16xi32>
        %shift_left3A_1254 = arith.constant 15 : i32
        %shift_left3A_1255 = vector.broadcast %shift_left3A_1254 : i32 to vector<16xi32>
        %shift_left3A_1256 = arith.shli %xor3A_1252, %shift_left3A_1255 : vector<16xi32>
        %shift_right_logical3A_1257 = arith.constant 17 : i32
        %shift_right_logical3A_1258 = vector.broadcast %shift_right_logical3A_1257 : i32 to vector<16xi32>
        %shift_right_logical3A_1259 = arith.shrui %xor3A_1252, %shift_right_logical3A_1258 : vector<16xi32>
        %or3A_1260 = arith.ori %shift_left3A_1256, %shift_right_logical3A_1259 : vector<16xi32>
        %xor3A_1261 = arith.xori %or3A_1260, %add3A_1253 : vector<16xi32>
        %add3A_1262 = arith.addi %add3A_1253, %xor3A_1261 : vector<16xi32>
        %shift_left3A_1263 = arith.constant 26 : i32
        %shift_left3A_1264 = vector.broadcast %shift_left3A_1263 : i32 to vector<16xi32>
        %shift_left3A_1265 = arith.shli %xor3A_1261, %shift_left3A_1264 : vector<16xi32>
        %shift_right_logical3A_1266 = arith.constant 6 : i32
        %shift_right_logical3A_1267 = vector.broadcast %shift_right_logical3A_1266 : i32 to vector<16xi32>
        %shift_right_logical3A_1268 = arith.shrui %xor3A_1261, %shift_right_logical3A_1267 : vector<16xi32>
        %or3A_1269 = arith.ori %shift_left3A_1265, %shift_right_logical3A_1268 : vector<16xi32>
        %xor3A_1270 = arith.xori %or3A_1269, %add3A_1262 : vector<16xi32>
        %add3A_1271 = arith.addi %add3A_1262, %xor3A_1270 : vector<16xi32>
        %shift_left3A_1272 = arith.constant 6 : i32
        %shift_left3A_1273 = vector.broadcast %shift_left3A_1272 : i32 to vector<16xi32>
        %shift_left3A_1274 = arith.shli %xor3A_1270, %shift_left3A_1273 : vector<16xi32>
        %shift_right_logical3A_1275 = arith.constant 26 : i32
        %shift_right_logical3A_1276 = vector.broadcast %shift_right_logical3A_1275 : i32 to vector<16xi32>
        %shift_right_logical3A_1277 = arith.shrui %xor3A_1270, %shift_right_logical3A_1276 : vector<16xi32>
        %or3A_1278 = arith.ori %shift_left3A_1274, %shift_right_logical3A_1277 : vector<16xi32>
        %xor3A_1279 = arith.xori %or3A_1278, %add3A_1271 : vector<16xi32>
        %add3A_1280 = arith.constant -2047452283 : i32
        %add3A_1281 = vector.broadcast %add3A_1280 : i32 to vector<16xi32>
        %add3A_1282 = arith.addi %add3A_1271, %add3A_1281 : vector<16xi32>
        %add3A_1283 = arith.constant -1749498908 : i32
        %add3A_1284 = vector.broadcast %add3A_1283 : i32 to vector<16xi32>
        %add3A_1285 = arith.addi %xor3A_1279, %add3A_1284 : vector<16xi32>
        %add3A_1286 = arith.addi %add3A_1282, %add3A_1285 : vector<16xi32>
        %shift_left3A_1287 = arith.constant 17 : i32
        %shift_left3A_1288 = vector.broadcast %shift_left3A_1287 : i32 to vector<16xi32>
        %shift_left3A_1289 = arith.shli %add3A_1285, %shift_left3A_1288 : vector<16xi32>
        %shift_right_logical3A_1290 = arith.constant 15 : i32
        %shift_right_logical3A_1291 = vector.broadcast %shift_right_logical3A_1290 : i32 to vector<16xi32>
        %shift_right_logical3A_1292 = arith.shrui %add3A_1285, %shift_right_logical3A_1291 : vector<16xi32>
        %or3A_1293 = arith.ori %shift_left3A_1289, %shift_right_logical3A_1292 : vector<16xi32>
        %xor3A_1294 = arith.xori %or3A_1293, %add3A_1286 : vector<16xi32>
        %add3A_1295 = arith.addi %add3A_1286, %xor3A_1294 : vector<16xi32>
        %shift_left3A_1296 = arith.constant 29 : i32
        %shift_left3A_1297 = vector.broadcast %shift_left3A_1296 : i32 to vector<16xi32>
        %shift_left3A_1298 = arith.shli %xor3A_1294, %shift_left3A_1297 : vector<16xi32>
        %shift_right_logical3A_1299 = arith.constant 3 : i32
        %shift_right_logical3A_1300 = vector.broadcast %shift_right_logical3A_1299 : i32 to vector<16xi32>
        %shift_right_logical3A_1301 = arith.shrui %xor3A_1294, %shift_right_logical3A_1300 : vector<16xi32>
        %or3A_1302 = arith.ori %shift_left3A_1298, %shift_right_logical3A_1301 : vector<16xi32>
        %xor3A_1303 = arith.xori %or3A_1302, %add3A_1295 : vector<16xi32>
        %add3A_1304 = arith.addi %add3A_1295, %xor3A_1303 : vector<16xi32>
        %shift_left3A_1305 = arith.constant 16 : i32
        %shift_left3A_1306 = vector.broadcast %shift_left3A_1305 : i32 to vector<16xi32>
        %shift_left3A_1307 = arith.shli %xor3A_1303, %shift_left3A_1306 : vector<16xi32>
        %shift_right_logical3A_1308 = arith.constant 16 : i32
        %shift_right_logical3A_1309 = vector.broadcast %shift_right_logical3A_1308 : i32 to vector<16xi32>
        %shift_right_logical3A_1310 = arith.shrui %xor3A_1303, %shift_right_logical3A_1309 : vector<16xi32>
        %or3A_1311 = arith.ori %shift_left3A_1307, %shift_right_logical3A_1310 : vector<16xi32>
        %xor3A_1312 = arith.xori %or3A_1311, %add3A_1304 : vector<16xi32>
        %add3A_1313 = arith.addi %add3A_1304, %xor3A_1312 : vector<16xi32>
        %shift_left3A_1314 = arith.constant 24 : i32
        %shift_left3A_1315 = vector.broadcast %shift_left3A_1314 : i32 to vector<16xi32>
        %shift_left3A_1316 = arith.shli %xor3A_1312, %shift_left3A_1315 : vector<16xi32>
        %shift_right_logical3A_1317 = arith.constant 8 : i32
        %shift_right_logical3A_1318 = vector.broadcast %shift_right_logical3A_1317 : i32 to vector<16xi32>
        %shift_right_logical3A_1319 = arith.shrui %xor3A_1312, %shift_right_logical3A_1318 : vector<16xi32>
        %or3A_1320 = arith.ori %shift_left3A_1316, %shift_right_logical3A_1319 : vector<16xi32>
        %xor3A_1321 = arith.xori %or3A_1320, %add3A_1313 : vector<16xi32>
        %add3A_1322 = arith.constant -1749498911 : i32
        %add3A_1323 = vector.broadcast %add3A_1322 : i32 to vector<16xi32>
        %add3A_1324 = arith.addi %add3A_1313, %add3A_1323 : vector<16xi32>
        %add3A_1325 = arith.constant 161448898 : i32
        %add3A_1326 = vector.broadcast %add3A_1325 : i32 to vector<16xi32>
        %add3A_1327 = arith.addi %xor3A_1321, %add3A_1326 : vector<16xi32>
        %add3A_1328 = arith.addi %add3A_1324, %add3A_1327 : vector<16xi32>
        %shift_left3A_1329 = arith.constant 13 : i32
        %shift_left3A_1330 = vector.broadcast %shift_left3A_1329 : i32 to vector<16xi32>
        %shift_left3A_1331 = arith.shli %add3A_1327, %shift_left3A_1330 : vector<16xi32>
        %shift_right_logical3A_1332 = arith.constant 19 : i32
        %shift_right_logical3A_1333 = vector.broadcast %shift_right_logical3A_1332 : i32 to vector<16xi32>
        %shift_right_logical3A_1334 = arith.shrui %add3A_1327, %shift_right_logical3A_1333 : vector<16xi32>
        %or3A_1335 = arith.ori %shift_left3A_1331, %shift_right_logical3A_1334 : vector<16xi32>
        %xor3A_1336 = arith.xori %or3A_1335, %add3A_1328 : vector<16xi32>
        %add3A_1337 = arith.addi %add3A_1328, %xor3A_1336 : vector<16xi32>
        %shift_left3A_1338 = arith.constant 15 : i32
        %shift_left3A_1339 = vector.broadcast %shift_left3A_1338 : i32 to vector<16xi32>
        %shift_left3A_1340 = arith.shli %xor3A_1336, %shift_left3A_1339 : vector<16xi32>
        %shift_right_logical3A_1341 = arith.constant 17 : i32
        %shift_right_logical3A_1342 = vector.broadcast %shift_right_logical3A_1341 : i32 to vector<16xi32>
        %shift_right_logical3A_1343 = arith.shrui %xor3A_1336, %shift_right_logical3A_1342 : vector<16xi32>
        %or3A_1344 = arith.ori %shift_left3A_1340, %shift_right_logical3A_1343 : vector<16xi32>
        %xor3A_1345 = arith.xori %or3A_1344, %add3A_1337 : vector<16xi32>
        %add3A_1346 = arith.addi %add3A_1337, %xor3A_1345 : vector<16xi32>
        %shift_left3A_1347 = arith.constant 26 : i32
        %shift_left3A_1348 = vector.broadcast %shift_left3A_1347 : i32 to vector<16xi32>
        %shift_left3A_1349 = arith.shli %xor3A_1345, %shift_left3A_1348 : vector<16xi32>
        %shift_right_logical3A_1350 = arith.constant 6 : i32
        %shift_right_logical3A_1351 = vector.broadcast %shift_right_logical3A_1350 : i32 to vector<16xi32>
        %shift_right_logical3A_1352 = arith.shrui %xor3A_1345, %shift_right_logical3A_1351 : vector<16xi32>
        %or3A_1353 = arith.ori %shift_left3A_1349, %shift_right_logical3A_1352 : vector<16xi32>
        %xor3A_1354 = arith.xori %or3A_1353, %add3A_1346 : vector<16xi32>
        %add3A_1355 = arith.addi %add3A_1346, %xor3A_1354 : vector<16xi32>
        %shift_left3A_1356 = arith.constant 6 : i32
        %shift_left3A_1357 = vector.broadcast %shift_left3A_1356 : i32 to vector<16xi32>
        %shift_left3A_1358 = arith.shli %xor3A_1354, %shift_left3A_1357 : vector<16xi32>
        %shift_right_logical3A_1359 = arith.constant 26 : i32
        %shift_right_logical3A_1360 = vector.broadcast %shift_right_logical3A_1359 : i32 to vector<16xi32>
        %shift_right_logical3A_1361 = arith.shrui %xor3A_1354, %shift_right_logical3A_1360 : vector<16xi32>
        %or3A_1362 = arith.ori %shift_left3A_1358, %shift_right_logical3A_1361 : vector<16xi32>
        %xor3A_1363 = arith.xori %or3A_1362, %add3A_1355 : vector<16xi32>
        %add3A_1364 = arith.constant 161448894 : i32
        %add3A_1365 = vector.broadcast %add3A_1364 : i32 to vector<16xi32>
        %add3A_1366 = arith.addi %add3A_1355, %add3A_1365 : vector<16xi32>
        %add3A_1367 = arith.constant -2047452278 : i32
        %add3A_1368 = vector.broadcast %add3A_1367 : i32 to vector<16xi32>
        %add3A_1369 = arith.addi %xor3A_1363, %add3A_1368 : vector<16xi32>
        %xor3A_1370 = arith.xori %add3A_1366, %add3A_1369 : vector<16xi32>
        %mul3A_1371 = arith.constant 16 : i32
        %mul3A_1372 = arith.muli %scan3A_1153, %mul3A_1371 : i32
        %swap3A_1373 = arith.index_cast %mul3A_1372 : i32 to index
        %swap3A_1374 = tpu.vector_load %arg3[%swap3A_1373] {strides = array<i32>} : memref<100352xi32, #tpu.memory_space<vmem>>, vector<16xi32>,
        %swap3A_1375 = vector.shape_cast %swap3A_1374 : vector<16xi32> to vector<16xi32>
        %swap3A_1376 = vector.shape_cast %xor3A_1370 : vector<16xi32> to vector<16xi32>
        tpu.vector_store %arg3[%swap3A_1373], %swap3A_1376 {strides = array<i32>} : memref<100352xi32, #tpu.memory_space<vmem>>, vector<16xi32>,
        %scan3A_1377 = arith.constant 0 : i32
        %scan3A_1378 = arith.constant 6 : i32
        %scan3A_1379 = arith.addi %scan3A_28, %scan3A_1378 : i32
        %mul3A_1380 = arith.constant 16 : i32
        %mul3A_1381 = arith.muli %scan3A_1379, %mul3A_1380 : i32
        %add3A_1382 = vector.broadcast %mul3A_1381 : i32 to vector<16xi32>
        %add3A_1383 = arith.addi %add3A_19, %add3A_1382 : vector<16xi32>
        %broadcast_in_dim3A_1384 = arith.constant -2047452283 : i32
        %broadcast_in_dim3A_1385 = vector.broadcast %broadcast_in_dim3A_1384 : i32 to vector<16xi32>
        %add3A_1386 = arith.addi %broadcast_in_dim3A_1385, %add3A_1383 : vector<16xi32>
        %shift_left3A_1387 = arith.constant 13 : i32
        %shift_left3A_1388 = vector.broadcast %shift_left3A_1387 : i32 to vector<16xi32>
        %shift_left3A_1389 = arith.shli %add3A_1383, %shift_left3A_1388 : vector<16xi32>
        %shift_right_logical3A_1390 = arith.constant 19 : i32
        %shift_right_logical3A_1391 = vector.broadcast %shift_right_logical3A_1390 : i32 to vector<16xi32>
        %shift_right_logical3A_1392 = arith.shrui %add3A_1383, %shift_right_logical3A_1391 : vector<16xi32>
        %or3A_1393 = arith.ori %shift_left3A_1389, %shift_right_logical3A_1392 : vector<16xi32>
        %xor3A_1394 = arith.xori %or3A_1393, %add3A_1386 : vector<16xi32>
        %add3A_1395 = arith.addi %add3A_1386, %xor3A_1394 : vector<16xi32>
        %shift_left3A_1396 = arith.constant 15 : i32
        %shift_left3A_1397 = vector.broadcast %shift_left3A_1396 : i32 to vector<16xi32>
        %shift_left3A_1398 = arith.shli %xor3A_1394, %shift_left3A_1397 : vector<16xi32>
        %shift_right_logical3A_1399 = arith.constant 17 : i32
        %shift_right_logical3A_1400 = vector.broadcast %shift_right_logical3A_1399 : i32 to vector<16xi32>
        %shift_right_logical3A_1401 = arith.shrui %xor3A_1394, %shift_right_logical3A_1400 : vector<16xi32>
        %or3A_1402 = arith.ori %shift_left3A_1398, %shift_right_logical3A_1401 : vector<16xi32>
        %xor3A_1403 = arith.xori %or3A_1402, %add3A_1395 : vector<16xi32>
        %add3A_1404 = arith.addi %add3A_1395, %xor3A_1403 : vector<16xi32>
        %shift_left3A_1405 = arith.constant 26 : i32
        %shift_left3A_1406 = vector.broadcast %shift_left3A_1405 : i32 to vector<16xi32>
        %shift_left3A_1407 = arith.shli %xor3A_1403, %shift_left3A_1406 : vector<16xi32>
        %shift_right_logical3A_1408 = arith.constant 6 : i32
        %shift_right_logical3A_1409 = vector.broadcast %shift_right_logical3A_1408 : i32 to vector<16xi32>
        %shift_right_logical3A_1410 = arith.shrui %xor3A_1403, %shift_right_logical3A_1409 : vector<16xi32>
        %or3A_1411 = arith.ori %shift_left3A_1407, %shift_right_logical3A_1410 : vector<16xi32>
        %xor3A_1412 = arith.xori %or3A_1411, %add3A_1404 : vector<16xi32>
        %add3A_1413 = arith.addi %add3A_1404, %xor3A_1412 : vector<16xi32>
        %shift_left3A_1414 = arith.constant 6 : i32
        %shift_left3A_1415 = vector.broadcast %shift_left3A_1414 : i32 to vector<16xi32>
        %shift_left3A_1416 = arith.shli %xor3A_1412, %shift_left3A_1415 : vector<16xi32>
        %shift_right_logical3A_1417 = arith.constant 26 : i32
        %shift_right_logical3A_1418 = vector.broadcast %shift_right_logical3A_1417 : i32 to vector<16xi32>
        %shift_right_logical3A_1419 = arith.shrui %xor3A_1412, %shift_right_logical3A_1418 : vector<16xi32>
        %or3A_1420 = arith.ori %shift_left3A_1416, %shift_right_logical3A_1419 : vector<16xi32>
        %xor3A_1421 = arith.xori %or3A_1420, %add3A_1413 : vector<16xi32>
        %add3A_1422 = arith.constant -1749498911 : i32
        %add3A_1423 = vector.broadcast %add3A_1422 : i32 to vector<16xi32>
        %add3A_1424 = arith.addi %add3A_1413, %add3A_1423 : vector<16xi32>
        %add3A_1425 = arith.constant 161448895 : i32
        %add3A_1426 = vector.broadcast %add3A_1425 : i32 to vector<16xi32>
        %add3A_1427 = arith.addi %xor3A_1421, %add3A_1426 : vector<16xi32>
        %add3A_1428 = arith.addi %add3A_1424, %add3A_1427 : vector<16xi32>
        %shift_left3A_1429 = arith.constant 17 : i32
        %shift_left3A_1430 = vector.broadcast %shift_left3A_1429 : i32 to vector<16xi32>
        %shift_left3A_1431 = arith.shli %add3A_1427, %shift_left3A_1430 : vector<16xi32>
        %shift_right_logical3A_1432 = arith.constant 15 : i32
        %shift_right_logical3A_1433 = vector.broadcast %shift_right_logical3A_1432 : i32 to vector<16xi32>
        %shift_right_logical3A_1434 = arith.shrui %add3A_1427, %shift_right_logical3A_1433 : vector<16xi32>
        %or3A_1435 = arith.ori %shift_left3A_1431, %shift_right_logical3A_1434 : vector<16xi32>
        %xor3A_1436 = arith.xori %or3A_1435, %add3A_1428 : vector<16xi32>
        %add3A_1437 = arith.addi %add3A_1428, %xor3A_1436 : vector<16xi32>
        %shift_left3A_1438 = arith.constant 29 : i32
        %shift_left3A_1439 = vector.broadcast %shift_left3A_1438 : i32 to vector<16xi32>
        %shift_left3A_1440 = arith.shli %xor3A_1436, %shift_left3A_1439 : vector<16xi32>
        %shift_right_logical3A_1441 = arith.constant 3 : i32
        %shift_right_logical3A_1442 = vector.broadcast %shift_right_logical3A_1441 : i32 to vector<16xi32>
        %shift_right_logical3A_1443 = arith.shrui %xor3A_1436, %shift_right_logical3A_1442 : vector<16xi32>
        %or3A_1444 = arith.ori %shift_left3A_1440, %shift_right_logical3A_1443 : vector<16xi32>
        %xor3A_1445 = arith.xori %or3A_1444, %add3A_1437 : vector<16xi32>
        %add3A_1446 = arith.addi %add3A_1437, %xor3A_1445 : vector<16xi32>
        %shift_left3A_1447 = arith.constant 16 : i32
        %shift_left3A_1448 = vector.broadcast %shift_left3A_1447 : i32 to vector<16xi32>
        %shift_left3A_1449 = arith.shli %xor3A_1445, %shift_left3A_1448 : vector<16xi32>
        %shift_right_logical3A_1450 = arith.constant 16 : i32
        %shift_right_logical3A_1451 = vector.broadcast %shift_right_logical3A_1450 : i32 to vector<16xi32>
        %shift_right_logical3A_1452 = arith.shrui %xor3A_1445, %shift_right_logical3A_1451 : vector<16xi32>
        %or3A_1453 = arith.ori %shift_left3A_1449, %shift_right_logical3A_1452 : vector<16xi32>
        %xor3A_1454 = arith.xori %or3A_1453, %add3A_1446 : vector<16xi32>
        %add3A_1455 = arith.addi %add3A_1446, %xor3A_1454 : vector<16xi32>
        %shift_left3A_1456 = arith.constant 24 : i32
        %shift_left3A_1457 = vector.broadcast %shift_left3A_1456 : i32 to vector<16xi32>
        %shift_left3A_1458 = arith.shli %xor3A_1454, %shift_left3A_1457 : vector<16xi32>
        %shift_right_logical3A_1459 = arith.constant 8 : i32
        %shift_right_logical3A_1460 = vector.broadcast %shift_right_logical3A_1459 : i32 to vector<16xi32>
        %shift_right_logical3A_1461 = arith.shrui %xor3A_1454, %shift_right_logical3A_1460 : vector<16xi32>
        %or3A_1462 = arith.ori %shift_left3A_1458, %shift_right_logical3A_1461 : vector<16xi32>
        %xor3A_1463 = arith.xori %or3A_1462, %add3A_1455 : vector<16xi32>
        %add3A_1464 = arith.constant 161448894 : i32
        %add3A_1465 = vector.broadcast %add3A_1464 : i32 to vector<16xi32>
        %add3A_1466 = arith.addi %add3A_1455, %add3A_1465 : vector<16xi32>
        %add3A_1467 = arith.constant -2047452281 : i32
        %add3A_1468 = vector.broadcast %add3A_1467 : i32 to vector<16xi32>
        %add3A_1469 = arith.addi %xor3A_1463, %add3A_1468 : vector<16xi32>
        %add3A_1470 = arith.addi %add3A_1466, %add3A_1469 : vector<16xi32>
        %shift_left3A_1471 = arith.constant 13 : i32
        %shift_left3A_1472 = vector.broadcast %shift_left3A_1471 : i32 to vector<16xi32>
        %shift_left3A_1473 = arith.shli %add3A_1469, %shift_left3A_1472 : vector<16xi32>
        %shift_right_logical3A_1474 = arith.constant 19 : i32
        %shift_right_logical3A_1475 = vector.broadcast %shift_right_logical3A_1474 : i32 to vector<16xi32>
        %shift_right_logical3A_1476 = arith.shrui %add3A_1469, %shift_right_logical3A_1475 : vector<16xi32>
        %or3A_1477 = arith.ori %shift_left3A_1473, %shift_right_logical3A_1476 : vector<16xi32>
        %xor3A_1478 = arith.xori %or3A_1477, %add3A_1470 : vector<16xi32>
        %add3A_1479 = arith.addi %add3A_1470, %xor3A_1478 : vector<16xi32>
        %shift_left3A_1480 = arith.constant 15 : i32
        %shift_left3A_1481 = vector.broadcast %shift_left3A_1480 : i32 to vector<16xi32>
        %shift_left3A_1482 = arith.shli %xor3A_1478, %shift_left3A_1481 : vector<16xi32>
        %shift_right_logical3A_1483 = arith.constant 17 : i32
        %shift_right_logical3A_1484 = vector.broadcast %shift_right_logical3A_1483 : i32 to vector<16xi32>
        %shift_right_logical3A_1485 = arith.shrui %xor3A_1478, %shift_right_logical3A_1484 : vector<16xi32>
        %or3A_1486 = arith.ori %shift_left3A_1482, %shift_right_logical3A_1485 : vector<16xi32>
        %xor3A_1487 = arith.xori %or3A_1486, %add3A_1479 : vector<16xi32>
        %add3A_1488 = arith.addi %add3A_1479, %xor3A_1487 : vector<16xi32>
        %shift_left3A_1489 = arith.constant 26 : i32
        %shift_left3A_1490 = vector.broadcast %shift_left3A_1489 : i32 to vector<16xi32>
        %shift_left3A_1491 = arith.shli %xor3A_1487, %shift_left3A_1490 : vector<16xi32>
        %shift_right_logical3A_1492 = arith.constant 6 : i32
        %shift_right_logical3A_1493 = vector.broadcast %shift_right_logical3A_1492 : i32 to vector<16xi32>
        %shift_right_logical3A_1494 = arith.shrui %xor3A_1487, %shift_right_logical3A_1493 : vector<16xi32>
        %or3A_1495 = arith.ori %shift_left3A_1491, %shift_right_logical3A_1494 : vector<16xi32>
        %xor3A_1496 = arith.xori %or3A_1495, %add3A_1488 : vector<16xi32>
        %add3A_1497 = arith.addi %add3A_1488, %xor3A_1496 : vector<16xi32>
        %shift_left3A_1498 = arith.constant 6 : i32
        %shift_left3A_1499 = vector.broadcast %shift_left3A_1498 : i32 to vector<16xi32>
        %shift_left3A_1500 = arith.shli %xor3A_1496, %shift_left3A_1499 : vector<16xi32>
        %shift_right_logical3A_1501 = arith.constant 26 : i32
        %shift_right_logical3A_1502 = vector.broadcast %shift_right_logical3A_1501 : i32 to vector<16xi32>
        %shift_right_logical3A_1503 = arith.shrui %xor3A_1496, %shift_right_logical3A_1502 : vector<16xi32>
        %or3A_1504 = arith.ori %shift_left3A_1500, %shift_right_logical3A_1503 : vector<16xi32>
        %xor3A_1505 = arith.xori %or3A_1504, %add3A_1497 : vector<16xi32>
        %add3A_1506 = arith.constant -2047452283 : i32
        %add3A_1507 = vector.broadcast %add3A_1506 : i32 to vector<16xi32>
        %add3A_1508 = arith.addi %add3A_1497, %add3A_1507 : vector<16xi32>
        %add3A_1509 = arith.constant -1749498908 : i32
        %add3A_1510 = vector.broadcast %add3A_1509 : i32 to vector<16xi32>
        %add3A_1511 = arith.addi %xor3A_1505, %add3A_1510 : vector<16xi32>
        %add3A_1512 = arith.addi %add3A_1508, %add3A_1511 : vector<16xi32>
        %shift_left3A_1513 = arith.constant 17 : i32
        %shift_left3A_1514 = vector.broadcast %shift_left3A_1513 : i32 to vector<16xi32>
        %shift_left3A_1515 = arith.shli %add3A_1511, %shift_left3A_1514 : vector<16xi32>
        %shift_right_logical3A_1516 = arith.constant 15 : i32
        %shift_right_logical3A_1517 = vector.broadcast %shift_right_logical3A_1516 : i32 to vector<16xi32>
        %shift_right_logical3A_1518 = arith.shrui %add3A_1511, %shift_right_logical3A_1517 : vector<16xi32>
        %or3A_1519 = arith.ori %shift_left3A_1515, %shift_right_logical3A_1518 : vector<16xi32>
        %xor3A_1520 = arith.xori %or3A_1519, %add3A_1512 : vector<16xi32>
        %add3A_1521 = arith.addi %add3A_1512, %xor3A_1520 : vector<16xi32>
        %shift_left3A_1522 = arith.constant 29 : i32
        %shift_left3A_1523 = vector.broadcast %shift_left3A_1522 : i32 to vector<16xi32>
        %shift_left3A_1524 = arith.shli %xor3A_1520, %shift_left3A_1523 : vector<16xi32>
        %shift_right_logical3A_1525 = arith.constant 3 : i32
        %shift_right_logical3A_1526 = vector.broadcast %shift_right_logical3A_1525 : i32 to vector<16xi32>
        %shift_right_logical3A_1527 = arith.shrui %xor3A_1520, %shift_right_logical3A_1526 : vector<16xi32>
        %or3A_1528 = arith.ori %shift_left3A_1524, %shift_right_logical3A_1527 : vector<16xi32>
        %xor3A_1529 = arith.xori %or3A_1528, %add3A_1521 : vector<16xi32>
        %add3A_1530 = arith.addi %add3A_1521, %xor3A_1529 : vector<16xi32>
        %shift_left3A_1531 = arith.constant 16 : i32
        %shift_left3A_1532 = vector.broadcast %shift_left3A_1531 : i32 to vector<16xi32>
        %shift_left3A_1533 = arith.shli %xor3A_1529, %shift_left3A_1532 : vector<16xi32>
        %shift_right_logical3A_1534 = arith.constant 16 : i32
        %shift_right_logical3A_1535 = vector.broadcast %shift_right_logical3A_1534 : i32 to vector<16xi32>
        %shift_right_logical3A_1536 = arith.shrui %xor3A_1529, %shift_right_logical3A_1535 : vector<16xi32>
        %or3A_1537 = arith.ori %shift_left3A_1533, %shift_right_logical3A_1536 : vector<16xi32>
        %xor3A_1538 = arith.xori %or3A_1537, %add3A_1530 : vector<16xi32>
        %add3A_1539 = arith.addi %add3A_1530, %xor3A_1538 : vector<16xi32>
        %shift_left3A_1540 = arith.constant 24 : i32
        %shift_left3A_1541 = vector.broadcast %shift_left3A_1540 : i32 to vector<16xi32>
        %shift_left3A_1542 = arith.shli %xor3A_1538, %shift_left3A_1541 : vector<16xi32>
        %shift_right_logical3A_1543 = arith.constant 8 : i32
        %shift_right_logical3A_1544 = vector.broadcast %shift_right_logical3A_1543 : i32 to vector<16xi32>
        %shift_right_logical3A_1545 = arith.shrui %xor3A_1538, %shift_right_logical3A_1544 : vector<16xi32>
        %or3A_1546 = arith.ori %shift_left3A_1542, %shift_right_logical3A_1545 : vector<16xi32>
        %xor3A_1547 = arith.xori %or3A_1546, %add3A_1539 : vector<16xi32>
        %add3A_1548 = arith.constant -1749498911 : i32
        %add3A_1549 = vector.broadcast %add3A_1548 : i32 to vector<16xi32>
        %add3A_1550 = arith.addi %add3A_1539, %add3A_1549 : vector<16xi32>
        %add3A_1551 = arith.constant 161448898 : i32
        %add3A_1552 = vector.broadcast %add3A_1551 : i32 to vector<16xi32>
        %add3A_1553 = arith.addi %xor3A_1547, %add3A_1552 : vector<16xi32>
        %add3A_1554 = arith.addi %add3A_1550, %add3A_1553 : vector<16xi32>
        %shift_left3A_1555 = arith.constant 13 : i32
        %shift_left3A_1556 = vector.broadcast %shift_left3A_1555 : i32 to vector<16xi32>
        %shift_left3A_1557 = arith.shli %add3A_1553, %shift_left3A_1556 : vector<16xi32>
        %shift_right_logical3A_1558 = arith.constant 19 : i32
        %shift_right_logical3A_1559 = vector.broadcast %shift_right_logical3A_1558 : i32 to vector<16xi32>
        %shift_right_logical3A_1560 = arith.shrui %add3A_1553, %shift_right_logical3A_1559 : vector<16xi32>
        %or3A_1561 = arith.ori %shift_left3A_1557, %shift_right_logical3A_1560 : vector<16xi32>
        %xor3A_1562 = arith.xori %or3A_1561, %add3A_1554 : vector<16xi32>
        %add3A_1563 = arith.addi %add3A_1554, %xor3A_1562 : vector<16xi32>
        %shift_left3A_1564 = arith.constant 15 : i32
        %shift_left3A_1565 = vector.broadcast %shift_left3A_1564 : i32 to vector<16xi32>
        %shift_left3A_1566 = arith.shli %xor3A_1562, %shift_left3A_1565 : vector<16xi32>
        %shift_right_logical3A_1567 = arith.constant 17 : i32
        %shift_right_logical3A_1568 = vector.broadcast %shift_right_logical3A_1567 : i32 to vector<16xi32>
        %shift_right_logical3A_1569 = arith.shrui %xor3A_1562, %shift_right_logical3A_1568 : vector<16xi32>
        %or3A_1570 = arith.ori %shift_left3A_1566, %shift_right_logical3A_1569 : vector<16xi32>
        %xor3A_1571 = arith.xori %or3A_1570, %add3A_1563 : vector<16xi32>
        %add3A_1572 = arith.addi %add3A_1563, %xor3A_1571 : vector<16xi32>
        %shift_left3A_1573 = arith.constant 26 : i32
        %shift_left3A_1574 = vector.broadcast %shift_left3A_1573 : i32 to vector<16xi32>
        %shift_left3A_1575 = arith.shli %xor3A_1571, %shift_left3A_1574 : vector<16xi32>
        %shift_right_logical3A_1576 = arith.constant 6 : i32
        %shift_right_logical3A_1577 = vector.broadcast %shift_right_logical3A_1576 : i32 to vector<16xi32>
        %shift_right_logical3A_1578 = arith.shrui %xor3A_1571, %shift_right_logical3A_1577 : vector<16xi32>
        %or3A_1579 = arith.ori %shift_left3A_1575, %shift_right_logical3A_1578 : vector<16xi32>
        %xor3A_1580 = arith.xori %or3A_1579, %add3A_1572 : vector<16xi32>
        %add3A_1581 = arith.addi %add3A_1572, %xor3A_1580 : vector<16xi32>
        %shift_left3A_1582 = arith.constant 6 : i32
        %shift_left3A_1583 = vector.broadcast %shift_left3A_1582 : i32 to vector<16xi32>
        %shift_left3A_1584 = arith.shli %xor3A_1580, %shift_left3A_1583 : vector<16xi32>
        %shift_right_logical3A_1585 = arith.constant 26 : i32
        %shift_right_logical3A_1586 = vector.broadcast %shift_right_logical3A_1585 : i32 to vector<16xi32>
        %shift_right_logical3A_1587 = arith.shrui %xor3A_1580, %shift_right_logical3A_1586 : vector<16xi32>
        %or3A_1588 = arith.ori %shift_left3A_1584, %shift_right_logical3A_1587 : vector<16xi32>
        %xor3A_1589 = arith.xori %or3A_1588, %add3A_1581 : vector<16xi32>
        %add3A_1590 = arith.constant 161448894 : i32
        %add3A_1591 = vector.broadcast %add3A_1590 : i32 to vector<16xi32>
        %add3A_1592 = arith.addi %add3A_1581, %add3A_1591 : vector<16xi32>
        %add3A_1593 = arith.constant -2047452278 : i32
        %add3A_1594 = vector.broadcast %add3A_1593 : i32 to vector<16xi32>
        %add3A_1595 = arith.addi %xor3A_1589, %add3A_1594 : vector<16xi32>
        %xor3A_1596 = arith.xori %add3A_1592, %add3A_1595 : vector<16xi32>
        %mul3A_1597 = arith.constant 16 : i32
        %mul3A_1598 = arith.muli %scan3A_1379, %mul3A_1597 : i32
        %swap3A_1599 = arith.index_cast %mul3A_1598 : i32 to index
        %swap3A_1600 = tpu.vector_load %arg3[%swap3A_1599] {strides = array<i32>} : memref<100352xi32, #tpu.memory_space<vmem>>, vector<16xi32>,
        %swap3A_1601 = vector.shape_cast %swap3A_1600 : vector<16xi32> to vector<16xi32>
        %swap3A_1602 = vector.shape_cast %xor3A_1596 : vector<16xi32> to vector<16xi32>
        tpu.vector_store %arg3[%swap3A_1599], %swap3A_1602 {strides = array<i32>} : memref<100352xi32, #tpu.memory_space<vmem>>, vector<16xi32>,
        %scan3A_1603 = arith.constant 0 : i32
        %scan3A_1604 = arith.constant 7 : i32
        %scan3A_1605 = arith.addi %scan3A_28, %scan3A_1604 : i32
        %mul3A_1606 = arith.constant 16 : i32
        %mul3A_1607 = arith.muli %scan3A_1605, %mul3A_1606 : i32
        %add3A_1608 = vector.broadcast %mul3A_1607 : i32 to vector<16xi32>
        %add3A_1609 = arith.addi %add3A_19, %add3A_1608 : vector<16xi32>
        %broadcast_in_dim3A_1610 = arith.constant -2047452283 : i32
        %broadcast_in_dim3A_1611 = vector.broadcast %broadcast_in_dim3A_1610 : i32 to vector<16xi32>
        %add3A_1612 = arith.addi %broadcast_in_dim3A_1611, %add3A_1609 : vector<16xi32>
        %shift_left3A_1613 = arith.constant 13 : i32
        %shift_left3A_1614 = vector.broadcast %shift_left3A_1613 : i32 to vector<16xi32>
        %shift_left3A_1615 = arith.shli %add3A_1609, %shift_left3A_1614 : vector<16xi32>
        %shift_right_logical3A_1616 = arith.constant 19 : i32
        %shift_right_logical3A_1617 = vector.broadcast %shift_right_logical3A_1616 : i32 to vector<16xi32>
        %shift_right_logical3A_1618 = arith.shrui %add3A_1609, %shift_right_logical3A_1617 : vector<16xi32>
        %or3A_1619 = arith.ori %shift_left3A_1615, %shift_right_logical3A_1618 : vector<16xi32>
        %xor3A_1620 = arith.xori %or3A_1619, %add3A_1612 : vector<16xi32>
        %add3A_1621 = arith.addi %add3A_1612, %xor3A_1620 : vector<16xi32>
        %shift_left3A_1622 = arith.constant 15 : i32
        %shift_left3A_1623 = vector.broadcast %shift_left3A_1622 : i32 to vector<16xi32>
        %shift_left3A_1624 = arith.shli %xor3A_1620, %shift_left3A_1623 : vector<16xi32>
        %shift_right_logical3A_1625 = arith.constant 17 : i32
        %shift_right_logical3A_1626 = vector.broadcast %shift_right_logical3A_1625 : i32 to vector<16xi32>
        %shift_right_logical3A_1627 = arith.shrui %xor3A_1620, %shift_right_logical3A_1626 : vector<16xi32>
        %or3A_1628 = arith.ori %shift_left3A_1624, %shift_right_logical3A_1627 : vector<16xi32>
        %xor3A_1629 = arith.xori %or3A_1628, %add3A_1621 : vector<16xi32>
        %add3A_1630 = arith.addi %add3A_1621, %xor3A_1629 : vector<16xi32>
        %shift_left3A_1631 = arith.constant 26 : i32
        %shift_left3A_1632 = vector.broadcast %shift_left3A_1631 : i32 to vector<16xi32>
        %shift_left3A_1633 = arith.shli %xor3A_1629, %shift_left3A_1632 : vector<16xi32>
        %shift_right_logical3A_1634 = arith.constant 6 : i32
        %shift_right_logical3A_1635 = vector.broadcast %shift_right_logical3A_1634 : i32 to vector<16xi32>
        %shift_right_logical3A_1636 = arith.shrui %xor3A_1629, %shift_right_logical3A_1635 : vector<16xi32>
        %or3A_1637 = arith.ori %shift_left3A_1633, %shift_right_logical3A_1636 : vector<16xi32>
        %xor3A_1638 = arith.xori %or3A_1637, %add3A_1630 : vector<16xi32>
        %add3A_1639 = arith.addi %add3A_1630, %xor3A_1638 : vector<16xi32>
        %shift_left3A_1640 = arith.constant 6 : i32
        %shift_left3A_1641 = vector.broadcast %shift_left3A_1640 : i32 to vector<16xi32>
        %shift_left3A_1642 = arith.shli %xor3A_1638, %shift_left3A_1641 : vector<16xi32>
        %shift_right_logical3A_1643 = arith.constant 26 : i32
        %shift_right_logical3A_1644 = vector.broadcast %shift_right_logical3A_1643 : i32 to vector<16xi32>
        %shift_right_logical3A_1645 = arith.shrui %xor3A_1638, %shift_right_logical3A_1644 : vector<16xi32>
        %or3A_1646 = arith.ori %shift_left3A_1642, %shift_right_logical3A_1645 : vector<16xi32>
        %xor3A_1647 = arith.xori %or3A_1646, %add3A_1639 : vector<16xi32>
        %add3A_1648 = arith.constant -1749498911 : i32
        %add3A_1649 = vector.broadcast %add3A_1648 : i32 to vector<16xi32>
        %add3A_1650 = arith.addi %add3A_1639, %add3A_1649 : vector<16xi32>
        %add3A_1651 = arith.constant 161448895 : i32
        %add3A_1652 = vector.broadcast %add3A_1651 : i32 to vector<16xi32>
        %add3A_1653 = arith.addi %xor3A_1647, %add3A_1652 : vector<16xi32>
        %add3A_1654 = arith.addi %add3A_1650, %add3A_1653 : vector<16xi32>
        %shift_left3A_1655 = arith.constant 17 : i32
        %shift_left3A_1656 = vector.broadcast %shift_left3A_1655 : i32 to vector<16xi32>
        %shift_left3A_1657 = arith.shli %add3A_1653, %shift_left3A_1656 : vector<16xi32>
        %shift_right_logical3A_1658 = arith.constant 15 : i32
        %shift_right_logical3A_1659 = vector.broadcast %shift_right_logical3A_1658 : i32 to vector<16xi32>
        %shift_right_logical3A_1660 = arith.shrui %add3A_1653, %shift_right_logical3A_1659 : vector<16xi32>
        %or3A_1661 = arith.ori %shift_left3A_1657, %shift_right_logical3A_1660 : vector<16xi32>
        %xor3A_1662 = arith.xori %or3A_1661, %add3A_1654 : vector<16xi32>
        %add3A_1663 = arith.addi %add3A_1654, %xor3A_1662 : vector<16xi32>
        %shift_left3A_1664 = arith.constant 29 : i32
        %shift_left3A_1665 = vector.broadcast %shift_left3A_1664 : i32 to vector<16xi32>
        %shift_left3A_1666 = arith.shli %xor3A_1662, %shift_left3A_1665 : vector<16xi32>
        %shift_right_logical3A_1667 = arith.constant 3 : i32
        %shift_right_logical3A_1668 = vector.broadcast %shift_right_logical3A_1667 : i32 to vector<16xi32>
        %shift_right_logical3A_1669 = arith.shrui %xor3A_1662, %shift_right_logical3A_1668 : vector<16xi32>
        %or3A_1670 = arith.ori %shift_left3A_1666, %shift_right_logical3A_1669 : vector<16xi32>
        %xor3A_1671 = arith.xori %or3A_1670, %add3A_1663 : vector<16xi32>
        %add3A_1672 = arith.addi %add3A_1663, %xor3A_1671 : vector<16xi32>
        %shift_left3A_1673 = arith.constant 16 : i32
        %shift_left3A_1674 = vector.broadcast %shift_left3A_1673 : i32 to vector<16xi32>
        %shift_left3A_1675 = arith.shli %xor3A_1671, %shift_left3A_1674 : vector<16xi32>
        %shift_right_logical3A_1676 = arith.constant 16 : i32
        %shift_right_logical3A_1677 = vector.broadcast %shift_right_logical3A_1676 : i32 to vector<16xi32>
        %shift_right_logical3A_1678 = arith.shrui %xor3A_1671, %shift_right_logical3A_1677 : vector<16xi32>
        %or3A_1679 = arith.ori %shift_left3A_1675, %shift_right_logical3A_1678 : vector<16xi32>
        %xor3A_1680 = arith.xori %or3A_1679, %add3A_1672 : vector<16xi32>
        %add3A_1681 = arith.addi %add3A_1672, %xor3A_1680 : vector<16xi32>
        %shift_left3A_1682 = arith.constant 24 : i32
        %shift_left3A_1683 = vector.broadcast %shift_left3A_1682 : i32 to vector<16xi32>
        %shift_left3A_1684 = arith.shli %xor3A_1680, %shift_left3A_1683 : vector<16xi32>
        %shift_right_logical3A_1685 = arith.constant 8 : i32
        %shift_right_logical3A_1686 = vector.broadcast %shift_right_logical3A_1685 : i32 to vector<16xi32>
        %shift_right_logical3A_1687 = arith.shrui %xor3A_1680, %shift_right_logical3A_1686 : vector<16xi32>
        %or3A_1688 = arith.ori %shift_left3A_1684, %shift_right_logical3A_1687 : vector<16xi32>
        %xor3A_1689 = arith.xori %or3A_1688, %add3A_1681 : vector<16xi32>
        %add3A_1690 = arith.constant 161448894 : i32
        %add3A_1691 = vector.broadcast %add3A_1690 : i32 to vector<16xi32>
        %add3A_1692 = arith.addi %add3A_1681, %add3A_1691 : vector<16xi32>
        %add3A_1693 = arith.constant -2047452281 : i32
        %add3A_1694 = vector.broadcast %add3A_1693 : i32 to vector<16xi32>
        %add3A_1695 = arith.addi %xor3A_1689, %add3A_1694 : vector<16xi32>
        %add3A_1696 = arith.addi %add3A_1692, %add3A_1695 : vector<16xi32>
        %shift_left3A_1697 = arith.constant 13 : i32
        %shift_left3A_1698 = vector.broadcast %shift_left3A_1697 : i32 to vector<16xi32>
        %shift_left3A_1699 = arith.shli %add3A_1695, %shift_left3A_1698 : vector<16xi32>
        %shift_right_logical3A_1700 = arith.constant 19 : i32
        %shift_right_logical3A_1701 = vector.broadcast %shift_right_logical3A_1700 : i32 to vector<16xi32>
        %shift_right_logical3A_1702 = arith.shrui %add3A_1695, %shift_right_logical3A_1701 : vector<16xi32>
        %or3A_1703 = arith.ori %shift_left3A_1699, %shift_right_logical3A_1702 : vector<16xi32>
        %xor3A_1704 = arith.xori %or3A_1703, %add3A_1696 : vector<16xi32>
        %add3A_1705 = arith.addi %add3A_1696, %xor3A_1704 : vector<16xi32>
        %shift_left3A_1706 = arith.constant 15 : i32
        %shift_left3A_1707 = vector.broadcast %shift_left3A_1706 : i32 to vector<16xi32>
        %shift_left3A_1708 = arith.shli %xor3A_1704, %shift_left3A_1707 : vector<16xi32>
        %shift_right_logical3A_1709 = arith.constant 17 : i32
        %shift_right_logical3A_1710 = vector.broadcast %shift_right_logical3A_1709 : i32 to vector<16xi32>
        %shift_right_logical3A_1711 = arith.shrui %xor3A_1704, %shift_right_logical3A_1710 : vector<16xi32>
        %or3A_1712 = arith.ori %shift_left3A_1708, %shift_right_logical3A_1711 : vector<16xi32>
        %xor3A_1713 = arith.xori %or3A_1712, %add3A_1705 : vector<16xi32>
        %add3A_1714 = arith.addi %add3A_1705, %xor3A_1713 : vector<16xi32>
        %shift_left3A_1715 = arith.constant 26 : i32
        %shift_left3A_1716 = vector.broadcast %shift_left3A_1715 : i32 to vector<16xi32>
        %shift_left3A_1717 = arith.shli %xor3A_1713, %shift_left3A_1716 : vector<16xi32>
        %shift_right_logical3A_1718 = arith.constant 6 : i32
        %shift_right_logical3A_1719 = vector.broadcast %shift_right_logical3A_1718 : i32 to vector<16xi32>
        %shift_right_logical3A_1720 = arith.shrui %xor3A_1713, %shift_right_logical3A_1719 : vector<16xi32>
        %or3A_1721 = arith.ori %shift_left3A_1717, %shift_right_logical3A_1720 : vector<16xi32>
        %xor3A_1722 = arith.xori %or3A_1721, %add3A_1714 : vector<16xi32>
        %add3A_1723 = arith.addi %add3A_1714, %xor3A_1722 : vector<16xi32>
        %shift_left3A_1724 = arith.constant 6 : i32
        %shift_left3A_1725 = vector.broadcast %shift_left3A_1724 : i32 to vector<16xi32>
        %shift_left3A_1726 = arith.shli %xor3A_1722, %shift_left3A_1725 : vector<16xi32>
        %shift_right_logical3A_1727 = arith.constant 26 : i32
        %shift_right_logical3A_1728 = vector.broadcast %shift_right_logical3A_1727 : i32 to vector<16xi32>
        %shift_right_logical3A_1729 = arith.shrui %xor3A_1722, %shift_right_logical3A_1728 : vector<16xi32>
        %or3A_1730 = arith.ori %shift_left3A_1726, %shift_right_logical3A_1729 : vector<16xi32>
        %xor3A_1731 = arith.xori %or3A_1730, %add3A_1723 : vector<16xi32>
        %add3A_1732 = arith.constant -2047452283 : i32
        %add3A_1733 = vector.broadcast %add3A_1732 : i32 to vector<16xi32>
        %add3A_1734 = arith.addi %add3A_1723, %add3A_1733 : vector<16xi32>
        %add3A_1735 = arith.constant -1749498908 : i32
        %add3A_1736 = vector.broadcast %add3A_1735 : i32 to vector<16xi32>
        %add3A_1737 = arith.addi %xor3A_1731, %add3A_1736 : vector<16xi32>
        %add3A_1738 = arith.addi %add3A_1734, %add3A_1737 : vector<16xi32>
        %shift_left3A_1739 = arith.constant 17 : i32
        %shift_left3A_1740 = vector.broadcast %shift_left3A_1739 : i32 to vector<16xi32>
        %shift_left3A_1741 = arith.shli %add3A_1737, %shift_left3A_1740 : vector<16xi32>
        %shift_right_logical3A_1742 = arith.constant 15 : i32
        %shift_right_logical3A_1743 = vector.broadcast %shift_right_logical3A_1742 : i32 to vector<16xi32>
        %shift_right_logical3A_1744 = arith.shrui %add3A_1737, %shift_right_logical3A_1743 : vector<16xi32>
        %or3A_1745 = arith.ori %shift_left3A_1741, %shift_right_logical3A_1744 : vector<16xi32>
        %xor3A_1746 = arith.xori %or3A_1745, %add3A_1738 : vector<16xi32>
        %add3A_1747 = arith.addi %add3A_1738, %xor3A_1746 : vector<16xi32>
        %shift_left3A_1748 = arith.constant 29 : i32
        %shift_left3A_1749 = vector.broadcast %shift_left3A_1748 : i32 to vector<16xi32>
        %shift_left3A_1750 = arith.shli %xor3A_1746, %shift_left3A_1749 : vector<16xi32>
        %shift_right_logical3A_1751 = arith.constant 3 : i32
        %shift_right_logical3A_1752 = vector.broadcast %shift_right_logical3A_1751 : i32 to vector<16xi32>
        %shift_right_logical3A_1753 = arith.shrui %xor3A_1746, %shift_right_logical3A_1752 : vector<16xi32>
        %or3A_1754 = arith.ori %shift_left3A_1750, %shift_right_logical3A_1753 : vector<16xi32>
        %xor3A_1755 = arith.xori %or3A_1754, %add3A_1747 : vector<16xi32>
        %add3A_1756 = arith.addi %add3A_1747, %xor3A_1755 : vector<16xi32>
        %shift_left3A_1757 = arith.constant 16 : i32
        %shift_left3A_1758 = vector.broadcast %shift_left3A_1757 : i32 to vector<16xi32>
        %shift_left3A_1759 = arith.shli %xor3A_1755, %shift_left3A_1758 : vector<16xi32>
        %shift_right_logical3A_1760 = arith.constant 16 : i32
        %shift_right_logical3A_1761 = vector.broadcast %shift_right_logical3A_1760 : i32 to vector<16xi32>
        %shift_right_logical3A_1762 = arith.shrui %xor3A_1755, %shift_right_logical3A_1761 : vector<16xi32>
        %or3A_1763 = arith.ori %shift_left3A_1759, %shift_right_logical3A_1762 : vector<16xi32>
        %xor3A_1764 = arith.xori %or3A_1763, %add3A_1756 : vector<16xi32>
        %add3A_1765 = arith.addi %add3A_1756, %xor3A_1764 : vector<16xi32>
        %shift_left3A_1766 = arith.constant 24 : i32
        %shift_left3A_1767 = vector.broadcast %shift_left3A_1766 : i32 to vector<16xi32>
        %shift_left3A_1768 = arith.shli %xor3A_1764, %shift_left3A_1767 : vector<16xi32>
        %shift_right_logical3A_1769 = arith.constant 8 : i32
        %shift_right_logical3A_1770 = vector.broadcast %shift_right_logical3A_1769 : i32 to vector<16xi32>
        %shift_right_logical3A_1771 = arith.shrui %xor3A_1764, %shift_right_logical3A_1770 : vector<16xi32>
        %or3A_1772 = arith.ori %shift_left3A_1768, %shift_right_logical3A_1771 : vector<16xi32>
        %xor3A_1773 = arith.xori %or3A_1772, %add3A_1765 : vector<16xi32>
        %add3A_1774 = arith.constant -1749498911 : i32
        %add3A_1775 = vector.broadcast %add3A_1774 : i32 to vector<16xi32>
        %add3A_1776 = arith.addi %add3A_1765, %add3A_1775 : vector<16xi32>
        %add3A_1777 = arith.constant 161448898 : i32
        %add3A_1778 = vector.broadcast %add3A_1777 : i32 to vector<16xi32>
        %add3A_1779 = arith.addi %xor3A_1773, %add3A_1778 : vector<16xi32>
        %add3A_1780 = arith.addi %add3A_1776, %add3A_1779 : vector<16xi32>
        %shift_left3A_1781 = arith.constant 13 : i32
        %shift_left3A_1782 = vector.broadcast %shift_left3A_1781 : i32 to vector<16xi32>
        %shift_left3A_1783 = arith.shli %add3A_1779, %shift_left3A_1782 : vector<16xi32>
        %shift_right_logical3A_1784 = arith.constant 19 : i32
        %shift_right_logical3A_1785 = vector.broadcast %shift_right_logical3A_1784 : i32 to vector<16xi32>
        %shift_right_logical3A_1786 = arith.shrui %add3A_1779, %shift_right_logical3A_1785 : vector<16xi32>
        %or3A_1787 = arith.ori %shift_left3A_1783, %shift_right_logical3A_1786 : vector<16xi32>
        %xor3A_1788 = arith.xori %or3A_1787, %add3A_1780 : vector<16xi32>
        %add3A_1789 = arith.addi %add3A_1780, %xor3A_1788 : vector<16xi32>
        %shift_left3A_1790 = arith.constant 15 : i32
        %shift_left3A_1791 = vector.broadcast %shift_left3A_1790 : i32 to vector<16xi32>
        %shift_left3A_1792 = arith.shli %xor3A_1788, %shift_left3A_1791 : vector<16xi32>
        %shift_right_logical3A_1793 = arith.constant 17 : i32
        %shift_right_logical3A_1794 = vector.broadcast %shift_right_logical3A_1793 : i32 to vector<16xi32>
        %shift_right_logical3A_1795 = arith.shrui %xor3A_1788, %shift_right_logical3A_1794 : vector<16xi32>
        %or3A_1796 = arith.ori %shift_left3A_1792, %shift_right_logical3A_1795 : vector<16xi32>
        %xor3A_1797 = arith.xori %or3A_1796, %add3A_1789 : vector<16xi32>
        %add3A_1798 = arith.addi %add3A_1789, %xor3A_1797 : vector<16xi32>
        %shift_left3A_1799 = arith.constant 26 : i32
        %shift_left3A_1800 = vector.broadcast %shift_left3A_1799 : i32 to vector<16xi32>
        %shift_left3A_1801 = arith.shli %xor3A_1797, %shift_left3A_1800 : vector<16xi32>
        %shift_right_logical3A_1802 = arith.constant 6 : i32
        %shift_right_logical3A_1803 = vector.broadcast %shift_right_logical3A_1802 : i32 to vector<16xi32>
        %shift_right_logical3A_1804 = arith.shrui %xor3A_1797, %shift_right_logical3A_1803 : vector<16xi32>
        %or3A_1805 = arith.ori %shift_left3A_1801, %shift_right_logical3A_1804 : vector<16xi32>
        %xor3A_1806 = arith.xori %or3A_1805, %add3A_1798 : vector<16xi32>
        %add3A_1807 = arith.addi %add3A_1798, %xor3A_1806 : vector<16xi32>
        %shift_left3A_1808 = arith.constant 6 : i32
        %shift_left3A_1809 = vector.broadcast %shift_left3A_1808 : i32 to vector<16xi32>
        %shift_left3A_1810 = arith.shli %xor3A_1806, %shift_left3A_1809 : vector<16xi32>
        %shift_right_logical3A_1811 = arith.constant 26 : i32
        %shift_right_logical3A_1812 = vector.broadcast %shift_right_logical3A_1811 : i32 to vector<16xi32>
        %shift_right_logical3A_1813 = arith.shrui %xor3A_1806, %shift_right_logical3A_1812 : vector<16xi32>
        %or3A_1814 = arith.ori %shift_left3A_1810, %shift_right_logical3A_1813 : vector<16xi32>
        %xor3A_1815 = arith.xori %or3A_1814, %add3A_1807 : vector<16xi32>
        %add3A_1816 = arith.constant 161448894 : i32
        %add3A_1817 = vector.broadcast %add3A_1816 : i32 to vector<16xi32>
        %add3A_1818 = arith.addi %add3A_1807, %add3A_1817 : vector<16xi32>
        %add3A_1819 = arith.constant -2047452278 : i32
        %add3A_1820 = vector.broadcast %add3A_1819 : i32 to vector<16xi32>
        %add3A_1821 = arith.addi %xor3A_1815, %add3A_1820 : vector<16xi32>
        %xor3A_1822 = arith.xori %add3A_1818, %add3A_1821 : vector<16xi32>
        %mul3A_1823 = arith.constant 16 : i32
        %mul3A_1824 = arith.muli %scan3A_1605, %mul3A_1823 : i32
        %swap3A_1825 = arith.index_cast %mul3A_1824 : i32 to index
        %swap3A_1826 = tpu.vector_load %arg3[%swap3A_1825] {strides = array<i32>} : memref<100352xi32, #tpu.memory_space<vmem>>, vector<16xi32>,
        %swap3A_1827 = vector.shape_cast %swap3A_1826 : vector<16xi32> to vector<16xi32>
        %swap3A_1828 = vector.shape_cast %xor3A_1822 : vector<16xi32> to vector<16xi32>
        tpu.vector_store %arg3[%swap3A_1825], %swap3A_1828 {strides = array<i32>} : memref<100352xi32, #tpu.memory_space<vmem>>, vector<16xi32>,
        %scan3A_1829 = arith.constant 0 : i32
        scf.yield %scan3A_1829 : i32
      }
      %scan3A_26 = arith.constant 6272 : i32
      "tpu.region"() ({
        %run_scoped3A = tpu.sem_alloc : memref<!tpu.dma_semaphore, #tpu.memory_space<semaphore_mem>>
        %dma_start3A = arith.constant 0 : i32
        %dma_start3A_28 = tpu.memref_slice %arg2[%add3A_11, %dma_start3A] : memref<1184x100352xi32, #tpu.memory_space<hbm>> -> memref<1x100352xi32, #tpu.memory_space<hbm>>
        %dma_start3A_29 = tpu.memref_squeeze %dma_start3A_28 : memref<1x100352xi32, #tpu.memory_space<hbm>> -> memref<100352xi32, #tpu.memory_space<hbm>>
        %dma_start3A_30 = arith.constant 0 : i32
        %dma_start3A_31 = tpu.memref_slice %arg2[%add3A_11, %dma_start3A_30] : memref<1184x100352xi32, #tpu.memory_space<hbm>> -> memref<1x100352xi32, #tpu.memory_space<hbm>>
        %dma_start3A_32 = tpu.memref_squeeze %dma_start3A_31 : memref<1x100352xi32, #tpu.memory_space<hbm>> -> memref<100352xi32, #tpu.memory_space<hbm>>
        tpu.enqueue_dma source(%arg3 : memref<100352xi32, #tpu.memory_space<vmem>>) target(%dma_start3A_32 : memref<100352xi32, #tpu.memory_space<hbm>>) target_semaphore(%run_scoped3A : memref<!tpu.dma_semaphore, #tpu.memory_space<semaphore_mem>>)
        %dma_wait3A = arith.constant 0 : i32
        %dma_wait3A_33 = tpu.memref_slice %arg2[%add3A_11, %dma_wait3A] : memref<1184x100352xi32, #tpu.memory_space<hbm>> -> memref<1x100352xi32, #tpu.memory_space<hbm>>
        %dma_wait3A_34 = tpu.memref_squeeze %dma_wait3A_33 : memref<1x100352xi32, #tpu.memory_space<hbm>> -> memref<100352xi32, #tpu.memory_space<hbm>>
        %dma_wait3A_35 = arith.constant 0 : i32
        %dma_wait3A_36 = tpu.memref_slice %arg2[%add3A_11, %dma_wait3A_35] : memref<1184x100352xi32, #tpu.memory_space<hbm>> -> memref<1x100352xi32, #tpu.memory_space<hbm>>
        %dma_wait3A_37 = tpu.memref_squeeze %dma_wait3A_36 : memref<1x100352xi32, #tpu.memory_space<hbm>> -> memref<100352xi32, #tpu.memory_space<hbm>>
        tpu.wait_dma2 semaphore(%run_scoped3A : memref<!tpu.dma_semaphore, #tpu.memory_space<semaphore_mem>>) src(%arg3 : memref<100352xi32, #tpu.memory_space<vmem>>) dst(%dma_wait3A_37 : memref<100352xi32, #tpu.memory_space<hbm>>)
        tpu.yield
      }) : () -> ()
      %scan3A_27 = arith.constant 0 : i32
      scf.yield %scan3A_27 : i32
    }
    %scan3A_6 = arith.constant 37 : i32
    return
  }
}

#map = affine_map<(d0, d1) -> (0, 0)>
#map1 = affine_map<(d0, d1) -> (0)>
module attributes {stable_mosaic.version = 14 : i64} {
  func.func @_gather_body(%arg0: i32, %arg1: i32, %arg2: memref<100000x128xf32, #tpu.memory_space<hbm>>, %arg3: memref<100000xf32, #tpu.memory_space<hbm>>, %arg4: memref<16xf32, #tpu.memory_space<hbm>>, %arg5: memref<4096xi32, #tpu.memory_space<hbm>>, %arg6: memref<4096x128xf32, #tpu.memory_space<hbm>>, %arg7: memref<4096xf32, #tpu.memory_space<hbm>>, %arg8: memref<128xi32, #tpu.memory_space<vmem>>, %arg9: memref<128x128xf32, #tpu.memory_space<vmem>>, %arg10: memref<128xf32, #tpu.memory_space<vmem>>, %arg11: memref<128xf32, #tpu.memory_space<vmem>>, %arg12: memref<16xf32, #tpu.memory_space<vmem>>, %arg13: memref<!tpu.dma_semaphore, #tpu.memory_space<semaphore_mem>>, %arg14: memref<!tpu.dma_semaphore, #tpu.memory_space<semaphore_mem>>) attributes {dimension_semantics = [#tpu.dimension_semantics<core_parallel>, #tpu.dimension_semantics<subcore_parallel>], iteration_bounds = array<i64: 2, 16>, scalar_prefetch = 0 : i64, scratch_operands = 7 : i64, tpu.core_type = #tpu.core_type<sc_vector_subcore>, window_params = [{transform_indices = #map}, {transform_indices = #map1}, {transform_indices = #map1}, {transform_indices = #map1}, {transform_indices = #map}, {transform_indices = #map1}]} {
    %mul3A = arith.constant 2 : i32
    %mul3A_0 = arith.muli %arg1, %mul3A : i32
    %add3A = arith.addi %mul3A_0, %arg0 : i32
    %mul3A_1 = arith.constant 128 : i32
    %mul3A_2 = arith.muli %add3A, %mul3A_1 : i32
    "tpu.region"() ({
      %run_scoped3A = tpu.sem_alloc : memref<!tpu.dma_semaphore, #tpu.memory_space<semaphore_mem>>
      %dma_start3A_75 = tpu.memref_slice %arg5[%mul3A_2] : memref<4096xi32, #tpu.memory_space<hbm>> -> memref<128xi32, #tpu.memory_space<hbm>>
      %dma_start3A_76 = tpu.memref_slice %arg5[%mul3A_2] : memref<4096xi32, #tpu.memory_space<hbm>> -> memref<128xi32, #tpu.memory_space<hbm>>
      tpu.enqueue_dma source(%dma_start3A_76 : memref<128xi32, #tpu.memory_space<hbm>>) target(%arg8 : memref<128xi32, #tpu.memory_space<vmem>>) target_semaphore(%run_scoped3A : memref<!tpu.dma_semaphore, #tpu.memory_space<semaphore_mem>>)
      %dma_wait3A_77 = tpu.memref_slice %arg5[%mul3A_2] : memref<4096xi32, #tpu.memory_space<hbm>> -> memref<128xi32, #tpu.memory_space<hbm>>
      %dma_wait3A_78 = tpu.memref_slice %arg5[%mul3A_2] : memref<4096xi32, #tpu.memory_space<hbm>> -> memref<128xi32, #tpu.memory_space<hbm>>
      tpu.wait_dma2 semaphore(%run_scoped3A : memref<!tpu.dma_semaphore, #tpu.memory_space<semaphore_mem>>) src(%dma_wait3A_78 : memref<128xi32, #tpu.memory_space<hbm>>) dst(%arg8 : memref<128xi32, #tpu.memory_space<vmem>>)
      tpu.yield
    }) : () -> ()
    %dma_start3A = arith.constant 0 : i32
    %dma_start3A_3 = arith.constant 0 : i32
    %dma_start3A_4 = tpu.memref_slice %arg2[%dma_start3A, %dma_start3A_3] : memref<100000x128xf32, #tpu.memory_space<hbm>> -> memref<100000x128xf32, #tpu.memory_space<hbm>>
    tpu.enqueue_indirect_dma source(%dma_start3A_4 : memref<100000x128xf32, #tpu.memory_space<hbm>>) target(%arg9 : memref<128x128xf32, #tpu.memory_space<vmem>>) offsets(%arg8 : memref<128xi32, #tpu.memory_space<vmem>>) semaphore(%arg13 : memref<!tpu.dma_semaphore, #tpu.memory_space<semaphore_mem>>)
    %dma_start3A_5 = arith.constant 0 : i32
    %dma_start3A_6 = tpu.memref_slice %arg3[%dma_start3A_5] : memref<100000xf32, #tpu.memory_space<hbm>> -> memref<100000xf32, #tpu.memory_space<hbm>>
    tpu.enqueue_indirect_dma source(%dma_start3A_6 : memref<100000xf32, #tpu.memory_space<hbm>>) target(%arg10 : memref<128xf32, #tpu.memory_space<vmem>>) offsets(%arg8 : memref<128xi32, #tpu.memory_space<vmem>>) semaphore(%arg14 : memref<!tpu.dma_semaphore, #tpu.memory_space<semaphore_mem>>)
    "tpu.region"() ({
      %run_scoped3A = tpu.sem_alloc : memref<!tpu.dma_semaphore, #tpu.memory_space<semaphore_mem>>
      tpu.enqueue_dma source(%arg4 : memref<16xf32, #tpu.memory_space<hbm>>) target(%arg12 : memref<16xf32, #tpu.memory_space<vmem>>) target_semaphore(%run_scoped3A : memref<!tpu.dma_semaphore, #tpu.memory_space<semaphore_mem>>)
      tpu.wait_dma2 semaphore(%run_scoped3A : memref<!tpu.dma_semaphore, #tpu.memory_space<semaphore_mem>>) src(%arg4 : memref<16xf32, #tpu.memory_space<hbm>>) dst(%arg12 : memref<16xf32, #tpu.memory_space<vmem>>)
      tpu.yield
    }) : () -> ()
    %dma_wait3A = arith.constant 0 : i32
    %dma_wait3A_7 = tpu.memref_slice %arg3[%dma_wait3A] : memref<100000xf32, #tpu.memory_space<hbm>> -> memref<100000xf32, #tpu.memory_space<hbm>>
    tpu.wait_indirect_dma semaphore(%arg14 : memref<!tpu.dma_semaphore, #tpu.memory_space<semaphore_mem>>) src(%dma_wait3A_7 : memref<100000xf32, #tpu.memory_space<hbm>>) dst(%arg10 : memref<128xf32, #tpu.memory_space<vmem>>)
    %get3A = arith.constant 0 : index
    %get3A_8 = tpu.vector_load %arg12[%get3A] {strides = array<i32>} : memref<16xf32, #tpu.memory_space<vmem>>, vector<16xf32>,
    %get3A_9 = vector.shape_cast %get3A_8 : vector<16xf32> to vector<16xf32>
    %get3A_10 = arith.constant 0 : index
    %get3A_11 = tpu.vector_load %arg10[%get3A_10] {strides = array<i32>} : memref<128xf32, #tpu.memory_space<vmem>>, vector<16xf32>,
    %get3A_12 = vector.shape_cast %get3A_11 : vector<16xf32> to vector<16xf32>
    %sub3A = arith.subf %get3A_12, %get3A_9 : vector<16xf32>
    %swap3A = arith.constant 0 : index
    %swap3A_13 = tpu.vector_load %arg11[%swap3A] {strides = array<i32>} : memref<128xf32, #tpu.memory_space<vmem>>, vector<16xf32>,
    %swap3A_14 = vector.shape_cast %swap3A_13 : vector<16xf32> to vector<16xf32>
    %swap3A_15 = vector.shape_cast %sub3A : vector<16xf32> to vector<16xf32>
    tpu.vector_store %arg11[%swap3A], %swap3A_15 {strides = array<i32>} : memref<128xf32, #tpu.memory_space<vmem>>, vector<16xf32>,
    %get3A_16 = arith.constant 16 : index
    %get3A_17 = tpu.vector_load %arg10[%get3A_16] {strides = array<i32>} : memref<128xf32, #tpu.memory_space<vmem>>, vector<16xf32>,
    %get3A_18 = vector.shape_cast %get3A_17 : vector<16xf32> to vector<16xf32>
    %sub3A_19 = arith.subf %get3A_18, %get3A_9 : vector<16xf32>
    %swap3A_20 = arith.constant 16 : index
    %swap3A_21 = tpu.vector_load %arg11[%swap3A_20] {strides = array<i32>} : memref<128xf32, #tpu.memory_space<vmem>>, vector<16xf32>,
    %swap3A_22 = vector.shape_cast %swap3A_21 : vector<16xf32> to vector<16xf32>
    %swap3A_23 = vector.shape_cast %sub3A_19 : vector<16xf32> to vector<16xf32>
    tpu.vector_store %arg11[%swap3A_20], %swap3A_23 {strides = array<i32>} : memref<128xf32, #tpu.memory_space<vmem>>, vector<16xf32>,
    %get3A_24 = arith.constant 32 : index
    %get3A_25 = tpu.vector_load %arg10[%get3A_24] {strides = array<i32>} : memref<128xf32, #tpu.memory_space<vmem>>, vector<16xf32>,
    %get3A_26 = vector.shape_cast %get3A_25 : vector<16xf32> to vector<16xf32>
    %sub3A_27 = arith.subf %get3A_26, %get3A_9 : vector<16xf32>
    %swap3A_28 = arith.constant 32 : index
    %swap3A_29 = tpu.vector_load %arg11[%swap3A_28] {strides = array<i32>} : memref<128xf32, #tpu.memory_space<vmem>>, vector<16xf32>,
    %swap3A_30 = vector.shape_cast %swap3A_29 : vector<16xf32> to vector<16xf32>
    %swap3A_31 = vector.shape_cast %sub3A_27 : vector<16xf32> to vector<16xf32>
    tpu.vector_store %arg11[%swap3A_28], %swap3A_31 {strides = array<i32>} : memref<128xf32, #tpu.memory_space<vmem>>, vector<16xf32>,
    %get3A_32 = arith.constant 48 : index
    %get3A_33 = tpu.vector_load %arg10[%get3A_32] {strides = array<i32>} : memref<128xf32, #tpu.memory_space<vmem>>, vector<16xf32>,
    %get3A_34 = vector.shape_cast %get3A_33 : vector<16xf32> to vector<16xf32>
    %sub3A_35 = arith.subf %get3A_34, %get3A_9 : vector<16xf32>
    %swap3A_36 = arith.constant 48 : index
    %swap3A_37 = tpu.vector_load %arg11[%swap3A_36] {strides = array<i32>} : memref<128xf32, #tpu.memory_space<vmem>>, vector<16xf32>,
    %swap3A_38 = vector.shape_cast %swap3A_37 : vector<16xf32> to vector<16xf32>
    %swap3A_39 = vector.shape_cast %sub3A_35 : vector<16xf32> to vector<16xf32>
    tpu.vector_store %arg11[%swap3A_36], %swap3A_39 {strides = array<i32>} : memref<128xf32, #tpu.memory_space<vmem>>, vector<16xf32>,
    %get3A_40 = arith.constant 64 : index
    %get3A_41 = tpu.vector_load %arg10[%get3A_40] {strides = array<i32>} : memref<128xf32, #tpu.memory_space<vmem>>, vector<16xf32>,
    %get3A_42 = vector.shape_cast %get3A_41 : vector<16xf32> to vector<16xf32>
    %sub3A_43 = arith.subf %get3A_42, %get3A_9 : vector<16xf32>
    %swap3A_44 = arith.constant 64 : index
    %swap3A_45 = tpu.vector_load %arg11[%swap3A_44] {strides = array<i32>} : memref<128xf32, #tpu.memory_space<vmem>>, vector<16xf32>,
    %swap3A_46 = vector.shape_cast %swap3A_45 : vector<16xf32> to vector<16xf32>
    %swap3A_47 = vector.shape_cast %sub3A_43 : vector<16xf32> to vector<16xf32>
    tpu.vector_store %arg11[%swap3A_44], %swap3A_47 {strides = array<i32>} : memref<128xf32, #tpu.memory_space<vmem>>, vector<16xf32>,
    %get3A_48 = arith.constant 80 : index
    %get3A_49 = tpu.vector_load %arg10[%get3A_48] {strides = array<i32>} : memref<128xf32, #tpu.memory_space<vmem>>, vector<16xf32>,
    %get3A_50 = vector.shape_cast %get3A_49 : vector<16xf32> to vector<16xf32>
    %sub3A_51 = arith.subf %get3A_50, %get3A_9 : vector<16xf32>
    %swap3A_52 = arith.constant 80 : index
    %swap3A_53 = tpu.vector_load %arg11[%swap3A_52] {strides = array<i32>} : memref<128xf32, #tpu.memory_space<vmem>>, vector<16xf32>,
    %swap3A_54 = vector.shape_cast %swap3A_53 : vector<16xf32> to vector<16xf32>
    %swap3A_55 = vector.shape_cast %sub3A_51 : vector<16xf32> to vector<16xf32>
    tpu.vector_store %arg11[%swap3A_52], %swap3A_55 {strides = array<i32>} : memref<128xf32, #tpu.memory_space<vmem>>, vector<16xf32>,
    %get3A_56 = arith.constant 96 : index
    %get3A_57 = tpu.vector_load %arg10[%get3A_56] {strides = array<i32>} : memref<128xf32, #tpu.memory_space<vmem>>, vector<16xf32>,
    %get3A_58 = vector.shape_cast %get3A_57 : vector<16xf32> to vector<16xf32>
    %sub3A_59 = arith.subf %get3A_58, %get3A_9 : vector<16xf32>
    %swap3A_60 = arith.constant 96 : index
    %swap3A_61 = tpu.vector_load %arg11[%swap3A_60] {strides = array<i32>} : memref<128xf32, #tpu.memory_space<vmem>>, vector<16xf32>,
    %swap3A_62 = vector.shape_cast %swap3A_61 : vector<16xf32> to vector<16xf32>
    %swap3A_63 = vector.shape_cast %sub3A_59 : vector<16xf32> to vector<16xf32>
    tpu.vector_store %arg11[%swap3A_60], %swap3A_63 {strides = array<i32>} : memref<128xf32, #tpu.memory_space<vmem>>, vector<16xf32>,
    %get3A_64 = arith.constant 112 : index
    %get3A_65 = tpu.vector_load %arg10[%get3A_64] {strides = array<i32>} : memref<128xf32, #tpu.memory_space<vmem>>, vector<16xf32>,
    %get3A_66 = vector.shape_cast %get3A_65 : vector<16xf32> to vector<16xf32>
    %sub3A_67 = arith.subf %get3A_66, %get3A_9 : vector<16xf32>
    %swap3A_68 = arith.constant 112 : index
    %swap3A_69 = tpu.vector_load %arg11[%swap3A_68] {strides = array<i32>} : memref<128xf32, #tpu.memory_space<vmem>>, vector<16xf32>,
    %swap3A_70 = vector.shape_cast %swap3A_69 : vector<16xf32> to vector<16xf32>
    %swap3A_71 = vector.shape_cast %sub3A_67 : vector<16xf32> to vector<16xf32>
    tpu.vector_store %arg11[%swap3A_68], %swap3A_71 {strides = array<i32>} : memref<128xf32, #tpu.memory_space<vmem>>, vector<16xf32>,
    %dma_wait3A_72 = arith.constant 0 : i32
    %dma_wait3A_73 = arith.constant 0 : i32
    %dma_wait3A_74 = tpu.memref_slice %arg2[%dma_wait3A_72, %dma_wait3A_73] : memref<100000x128xf32, #tpu.memory_space<hbm>> -> memref<100000x128xf32, #tpu.memory_space<hbm>>
    tpu.wait_indirect_dma semaphore(%arg13 : memref<!tpu.dma_semaphore, #tpu.memory_space<semaphore_mem>>) src(%dma_wait3A_74 : memref<100000x128xf32, #tpu.memory_space<hbm>>) dst(%arg9 : memref<128x128xf32, #tpu.memory_space<vmem>>)
    "tpu.region"() ({
      %run_scoped3A = tpu.sem_alloc : memref<!tpu.dma_semaphore, #tpu.memory_space<semaphore_mem>>
      %dma_start3A_75 = arith.constant 0 : i32
      %dma_start3A_76 = tpu.memref_slice %arg6[%mul3A_2, %dma_start3A_75] : memref<4096x128xf32, #tpu.memory_space<hbm>> -> memref<128x128xf32, #tpu.memory_space<hbm>>
      %dma_start3A_77 = arith.constant 0 : i32
      %dma_start3A_78 = tpu.memref_slice %arg6[%mul3A_2, %dma_start3A_77] : memref<4096x128xf32, #tpu.memory_space<hbm>> -> memref<128x128xf32, #tpu.memory_space<hbm>>
      tpu.enqueue_dma source(%arg9 : memref<128x128xf32, #tpu.memory_space<vmem>>) target(%dma_start3A_78 : memref<128x128xf32, #tpu.memory_space<hbm>>) target_semaphore(%run_scoped3A : memref<!tpu.dma_semaphore, #tpu.memory_space<semaphore_mem>>)
      %dma_wait3A_79 = arith.constant 0 : i32
      %dma_wait3A_80 = tpu.memref_slice %arg6[%mul3A_2, %dma_wait3A_79] : memref<4096x128xf32, #tpu.memory_space<hbm>> -> memref<128x128xf32, #tpu.memory_space<hbm>>
      %dma_wait3A_81 = arith.constant 0 : i32
      %dma_wait3A_82 = tpu.memref_slice %arg6[%mul3A_2, %dma_wait3A_81] : memref<4096x128xf32, #tpu.memory_space<hbm>> -> memref<128x128xf32, #tpu.memory_space<hbm>>
      tpu.wait_dma2 semaphore(%run_scoped3A : memref<!tpu.dma_semaphore, #tpu.memory_space<semaphore_mem>>) src(%arg9 : memref<128x128xf32, #tpu.memory_space<vmem>>) dst(%dma_wait3A_82 : memref<128x128xf32, #tpu.memory_space<hbm>>)
      tpu.yield
    }) : () -> ()
    "tpu.region"() ({
      %run_scoped3A = tpu.sem_alloc : memref<!tpu.dma_semaphore, #tpu.memory_space<semaphore_mem>>
      %dma_start3A_75 = tpu.memref_slice %arg7[%mul3A_2] : memref<4096xf32, #tpu.memory_space<hbm>> -> memref<128xf32, #tpu.memory_space<hbm>>
      %dma_start3A_76 = tpu.memref_slice %arg7[%mul3A_2] : memref<4096xf32, #tpu.memory_space<hbm>> -> memref<128xf32, #tpu.memory_space<hbm>>
      tpu.enqueue_dma source(%arg11 : memref<128xf32, #tpu.memory_space<vmem>>) target(%dma_start3A_76 : memref<128xf32, #tpu.memory_space<hbm>>) target_semaphore(%run_scoped3A : memref<!tpu.dma_semaphore, #tpu.memory_space<semaphore_mem>>)
      %dma_wait3A_77 = tpu.memref_slice %arg7[%mul3A_2] : memref<4096xf32, #tpu.memory_space<hbm>> -> memref<128xf32, #tpu.memory_space<hbm>>
      %dma_wait3A_78 = tpu.memref_slice %arg7[%mul3A_2] : memref<4096xf32, #tpu.memory_space<hbm>> -> memref<128xf32, #tpu.memory_space<hbm>>
      tpu.wait_dma2 semaphore(%run_scoped3A : memref<!tpu.dma_semaphore, #tpu.memory_space<semaphore_mem>>) src(%arg11 : memref<128xf32, #tpu.memory_space<vmem>>) dst(%dma_wait3A_78 : memref<128xf32, #tpu.memory_space<hbm>>)
      tpu.yield
    }) : () -> ()
    return
  }
}

module attributes {stable_mosaic.version = 14 : i64} {
  func.func @_lse_body(%arg0: memref<1x100352xf32, #tpu.memory_space<vmem>>, %arg1: memref<1x16xf32, #tpu.memory_space<vmem>>) attributes {dimension_semantics = [], scalar_prefetch = 0 : i64, scratch_operands = 0 : i64, tpu.core_type = #tpu.core_type<tc>} {
    %get3A = arith.constant 0 : index
    %get3A_0 = arith.constant 0 : index
    %get3A_1 = vector.load %arg0[%get3A, %get3A_0] : memref<1x100352xf32, #tpu.memory_space<vmem>>, vector<1x100352xf32>
    %reduce_max3A = vector.shape_cast %get3A_1 : vector<1x100352xf32> to vector<1x1x100352xf32>
    %reduce_max3A_2 = arith.constant dense<0xFF800000> : vector<1xf32>
    %reduce_max3A_3 = vector.multi_reduction <maximumf>, %reduce_max3A, %reduce_max3A_2 [1, 2] : vector<1x1x100352xf32> to vector<1xf32>
    %reduce_max3A_4 = vector.shape_cast %reduce_max3A_3 : vector<1xf32> to vector<1x1x1xf32>
    %reduce_max3A_5 = vector.extract %reduce_max3A_4[0, 0, 0] : f32 from vector<1x1x1xf32>
    %sub3A = vector.broadcast %reduce_max3A_5 : f32 to vector<1x100352xf32>
    %sub3A_6 = arith.subf %get3A_1, %sub3A : vector<1x100352xf32>
    %exp3A = math.exp %sub3A_6 : vector<1x100352xf32>
    %reduce_sum3A = vector.shape_cast %exp3A : vector<1x100352xf32> to vector<1x1x100352xf32>
    %reduce_sum3A_7 = arith.constant dense<0.000000e+00> : vector<1xf32>
    %reduce_sum3A_8 = vector.multi_reduction <add>, %reduce_sum3A, %reduce_sum3A_7 [1, 2] : vector<1x1x100352xf32> to vector<1xf32>
    %reduce_sum3A_9 = vector.shape_cast %reduce_sum3A_8 : vector<1xf32> to vector<1x1x1xf32>
    %reduce_sum3A_10 = vector.extract %reduce_sum3A_9[0, 0, 0] : f32 from vector<1x1x1xf32>
    %log3A = math.log %reduce_sum3A_10 : f32
    %add3A = arith.addf %reduce_max3A_5, %log3A : f32
    %broadcast_in_dim3A = vector.broadcast %add3A : f32 to vector<1x16xf32>
    %swap3A = arith.constant 0 : index
    %swap3A_11 = arith.constant 0 : index
    %swap3A_12 = vector.load %arg1[%swap3A, %swap3A_11] : memref<1x16xf32, #tpu.memory_space<vmem>>, vector<1x16xf32>
    tpu.vector_store %arg1[%swap3A, %swap3A_11], %broadcast_in_dim3A {strides = array<i32>} : memref<1x16xf32, #tpu.memory_space<vmem>>, vector<1x16xf32>,
    return
  }
}

module attributes {stable_mosaic.version = 14 : i64} {
  func.func @_sampler_body(%arg0: i32, %arg1: memref<1x100352xf32, #tpu.memory_space<vmem>>, %arg2: memref<1x8x1xi32, #tpu.memory_space<vmem>>) attributes {dimension_semantics = [#tpu.dimension_semantics<parallel>], iteration_bounds = array<i64: 364>, scalar_prefetch = 0 : i64, scratch_operands = 0 : i64, tpu.core_type = #tpu.core_type<tc>, window_params = [{pipeline_mode = #tpu.pipeline_mode<synchronous>, transform_indices = @transform_0, window_bounds = array<i64: 1, 100352>}, {transform_indices = @transform_1, window_bounds = array<i64: 1, 8, 1>}]} {
    %iota3A = tpu.iota {dimensions = array<i32: 0>} : vector<8x2048xi32>
    %iota3A_0 = tpu.iota {dimensions = array<i32: 1>} : vector<8x2048xi32>
    %mul3A = arith.constant 8 : i32
    %mul3A_1 = arith.muli %arg0, %mul3A : i32
    %add3A = vector.broadcast %mul3A_1 : i32 to vector<8x2048xi32>
    %add3A_2 = arith.addi %add3A, %iota3A : vector<8x2048xi32>
    %mul3A_3 = arith.constant 100000 : i32
    %mul3A_4 = vector.broadcast %mul3A_3 : i32 to vector<8x2048xi32>
    %mul3A_5 = arith.muli %add3A_2, %mul3A_4 : vector<8x2048xi32>
    %add3A_6 = arith.addi %mul3A_5, %iota3A_0 : vector<8x2048xi32>
    %add3A_7 = arith.constant -1749498911 : i32
    %add3A_8 = vector.broadcast %add3A_7 : i32 to vector<8x2048xi32>
    %add3A_9 = arith.addi %add3A_6, %add3A_8 : vector<8x2048xi32>
    %broadcast_in_dim3A = arith.constant 0xFF800000 : f32
    %broadcast_in_dim3A_10 = vector.broadcast %broadcast_in_dim3A : f32 to vector<8x2048xf32>
    %broadcast_in_dim3A_11 = arith.constant 0 : i32
    %broadcast_in_dim3A_12 = vector.broadcast %broadcast_in_dim3A_11 : i32 to vector<8x2048xi32>
    %scan3A = arith.constant 0 : i32
    %scan3A_13 = arith.constant 49 : i32
    %scan3A_14 = arith.addi %scan3A, %scan3A_13 : i32
    %scan3A_15 = arith.constant 7 : i32
    %scan3A_16:2 = scf.for %scan3A_34 = %scan3A to %scan3A_14 step %scan3A_15 iter_args(%scan3A_35 = %broadcast_in_dim3A_10, %scan3A_36 = %broadcast_in_dim3A_12) -> (vector<8x2048xf32>, vector<8x2048xi32>)  : i32 {
      %mul3A_37 = arith.constant 2048 : i32
      %mul3A_38 = arith.muli %scan3A_34, %mul3A_37 : i32
      %add3A_39 = vector.broadcast %mul3A_38 : i32 to vector<8x2048xi32>
      %add3A_40 = arith.addi %add3A_9, %add3A_39 : vector<8x2048xi32>
      %broadcast_in_dim3A_41 = arith.constant -2047452283 : i32
      %broadcast_in_dim3A_42 = vector.broadcast %broadcast_in_dim3A_41 : i32 to vector<8x2048xi32>
      %add3A_43 = arith.addi %broadcast_in_dim3A_42, %add3A_40 : vector<8x2048xi32>
      %shift_left3A = arith.constant 13 : i32
      %shift_left3A_44 = vector.broadcast %shift_left3A : i32 to vector<8x2048xi32>
      %shift_left3A_45 = arith.shli %add3A_40, %shift_left3A_44 : vector<8x2048xi32>
      %shift_right_logical3A = arith.constant 19 : i32
      %shift_right_logical3A_46 = vector.broadcast %shift_right_logical3A : i32 to vector<8x2048xi32>
      %shift_right_logical3A_47 = arith.shrui %add3A_40, %shift_right_logical3A_46 : vector<8x2048xi32>
      %or3A = arith.ori %shift_left3A_45, %shift_right_logical3A_47 : vector<8x2048xi32>
      %xor3A = arith.xori %or3A, %add3A_43 : vector<8x2048xi32>
      %add3A_48 = arith.addi %add3A_43, %xor3A : vector<8x2048xi32>
      %shift_left3A_49 = arith.constant 15 : i32
      %shift_left3A_50 = vector.broadcast %shift_left3A_49 : i32 to vector<8x2048xi32>
      %shift_left3A_51 = arith.shli %xor3A, %shift_left3A_50 : vector<8x2048xi32>
      %shift_right_logical3A_52 = arith.constant 17 : i32
      %shift_right_logical3A_53 = vector.broadcast %shift_right_logical3A_52 : i32 to vector<8x2048xi32>
      %shift_right_logical3A_54 = arith.shrui %xor3A, %shift_right_logical3A_53 : vector<8x2048xi32>
      %or3A_55 = arith.ori %shift_left3A_51, %shift_right_logical3A_54 : vector<8x2048xi32>
      %xor3A_56 = arith.xori %or3A_55, %add3A_48 : vector<8x2048xi32>
      %add3A_57 = arith.addi %add3A_48, %xor3A_56 : vector<8x2048xi32>
      %shift_left3A_58 = arith.constant 26 : i32
      %shift_left3A_59 = vector.broadcast %shift_left3A_58 : i32 to vector<8x2048xi32>
      %shift_left3A_60 = arith.shli %xor3A_56, %shift_left3A_59 : vector<8x2048xi32>
      %shift_right_logical3A_61 = arith.constant 6 : i32
      %shift_right_logical3A_62 = vector.broadcast %shift_right_logical3A_61 : i32 to vector<8x2048xi32>
      %shift_right_logical3A_63 = arith.shrui %xor3A_56, %shift_right_logical3A_62 : vector<8x2048xi32>
      %or3A_64 = arith.ori %shift_left3A_60, %shift_right_logical3A_63 : vector<8x2048xi32>
      %xor3A_65 = arith.xori %or3A_64, %add3A_57 : vector<8x2048xi32>
      %add3A_66 = arith.addi %add3A_57, %xor3A_65 : vector<8x2048xi32>
      %shift_left3A_67 = arith.constant 6 : i32
      %shift_left3A_68 = vector.broadcast %shift_left3A_67 : i32 to vector<8x2048xi32>
      %shift_left3A_69 = arith.shli %xor3A_65, %shift_left3A_68 : vector<8x2048xi32>
      %shift_right_logical3A_70 = arith.constant 26 : i32
      %shift_right_logical3A_71 = vector.broadcast %shift_right_logical3A_70 : i32 to vector<8x2048xi32>
      %shift_right_logical3A_72 = arith.shrui %xor3A_65, %shift_right_logical3A_71 : vector<8x2048xi32>
      %or3A_73 = arith.ori %shift_left3A_69, %shift_right_logical3A_72 : vector<8x2048xi32>
      %xor3A_74 = arith.xori %or3A_73, %add3A_66 : vector<8x2048xi32>
      %add3A_75 = arith.constant -1749498911 : i32
      %add3A_76 = vector.broadcast %add3A_75 : i32 to vector<8x2048xi32>
      %add3A_77 = arith.addi %add3A_66, %add3A_76 : vector<8x2048xi32>
      %add3A_78 = arith.constant 161448895 : i32
      %add3A_79 = vector.broadcast %add3A_78 : i32 to vector<8x2048xi32>
      %add3A_80 = arith.addi %xor3A_74, %add3A_79 : vector<8x2048xi32>
      %add3A_81 = arith.addi %add3A_77, %add3A_80 : vector<8x2048xi32>
      %shift_left3A_82 = arith.constant 17 : i32
      %shift_left3A_83 = vector.broadcast %shift_left3A_82 : i32 to vector<8x2048xi32>
      %shift_left3A_84 = arith.shli %add3A_80, %shift_left3A_83 : vector<8x2048xi32>
      %shift_right_logical3A_85 = arith.constant 15 : i32
      %shift_right_logical3A_86 = vector.broadcast %shift_right_logical3A_85 : i32 to vector<8x2048xi32>
      %shift_right_logical3A_87 = arith.shrui %add3A_80, %shift_right_logical3A_86 : vector<8x2048xi32>
      %or3A_88 = arith.ori %shift_left3A_84, %shift_right_logical3A_87 : vector<8x2048xi32>
      %xor3A_89 = arith.xori %or3A_88, %add3A_81 : vector<8x2048xi32>
      %add3A_90 = arith.addi %add3A_81, %xor3A_89 : vector<8x2048xi32>
      %shift_left3A_91 = arith.constant 29 : i32
      %shift_left3A_92 = vector.broadcast %shift_left3A_91 : i32 to vector<8x2048xi32>
      %shift_left3A_93 = arith.shli %xor3A_89, %shift_left3A_92 : vector<8x2048xi32>
      %shift_right_logical3A_94 = arith.constant 3 : i32
      %shift_right_logical3A_95 = vector.broadcast %shift_right_logical3A_94 : i32 to vector<8x2048xi32>
      %shift_right_logical3A_96 = arith.shrui %xor3A_89, %shift_right_logical3A_95 : vector<8x2048xi32>
      %or3A_97 = arith.ori %shift_left3A_93, %shift_right_logical3A_96 : vector<8x2048xi32>
      %xor3A_98 = arith.xori %or3A_97, %add3A_90 : vector<8x2048xi32>
      %add3A_99 = arith.addi %add3A_90, %xor3A_98 : vector<8x2048xi32>
      %shift_left3A_100 = arith.constant 16 : i32
      %shift_left3A_101 = vector.broadcast %shift_left3A_100 : i32 to vector<8x2048xi32>
      %shift_left3A_102 = arith.shli %xor3A_98, %shift_left3A_101 : vector<8x2048xi32>
      %shift_right_logical3A_103 = arith.constant 16 : i32
      %shift_right_logical3A_104 = vector.broadcast %shift_right_logical3A_103 : i32 to vector<8x2048xi32>
      %shift_right_logical3A_105 = arith.shrui %xor3A_98, %shift_right_logical3A_104 : vector<8x2048xi32>
      %or3A_106 = arith.ori %shift_left3A_102, %shift_right_logical3A_105 : vector<8x2048xi32>
      %xor3A_107 = arith.xori %or3A_106, %add3A_99 : vector<8x2048xi32>
      %add3A_108 = arith.addi %add3A_99, %xor3A_107 : vector<8x2048xi32>
      %shift_left3A_109 = arith.constant 24 : i32
      %shift_left3A_110 = vector.broadcast %shift_left3A_109 : i32 to vector<8x2048xi32>
      %shift_left3A_111 = arith.shli %xor3A_107, %shift_left3A_110 : vector<8x2048xi32>
      %shift_right_logical3A_112 = arith.constant 8 : i32
      %shift_right_logical3A_113 = vector.broadcast %shift_right_logical3A_112 : i32 to vector<8x2048xi32>
      %shift_right_logical3A_114 = arith.shrui %xor3A_107, %shift_right_logical3A_113 : vector<8x2048xi32>
      %or3A_115 = arith.ori %shift_left3A_111, %shift_right_logical3A_114 : vector<8x2048xi32>
      %xor3A_116 = arith.xori %or3A_115, %add3A_108 : vector<8x2048xi32>
      %add3A_117 = arith.constant 161448894 : i32
      %add3A_118 = vector.broadcast %add3A_117 : i32 to vector<8x2048xi32>
      %add3A_119 = arith.addi %add3A_108, %add3A_118 : vector<8x2048xi32>
      %add3A_120 = arith.constant -2047452281 : i32
      %add3A_121 = vector.broadcast %add3A_120 : i32 to vector<8x2048xi32>
      %add3A_122 = arith.addi %xor3A_116, %add3A_121 : vector<8x2048xi32>
      %add3A_123 = arith.addi %add3A_119, %add3A_122 : vector<8x2048xi32>
      %shift_left3A_124 = arith.constant 13 : i32
      %shift_left3A_125 = vector.broadcast %shift_left3A_124 : i32 to vector<8x2048xi32>
      %shift_left3A_126 = arith.shli %add3A_122, %shift_left3A_125 : vector<8x2048xi32>
      %shift_right_logical3A_127 = arith.constant 19 : i32
      %shift_right_logical3A_128 = vector.broadcast %shift_right_logical3A_127 : i32 to vector<8x2048xi32>
      %shift_right_logical3A_129 = arith.shrui %add3A_122, %shift_right_logical3A_128 : vector<8x2048xi32>
      %or3A_130 = arith.ori %shift_left3A_126, %shift_right_logical3A_129 : vector<8x2048xi32>
      %xor3A_131 = arith.xori %or3A_130, %add3A_123 : vector<8x2048xi32>
      %add3A_132 = arith.addi %add3A_123, %xor3A_131 : vector<8x2048xi32>
      %shift_left3A_133 = arith.constant 15 : i32
      %shift_left3A_134 = vector.broadcast %shift_left3A_133 : i32 to vector<8x2048xi32>
      %shift_left3A_135 = arith.shli %xor3A_131, %shift_left3A_134 : vector<8x2048xi32>
      %shift_right_logical3A_136 = arith.constant 17 : i32
      %shift_right_logical3A_137 = vector.broadcast %shift_right_logical3A_136 : i32 to vector<8x2048xi32>
      %shift_right_logical3A_138 = arith.shrui %xor3A_131, %shift_right_logical3A_137 : vector<8x2048xi32>
      %or3A_139 = arith.ori %shift_left3A_135, %shift_right_logical3A_138 : vector<8x2048xi32>
      %xor3A_140 = arith.xori %or3A_139, %add3A_132 : vector<8x2048xi32>
      %add3A_141 = arith.addi %add3A_132, %xor3A_140 : vector<8x2048xi32>
      %shift_left3A_142 = arith.constant 26 : i32
      %shift_left3A_143 = vector.broadcast %shift_left3A_142 : i32 to vector<8x2048xi32>
      %shift_left3A_144 = arith.shli %xor3A_140, %shift_left3A_143 : vector<8x2048xi32>
      %shift_right_logical3A_145 = arith.constant 6 : i32
      %shift_right_logical3A_146 = vector.broadcast %shift_right_logical3A_145 : i32 to vector<8x2048xi32>
      %shift_right_logical3A_147 = arith.shrui %xor3A_140, %shift_right_logical3A_146 : vector<8x2048xi32>
      %or3A_148 = arith.ori %shift_left3A_144, %shift_right_logical3A_147 : vector<8x2048xi32>
      %xor3A_149 = arith.xori %or3A_148, %add3A_141 : vector<8x2048xi32>
      %add3A_150 = arith.addi %add3A_141, %xor3A_149 : vector<8x2048xi32>
      %shift_left3A_151 = arith.constant 6 : i32
      %shift_left3A_152 = vector.broadcast %shift_left3A_151 : i32 to vector<8x2048xi32>
      %shift_left3A_153 = arith.shli %xor3A_149, %shift_left3A_152 : vector<8x2048xi32>
      %shift_right_logical3A_154 = arith.constant 26 : i32
      %shift_right_logical3A_155 = vector.broadcast %shift_right_logical3A_154 : i32 to vector<8x2048xi32>
      %shift_right_logical3A_156 = arith.shrui %xor3A_149, %shift_right_logical3A_155 : vector<8x2048xi32>
      %or3A_157 = arith.ori %shift_left3A_153, %shift_right_logical3A_156 : vector<8x2048xi32>
      %xor3A_158 = arith.xori %or3A_157, %add3A_150 : vector<8x2048xi32>
      %add3A_159 = arith.constant -2047452283 : i32
      %add3A_160 = vector.broadcast %add3A_159 : i32 to vector<8x2048xi32>
      %add3A_161 = arith.addi %add3A_150, %add3A_160 : vector<8x2048xi32>
      %add3A_162 = arith.constant -1749498908 : i32
      %add3A_163 = vector.broadcast %add3A_162 : i32 to vector<8x2048xi32>
      %add3A_164 = arith.addi %xor3A_158, %add3A_163 : vector<8x2048xi32>
      %add3A_165 = arith.addi %add3A_161, %add3A_164 : vector<8x2048xi32>
      %shift_left3A_166 = arith.constant 17 : i32
      %shift_left3A_167 = vector.broadcast %shift_left3A_166 : i32 to vector<8x2048xi32>
      %shift_left3A_168 = arith.shli %add3A_164, %shift_left3A_167 : vector<8x2048xi32>
      %shift_right_logical3A_169 = arith.constant 15 : i32
      %shift_right_logical3A_170 = vector.broadcast %shift_right_logical3A_169 : i32 to vector<8x2048xi32>
      %shift_right_logical3A_171 = arith.shrui %add3A_164, %shift_right_logical3A_170 : vector<8x2048xi32>
      %or3A_172 = arith.ori %shift_left3A_168, %shift_right_logical3A_171 : vector<8x2048xi32>
      %xor3A_173 = arith.xori %or3A_172, %add3A_165 : vector<8x2048xi32>
      %add3A_174 = arith.addi %add3A_165, %xor3A_173 : vector<8x2048xi32>
      %shift_left3A_175 = arith.constant 29 : i32
      %shift_left3A_176 = vector.broadcast %shift_left3A_175 : i32 to vector<8x2048xi32>
      %shift_left3A_177 = arith.shli %xor3A_173, %shift_left3A_176 : vector<8x2048xi32>
      %shift_right_logical3A_178 = arith.constant 3 : i32
      %shift_right_logical3A_179 = vector.broadcast %shift_right_logical3A_178 : i32 to vector<8x2048xi32>
      %shift_right_logical3A_180 = arith.shrui %xor3A_173, %shift_right_logical3A_179 : vector<8x2048xi32>
      %or3A_181 = arith.ori %shift_left3A_177, %shift_right_logical3A_180 : vector<8x2048xi32>
      %xor3A_182 = arith.xori %or3A_181, %add3A_174 : vector<8x2048xi32>
      %add3A_183 = arith.addi %add3A_174, %xor3A_182 : vector<8x2048xi32>
      %shift_left3A_184 = arith.constant 16 : i32
      %shift_left3A_185 = vector.broadcast %shift_left3A_184 : i32 to vector<8x2048xi32>
      %shift_left3A_186 = arith.shli %xor3A_182, %shift_left3A_185 : vector<8x2048xi32>
      %shift_right_logical3A_187 = arith.constant 16 : i32
      %shift_right_logical3A_188 = vector.broadcast %shift_right_logical3A_187 : i32 to vector<8x2048xi32>
      %shift_right_logical3A_189 = arith.shrui %xor3A_182, %shift_right_logical3A_188 : vector<8x2048xi32>
      %or3A_190 = arith.ori %shift_left3A_186, %shift_right_logical3A_189 : vector<8x2048xi32>
      %xor3A_191 = arith.xori %or3A_190, %add3A_183 : vector<8x2048xi32>
      %add3A_192 = arith.addi %add3A_183, %xor3A_191 : vector<8x2048xi32>
      %shift_left3A_193 = arith.constant 24 : i32
      %shift_left3A_194 = vector.broadcast %shift_left3A_193 : i32 to vector<8x2048xi32>
      %shift_left3A_195 = arith.shli %xor3A_191, %shift_left3A_194 : vector<8x2048xi32>
      %shift_right_logical3A_196 = arith.constant 8 : i32
      %shift_right_logical3A_197 = vector.broadcast %shift_right_logical3A_196 : i32 to vector<8x2048xi32>
      %shift_right_logical3A_198 = arith.shrui %xor3A_191, %shift_right_logical3A_197 : vector<8x2048xi32>
      %or3A_199 = arith.ori %shift_left3A_195, %shift_right_logical3A_198 : vector<8x2048xi32>
      %xor3A_200 = arith.xori %or3A_199, %add3A_192 : vector<8x2048xi32>
      %add3A_201 = arith.constant -1749498911 : i32
      %add3A_202 = vector.broadcast %add3A_201 : i32 to vector<8x2048xi32>
      %add3A_203 = arith.addi %add3A_192, %add3A_202 : vector<8x2048xi32>
      %add3A_204 = arith.constant 161448898 : i32
      %add3A_205 = vector.broadcast %add3A_204 : i32 to vector<8x2048xi32>
      %add3A_206 = arith.addi %xor3A_200, %add3A_205 : vector<8x2048xi32>
      %add3A_207 = arith.addi %add3A_203, %add3A_206 : vector<8x2048xi32>
      %shift_left3A_208 = arith.constant 13 : i32
      %shift_left3A_209 = vector.broadcast %shift_left3A_208 : i32 to vector<8x2048xi32>
      %shift_left3A_210 = arith.shli %add3A_206, %shift_left3A_209 : vector<8x2048xi32>
      %shift_right_logical3A_211 = arith.constant 19 : i32
      %shift_right_logical3A_212 = vector.broadcast %shift_right_logical3A_211 : i32 to vector<8x2048xi32>
      %shift_right_logical3A_213 = arith.shrui %add3A_206, %shift_right_logical3A_212 : vector<8x2048xi32>
      %or3A_214 = arith.ori %shift_left3A_210, %shift_right_logical3A_213 : vector<8x2048xi32>
      %xor3A_215 = arith.xori %or3A_214, %add3A_207 : vector<8x2048xi32>
      %add3A_216 = arith.addi %add3A_207, %xor3A_215 : vector<8x2048xi32>
      %shift_left3A_217 = arith.constant 15 : i32
      %shift_left3A_218 = vector.broadcast %shift_left3A_217 : i32 to vector<8x2048xi32>
      %shift_left3A_219 = arith.shli %xor3A_215, %shift_left3A_218 : vector<8x2048xi32>
      %shift_right_logical3A_220 = arith.constant 17 : i32
      %shift_right_logical3A_221 = vector.broadcast %shift_right_logical3A_220 : i32 to vector<8x2048xi32>
      %shift_right_logical3A_222 = arith.shrui %xor3A_215, %shift_right_logical3A_221 : vector<8x2048xi32>
      %or3A_223 = arith.ori %shift_left3A_219, %shift_right_logical3A_222 : vector<8x2048xi32>
      %xor3A_224 = arith.xori %or3A_223, %add3A_216 : vector<8x2048xi32>
      %add3A_225 = arith.addi %add3A_216, %xor3A_224 : vector<8x2048xi32>
      %shift_left3A_226 = arith.constant 26 : i32
      %shift_left3A_227 = vector.broadcast %shift_left3A_226 : i32 to vector<8x2048xi32>
      %shift_left3A_228 = arith.shli %xor3A_224, %shift_left3A_227 : vector<8x2048xi32>
      %shift_right_logical3A_229 = arith.constant 6 : i32
      %shift_right_logical3A_230 = vector.broadcast %shift_right_logical3A_229 : i32 to vector<8x2048xi32>
      %shift_right_logical3A_231 = arith.shrui %xor3A_224, %shift_right_logical3A_230 : vector<8x2048xi32>
      %or3A_232 = arith.ori %shift_left3A_228, %shift_right_logical3A_231 : vector<8x2048xi32>
      %xor3A_233 = arith.xori %or3A_232, %add3A_225 : vector<8x2048xi32>
      %add3A_234 = arith.addi %add3A_225, %xor3A_233 : vector<8x2048xi32>
      %shift_left3A_235 = arith.constant 6 : i32
      %shift_left3A_236 = vector.broadcast %shift_left3A_235 : i32 to vector<8x2048xi32>
      %shift_left3A_237 = arith.shli %xor3A_233, %shift_left3A_236 : vector<8x2048xi32>
      %shift_right_logical3A_238 = arith.constant 26 : i32
      %shift_right_logical3A_239 = vector.broadcast %shift_right_logical3A_238 : i32 to vector<8x2048xi32>
      %shift_right_logical3A_240 = arith.shrui %xor3A_233, %shift_right_logical3A_239 : vector<8x2048xi32>
      %or3A_241 = arith.ori %shift_left3A_237, %shift_right_logical3A_240 : vector<8x2048xi32>
      %xor3A_242 = arith.xori %or3A_241, %add3A_234 : vector<8x2048xi32>
      %add3A_243 = arith.constant 161448894 : i32
      %add3A_244 = vector.broadcast %add3A_243 : i32 to vector<8x2048xi32>
      %add3A_245 = arith.addi %add3A_234, %add3A_244 : vector<8x2048xi32>
      %add3A_246 = arith.constant -2047452278 : i32
      %add3A_247 = vector.broadcast %add3A_246 : i32 to vector<8x2048xi32>
      %add3A_248 = arith.addi %xor3A_242, %add3A_247 : vector<8x2048xi32>
      %xor3A_249 = arith.xori %add3A_245, %add3A_248 : vector<8x2048xi32>
      %shift_right_logical3A_250 = arith.constant 9 : i32
      %shift_right_logical3A_251 = vector.broadcast %shift_right_logical3A_250 : i32 to vector<8x2048xi32>
      %shift_right_logical3A_252 = arith.shrui %xor3A_249, %shift_right_logical3A_251 : vector<8x2048xi32>
      %or3A_253 = arith.constant 1065353216 : i32
      %or3A_254 = vector.broadcast %or3A_253 : i32 to vector<8x2048xi32>
      %or3A_255 = arith.ori %shift_right_logical3A_252, %or3A_254 : vector<8x2048xi32>
      %bitcast_convert_type3A = tpu.bitcast %or3A_255 : vector<8x2048xi32> -> vector<8x2048xf32>
      %sub3A = arith.constant 1.000000e+00 : f32
      %sub3A_256 = vector.broadcast %sub3A : f32 to vector<8x2048xf32>
      %sub3A_257 = arith.subf %bitcast_convert_type3A, %sub3A_256 : vector<8x2048xf32>
      %max3A = arith.constant 1.17549435E-38 : f32
      %max3A_258 = vector.broadcast %max3A : f32 to vector<8x2048xf32>
      %max3A_259 = arith.maximumf %sub3A_257, %max3A_258 : vector<8x2048xf32>
      %log3A = math.log %max3A_259 : vector<8x2048xf32>
      %neg3A = arith.constant 0.000000e+00 : f32
      %neg3A_260 = vector.broadcast %neg3A : f32 to vector<8x2048xf32>
      %neg3A_261 = arith.subf %neg3A_260, %log3A : vector<8x2048xf32>
      %log3A_262 = math.log %neg3A_261 : vector<8x2048xf32>
      %neg3A_263 = arith.constant 0.000000e+00 : f32
      %neg3A_264 = vector.broadcast %neg3A_263 : f32 to vector<8x2048xf32>
      %neg3A_265 = arith.subf %neg3A_264, %log3A_262 : vector<8x2048xf32>
      %get3A = arith.constant 0 : index
      %get3A_266 = arith.index_cast %mul3A_38 : i32 to index
      %get3A_267 = vector.load %arg1[%get3A, %get3A_266] : memref<1x100352xf32, #tpu.memory_space<vmem>>, vector<1x2048xf32>
      %add3A_268 = vector.broadcast %get3A_267 : vector<1x2048xf32> to vector<8x2048xf32>
      %add3A_269 = arith.addf %neg3A_265, %add3A_268 : vector<8x2048xf32>
      %gt3A = arith.cmpf ogt, %add3A_269, %scan3A_35 : vector<8x2048xf32>
      %select_n3A_270 = arith.select %gt3A, %add3A_269, %scan3A_35 : vector<8x2048xi1>, vector<8x2048xf32>
      %broadcast_in_dim3A_271 = vector.broadcast %scan3A_34 : i32 to vector<8x2048xi32>
      %select_n3A_272 = arith.select %gt3A, %broadcast_in_dim3A_271, %scan3A_36 : vector<8x2048xi1>, vector<8x2048xi32>
      %scan3A_273 = arith.constant 1 : i32
      %scan3A_274 = arith.addi %scan3A_34, %scan3A_273 : i32
      %mul3A_275 = arith.constant 2048 : i32
      %mul3A_276 = arith.muli %scan3A_274, %mul3A_275 : i32
      %add3A_277 = vector.broadcast %mul3A_276 : i32 to vector<8x2048xi32>
      %add3A_278 = arith.addi %add3A_9, %add3A_277 : vector<8x2048xi32>
      %broadcast_in_dim3A_279 = arith.constant -2047452283 : i32
      %broadcast_in_dim3A_280 = vector.broadcast %broadcast_in_dim3A_279 : i32 to vector<8x2048xi32>
      %add3A_281 = arith.addi %broadcast_in_dim3A_280, %add3A_278 : vector<8x2048xi32>
      %shift_left3A_282 = arith.constant 13 : i32
      %shift_left3A_283 = vector.broadcast %shift_left3A_282 : i32 to vector<8x2048xi32>
      %shift_left3A_284 = arith.shli %add3A_278, %shift_left3A_283 : vector<8x2048xi32>
      %shift_right_logical3A_285 = arith.constant 19 : i32
      %shift_right_logical3A_286 = vector.broadcast %shift_right_logical3A_285 : i32 to vector<8x2048xi32>
      %shift_right_logical3A_287 = arith.shrui %add3A_278, %shift_right_logical3A_286 : vector<8x2048xi32>
      %or3A_288 = arith.ori %shift_left3A_284, %shift_right_logical3A_287 : vector<8x2048xi32>
      %xor3A_289 = arith.xori %or3A_288, %add3A_281 : vector<8x2048xi32>
      %add3A_290 = arith.addi %add3A_281, %xor3A_289 : vector<8x2048xi32>
      %shift_left3A_291 = arith.constant 15 : i32
      %shift_left3A_292 = vector.broadcast %shift_left3A_291 : i32 to vector<8x2048xi32>
      %shift_left3A_293 = arith.shli %xor3A_289, %shift_left3A_292 : vector<8x2048xi32>
      %shift_right_logical3A_294 = arith.constant 17 : i32
      %shift_right_logical3A_295 = vector.broadcast %shift_right_logical3A_294 : i32 to vector<8x2048xi32>
      %shift_right_logical3A_296 = arith.shrui %xor3A_289, %shift_right_logical3A_295 : vector<8x2048xi32>
      %or3A_297 = arith.ori %shift_left3A_293, %shift_right_logical3A_296 : vector<8x2048xi32>
      %xor3A_298 = arith.xori %or3A_297, %add3A_290 : vector<8x2048xi32>
      %add3A_299 = arith.addi %add3A_290, %xor3A_298 : vector<8x2048xi32>
      %shift_left3A_300 = arith.constant 26 : i32
      %shift_left3A_301 = vector.broadcast %shift_left3A_300 : i32 to vector<8x2048xi32>
      %shift_left3A_302 = arith.shli %xor3A_298, %shift_left3A_301 : vector<8x2048xi32>
      %shift_right_logical3A_303 = arith.constant 6 : i32
      %shift_right_logical3A_304 = vector.broadcast %shift_right_logical3A_303 : i32 to vector<8x2048xi32>
      %shift_right_logical3A_305 = arith.shrui %xor3A_298, %shift_right_logical3A_304 : vector<8x2048xi32>
      %or3A_306 = arith.ori %shift_left3A_302, %shift_right_logical3A_305 : vector<8x2048xi32>
      %xor3A_307 = arith.xori %or3A_306, %add3A_299 : vector<8x2048xi32>
      %add3A_308 = arith.addi %add3A_299, %xor3A_307 : vector<8x2048xi32>
      %shift_left3A_309 = arith.constant 6 : i32
      %shift_left3A_310 = vector.broadcast %shift_left3A_309 : i32 to vector<8x2048xi32>
      %shift_left3A_311 = arith.shli %xor3A_307, %shift_left3A_310 : vector<8x2048xi32>
      %shift_right_logical3A_312 = arith.constant 26 : i32
      %shift_right_logical3A_313 = vector.broadcast %shift_right_logical3A_312 : i32 to vector<8x2048xi32>
      %shift_right_logical3A_314 = arith.shrui %xor3A_307, %shift_right_logical3A_313 : vector<8x2048xi32>
      %or3A_315 = arith.ori %shift_left3A_311, %shift_right_logical3A_314 : vector<8x2048xi32>
      %xor3A_316 = arith.xori %or3A_315, %add3A_308 : vector<8x2048xi32>
      %add3A_317 = arith.constant -1749498911 : i32
      %add3A_318 = vector.broadcast %add3A_317 : i32 to vector<8x2048xi32>
      %add3A_319 = arith.addi %add3A_308, %add3A_318 : vector<8x2048xi32>
      %add3A_320 = arith.constant 161448895 : i32
      %add3A_321 = vector.broadcast %add3A_320 : i32 to vector<8x2048xi32>
      %add3A_322 = arith.addi %xor3A_316, %add3A_321 : vector<8x2048xi32>
      %add3A_323 = arith.addi %add3A_319, %add3A_322 : vector<8x2048xi32>
      %shift_left3A_324 = arith.constant 17 : i32
      %shift_left3A_325 = vector.broadcast %shift_left3A_324 : i32 to vector<8x2048xi32>
      %shift_left3A_326 = arith.shli %add3A_322, %shift_left3A_325 : vector<8x2048xi32>
      %shift_right_logical3A_327 = arith.constant 15 : i32
      %shift_right_logical3A_328 = vector.broadcast %shift_right_logical3A_327 : i32 to vector<8x2048xi32>
      %shift_right_logical3A_329 = arith.shrui %add3A_322, %shift_right_logical3A_328 : vector<8x2048xi32>
      %or3A_330 = arith.ori %shift_left3A_326, %shift_right_logical3A_329 : vector<8x2048xi32>
      %xor3A_331 = arith.xori %or3A_330, %add3A_323 : vector<8x2048xi32>
      %add3A_332 = arith.addi %add3A_323, %xor3A_331 : vector<8x2048xi32>
      %shift_left3A_333 = arith.constant 29 : i32
      %shift_left3A_334 = vector.broadcast %shift_left3A_333 : i32 to vector<8x2048xi32>
      %shift_left3A_335 = arith.shli %xor3A_331, %shift_left3A_334 : vector<8x2048xi32>
      %shift_right_logical3A_336 = arith.constant 3 : i32
      %shift_right_logical3A_337 = vector.broadcast %shift_right_logical3A_336 : i32 to vector<8x2048xi32>
      %shift_right_logical3A_338 = arith.shrui %xor3A_331, %shift_right_logical3A_337 : vector<8x2048xi32>
      %or3A_339 = arith.ori %shift_left3A_335, %shift_right_logical3A_338 : vector<8x2048xi32>
      %xor3A_340 = arith.xori %or3A_339, %add3A_332 : vector<8x2048xi32>
      %add3A_341 = arith.addi %add3A_332, %xor3A_340 : vector<8x2048xi32>
      %shift_left3A_342 = arith.constant 16 : i32
      %shift_left3A_343 = vector.broadcast %shift_left3A_342 : i32 to vector<8x2048xi32>
      %shift_left3A_344 = arith.shli %xor3A_340, %shift_left3A_343 : vector<8x2048xi32>
      %shift_right_logical3A_345 = arith.constant 16 : i32
      %shift_right_logical3A_346 = vector.broadcast %shift_right_logical3A_345 : i32 to vector<8x2048xi32>
      %shift_right_logical3A_347 = arith.shrui %xor3A_340, %shift_right_logical3A_346 : vector<8x2048xi32>
      %or3A_348 = arith.ori %shift_left3A_344, %shift_right_logical3A_347 : vector<8x2048xi32>
      %xor3A_349 = arith.xori %or3A_348, %add3A_341 : vector<8x2048xi32>
      %add3A_350 = arith.addi %add3A_341, %xor3A_349 : vector<8x2048xi32>
      %shift_left3A_351 = arith.constant 24 : i32
      %shift_left3A_352 = vector.broadcast %shift_left3A_351 : i32 to vector<8x2048xi32>
      %shift_left3A_353 = arith.shli %xor3A_349, %shift_left3A_352 : vector<8x2048xi32>
      %shift_right_logical3A_354 = arith.constant 8 : i32
      %shift_right_logical3A_355 = vector.broadcast %shift_right_logical3A_354 : i32 to vector<8x2048xi32>
      %shift_right_logical3A_356 = arith.shrui %xor3A_349, %shift_right_logical3A_355 : vector<8x2048xi32>
      %or3A_357 = arith.ori %shift_left3A_353, %shift_right_logical3A_356 : vector<8x2048xi32>
      %xor3A_358 = arith.xori %or3A_357, %add3A_350 : vector<8x2048xi32>
      %add3A_359 = arith.constant 161448894 : i32
      %add3A_360 = vector.broadcast %add3A_359 : i32 to vector<8x2048xi32>
      %add3A_361 = arith.addi %add3A_350, %add3A_360 : vector<8x2048xi32>
      %add3A_362 = arith.constant -2047452281 : i32
      %add3A_363 = vector.broadcast %add3A_362 : i32 to vector<8x2048xi32>
      %add3A_364 = arith.addi %xor3A_358, %add3A_363 : vector<8x2048xi32>
      %add3A_365 = arith.addi %add3A_361, %add3A_364 : vector<8x2048xi32>
      %shift_left3A_366 = arith.constant 13 : i32
      %shift_left3A_367 = vector.broadcast %shift_left3A_366 : i32 to vector<8x2048xi32>
      %shift_left3A_368 = arith.shli %add3A_364, %shift_left3A_367 : vector<8x2048xi32>
      %shift_right_logical3A_369 = arith.constant 19 : i32
      %shift_right_logical3A_370 = vector.broadcast %shift_right_logical3A_369 : i32 to vector<8x2048xi32>
      %shift_right_logical3A_371 = arith.shrui %add3A_364, %shift_right_logical3A_370 : vector<8x2048xi32>
      %or3A_372 = arith.ori %shift_left3A_368, %shift_right_logical3A_371 : vector<8x2048xi32>
      %xor3A_373 = arith.xori %or3A_372, %add3A_365 : vector<8x2048xi32>
      %add3A_374 = arith.addi %add3A_365, %xor3A_373 : vector<8x2048xi32>
      %shift_left3A_375 = arith.constant 15 : i32
      %shift_left3A_376 = vector.broadcast %shift_left3A_375 : i32 to vector<8x2048xi32>
      %shift_left3A_377 = arith.shli %xor3A_373, %shift_left3A_376 : vector<8x2048xi32>
      %shift_right_logical3A_378 = arith.constant 17 : i32
      %shift_right_logical3A_379 = vector.broadcast %shift_right_logical3A_378 : i32 to vector<8x2048xi32>
      %shift_right_logical3A_380 = arith.shrui %xor3A_373, %shift_right_logical3A_379 : vector<8x2048xi32>
      %or3A_381 = arith.ori %shift_left3A_377, %shift_right_logical3A_380 : vector<8x2048xi32>
      %xor3A_382 = arith.xori %or3A_381, %add3A_374 : vector<8x2048xi32>
      %add3A_383 = arith.addi %add3A_374, %xor3A_382 : vector<8x2048xi32>
      %shift_left3A_384 = arith.constant 26 : i32
      %shift_left3A_385 = vector.broadcast %shift_left3A_384 : i32 to vector<8x2048xi32>
      %shift_left3A_386 = arith.shli %xor3A_382, %shift_left3A_385 : vector<8x2048xi32>
      %shift_right_logical3A_387 = arith.constant 6 : i32
      %shift_right_logical3A_388 = vector.broadcast %shift_right_logical3A_387 : i32 to vector<8x2048xi32>
      %shift_right_logical3A_389 = arith.shrui %xor3A_382, %shift_right_logical3A_388 : vector<8x2048xi32>
      %or3A_390 = arith.ori %shift_left3A_386, %shift_right_logical3A_389 : vector<8x2048xi32>
      %xor3A_391 = arith.xori %or3A_390, %add3A_383 : vector<8x2048xi32>
      %add3A_392 = arith.addi %add3A_383, %xor3A_391 : vector<8x2048xi32>
      %shift_left3A_393 = arith.constant 6 : i32
      %shift_left3A_394 = vector.broadcast %shift_left3A_393 : i32 to vector<8x2048xi32>
      %shift_left3A_395 = arith.shli %xor3A_391, %shift_left3A_394 : vector<8x2048xi32>
      %shift_right_logical3A_396 = arith.constant 26 : i32
      %shift_right_logical3A_397 = vector.broadcast %shift_right_logical3A_396 : i32 to vector<8x2048xi32>
      %shift_right_logical3A_398 = arith.shrui %xor3A_391, %shift_right_logical3A_397 : vector<8x2048xi32>
      %or3A_399 = arith.ori %shift_left3A_395, %shift_right_logical3A_398 : vector<8x2048xi32>
      %xor3A_400 = arith.xori %or3A_399, %add3A_392 : vector<8x2048xi32>
      %add3A_401 = arith.constant -2047452283 : i32
      %add3A_402 = vector.broadcast %add3A_401 : i32 to vector<8x2048xi32>
      %add3A_403 = arith.addi %add3A_392, %add3A_402 : vector<8x2048xi32>
      %add3A_404 = arith.constant -1749498908 : i32
      %add3A_405 = vector.broadcast %add3A_404 : i32 to vector<8x2048xi32>
      %add3A_406 = arith.addi %xor3A_400, %add3A_405 : vector<8x2048xi32>
      %add3A_407 = arith.addi %add3A_403, %add3A_406 : vector<8x2048xi32>
      %shift_left3A_408 = arith.constant 17 : i32
      %shift_left3A_409 = vector.broadcast %shift_left3A_408 : i32 to vector<8x2048xi32>
      %shift_left3A_410 = arith.shli %add3A_406, %shift_left3A_409 : vector<8x2048xi32>
      %shift_right_logical3A_411 = arith.constant 15 : i32
      %shift_right_logical3A_412 = vector.broadcast %shift_right_logical3A_411 : i32 to vector<8x2048xi32>
      %shift_right_logical3A_413 = arith.shrui %add3A_406, %shift_right_logical3A_412 : vector<8x2048xi32>
      %or3A_414 = arith.ori %shift_left3A_410, %shift_right_logical3A_413 : vector<8x2048xi32>
      %xor3A_415 = arith.xori %or3A_414, %add3A_407 : vector<8x2048xi32>
      %add3A_416 = arith.addi %add3A_407, %xor3A_415 : vector<8x2048xi32>
      %shift_left3A_417 = arith.constant 29 : i32
      %shift_left3A_418 = vector.broadcast %shift_left3A_417 : i32 to vector<8x2048xi32>
      %shift_left3A_419 = arith.shli %xor3A_415, %shift_left3A_418 : vector<8x2048xi32>
      %shift_right_logical3A_420 = arith.constant 3 : i32
      %shift_right_logical3A_421 = vector.broadcast %shift_right_logical3A_420 : i32 to vector<8x2048xi32>
      %shift_right_logical3A_422 = arith.shrui %xor3A_415, %shift_right_logical3A_421 : vector<8x2048xi32>
      %or3A_423 = arith.ori %shift_left3A_419, %shift_right_logical3A_422 : vector<8x2048xi32>
      %xor3A_424 = arith.xori %or3A_423, %add3A_416 : vector<8x2048xi32>
      %add3A_425 = arith.addi %add3A_416, %xor3A_424 : vector<8x2048xi32>
      %shift_left3A_426 = arith.constant 16 : i32
      %shift_left3A_427 = vector.broadcast %shift_left3A_426 : i32 to vector<8x2048xi32>
      %shift_left3A_428 = arith.shli %xor3A_424, %shift_left3A_427 : vector<8x2048xi32>
      %shift_right_logical3A_429 = arith.constant 16 : i32
      %shift_right_logical3A_430 = vector.broadcast %shift_right_logical3A_429 : i32 to vector<8x2048xi32>
      %shift_right_logical3A_431 = arith.shrui %xor3A_424, %shift_right_logical3A_430 : vector<8x2048xi32>
      %or3A_432 = arith.ori %shift_left3A_428, %shift_right_logical3A_431 : vector<8x2048xi32>
      %xor3A_433 = arith.xori %or3A_432, %add3A_425 : vector<8x2048xi32>
      %add3A_434 = arith.addi %add3A_425, %xor3A_433 : vector<8x2048xi32>
      %shift_left3A_435 = arith.constant 24 : i32
      %shift_left3A_436 = vector.broadcast %shift_left3A_435 : i32 to vector<8x2048xi32>
      %shift_left3A_437 = arith.shli %xor3A_433, %shift_left3A_436 : vector<8x2048xi32>
      %shift_right_logical3A_438 = arith.constant 8 : i32
      %shift_right_logical3A_439 = vector.broadcast %shift_right_logical3A_438 : i32 to vector<8x2048xi32>
      %shift_right_logical3A_440 = arith.shrui %xor3A_433, %shift_right_logical3A_439 : vector<8x2048xi32>
      %or3A_441 = arith.ori %shift_left3A_437, %shift_right_logical3A_440 : vector<8x2048xi32>
      %xor3A_442 = arith.xori %or3A_441, %add3A_434 : vector<8x2048xi32>
      %add3A_443 = arith.constant -1749498911 : i32
      %add3A_444 = vector.broadcast %add3A_443 : i32 to vector<8x2048xi32>
      %add3A_445 = arith.addi %add3A_434, %add3A_444 : vector<8x2048xi32>
      %add3A_446 = arith.constant 161448898 : i32
      %add3A_447 = vector.broadcast %add3A_446 : i32 to vector<8x2048xi32>
      %add3A_448 = arith.addi %xor3A_442, %add3A_447 : vector<8x2048xi32>
      %add3A_449 = arith.addi %add3A_445, %add3A_448 : vector<8x2048xi32>
      %shift_left3A_450 = arith.constant 13 : i32
      %shift_left3A_451 = vector.broadcast %shift_left3A_450 : i32 to vector<8x2048xi32>
      %shift_left3A_452 = arith.shli %add3A_448, %shift_left3A_451 : vector<8x2048xi32>
      %shift_right_logical3A_453 = arith.constant 19 : i32
      %shift_right_logical3A_454 = vector.broadcast %shift_right_logical3A_453 : i32 to vector<8x2048xi32>
      %shift_right_logical3A_455 = arith.shrui %add3A_448, %shift_right_logical3A_454 : vector<8x2048xi32>
      %or3A_456 = arith.ori %shift_left3A_452, %shift_right_logical3A_455 : vector<8x2048xi32>
      %xor3A_457 = arith.xori %or3A_456, %add3A_449 : vector<8x2048xi32>
      %add3A_458 = arith.addi %add3A_449, %xor3A_457 : vector<8x2048xi32>
      %shift_left3A_459 = arith.constant 15 : i32
      %shift_left3A_460 = vector.broadcast %shift_left3A_459 : i32 to vector<8x2048xi32>
      %shift_left3A_461 = arith.shli %xor3A_457, %shift_left3A_460 : vector<8x2048xi32>
      %shift_right_logical3A_462 = arith.constant 17 : i32
      %shift_right_logical3A_463 = vector.broadcast %shift_right_logical3A_462 : i32 to vector<8x2048xi32>
      %shift_right_logical3A_464 = arith.shrui %xor3A_457, %shift_right_logical3A_463 : vector<8x2048xi32>
      %or3A_465 = arith.ori %shift_left3A_461, %shift_right_logical3A_464 : vector<8x2048xi32>
      %xor3A_466 = arith.xori %or3A_465, %add3A_458 : vector<8x2048xi32>
      %add3A_467 = arith.addi %add3A_458, %xor3A_466 : vector<8x2048xi32>
      %shift_left3A_468 = arith.constant 26 : i32
      %shift_left3A_469 = vector.broadcast %shift_left3A_468 : i32 to vector<8x2048xi32>
      %shift_left3A_470 = arith.shli %xor3A_466, %shift_left3A_469 : vector<8x2048xi32>
      %shift_right_logical3A_471 = arith.constant 6 : i32
      %shift_right_logical3A_472 = vector.broadcast %shift_right_logical3A_471 : i32 to vector<8x2048xi32>
      %shift_right_logical3A_473 = arith.shrui %xor3A_466, %shift_right_logical3A_472 : vector<8x2048xi32>
      %or3A_474 = arith.ori %shift_left3A_470, %shift_right_logical3A_473 : vector<8x2048xi32>
      %xor3A_475 = arith.xori %or3A_474, %add3A_467 : vector<8x2048xi32>
      %add3A_476 = arith.addi %add3A_467, %xor3A_475 : vector<8x2048xi32>
      %shift_left3A_477 = arith.constant 6 : i32
      %shift_left3A_478 = vector.broadcast %shift_left3A_477 : i32 to vector<8x2048xi32>
      %shift_left3A_479 = arith.shli %xor3A_475, %shift_left3A_478 : vector<8x2048xi32>
      %shift_right_logical3A_480 = arith.constant 26 : i32
      %shift_right_logical3A_481 = vector.broadcast %shift_right_logical3A_480 : i32 to vector<8x2048xi32>
      %shift_right_logical3A_482 = arith.shrui %xor3A_475, %shift_right_logical3A_481 : vector<8x2048xi32>
      %or3A_483 = arith.ori %shift_left3A_479, %shift_right_logical3A_482 : vector<8x2048xi32>
      %xor3A_484 = arith.xori %or3A_483, %add3A_476 : vector<8x2048xi32>
      %add3A_485 = arith.constant 161448894 : i32
      %add3A_486 = vector.broadcast %add3A_485 : i32 to vector<8x2048xi32>
      %add3A_487 = arith.addi %add3A_476, %add3A_486 : vector<8x2048xi32>
      %add3A_488 = arith.constant -2047452278 : i32
      %add3A_489 = vector.broadcast %add3A_488 : i32 to vector<8x2048xi32>
      %add3A_490 = arith.addi %xor3A_484, %add3A_489 : vector<8x2048xi32>
      %xor3A_491 = arith.xori %add3A_487, %add3A_490 : vector<8x2048xi32>
      %shift_right_logical3A_492 = arith.constant 9 : i32
      %shift_right_logical3A_493 = vector.broadcast %shift_right_logical3A_492 : i32 to vector<8x2048xi32>
      %shift_right_logical3A_494 = arith.shrui %xor3A_491, %shift_right_logical3A_493 : vector<8x2048xi32>
      %or3A_495 = arith.constant 1065353216 : i32
      %or3A_496 = vector.broadcast %or3A_495 : i32 to vector<8x2048xi32>
      %or3A_497 = arith.ori %shift_right_logical3A_494, %or3A_496 : vector<8x2048xi32>
      %bitcast_convert_type3A_498 = tpu.bitcast %or3A_497 : vector<8x2048xi32> -> vector<8x2048xf32>
      %sub3A_499 = arith.constant 1.000000e+00 : f32
      %sub3A_500 = vector.broadcast %sub3A_499 : f32 to vector<8x2048xf32>
      %sub3A_501 = arith.subf %bitcast_convert_type3A_498, %sub3A_500 : vector<8x2048xf32>
      %max3A_502 = arith.constant 1.17549435E-38 : f32
      %max3A_503 = vector.broadcast %max3A_502 : f32 to vector<8x2048xf32>
      %max3A_504 = arith.maximumf %sub3A_501, %max3A_503 : vector<8x2048xf32>
      %log3A_505 = math.log %max3A_504 : vector<8x2048xf32>
      %neg3A_506 = arith.constant 0.000000e+00 : f32
      %neg3A_507 = vector.broadcast %neg3A_506 : f32 to vector<8x2048xf32>
      %neg3A_508 = arith.subf %neg3A_507, %log3A_505 : vector<8x2048xf32>
      %log3A_509 = math.log %neg3A_508 : vector<8x2048xf32>
      %neg3A_510 = arith.constant 0.000000e+00 : f32
      %neg3A_511 = vector.broadcast %neg3A_510 : f32 to vector<8x2048xf32>
      %neg3A_512 = arith.subf %neg3A_511, %log3A_509 : vector<8x2048xf32>
      %get3A_513 = arith.constant 0 : index
      %get3A_514 = arith.index_cast %mul3A_276 : i32 to index
      %get3A_515 = vector.load %arg1[%get3A_513, %get3A_514] : memref<1x100352xf32, #tpu.memory_space<vmem>>, vector<1x2048xf32>
      %add3A_516 = vector.broadcast %get3A_515 : vector<1x2048xf32> to vector<8x2048xf32>
      %add3A_517 = arith.addf %neg3A_512, %add3A_516 : vector<8x2048xf32>
      %gt3A_518 = arith.cmpf ogt, %add3A_517, %select_n3A_270 : vector<8x2048xf32>
      %select_n3A_519 = arith.select %gt3A_518, %add3A_517, %select_n3A_270 : vector<8x2048xi1>, vector<8x2048xf32>
      %broadcast_in_dim3A_520 = vector.broadcast %scan3A_274 : i32 to vector<8x2048xi32>
      %select_n3A_521 = arith.select %gt3A_518, %broadcast_in_dim3A_520, %select_n3A_272 : vector<8x2048xi1>, vector<8x2048xi32>
      %scan3A_522 = arith.constant 2 : i32
      %scan3A_523 = arith.addi %scan3A_34, %scan3A_522 : i32
      %mul3A_524 = arith.constant 2048 : i32
      %mul3A_525 = arith.muli %scan3A_523, %mul3A_524 : i32
      %add3A_526 = vector.broadcast %mul3A_525 : i32 to vector<8x2048xi32>
      %add3A_527 = arith.addi %add3A_9, %add3A_526 : vector<8x2048xi32>
      %broadcast_in_dim3A_528 = arith.constant -2047452283 : i32
      %broadcast_in_dim3A_529 = vector.broadcast %broadcast_in_dim3A_528 : i32 to vector<8x2048xi32>
      %add3A_530 = arith.addi %broadcast_in_dim3A_529, %add3A_527 : vector<8x2048xi32>
      %shift_left3A_531 = arith.constant 13 : i32
      %shift_left3A_532 = vector.broadcast %shift_left3A_531 : i32 to vector<8x2048xi32>
      %shift_left3A_533 = arith.shli %add3A_527, %shift_left3A_532 : vector<8x2048xi32>
      %shift_right_logical3A_534 = arith.constant 19 : i32
      %shift_right_logical3A_535 = vector.broadcast %shift_right_logical3A_534 : i32 to vector<8x2048xi32>
      %shift_right_logical3A_536 = arith.shrui %add3A_527, %shift_right_logical3A_535 : vector<8x2048xi32>
      %or3A_537 = arith.ori %shift_left3A_533, %shift_right_logical3A_536 : vector<8x2048xi32>
      %xor3A_538 = arith.xori %or3A_537, %add3A_530 : vector<8x2048xi32>
      %add3A_539 = arith.addi %add3A_530, %xor3A_538 : vector<8x2048xi32>
      %shift_left3A_540 = arith.constant 15 : i32
      %shift_left3A_541 = vector.broadcast %shift_left3A_540 : i32 to vector<8x2048xi32>
      %shift_left3A_542 = arith.shli %xor3A_538, %shift_left3A_541 : vector<8x2048xi32>
      %shift_right_logical3A_543 = arith.constant 17 : i32
      %shift_right_logical3A_544 = vector.broadcast %shift_right_logical3A_543 : i32 to vector<8x2048xi32>
      %shift_right_logical3A_545 = arith.shrui %xor3A_538, %shift_right_logical3A_544 : vector<8x2048xi32>
      %or3A_546 = arith.ori %shift_left3A_542, %shift_right_logical3A_545 : vector<8x2048xi32>
      %xor3A_547 = arith.xori %or3A_546, %add3A_539 : vector<8x2048xi32>
      %add3A_548 = arith.addi %add3A_539, %xor3A_547 : vector<8x2048xi32>
      %shift_left3A_549 = arith.constant 26 : i32
      %shift_left3A_550 = vector.broadcast %shift_left3A_549 : i32 to vector<8x2048xi32>
      %shift_left3A_551 = arith.shli %xor3A_547, %shift_left3A_550 : vector<8x2048xi32>
      %shift_right_logical3A_552 = arith.constant 6 : i32
      %shift_right_logical3A_553 = vector.broadcast %shift_right_logical3A_552 : i32 to vector<8x2048xi32>
      %shift_right_logical3A_554 = arith.shrui %xor3A_547, %shift_right_logical3A_553 : vector<8x2048xi32>
      %or3A_555 = arith.ori %shift_left3A_551, %shift_right_logical3A_554 : vector<8x2048xi32>
      %xor3A_556 = arith.xori %or3A_555, %add3A_548 : vector<8x2048xi32>
      %add3A_557 = arith.addi %add3A_548, %xor3A_556 : vector<8x2048xi32>
      %shift_left3A_558 = arith.constant 6 : i32
      %shift_left3A_559 = vector.broadcast %shift_left3A_558 : i32 to vector<8x2048xi32>
      %shift_left3A_560 = arith.shli %xor3A_556, %shift_left3A_559 : vector<8x2048xi32>
      %shift_right_logical3A_561 = arith.constant 26 : i32
      %shift_right_logical3A_562 = vector.broadcast %shift_right_logical3A_561 : i32 to vector<8x2048xi32>
      %shift_right_logical3A_563 = arith.shrui %xor3A_556, %shift_right_logical3A_562 : vector<8x2048xi32>
      %or3A_564 = arith.ori %shift_left3A_560, %shift_right_logical3A_563 : vector<8x2048xi32>
      %xor3A_565 = arith.xori %or3A_564, %add3A_557 : vector<8x2048xi32>
      %add3A_566 = arith.constant -1749498911 : i32
      %add3A_567 = vector.broadcast %add3A_566 : i32 to vector<8x2048xi32>
      %add3A_568 = arith.addi %add3A_557, %add3A_567 : vector<8x2048xi32>
      %add3A_569 = arith.constant 161448895 : i32
      %add3A_570 = vector.broadcast %add3A_569 : i32 to vector<8x2048xi32>
      %add3A_571 = arith.addi %xor3A_565, %add3A_570 : vector<8x2048xi32>
      %add3A_572 = arith.addi %add3A_568, %add3A_571 : vector<8x2048xi32>
      %shift_left3A_573 = arith.constant 17 : i32
      %shift_left3A_574 = vector.broadcast %shift_left3A_573 : i32 to vector<8x2048xi32>
      %shift_left3A_575 = arith.shli %add3A_571, %shift_left3A_574 : vector<8x2048xi32>
      %shift_right_logical3A_576 = arith.constant 15 : i32
      %shift_right_logical3A_577 = vector.broadcast %shift_right_logical3A_576 : i32 to vector<8x2048xi32>
      %shift_right_logical3A_578 = arith.shrui %add3A_571, %shift_right_logical3A_577 : vector<8x2048xi32>
      %or3A_579 = arith.ori %shift_left3A_575, %shift_right_logical3A_578 : vector<8x2048xi32>
      %xor3A_580 = arith.xori %or3A_579, %add3A_572 : vector<8x2048xi32>
      %add3A_581 = arith.addi %add3A_572, %xor3A_580 : vector<8x2048xi32>
      %shift_left3A_582 = arith.constant 29 : i32
      %shift_left3A_583 = vector.broadcast %shift_left3A_582 : i32 to vector<8x2048xi32>
      %shift_left3A_584 = arith.shli %xor3A_580, %shift_left3A_583 : vector<8x2048xi32>
      %shift_right_logical3A_585 = arith.constant 3 : i32
      %shift_right_logical3A_586 = vector.broadcast %shift_right_logical3A_585 : i32 to vector<8x2048xi32>
      %shift_right_logical3A_587 = arith.shrui %xor3A_580, %shift_right_logical3A_586 : vector<8x2048xi32>
      %or3A_588 = arith.ori %shift_left3A_584, %shift_right_logical3A_587 : vector<8x2048xi32>
      %xor3A_589 = arith.xori %or3A_588, %add3A_581 : vector<8x2048xi32>
      %add3A_590 = arith.addi %add3A_581, %xor3A_589 : vector<8x2048xi32>
      %shift_left3A_591 = arith.constant 16 : i32
      %shift_left3A_592 = vector.broadcast %shift_left3A_591 : i32 to vector<8x2048xi32>
      %shift_left3A_593 = arith.shli %xor3A_589, %shift_left3A_592 : vector<8x2048xi32>
      %shift_right_logical3A_594 = arith.constant 16 : i32
      %shift_right_logical3A_595 = vector.broadcast %shift_right_logical3A_594 : i32 to vector<8x2048xi32>
      %shift_right_logical3A_596 = arith.shrui %xor3A_589, %shift_right_logical3A_595 : vector<8x2048xi32>
      %or3A_597 = arith.ori %shift_left3A_593, %shift_right_logical3A_596 : vector<8x2048xi32>
      %xor3A_598 = arith.xori %or3A_597, %add3A_590 : vector<8x2048xi32>
      %add3A_599 = arith.addi %add3A_590, %xor3A_598 : vector<8x2048xi32>
      %shift_left3A_600 = arith.constant 24 : i32
      %shift_left3A_601 = vector.broadcast %shift_left3A_600 : i32 to vector<8x2048xi32>
      %shift_left3A_602 = arith.shli %xor3A_598, %shift_left3A_601 : vector<8x2048xi32>
      %shift_right_logical3A_603 = arith.constant 8 : i32
      %shift_right_logical3A_604 = vector.broadcast %shift_right_logical3A_603 : i32 to vector<8x2048xi32>
      %shift_right_logical3A_605 = arith.shrui %xor3A_598, %shift_right_logical3A_604 : vector<8x2048xi32>
      %or3A_606 = arith.ori %shift_left3A_602, %shift_right_logical3A_605 : vector<8x2048xi32>
      %xor3A_607 = arith.xori %or3A_606, %add3A_599 : vector<8x2048xi32>
      %add3A_608 = arith.constant 161448894 : i32
      %add3A_609 = vector.broadcast %add3A_608 : i32 to vector<8x2048xi32>
      %add3A_610 = arith.addi %add3A_599, %add3A_609 : vector<8x2048xi32>
      %add3A_611 = arith.constant -2047452281 : i32
      %add3A_612 = vector.broadcast %add3A_611 : i32 to vector<8x2048xi32>
      %add3A_613 = arith.addi %xor3A_607, %add3A_612 : vector<8x2048xi32>
      %add3A_614 = arith.addi %add3A_610, %add3A_613 : vector<8x2048xi32>
      %shift_left3A_615 = arith.constant 13 : i32
      %shift_left3A_616 = vector.broadcast %shift_left3A_615 : i32 to vector<8x2048xi32>
      %shift_left3A_617 = arith.shli %add3A_613, %shift_left3A_616 : vector<8x2048xi32>
      %shift_right_logical3A_618 = arith.constant 19 : i32
      %shift_right_logical3A_619 = vector.broadcast %shift_right_logical3A_618 : i32 to vector<8x2048xi32>
      %shift_right_logical3A_620 = arith.shrui %add3A_613, %shift_right_logical3A_619 : vector<8x2048xi32>
      %or3A_621 = arith.ori %shift_left3A_617, %shift_right_logical3A_620 : vector<8x2048xi32>
      %xor3A_622 = arith.xori %or3A_621, %add3A_614 : vector<8x2048xi32>
      %add3A_623 = arith.addi %add3A_614, %xor3A_622 : vector<8x2048xi32>
      %shift_left3A_624 = arith.constant 15 : i32
      %shift_left3A_625 = vector.broadcast %shift_left3A_624 : i32 to vector<8x2048xi32>
      %shift_left3A_626 = arith.shli %xor3A_622, %shift_left3A_625 : vector<8x2048xi32>
      %shift_right_logical3A_627 = arith.constant 17 : i32
      %shift_right_logical3A_628 = vector.broadcast %shift_right_logical3A_627 : i32 to vector<8x2048xi32>
      %shift_right_logical3A_629 = arith.shrui %xor3A_622, %shift_right_logical3A_628 : vector<8x2048xi32>
      %or3A_630 = arith.ori %shift_left3A_626, %shift_right_logical3A_629 : vector<8x2048xi32>
      %xor3A_631 = arith.xori %or3A_630, %add3A_623 : vector<8x2048xi32>
      %add3A_632 = arith.addi %add3A_623, %xor3A_631 : vector<8x2048xi32>
      %shift_left3A_633 = arith.constant 26 : i32
      %shift_left3A_634 = vector.broadcast %shift_left3A_633 : i32 to vector<8x2048xi32>
      %shift_left3A_635 = arith.shli %xor3A_631, %shift_left3A_634 : vector<8x2048xi32>
      %shift_right_logical3A_636 = arith.constant 6 : i32
      %shift_right_logical3A_637 = vector.broadcast %shift_right_logical3A_636 : i32 to vector<8x2048xi32>
      %shift_right_logical3A_638 = arith.shrui %xor3A_631, %shift_right_logical3A_637 : vector<8x2048xi32>
      %or3A_639 = arith.ori %shift_left3A_635, %shift_right_logical3A_638 : vector<8x2048xi32>
      %xor3A_640 = arith.xori %or3A_639, %add3A_632 : vector<8x2048xi32>
      %add3A_641 = arith.addi %add3A_632, %xor3A_640 : vector<8x2048xi32>
      %shift_left3A_642 = arith.constant 6 : i32
      %shift_left3A_643 = vector.broadcast %shift_left3A_642 : i32 to vector<8x2048xi32>
      %shift_left3A_644 = arith.shli %xor3A_640, %shift_left3A_643 : vector<8x2048xi32>
      %shift_right_logical3A_645 = arith.constant 26 : i32
      %shift_right_logical3A_646 = vector.broadcast %shift_right_logical3A_645 : i32 to vector<8x2048xi32>
      %shift_right_logical3A_647 = arith.shrui %xor3A_640, %shift_right_logical3A_646 : vector<8x2048xi32>
      %or3A_648 = arith.ori %shift_left3A_644, %shift_right_logical3A_647 : vector<8x2048xi32>
      %xor3A_649 = arith.xori %or3A_648, %add3A_641 : vector<8x2048xi32>
      %add3A_650 = arith.constant -2047452283 : i32
      %add3A_651 = vector.broadcast %add3A_650 : i32 to vector<8x2048xi32>
      %add3A_652 = arith.addi %add3A_641, %add3A_651 : vector<8x2048xi32>
      %add3A_653 = arith.constant -1749498908 : i32
      %add3A_654 = vector.broadcast %add3A_653 : i32 to vector<8x2048xi32>
      %add3A_655 = arith.addi %xor3A_649, %add3A_654 : vector<8x2048xi32>
      %add3A_656 = arith.addi %add3A_652, %add3A_655 : vector<8x2048xi32>
      %shift_left3A_657 = arith.constant 17 : i32
      %shift_left3A_658 = vector.broadcast %shift_left3A_657 : i32 to vector<8x2048xi32>
      %shift_left3A_659 = arith.shli %add3A_655, %shift_left3A_658 : vector<8x2048xi32>
      %shift_right_logical3A_660 = arith.constant 15 : i32
      %shift_right_logical3A_661 = vector.broadcast %shift_right_logical3A_660 : i32 to vector<8x2048xi32>
      %shift_right_logical3A_662 = arith.shrui %add3A_655, %shift_right_logical3A_661 : vector<8x2048xi32>
      %or3A_663 = arith.ori %shift_left3A_659, %shift_right_logical3A_662 : vector<8x2048xi32>
      %xor3A_664 = arith.xori %or3A_663, %add3A_656 : vector<8x2048xi32>
      %add3A_665 = arith.addi %add3A_656, %xor3A_664 : vector<8x2048xi32>
      %shift_left3A_666 = arith.constant 29 : i32
      %shift_left3A_667 = vector.broadcast %shift_left3A_666 : i32 to vector<8x2048xi32>
      %shift_left3A_668 = arith.shli %xor3A_664, %shift_left3A_667 : vector<8x2048xi32>
      %shift_right_logical3A_669 = arith.constant 3 : i32
      %shift_right_logical3A_670 = vector.broadcast %shift_right_logical3A_669 : i32 to vector<8x2048xi32>
      %shift_right_logical3A_671 = arith.shrui %xor3A_664, %shift_right_logical3A_670 : vector<8x2048xi32>
      %or3A_672 = arith.ori %shift_left3A_668, %shift_right_logical3A_671 : vector<8x2048xi32>
      %xor3A_673 = arith.xori %or3A_672, %add3A_665 : vector<8x2048xi32>
      %add3A_674 = arith.addi %add3A_665, %xor3A_673 : vector<8x2048xi32>
      %shift_left3A_675 = arith.constant 16 : i32
      %shift_left3A_676 = vector.broadcast %shift_left3A_675 : i32 to vector<8x2048xi32>
      %shift_left3A_677 = arith.shli %xor3A_673, %shift_left3A_676 : vector<8x2048xi32>
      %shift_right_logical3A_678 = arith.constant 16 : i32
      %shift_right_logical3A_679 = vector.broadcast %shift_right_logical3A_678 : i32 to vector<8x2048xi32>
      %shift_right_logical3A_680 = arith.shrui %xor3A_673, %shift_right_logical3A_679 : vector<8x2048xi32>
      %or3A_681 = arith.ori %shift_left3A_677, %shift_right_logical3A_680 : vector<8x2048xi32>
      %xor3A_682 = arith.xori %or3A_681, %add3A_674 : vector<8x2048xi32>
      %add3A_683 = arith.addi %add3A_674, %xor3A_682 : vector<8x2048xi32>
      %shift_left3A_684 = arith.constant 24 : i32
      %shift_left3A_685 = vector.broadcast %shift_left3A_684 : i32 to vector<8x2048xi32>
      %shift_left3A_686 = arith.shli %xor3A_682, %shift_left3A_685 : vector<8x2048xi32>
      %shift_right_logical3A_687 = arith.constant 8 : i32
      %shift_right_logical3A_688 = vector.broadcast %shift_right_logical3A_687 : i32 to vector<8x2048xi32>
      %shift_right_logical3A_689 = arith.shrui %xor3A_682, %shift_right_logical3A_688 : vector<8x2048xi32>
      %or3A_690 = arith.ori %shift_left3A_686, %shift_right_logical3A_689 : vector<8x2048xi32>
      %xor3A_691 = arith.xori %or3A_690, %add3A_683 : vector<8x2048xi32>
      %add3A_692 = arith.constant -1749498911 : i32
      %add3A_693 = vector.broadcast %add3A_692 : i32 to vector<8x2048xi32>
      %add3A_694 = arith.addi %add3A_683, %add3A_693 : vector<8x2048xi32>
      %add3A_695 = arith.constant 161448898 : i32
      %add3A_696 = vector.broadcast %add3A_695 : i32 to vector<8x2048xi32>
      %add3A_697 = arith.addi %xor3A_691, %add3A_696 : vector<8x2048xi32>
      %add3A_698 = arith.addi %add3A_694, %add3A_697 : vector<8x2048xi32>
      %shift_left3A_699 = arith.constant 13 : i32
      %shift_left3A_700 = vector.broadcast %shift_left3A_699 : i32 to vector<8x2048xi32>
      %shift_left3A_701 = arith.shli %add3A_697, %shift_left3A_700 : vector<8x2048xi32>
      %shift_right_logical3A_702 = arith.constant 19 : i32
      %shift_right_logical3A_703 = vector.broadcast %shift_right_logical3A_702 : i32 to vector<8x2048xi32>
      %shift_right_logical3A_704 = arith.shrui %add3A_697, %shift_right_logical3A_703 : vector<8x2048xi32>
      %or3A_705 = arith.ori %shift_left3A_701, %shift_right_logical3A_704 : vector<8x2048xi32>
      %xor3A_706 = arith.xori %or3A_705, %add3A_698 : vector<8x2048xi32>
      %add3A_707 = arith.addi %add3A_698, %xor3A_706 : vector<8x2048xi32>
      %shift_left3A_708 = arith.constant 15 : i32
      %shift_left3A_709 = vector.broadcast %shift_left3A_708 : i32 to vector<8x2048xi32>
      %shift_left3A_710 = arith.shli %xor3A_706, %shift_left3A_709 : vector<8x2048xi32>
      %shift_right_logical3A_711 = arith.constant 17 : i32
      %shift_right_logical3A_712 = vector.broadcast %shift_right_logical3A_711 : i32 to vector<8x2048xi32>
      %shift_right_logical3A_713 = arith.shrui %xor3A_706, %shift_right_logical3A_712 : vector<8x2048xi32>
      %or3A_714 = arith.ori %shift_left3A_710, %shift_right_logical3A_713 : vector<8x2048xi32>
      %xor3A_715 = arith.xori %or3A_714, %add3A_707 : vector<8x2048xi32>
      %add3A_716 = arith.addi %add3A_707, %xor3A_715 : vector<8x2048xi32>
      %shift_left3A_717 = arith.constant 26 : i32
      %shift_left3A_718 = vector.broadcast %shift_left3A_717 : i32 to vector<8x2048xi32>
      %shift_left3A_719 = arith.shli %xor3A_715, %shift_left3A_718 : vector<8x2048xi32>
      %shift_right_logical3A_720 = arith.constant 6 : i32
      %shift_right_logical3A_721 = vector.broadcast %shift_right_logical3A_720 : i32 to vector<8x2048xi32>
      %shift_right_logical3A_722 = arith.shrui %xor3A_715, %shift_right_logical3A_721 : vector<8x2048xi32>
      %or3A_723 = arith.ori %shift_left3A_719, %shift_right_logical3A_722 : vector<8x2048xi32>
      %xor3A_724 = arith.xori %or3A_723, %add3A_716 : vector<8x2048xi32>
      %add3A_725 = arith.addi %add3A_716, %xor3A_724 : vector<8x2048xi32>
      %shift_left3A_726 = arith.constant 6 : i32
      %shift_left3A_727 = vector.broadcast %shift_left3A_726 : i32 to vector<8x2048xi32>
      %shift_left3A_728 = arith.shli %xor3A_724, %shift_left3A_727 : vector<8x2048xi32>
      %shift_right_logical3A_729 = arith.constant 26 : i32
      %shift_right_logical3A_730 = vector.broadcast %shift_right_logical3A_729 : i32 to vector<8x2048xi32>
      %shift_right_logical3A_731 = arith.shrui %xor3A_724, %shift_right_logical3A_730 : vector<8x2048xi32>
      %or3A_732 = arith.ori %shift_left3A_728, %shift_right_logical3A_731 : vector<8x2048xi32>
      %xor3A_733 = arith.xori %or3A_732, %add3A_725 : vector<8x2048xi32>
      %add3A_734 = arith.constant 161448894 : i32
      %add3A_735 = vector.broadcast %add3A_734 : i32 to vector<8x2048xi32>
      %add3A_736 = arith.addi %add3A_725, %add3A_735 : vector<8x2048xi32>
      %add3A_737 = arith.constant -2047452278 : i32
      %add3A_738 = vector.broadcast %add3A_737 : i32 to vector<8x2048xi32>
      %add3A_739 = arith.addi %xor3A_733, %add3A_738 : vector<8x2048xi32>
      %xor3A_740 = arith.xori %add3A_736, %add3A_739 : vector<8x2048xi32>
      %shift_right_logical3A_741 = arith.constant 9 : i32
      %shift_right_logical3A_742 = vector.broadcast %shift_right_logical3A_741 : i32 to vector<8x2048xi32>
      %shift_right_logical3A_743 = arith.shrui %xor3A_740, %shift_right_logical3A_742 : vector<8x2048xi32>
      %or3A_744 = arith.constant 1065353216 : i32
      %or3A_745 = vector.broadcast %or3A_744 : i32 to vector<8x2048xi32>
      %or3A_746 = arith.ori %shift_right_logical3A_743, %or3A_745 : vector<8x2048xi32>
      %bitcast_convert_type3A_747 = tpu.bitcast %or3A_746 : vector<8x2048xi32> -> vector<8x2048xf32>
      %sub3A_748 = arith.constant 1.000000e+00 : f32
      %sub3A_749 = vector.broadcast %sub3A_748 : f32 to vector<8x2048xf32>
      %sub3A_750 = arith.subf %bitcast_convert_type3A_747, %sub3A_749 : vector<8x2048xf32>
      %max3A_751 = arith.constant 1.17549435E-38 : f32
      %max3A_752 = vector.broadcast %max3A_751 : f32 to vector<8x2048xf32>
      %max3A_753 = arith.maximumf %sub3A_750, %max3A_752 : vector<8x2048xf32>
      %log3A_754 = math.log %max3A_753 : vector<8x2048xf32>
      %neg3A_755 = arith.constant 0.000000e+00 : f32
      %neg3A_756 = vector.broadcast %neg3A_755 : f32 to vector<8x2048xf32>
      %neg3A_757 = arith.subf %neg3A_756, %log3A_754 : vector<8x2048xf32>
      %log3A_758 = math.log %neg3A_757 : vector<8x2048xf32>
      %neg3A_759 = arith.constant 0.000000e+00 : f32
      %neg3A_760 = vector.broadcast %neg3A_759 : f32 to vector<8x2048xf32>
      %neg3A_761 = arith.subf %neg3A_760, %log3A_758 : vector<8x2048xf32>
      %get3A_762 = arith.constant 0 : index
      %get3A_763 = arith.index_cast %mul3A_525 : i32 to index
      %get3A_764 = vector.load %arg1[%get3A_762, %get3A_763] : memref<1x100352xf32, #tpu.memory_space<vmem>>, vector<1x2048xf32>
      %add3A_765 = vector.broadcast %get3A_764 : vector<1x2048xf32> to vector<8x2048xf32>
      %add3A_766 = arith.addf %neg3A_761, %add3A_765 : vector<8x2048xf32>
      %gt3A_767 = arith.cmpf ogt, %add3A_766, %select_n3A_519 : vector<8x2048xf32>
      %select_n3A_768 = arith.select %gt3A_767, %add3A_766, %select_n3A_519 : vector<8x2048xi1>, vector<8x2048xf32>
      %broadcast_in_dim3A_769 = vector.broadcast %scan3A_523 : i32 to vector<8x2048xi32>
      %select_n3A_770 = arith.select %gt3A_767, %broadcast_in_dim3A_769, %select_n3A_521 : vector<8x2048xi1>, vector<8x2048xi32>
      %scan3A_771 = arith.constant 3 : i32
      %scan3A_772 = arith.addi %scan3A_34, %scan3A_771 : i32
      %mul3A_773 = arith.constant 2048 : i32
      %mul3A_774 = arith.muli %scan3A_772, %mul3A_773 : i32
      %add3A_775 = vector.broadcast %mul3A_774 : i32 to vector<8x2048xi32>
      %add3A_776 = arith.addi %add3A_9, %add3A_775 : vector<8x2048xi32>
      %broadcast_in_dim3A_777 = arith.constant -2047452283 : i32
      %broadcast_in_dim3A_778 = vector.broadcast %broadcast_in_dim3A_777 : i32 to vector<8x2048xi32>
      %add3A_779 = arith.addi %broadcast_in_dim3A_778, %add3A_776 : vector<8x2048xi32>
      %shift_left3A_780 = arith.constant 13 : i32
      %shift_left3A_781 = vector.broadcast %shift_left3A_780 : i32 to vector<8x2048xi32>
      %shift_left3A_782 = arith.shli %add3A_776, %shift_left3A_781 : vector<8x2048xi32>
      %shift_right_logical3A_783 = arith.constant 19 : i32
      %shift_right_logical3A_784 = vector.broadcast %shift_right_logical3A_783 : i32 to vector<8x2048xi32>
      %shift_right_logical3A_785 = arith.shrui %add3A_776, %shift_right_logical3A_784 : vector<8x2048xi32>
      %or3A_786 = arith.ori %shift_left3A_782, %shift_right_logical3A_785 : vector<8x2048xi32>
      %xor3A_787 = arith.xori %or3A_786, %add3A_779 : vector<8x2048xi32>
      %add3A_788 = arith.addi %add3A_779, %xor3A_787 : vector<8x2048xi32>
      %shift_left3A_789 = arith.constant 15 : i32
      %shift_left3A_790 = vector.broadcast %shift_left3A_789 : i32 to vector<8x2048xi32>
      %shift_left3A_791 = arith.shli %xor3A_787, %shift_left3A_790 : vector<8x2048xi32>
      %shift_right_logical3A_792 = arith.constant 17 : i32
      %shift_right_logical3A_793 = vector.broadcast %shift_right_logical3A_792 : i32 to vector<8x2048xi32>
      %shift_right_logical3A_794 = arith.shrui %xor3A_787, %shift_right_logical3A_793 : vector<8x2048xi32>
      %or3A_795 = arith.ori %shift_left3A_791, %shift_right_logical3A_794 : vector<8x2048xi32>
      %xor3A_796 = arith.xori %or3A_795, %add3A_788 : vector<8x2048xi32>
      %add3A_797 = arith.addi %add3A_788, %xor3A_796 : vector<8x2048xi32>
      %shift_left3A_798 = arith.constant 26 : i32
      %shift_left3A_799 = vector.broadcast %shift_left3A_798 : i32 to vector<8x2048xi32>
      %shift_left3A_800 = arith.shli %xor3A_796, %shift_left3A_799 : vector<8x2048xi32>
      %shift_right_logical3A_801 = arith.constant 6 : i32
      %shift_right_logical3A_802 = vector.broadcast %shift_right_logical3A_801 : i32 to vector<8x2048xi32>
      %shift_right_logical3A_803 = arith.shrui %xor3A_796, %shift_right_logical3A_802 : vector<8x2048xi32>
      %or3A_804 = arith.ori %shift_left3A_800, %shift_right_logical3A_803 : vector<8x2048xi32>
      %xor3A_805 = arith.xori %or3A_804, %add3A_797 : vector<8x2048xi32>
      %add3A_806 = arith.addi %add3A_797, %xor3A_805 : vector<8x2048xi32>
      %shift_left3A_807 = arith.constant 6 : i32
      %shift_left3A_808 = vector.broadcast %shift_left3A_807 : i32 to vector<8x2048xi32>
      %shift_left3A_809 = arith.shli %xor3A_805, %shift_left3A_808 : vector<8x2048xi32>
      %shift_right_logical3A_810 = arith.constant 26 : i32
      %shift_right_logical3A_811 = vector.broadcast %shift_right_logical3A_810 : i32 to vector<8x2048xi32>
      %shift_right_logical3A_812 = arith.shrui %xor3A_805, %shift_right_logical3A_811 : vector<8x2048xi32>
      %or3A_813 = arith.ori %shift_left3A_809, %shift_right_logical3A_812 : vector<8x2048xi32>
      %xor3A_814 = arith.xori %or3A_813, %add3A_806 : vector<8x2048xi32>
      %add3A_815 = arith.constant -1749498911 : i32
      %add3A_816 = vector.broadcast %add3A_815 : i32 to vector<8x2048xi32>
      %add3A_817 = arith.addi %add3A_806, %add3A_816 : vector<8x2048xi32>
      %add3A_818 = arith.constant 161448895 : i32
      %add3A_819 = vector.broadcast %add3A_818 : i32 to vector<8x2048xi32>
      %add3A_820 = arith.addi %xor3A_814, %add3A_819 : vector<8x2048xi32>
      %add3A_821 = arith.addi %add3A_817, %add3A_820 : vector<8x2048xi32>
      %shift_left3A_822 = arith.constant 17 : i32
      %shift_left3A_823 = vector.broadcast %shift_left3A_822 : i32 to vector<8x2048xi32>
      %shift_left3A_824 = arith.shli %add3A_820, %shift_left3A_823 : vector<8x2048xi32>
      %shift_right_logical3A_825 = arith.constant 15 : i32
      %shift_right_logical3A_826 = vector.broadcast %shift_right_logical3A_825 : i32 to vector<8x2048xi32>
      %shift_right_logical3A_827 = arith.shrui %add3A_820, %shift_right_logical3A_826 : vector<8x2048xi32>
      %or3A_828 = arith.ori %shift_left3A_824, %shift_right_logical3A_827 : vector<8x2048xi32>
      %xor3A_829 = arith.xori %or3A_828, %add3A_821 : vector<8x2048xi32>
      %add3A_830 = arith.addi %add3A_821, %xor3A_829 : vector<8x2048xi32>
      %shift_left3A_831 = arith.constant 29 : i32
      %shift_left3A_832 = vector.broadcast %shift_left3A_831 : i32 to vector<8x2048xi32>
      %shift_left3A_833 = arith.shli %xor3A_829, %shift_left3A_832 : vector<8x2048xi32>
      %shift_right_logical3A_834 = arith.constant 3 : i32
      %shift_right_logical3A_835 = vector.broadcast %shift_right_logical3A_834 : i32 to vector<8x2048xi32>
      %shift_right_logical3A_836 = arith.shrui %xor3A_829, %shift_right_logical3A_835 : vector<8x2048xi32>
      %or3A_837 = arith.ori %shift_left3A_833, %shift_right_logical3A_836 : vector<8x2048xi32>
      %xor3A_838 = arith.xori %or3A_837, %add3A_830 : vector<8x2048xi32>
      %add3A_839 = arith.addi %add3A_830, %xor3A_838 : vector<8x2048xi32>
      %shift_left3A_840 = arith.constant 16 : i32
      %shift_left3A_841 = vector.broadcast %shift_left3A_840 : i32 to vector<8x2048xi32>
      %shift_left3A_842 = arith.shli %xor3A_838, %shift_left3A_841 : vector<8x2048xi32>
      %shift_right_logical3A_843 = arith.constant 16 : i32
      %shift_right_logical3A_844 = vector.broadcast %shift_right_logical3A_843 : i32 to vector<8x2048xi32>
      %shift_right_logical3A_845 = arith.shrui %xor3A_838, %shift_right_logical3A_844 : vector<8x2048xi32>
      %or3A_846 = arith.ori %shift_left3A_842, %shift_right_logical3A_845 : vector<8x2048xi32>
      %xor3A_847 = arith.xori %or3A_846, %add3A_839 : vector<8x2048xi32>
      %add3A_848 = arith.addi %add3A_839, %xor3A_847 : vector<8x2048xi32>
      %shift_left3A_849 = arith.constant 24 : i32
      %shift_left3A_850 = vector.broadcast %shift_left3A_849 : i32 to vector<8x2048xi32>
      %shift_left3A_851 = arith.shli %xor3A_847, %shift_left3A_850 : vector<8x2048xi32>
      %shift_right_logical3A_852 = arith.constant 8 : i32
      %shift_right_logical3A_853 = vector.broadcast %shift_right_logical3A_852 : i32 to vector<8x2048xi32>
      %shift_right_logical3A_854 = arith.shrui %xor3A_847, %shift_right_logical3A_853 : vector<8x2048xi32>
      %or3A_855 = arith.ori %shift_left3A_851, %shift_right_logical3A_854 : vector<8x2048xi32>
      %xor3A_856 = arith.xori %or3A_855, %add3A_848 : vector<8x2048xi32>
      %add3A_857 = arith.constant 161448894 : i32
      %add3A_858 = vector.broadcast %add3A_857 : i32 to vector<8x2048xi32>
      %add3A_859 = arith.addi %add3A_848, %add3A_858 : vector<8x2048xi32>
      %add3A_860 = arith.constant -2047452281 : i32
      %add3A_861 = vector.broadcast %add3A_860 : i32 to vector<8x2048xi32>
      %add3A_862 = arith.addi %xor3A_856, %add3A_861 : vector<8x2048xi32>
      %add3A_863 = arith.addi %add3A_859, %add3A_862 : vector<8x2048xi32>
      %shift_left3A_864 = arith.constant 13 : i32
      %shift_left3A_865 = vector.broadcast %shift_left3A_864 : i32 to vector<8x2048xi32>
      %shift_left3A_866 = arith.shli %add3A_862, %shift_left3A_865 : vector<8x2048xi32>
      %shift_right_logical3A_867 = arith.constant 19 : i32
      %shift_right_logical3A_868 = vector.broadcast %shift_right_logical3A_867 : i32 to vector<8x2048xi32>
      %shift_right_logical3A_869 = arith.shrui %add3A_862, %shift_right_logical3A_868 : vector<8x2048xi32>
      %or3A_870 = arith.ori %shift_left3A_866, %shift_right_logical3A_869 : vector<8x2048xi32>
      %xor3A_871 = arith.xori %or3A_870, %add3A_863 : vector<8x2048xi32>
      %add3A_872 = arith.addi %add3A_863, %xor3A_871 : vector<8x2048xi32>
      %shift_left3A_873 = arith.constant 15 : i32
      %shift_left3A_874 = vector.broadcast %shift_left3A_873 : i32 to vector<8x2048xi32>
      %shift_left3A_875 = arith.shli %xor3A_871, %shift_left3A_874 : vector<8x2048xi32>
      %shift_right_logical3A_876 = arith.constant 17 : i32
      %shift_right_logical3A_877 = vector.broadcast %shift_right_logical3A_876 : i32 to vector<8x2048xi32>
      %shift_right_logical3A_878 = arith.shrui %xor3A_871, %shift_right_logical3A_877 : vector<8x2048xi32>
      %or3A_879 = arith.ori %shift_left3A_875, %shift_right_logical3A_878 : vector<8x2048xi32>
      %xor3A_880 = arith.xori %or3A_879, %add3A_872 : vector<8x2048xi32>
      %add3A_881 = arith.addi %add3A_872, %xor3A_880 : vector<8x2048xi32>
      %shift_left3A_882 = arith.constant 26 : i32
      %shift_left3A_883 = vector.broadcast %shift_left3A_882 : i32 to vector<8x2048xi32>
      %shift_left3A_884 = arith.shli %xor3A_880, %shift_left3A_883 : vector<8x2048xi32>
      %shift_right_logical3A_885 = arith.constant 6 : i32
      %shift_right_logical3A_886 = vector.broadcast %shift_right_logical3A_885 : i32 to vector<8x2048xi32>
      %shift_right_logical3A_887 = arith.shrui %xor3A_880, %shift_right_logical3A_886 : vector<8x2048xi32>
      %or3A_888 = arith.ori %shift_left3A_884, %shift_right_logical3A_887 : vector<8x2048xi32>
      %xor3A_889 = arith.xori %or3A_888, %add3A_881 : vector<8x2048xi32>
      %add3A_890 = arith.addi %add3A_881, %xor3A_889 : vector<8x2048xi32>
      %shift_left3A_891 = arith.constant 6 : i32
      %shift_left3A_892 = vector.broadcast %shift_left3A_891 : i32 to vector<8x2048xi32>
      %shift_left3A_893 = arith.shli %xor3A_889, %shift_left3A_892 : vector<8x2048xi32>
      %shift_right_logical3A_894 = arith.constant 26 : i32
      %shift_right_logical3A_895 = vector.broadcast %shift_right_logical3A_894 : i32 to vector<8x2048xi32>
      %shift_right_logical3A_896 = arith.shrui %xor3A_889, %shift_right_logical3A_895 : vector<8x2048xi32>
      %or3A_897 = arith.ori %shift_left3A_893, %shift_right_logical3A_896 : vector<8x2048xi32>
      %xor3A_898 = arith.xori %or3A_897, %add3A_890 : vector<8x2048xi32>
      %add3A_899 = arith.constant -2047452283 : i32
      %add3A_900 = vector.broadcast %add3A_899 : i32 to vector<8x2048xi32>
      %add3A_901 = arith.addi %add3A_890, %add3A_900 : vector<8x2048xi32>
      %add3A_902 = arith.constant -1749498908 : i32
      %add3A_903 = vector.broadcast %add3A_902 : i32 to vector<8x2048xi32>
      %add3A_904 = arith.addi %xor3A_898, %add3A_903 : vector<8x2048xi32>
      %add3A_905 = arith.addi %add3A_901, %add3A_904 : vector<8x2048xi32>
      %shift_left3A_906 = arith.constant 17 : i32
      %shift_left3A_907 = vector.broadcast %shift_left3A_906 : i32 to vector<8x2048xi32>
      %shift_left3A_908 = arith.shli %add3A_904, %shift_left3A_907 : vector<8x2048xi32>
      %shift_right_logical3A_909 = arith.constant 15 : i32
      %shift_right_logical3A_910 = vector.broadcast %shift_right_logical3A_909 : i32 to vector<8x2048xi32>
      %shift_right_logical3A_911 = arith.shrui %add3A_904, %shift_right_logical3A_910 : vector<8x2048xi32>
      %or3A_912 = arith.ori %shift_left3A_908, %shift_right_logical3A_911 : vector<8x2048xi32>
      %xor3A_913 = arith.xori %or3A_912, %add3A_905 : vector<8x2048xi32>
      %add3A_914 = arith.addi %add3A_905, %xor3A_913 : vector<8x2048xi32>
      %shift_left3A_915 = arith.constant 29 : i32
      %shift_left3A_916 = vector.broadcast %shift_left3A_915 : i32 to vector<8x2048xi32>
      %shift_left3A_917 = arith.shli %xor3A_913, %shift_left3A_916 : vector<8x2048xi32>
      %shift_right_logical3A_918 = arith.constant 3 : i32
      %shift_right_logical3A_919 = vector.broadcast %shift_right_logical3A_918 : i32 to vector<8x2048xi32>
      %shift_right_logical3A_920 = arith.shrui %xor3A_913, %shift_right_logical3A_919 : vector<8x2048xi32>
      %or3A_921 = arith.ori %shift_left3A_917, %shift_right_logical3A_920 : vector<8x2048xi32>
      %xor3A_922 = arith.xori %or3A_921, %add3A_914 : vector<8x2048xi32>
      %add3A_923 = arith.addi %add3A_914, %xor3A_922 : vector<8x2048xi32>
      %shift_left3A_924 = arith.constant 16 : i32
      %shift_left3A_925 = vector.broadcast %shift_left3A_924 : i32 to vector<8x2048xi32>
      %shift_left3A_926 = arith.shli %xor3A_922, %shift_left3A_925 : vector<8x2048xi32>
      %shift_right_logical3A_927 = arith.constant 16 : i32
      %shift_right_logical3A_928 = vector.broadcast %shift_right_logical3A_927 : i32 to vector<8x2048xi32>
      %shift_right_logical3A_929 = arith.shrui %xor3A_922, %shift_right_logical3A_928 : vector<8x2048xi32>
      %or3A_930 = arith.ori %shift_left3A_926, %shift_right_logical3A_929 : vector<8x2048xi32>
      %xor3A_931 = arith.xori %or3A_930, %add3A_923 : vector<8x2048xi32>
      %add3A_932 = arith.addi %add3A_923, %xor3A_931 : vector<8x2048xi32>
      %shift_left3A_933 = arith.constant 24 : i32
      %shift_left3A_934 = vector.broadcast %shift_left3A_933 : i32 to vector<8x2048xi32>
      %shift_left3A_935 = arith.shli %xor3A_931, %shift_left3A_934 : vector<8x2048xi32>
      %shift_right_logical3A_936 = arith.constant 8 : i32
      %shift_right_logical3A_937 = vector.broadcast %shift_right_logical3A_936 : i32 to vector<8x2048xi32>
      %shift_right_logical3A_938 = arith.shrui %xor3A_931, %shift_right_logical3A_937 : vector<8x2048xi32>
      %or3A_939 = arith.ori %shift_left3A_935, %shift_right_logical3A_938 : vector<8x2048xi32>
      %xor3A_940 = arith.xori %or3A_939, %add3A_932 : vector<8x2048xi32>
      %add3A_941 = arith.constant -1749498911 : i32
      %add3A_942 = vector.broadcast %add3A_941 : i32 to vector<8x2048xi32>
      %add3A_943 = arith.addi %add3A_932, %add3A_942 : vector<8x2048xi32>
      %add3A_944 = arith.constant 161448898 : i32
      %add3A_945 = vector.broadcast %add3A_944 : i32 to vector<8x2048xi32>
      %add3A_946 = arith.addi %xor3A_940, %add3A_945 : vector<8x2048xi32>
      %add3A_947 = arith.addi %add3A_943, %add3A_946 : vector<8x2048xi32>
      %shift_left3A_948 = arith.constant 13 : i32
      %shift_left3A_949 = vector.broadcast %shift_left3A_948 : i32 to vector<8x2048xi32>
      %shift_left3A_950 = arith.shli %add3A_946, %shift_left3A_949 : vector<8x2048xi32>
      %shift_right_logical3A_951 = arith.constant 19 : i32
      %shift_right_logical3A_952 = vector.broadcast %shift_right_logical3A_951 : i32 to vector<8x2048xi32>
      %shift_right_logical3A_953 = arith.shrui %add3A_946, %shift_right_logical3A_952 : vector<8x2048xi32>
      %or3A_954 = arith.ori %shift_left3A_950, %shift_right_logical3A_953 : vector<8x2048xi32>
      %xor3A_955 = arith.xori %or3A_954, %add3A_947 : vector<8x2048xi32>
      %add3A_956 = arith.addi %add3A_947, %xor3A_955 : vector<8x2048xi32>
      %shift_left3A_957 = arith.constant 15 : i32
      %shift_left3A_958 = vector.broadcast %shift_left3A_957 : i32 to vector<8x2048xi32>
      %shift_left3A_959 = arith.shli %xor3A_955, %shift_left3A_958 : vector<8x2048xi32>
      %shift_right_logical3A_960 = arith.constant 17 : i32
      %shift_right_logical3A_961 = vector.broadcast %shift_right_logical3A_960 : i32 to vector<8x2048xi32>
      %shift_right_logical3A_962 = arith.shrui %xor3A_955, %shift_right_logical3A_961 : vector<8x2048xi32>
      %or3A_963 = arith.ori %shift_left3A_959, %shift_right_logical3A_962 : vector<8x2048xi32>
      %xor3A_964 = arith.xori %or3A_963, %add3A_956 : vector<8x2048xi32>
      %add3A_965 = arith.addi %add3A_956, %xor3A_964 : vector<8x2048xi32>
      %shift_left3A_966 = arith.constant 26 : i32
      %shift_left3A_967 = vector.broadcast %shift_left3A_966 : i32 to vector<8x2048xi32>
      %shift_left3A_968 = arith.shli %xor3A_964, %shift_left3A_967 : vector<8x2048xi32>
      %shift_right_logical3A_969 = arith.constant 6 : i32
      %shift_right_logical3A_970 = vector.broadcast %shift_right_logical3A_969 : i32 to vector<8x2048xi32>
      %shift_right_logical3A_971 = arith.shrui %xor3A_964, %shift_right_logical3A_970 : vector<8x2048xi32>
      %or3A_972 = arith.ori %shift_left3A_968, %shift_right_logical3A_971 : vector<8x2048xi32>
      %xor3A_973 = arith.xori %or3A_972, %add3A_965 : vector<8x2048xi32>
      %add3A_974 = arith.addi %add3A_965, %xor3A_973 : vector<8x2048xi32>
      %shift_left3A_975 = arith.constant 6 : i32
      %shift_left3A_976 = vector.broadcast %shift_left3A_975 : i32 to vector<8x2048xi32>
      %shift_left3A_977 = arith.shli %xor3A_973, %shift_left3A_976 : vector<8x2048xi32>
      %shift_right_logical3A_978 = arith.constant 26 : i32
      %shift_right_logical3A_979 = vector.broadcast %shift_right_logical3A_978 : i32 to vector<8x2048xi32>
      %shift_right_logical3A_980 = arith.shrui %xor3A_973, %shift_right_logical3A_979 : vector<8x2048xi32>
      %or3A_981 = arith.ori %shift_left3A_977, %shift_right_logical3A_980 : vector<8x2048xi32>
      %xor3A_982 = arith.xori %or3A_981, %add3A_974 : vector<8x2048xi32>
      %add3A_983 = arith.constant 161448894 : i32
      %add3A_984 = vector.broadcast %add3A_983 : i32 to vector<8x2048xi32>
      %add3A_985 = arith.addi %add3A_974, %add3A_984 : vector<8x2048xi32>
      %add3A_986 = arith.constant -2047452278 : i32
      %add3A_987 = vector.broadcast %add3A_986 : i32 to vector<8x2048xi32>
      %add3A_988 = arith.addi %xor3A_982, %add3A_987 : vector<8x2048xi32>
      %xor3A_989 = arith.xori %add3A_985, %add3A_988 : vector<8x2048xi32>
      %shift_right_logical3A_990 = arith.constant 9 : i32
      %shift_right_logical3A_991 = vector.broadcast %shift_right_logical3A_990 : i32 to vector<8x2048xi32>
      %shift_right_logical3A_992 = arith.shrui %xor3A_989, %shift_right_logical3A_991 : vector<8x2048xi32>
      %or3A_993 = arith.constant 1065353216 : i32
      %or3A_994 = vector.broadcast %or3A_993 : i32 to vector<8x2048xi32>
      %or3A_995 = arith.ori %shift_right_logical3A_992, %or3A_994 : vector<8x2048xi32>
      %bitcast_convert_type3A_996 = tpu.bitcast %or3A_995 : vector<8x2048xi32> -> vector<8x2048xf32>
      %sub3A_997 = arith.constant 1.000000e+00 : f32
      %sub3A_998 = vector.broadcast %sub3A_997 : f32 to vector<8x2048xf32>
      %sub3A_999 = arith.subf %bitcast_convert_type3A_996, %sub3A_998 : vector<8x2048xf32>
      %max3A_1000 = arith.constant 1.17549435E-38 : f32
      %max3A_1001 = vector.broadcast %max3A_1000 : f32 to vector<8x2048xf32>
      %max3A_1002 = arith.maximumf %sub3A_999, %max3A_1001 : vector<8x2048xf32>
      %log3A_1003 = math.log %max3A_1002 : vector<8x2048xf32>
      %neg3A_1004 = arith.constant 0.000000e+00 : f32
      %neg3A_1005 = vector.broadcast %neg3A_1004 : f32 to vector<8x2048xf32>
      %neg3A_1006 = arith.subf %neg3A_1005, %log3A_1003 : vector<8x2048xf32>
      %log3A_1007 = math.log %neg3A_1006 : vector<8x2048xf32>
      %neg3A_1008 = arith.constant 0.000000e+00 : f32
      %neg3A_1009 = vector.broadcast %neg3A_1008 : f32 to vector<8x2048xf32>
      %neg3A_1010 = arith.subf %neg3A_1009, %log3A_1007 : vector<8x2048xf32>
      %get3A_1011 = arith.constant 0 : index
      %get3A_1012 = arith.index_cast %mul3A_774 : i32 to index
      %get3A_1013 = vector.load %arg1[%get3A_1011, %get3A_1012] : memref<1x100352xf32, #tpu.memory_space<vmem>>, vector<1x2048xf32>
      %add3A_1014 = vector.broadcast %get3A_1013 : vector<1x2048xf32> to vector<8x2048xf32>
      %add3A_1015 = arith.addf %neg3A_1010, %add3A_1014 : vector<8x2048xf32>
      %gt3A_1016 = arith.cmpf ogt, %add3A_1015, %select_n3A_768 : vector<8x2048xf32>
      %select_n3A_1017 = arith.select %gt3A_1016, %add3A_1015, %select_n3A_768 : vector<8x2048xi1>, vector<8x2048xf32>
      %broadcast_in_dim3A_1018 = vector.broadcast %scan3A_772 : i32 to vector<8x2048xi32>
      %select_n3A_1019 = arith.select %gt3A_1016, %broadcast_in_dim3A_1018, %select_n3A_770 : vector<8x2048xi1>, vector<8x2048xi32>
      %scan3A_1020 = arith.constant 4 : i32
      %scan3A_1021 = arith.addi %scan3A_34, %scan3A_1020 : i32
      %mul3A_1022 = arith.constant 2048 : i32
      %mul3A_1023 = arith.muli %scan3A_1021, %mul3A_1022 : i32
      %add3A_1024 = vector.broadcast %mul3A_1023 : i32 to vector<8x2048xi32>
      %add3A_1025 = arith.addi %add3A_9, %add3A_1024 : vector<8x2048xi32>
      %broadcast_in_dim3A_1026 = arith.constant -2047452283 : i32
      %broadcast_in_dim3A_1027 = vector.broadcast %broadcast_in_dim3A_1026 : i32 to vector<8x2048xi32>
      %add3A_1028 = arith.addi %broadcast_in_dim3A_1027, %add3A_1025 : vector<8x2048xi32>
      %shift_left3A_1029 = arith.constant 13 : i32
      %shift_left3A_1030 = vector.broadcast %shift_left3A_1029 : i32 to vector<8x2048xi32>
      %shift_left3A_1031 = arith.shli %add3A_1025, %shift_left3A_1030 : vector<8x2048xi32>
      %shift_right_logical3A_1032 = arith.constant 19 : i32
      %shift_right_logical3A_1033 = vector.broadcast %shift_right_logical3A_1032 : i32 to vector<8x2048xi32>
      %shift_right_logical3A_1034 = arith.shrui %add3A_1025, %shift_right_logical3A_1033 : vector<8x2048xi32>
      %or3A_1035 = arith.ori %shift_left3A_1031, %shift_right_logical3A_1034 : vector<8x2048xi32>
      %xor3A_1036 = arith.xori %or3A_1035, %add3A_1028 : vector<8x2048xi32>
      %add3A_1037 = arith.addi %add3A_1028, %xor3A_1036 : vector<8x2048xi32>
      %shift_left3A_1038 = arith.constant 15 : i32
      %shift_left3A_1039 = vector.broadcast %shift_left3A_1038 : i32 to vector<8x2048xi32>
      %shift_left3A_1040 = arith.shli %xor3A_1036, %shift_left3A_1039 : vector<8x2048xi32>
      %shift_right_logical3A_1041 = arith.constant 17 : i32
      %shift_right_logical3A_1042 = vector.broadcast %shift_right_logical3A_1041 : i32 to vector<8x2048xi32>
      %shift_right_logical3A_1043 = arith.shrui %xor3A_1036, %shift_right_logical3A_1042 : vector<8x2048xi32>
      %or3A_1044 = arith.ori %shift_left3A_1040, %shift_right_logical3A_1043 : vector<8x2048xi32>
      %xor3A_1045 = arith.xori %or3A_1044, %add3A_1037 : vector<8x2048xi32>
      %add3A_1046 = arith.addi %add3A_1037, %xor3A_1045 : vector<8x2048xi32>
      %shift_left3A_1047 = arith.constant 26 : i32
      %shift_left3A_1048 = vector.broadcast %shift_left3A_1047 : i32 to vector<8x2048xi32>
      %shift_left3A_1049 = arith.shli %xor3A_1045, %shift_left3A_1048 : vector<8x2048xi32>
      %shift_right_logical3A_1050 = arith.constant 6 : i32
      %shift_right_logical3A_1051 = vector.broadcast %shift_right_logical3A_1050 : i32 to vector<8x2048xi32>
      %shift_right_logical3A_1052 = arith.shrui %xor3A_1045, %shift_right_logical3A_1051 : vector<8x2048xi32>
      %or3A_1053 = arith.ori %shift_left3A_1049, %shift_right_logical3A_1052 : vector<8x2048xi32>
      %xor3A_1054 = arith.xori %or3A_1053, %add3A_1046 : vector<8x2048xi32>
      %add3A_1055 = arith.addi %add3A_1046, %xor3A_1054 : vector<8x2048xi32>
      %shift_left3A_1056 = arith.constant 6 : i32
      %shift_left3A_1057 = vector.broadcast %shift_left3A_1056 : i32 to vector<8x2048xi32>
      %shift_left3A_1058 = arith.shli %xor3A_1054, %shift_left3A_1057 : vector<8x2048xi32>
      %shift_right_logical3A_1059 = arith.constant 26 : i32
      %shift_right_logical3A_1060 = vector.broadcast %shift_right_logical3A_1059 : i32 to vector<8x2048xi32>
      %shift_right_logical3A_1061 = arith.shrui %xor3A_1054, %shift_right_logical3A_1060 : vector<8x2048xi32>
      %or3A_1062 = arith.ori %shift_left3A_1058, %shift_right_logical3A_1061 : vector<8x2048xi32>
      %xor3A_1063 = arith.xori %or3A_1062, %add3A_1055 : vector<8x2048xi32>
      %add3A_1064 = arith.constant -1749498911 : i32
      %add3A_1065 = vector.broadcast %add3A_1064 : i32 to vector<8x2048xi32>
      %add3A_1066 = arith.addi %add3A_1055, %add3A_1065 : vector<8x2048xi32>
      %add3A_1067 = arith.constant 161448895 : i32
      %add3A_1068 = vector.broadcast %add3A_1067 : i32 to vector<8x2048xi32>
      %add3A_1069 = arith.addi %xor3A_1063, %add3A_1068 : vector<8x2048xi32>
      %add3A_1070 = arith.addi %add3A_1066, %add3A_1069 : vector<8x2048xi32>
      %shift_left3A_1071 = arith.constant 17 : i32
      %shift_left3A_1072 = vector.broadcast %shift_left3A_1071 : i32 to vector<8x2048xi32>
      %shift_left3A_1073 = arith.shli %add3A_1069, %shift_left3A_1072 : vector<8x2048xi32>
      %shift_right_logical3A_1074 = arith.constant 15 : i32
      %shift_right_logical3A_1075 = vector.broadcast %shift_right_logical3A_1074 : i32 to vector<8x2048xi32>
      %shift_right_logical3A_1076 = arith.shrui %add3A_1069, %shift_right_logical3A_1075 : vector<8x2048xi32>
      %or3A_1077 = arith.ori %shift_left3A_1073, %shift_right_logical3A_1076 : vector<8x2048xi32>
      %xor3A_1078 = arith.xori %or3A_1077, %add3A_1070 : vector<8x2048xi32>
      %add3A_1079 = arith.addi %add3A_1070, %xor3A_1078 : vector<8x2048xi32>
      %shift_left3A_1080 = arith.constant 29 : i32
      %shift_left3A_1081 = vector.broadcast %shift_left3A_1080 : i32 to vector<8x2048xi32>
      %shift_left3A_1082 = arith.shli %xor3A_1078, %shift_left3A_1081 : vector<8x2048xi32>
      %shift_right_logical3A_1083 = arith.constant 3 : i32
      %shift_right_logical3A_1084 = vector.broadcast %shift_right_logical3A_1083 : i32 to vector<8x2048xi32>
      %shift_right_logical3A_1085 = arith.shrui %xor3A_1078, %shift_right_logical3A_1084 : vector<8x2048xi32>
      %or3A_1086 = arith.ori %shift_left3A_1082, %shift_right_logical3A_1085 : vector<8x2048xi32>
      %xor3A_1087 = arith.xori %or3A_1086, %add3A_1079 : vector<8x2048xi32>
      %add3A_1088 = arith.addi %add3A_1079, %xor3A_1087 : vector<8x2048xi32>
      %shift_left3A_1089 = arith.constant 16 : i32
      %shift_left3A_1090 = vector.broadcast %shift_left3A_1089 : i32 to vector<8x2048xi32>
      %shift_left3A_1091 = arith.shli %xor3A_1087, %shift_left3A_1090 : vector<8x2048xi32>
      %shift_right_logical3A_1092 = arith.constant 16 : i32
      %shift_right_logical3A_1093 = vector.broadcast %shift_right_logical3A_1092 : i32 to vector<8x2048xi32>
      %shift_right_logical3A_1094 = arith.shrui %xor3A_1087, %shift_right_logical3A_1093 : vector<8x2048xi32>
      %or3A_1095 = arith.ori %shift_left3A_1091, %shift_right_logical3A_1094 : vector<8x2048xi32>
      %xor3A_1096 = arith.xori %or3A_1095, %add3A_1088 : vector<8x2048xi32>
      %add3A_1097 = arith.addi %add3A_1088, %xor3A_1096 : vector<8x2048xi32>
      %shift_left3A_1098 = arith.constant 24 : i32
      %shift_left3A_1099 = vector.broadcast %shift_left3A_1098 : i32 to vector<8x2048xi32>
      %shift_left3A_1100 = arith.shli %xor3A_1096, %shift_left3A_1099 : vector<8x2048xi32>
      %shift_right_logical3A_1101 = arith.constant 8 : i32
      %shift_right_logical3A_1102 = vector.broadcast %shift_right_logical3A_1101 : i32 to vector<8x2048xi32>
      %shift_right_logical3A_1103 = arith.shrui %xor3A_1096, %shift_right_logical3A_1102 : vector<8x2048xi32>
      %or3A_1104 = arith.ori %shift_left3A_1100, %shift_right_logical3A_1103 : vector<8x2048xi32>
      %xor3A_1105 = arith.xori %or3A_1104, %add3A_1097 : vector<8x2048xi32>
      %add3A_1106 = arith.constant 161448894 : i32
      %add3A_1107 = vector.broadcast %add3A_1106 : i32 to vector<8x2048xi32>
      %add3A_1108 = arith.addi %add3A_1097, %add3A_1107 : vector<8x2048xi32>
      %add3A_1109 = arith.constant -2047452281 : i32
      %add3A_1110 = vector.broadcast %add3A_1109 : i32 to vector<8x2048xi32>
      %add3A_1111 = arith.addi %xor3A_1105, %add3A_1110 : vector<8x2048xi32>
      %add3A_1112 = arith.addi %add3A_1108, %add3A_1111 : vector<8x2048xi32>
      %shift_left3A_1113 = arith.constant 13 : i32
      %shift_left3A_1114 = vector.broadcast %shift_left3A_1113 : i32 to vector<8x2048xi32>
      %shift_left3A_1115 = arith.shli %add3A_1111, %shift_left3A_1114 : vector<8x2048xi32>
      %shift_right_logical3A_1116 = arith.constant 19 : i32
      %shift_right_logical3A_1117 = vector.broadcast %shift_right_logical3A_1116 : i32 to vector<8x2048xi32>
      %shift_right_logical3A_1118 = arith.shrui %add3A_1111, %shift_right_logical3A_1117 : vector<8x2048xi32>
      %or3A_1119 = arith.ori %shift_left3A_1115, %shift_right_logical3A_1118 : vector<8x2048xi32>
      %xor3A_1120 = arith.xori %or3A_1119, %add3A_1112 : vector<8x2048xi32>
      %add3A_1121 = arith.addi %add3A_1112, %xor3A_1120 : vector<8x2048xi32>
      %shift_left3A_1122 = arith.constant 15 : i32
      %shift_left3A_1123 = vector.broadcast %shift_left3A_1122 : i32 to vector<8x2048xi32>
      %shift_left3A_1124 = arith.shli %xor3A_1120, %shift_left3A_1123 : vector<8x2048xi32>
      %shift_right_logical3A_1125 = arith.constant 17 : i32
      %shift_right_logical3A_1126 = vector.broadcast %shift_right_logical3A_1125 : i32 to vector<8x2048xi32>
      %shift_right_logical3A_1127 = arith.shrui %xor3A_1120, %shift_right_logical3A_1126 : vector<8x2048xi32>
      %or3A_1128 = arith.ori %shift_left3A_1124, %shift_right_logical3A_1127 : vector<8x2048xi32>
      %xor3A_1129 = arith.xori %or3A_1128, %add3A_1121 : vector<8x2048xi32>
      %add3A_1130 = arith.addi %add3A_1121, %xor3A_1129 : vector<8x2048xi32>
      %shift_left3A_1131 = arith.constant 26 : i32
      %shift_left3A_1132 = vector.broadcast %shift_left3A_1131 : i32 to vector<8x2048xi32>
      %shift_left3A_1133 = arith.shli %xor3A_1129, %shift_left3A_1132 : vector<8x2048xi32>
      %shift_right_logical3A_1134 = arith.constant 6 : i32
      %shift_right_logical3A_1135 = vector.broadcast %shift_right_logical3A_1134 : i32 to vector<8x2048xi32>
      %shift_right_logical3A_1136 = arith.shrui %xor3A_1129, %shift_right_logical3A_1135 : vector<8x2048xi32>
      %or3A_1137 = arith.ori %shift_left3A_1133, %shift_right_logical3A_1136 : vector<8x2048xi32>
      %xor3A_1138 = arith.xori %or3A_1137, %add3A_1130 : vector<8x2048xi32>
      %add3A_1139 = arith.addi %add3A_1130, %xor3A_1138 : vector<8x2048xi32>
      %shift_left3A_1140 = arith.constant 6 : i32
      %shift_left3A_1141 = vector.broadcast %shift_left3A_1140 : i32 to vector<8x2048xi32>
      %shift_left3A_1142 = arith.shli %xor3A_1138, %shift_left3A_1141 : vector<8x2048xi32>
      %shift_right_logical3A_1143 = arith.constant 26 : i32
      %shift_right_logical3A_1144 = vector.broadcast %shift_right_logical3A_1143 : i32 to vector<8x2048xi32>
      %shift_right_logical3A_1145 = arith.shrui %xor3A_1138, %shift_right_logical3A_1144 : vector<8x2048xi32>
      %or3A_1146 = arith.ori %shift_left3A_1142, %shift_right_logical3A_1145 : vector<8x2048xi32>
      %xor3A_1147 = arith.xori %or3A_1146, %add3A_1139 : vector<8x2048xi32>
      %add3A_1148 = arith.constant -2047452283 : i32
      %add3A_1149 = vector.broadcast %add3A_1148 : i32 to vector<8x2048xi32>
      %add3A_1150 = arith.addi %add3A_1139, %add3A_1149 : vector<8x2048xi32>
      %add3A_1151 = arith.constant -1749498908 : i32
      %add3A_1152 = vector.broadcast %add3A_1151 : i32 to vector<8x2048xi32>
      %add3A_1153 = arith.addi %xor3A_1147, %add3A_1152 : vector<8x2048xi32>
      %add3A_1154 = arith.addi %add3A_1150, %add3A_1153 : vector<8x2048xi32>
      %shift_left3A_1155 = arith.constant 17 : i32
      %shift_left3A_1156 = vector.broadcast %shift_left3A_1155 : i32 to vector<8x2048xi32>
      %shift_left3A_1157 = arith.shli %add3A_1153, %shift_left3A_1156 : vector<8x2048xi32>
      %shift_right_logical3A_1158 = arith.constant 15 : i32
      %shift_right_logical3A_1159 = vector.broadcast %shift_right_logical3A_1158 : i32 to vector<8x2048xi32>
      %shift_right_logical3A_1160 = arith.shrui %add3A_1153, %shift_right_logical3A_1159 : vector<8x2048xi32>
      %or3A_1161 = arith.ori %shift_left3A_1157, %shift_right_logical3A_1160 : vector<8x2048xi32>
      %xor3A_1162 = arith.xori %or3A_1161, %add3A_1154 : vector<8x2048xi32>
      %add3A_1163 = arith.addi %add3A_1154, %xor3A_1162 : vector<8x2048xi32>
      %shift_left3A_1164 = arith.constant 29 : i32
      %shift_left3A_1165 = vector.broadcast %shift_left3A_1164 : i32 to vector<8x2048xi32>
      %shift_left3A_1166 = arith.shli %xor3A_1162, %shift_left3A_1165 : vector<8x2048xi32>
      %shift_right_logical3A_1167 = arith.constant 3 : i32
      %shift_right_logical3A_1168 = vector.broadcast %shift_right_logical3A_1167 : i32 to vector<8x2048xi32>
      %shift_right_logical3A_1169 = arith.shrui %xor3A_1162, %shift_right_logical3A_1168 : vector<8x2048xi32>
      %or3A_1170 = arith.ori %shift_left3A_1166, %shift_right_logical3A_1169 : vector<8x2048xi32>
      %xor3A_1171 = arith.xori %or3A_1170, %add3A_1163 : vector<8x2048xi32>
      %add3A_1172 = arith.addi %add3A_1163, %xor3A_1171 : vector<8x2048xi32>
      %shift_left3A_1173 = arith.constant 16 : i32
      %shift_left3A_1174 = vector.broadcast %shift_left3A_1173 : i32 to vector<8x2048xi32>
      %shift_left3A_1175 = arith.shli %xor3A_1171, %shift_left3A_1174 : vector<8x2048xi32>
      %shift_right_logical3A_1176 = arith.constant 16 : i32
      %shift_right_logical3A_1177 = vector.broadcast %shift_right_logical3A_1176 : i32 to vector<8x2048xi32>
      %shift_right_logical3A_1178 = arith.shrui %xor3A_1171, %shift_right_logical3A_1177 : vector<8x2048xi32>
      %or3A_1179 = arith.ori %shift_left3A_1175, %shift_right_logical3A_1178 : vector<8x2048xi32>
      %xor3A_1180 = arith.xori %or3A_1179, %add3A_1172 : vector<8x2048xi32>
      %add3A_1181 = arith.addi %add3A_1172, %xor3A_1180 : vector<8x2048xi32>
      %shift_left3A_1182 = arith.constant 24 : i32
      %shift_left3A_1183 = vector.broadcast %shift_left3A_1182 : i32 to vector<8x2048xi32>
      %shift_left3A_1184 = arith.shli %xor3A_1180, %shift_left3A_1183 : vector<8x2048xi32>
      %shift_right_logical3A_1185 = arith.constant 8 : i32
      %shift_right_logical3A_1186 = vector.broadcast %shift_right_logical3A_1185 : i32 to vector<8x2048xi32>
      %shift_right_logical3A_1187 = arith.shrui %xor3A_1180, %shift_right_logical3A_1186 : vector<8x2048xi32>
      %or3A_1188 = arith.ori %shift_left3A_1184, %shift_right_logical3A_1187 : vector<8x2048xi32>
      %xor3A_1189 = arith.xori %or3A_1188, %add3A_1181 : vector<8x2048xi32>
      %add3A_1190 = arith.constant -1749498911 : i32
      %add3A_1191 = vector.broadcast %add3A_1190 : i32 to vector<8x2048xi32>
      %add3A_1192 = arith.addi %add3A_1181, %add3A_1191 : vector<8x2048xi32>
      %add3A_1193 = arith.constant 161448898 : i32
      %add3A_1194 = vector.broadcast %add3A_1193 : i32 to vector<8x2048xi32>
      %add3A_1195 = arith.addi %xor3A_1189, %add3A_1194 : vector<8x2048xi32>
      %add3A_1196 = arith.addi %add3A_1192, %add3A_1195 : vector<8x2048xi32>
      %shift_left3A_1197 = arith.constant 13 : i32
      %shift_left3A_1198 = vector.broadcast %shift_left3A_1197 : i32 to vector<8x2048xi32>
      %shift_left3A_1199 = arith.shli %add3A_1195, %shift_left3A_1198 : vector<8x2048xi32>
      %shift_right_logical3A_1200 = arith.constant 19 : i32
      %shift_right_logical3A_1201 = vector.broadcast %shift_right_logical3A_1200 : i32 to vector<8x2048xi32>
      %shift_right_logical3A_1202 = arith.shrui %add3A_1195, %shift_right_logical3A_1201 : vector<8x2048xi32>
      %or3A_1203 = arith.ori %shift_left3A_1199, %shift_right_logical3A_1202 : vector<8x2048xi32>
      %xor3A_1204 = arith.xori %or3A_1203, %add3A_1196 : vector<8x2048xi32>
      %add3A_1205 = arith.addi %add3A_1196, %xor3A_1204 : vector<8x2048xi32>
      %shift_left3A_1206 = arith.constant 15 : i32
      %shift_left3A_1207 = vector.broadcast %shift_left3A_1206 : i32 to vector<8x2048xi32>
      %shift_left3A_1208 = arith.shli %xor3A_1204, %shift_left3A_1207 : vector<8x2048xi32>
      %shift_right_logical3A_1209 = arith.constant 17 : i32
      %shift_right_logical3A_1210 = vector.broadcast %shift_right_logical3A_1209 : i32 to vector<8x2048xi32>
      %shift_right_logical3A_1211 = arith.shrui %xor3A_1204, %shift_right_logical3A_1210 : vector<8x2048xi32>
      %or3A_1212 = arith.ori %shift_left3A_1208, %shift_right_logical3A_1211 : vector<8x2048xi32>
      %xor3A_1213 = arith.xori %or3A_1212, %add3A_1205 : vector<8x2048xi32>
      %add3A_1214 = arith.addi %add3A_1205, %xor3A_1213 : vector<8x2048xi32>
      %shift_left3A_1215 = arith.constant 26 : i32
      %shift_left3A_1216 = vector.broadcast %shift_left3A_1215 : i32 to vector<8x2048xi32>
      %shift_left3A_1217 = arith.shli %xor3A_1213, %shift_left3A_1216 : vector<8x2048xi32>
      %shift_right_logical3A_1218 = arith.constant 6 : i32
      %shift_right_logical3A_1219 = vector.broadcast %shift_right_logical3A_1218 : i32 to vector<8x2048xi32>
      %shift_right_logical3A_1220 = arith.shrui %xor3A_1213, %shift_right_logical3A_1219 : vector<8x2048xi32>
      %or3A_1221 = arith.ori %shift_left3A_1217, %shift_right_logical3A_1220 : vector<8x2048xi32>
      %xor3A_1222 = arith.xori %or3A_1221, %add3A_1214 : vector<8x2048xi32>
      %add3A_1223 = arith.addi %add3A_1214, %xor3A_1222 : vector<8x2048xi32>
      %shift_left3A_1224 = arith.constant 6 : i32
      %shift_left3A_1225 = vector.broadcast %shift_left3A_1224 : i32 to vector<8x2048xi32>
      %shift_left3A_1226 = arith.shli %xor3A_1222, %shift_left3A_1225 : vector<8x2048xi32>
      %shift_right_logical3A_1227 = arith.constant 26 : i32
      %shift_right_logical3A_1228 = vector.broadcast %shift_right_logical3A_1227 : i32 to vector<8x2048xi32>
      %shift_right_logical3A_1229 = arith.shrui %xor3A_1222, %shift_right_logical3A_1228 : vector<8x2048xi32>
      %or3A_1230 = arith.ori %shift_left3A_1226, %shift_right_logical3A_1229 : vector<8x2048xi32>
      %xor3A_1231 = arith.xori %or3A_1230, %add3A_1223 : vector<8x2048xi32>
      %add3A_1232 = arith.constant 161448894 : i32
      %add3A_1233 = vector.broadcast %add3A_1232 : i32 to vector<8x2048xi32>
      %add3A_1234 = arith.addi %add3A_1223, %add3A_1233 : vector<8x2048xi32>
      %add3A_1235 = arith.constant -2047452278 : i32
      %add3A_1236 = vector.broadcast %add3A_1235 : i32 to vector<8x2048xi32>
      %add3A_1237 = arith.addi %xor3A_1231, %add3A_1236 : vector<8x2048xi32>
      %xor3A_1238 = arith.xori %add3A_1234, %add3A_1237 : vector<8x2048xi32>
      %shift_right_logical3A_1239 = arith.constant 9 : i32
      %shift_right_logical3A_1240 = vector.broadcast %shift_right_logical3A_1239 : i32 to vector<8x2048xi32>
      %shift_right_logical3A_1241 = arith.shrui %xor3A_1238, %shift_right_logical3A_1240 : vector<8x2048xi32>
      %or3A_1242 = arith.constant 1065353216 : i32
      %or3A_1243 = vector.broadcast %or3A_1242 : i32 to vector<8x2048xi32>
      %or3A_1244 = arith.ori %shift_right_logical3A_1241, %or3A_1243 : vector<8x2048xi32>
      %bitcast_convert_type3A_1245 = tpu.bitcast %or3A_1244 : vector<8x2048xi32> -> vector<8x2048xf32>
      %sub3A_1246 = arith.constant 1.000000e+00 : f32
      %sub3A_1247 = vector.broadcast %sub3A_1246 : f32 to vector<8x2048xf32>
      %sub3A_1248 = arith.subf %bitcast_convert_type3A_1245, %sub3A_1247 : vector<8x2048xf32>
      %max3A_1249 = arith.constant 1.17549435E-38 : f32
      %max3A_1250 = vector.broadcast %max3A_1249 : f32 to vector<8x2048xf32>
      %max3A_1251 = arith.maximumf %sub3A_1248, %max3A_1250 : vector<8x2048xf32>
      %log3A_1252 = math.log %max3A_1251 : vector<8x2048xf32>
      %neg3A_1253 = arith.constant 0.000000e+00 : f32
      %neg3A_1254 = vector.broadcast %neg3A_1253 : f32 to vector<8x2048xf32>
      %neg3A_1255 = arith.subf %neg3A_1254, %log3A_1252 : vector<8x2048xf32>
      %log3A_1256 = math.log %neg3A_1255 : vector<8x2048xf32>
      %neg3A_1257 = arith.constant 0.000000e+00 : f32
      %neg3A_1258 = vector.broadcast %neg3A_1257 : f32 to vector<8x2048xf32>
      %neg3A_1259 = arith.subf %neg3A_1258, %log3A_1256 : vector<8x2048xf32>
      %get3A_1260 = arith.constant 0 : index
      %get3A_1261 = arith.index_cast %mul3A_1023 : i32 to index
      %get3A_1262 = vector.load %arg1[%get3A_1260, %get3A_1261] : memref<1x100352xf32, #tpu.memory_space<vmem>>, vector<1x2048xf32>
      %add3A_1263 = vector.broadcast %get3A_1262 : vector<1x2048xf32> to vector<8x2048xf32>
      %add3A_1264 = arith.addf %neg3A_1259, %add3A_1263 : vector<8x2048xf32>
      %gt3A_1265 = arith.cmpf ogt, %add3A_1264, %select_n3A_1017 : vector<8x2048xf32>
      %select_n3A_1266 = arith.select %gt3A_1265, %add3A_1264, %select_n3A_1017 : vector<8x2048xi1>, vector<8x2048xf32>
      %broadcast_in_dim3A_1267 = vector.broadcast %scan3A_1021 : i32 to vector<8x2048xi32>
      %select_n3A_1268 = arith.select %gt3A_1265, %broadcast_in_dim3A_1267, %select_n3A_1019 : vector<8x2048xi1>, vector<8x2048xi32>
      %scan3A_1269 = arith.constant 5 : i32
      %scan3A_1270 = arith.addi %scan3A_34, %scan3A_1269 : i32
      %mul3A_1271 = arith.constant 2048 : i32
      %mul3A_1272 = arith.muli %scan3A_1270, %mul3A_1271 : i32
      %add3A_1273 = vector.broadcast %mul3A_1272 : i32 to vector<8x2048xi32>
      %add3A_1274 = arith.addi %add3A_9, %add3A_1273 : vector<8x2048xi32>
      %broadcast_in_dim3A_1275 = arith.constant -2047452283 : i32
      %broadcast_in_dim3A_1276 = vector.broadcast %broadcast_in_dim3A_1275 : i32 to vector<8x2048xi32>
      %add3A_1277 = arith.addi %broadcast_in_dim3A_1276, %add3A_1274 : vector<8x2048xi32>
      %shift_left3A_1278 = arith.constant 13 : i32
      %shift_left3A_1279 = vector.broadcast %shift_left3A_1278 : i32 to vector<8x2048xi32>
      %shift_left3A_1280 = arith.shli %add3A_1274, %shift_left3A_1279 : vector<8x2048xi32>
      %shift_right_logical3A_1281 = arith.constant 19 : i32
      %shift_right_logical3A_1282 = vector.broadcast %shift_right_logical3A_1281 : i32 to vector<8x2048xi32>
      %shift_right_logical3A_1283 = arith.shrui %add3A_1274, %shift_right_logical3A_1282 : vector<8x2048xi32>
      %or3A_1284 = arith.ori %shift_left3A_1280, %shift_right_logical3A_1283 : vector<8x2048xi32>
      %xor3A_1285 = arith.xori %or3A_1284, %add3A_1277 : vector<8x2048xi32>
      %add3A_1286 = arith.addi %add3A_1277, %xor3A_1285 : vector<8x2048xi32>
      %shift_left3A_1287 = arith.constant 15 : i32
      %shift_left3A_1288 = vector.broadcast %shift_left3A_1287 : i32 to vector<8x2048xi32>
      %shift_left3A_1289 = arith.shli %xor3A_1285, %shift_left3A_1288 : vector<8x2048xi32>
      %shift_right_logical3A_1290 = arith.constant 17 : i32
      %shift_right_logical3A_1291 = vector.broadcast %shift_right_logical3A_1290 : i32 to vector<8x2048xi32>
      %shift_right_logical3A_1292 = arith.shrui %xor3A_1285, %shift_right_logical3A_1291 : vector<8x2048xi32>
      %or3A_1293 = arith.ori %shift_left3A_1289, %shift_right_logical3A_1292 : vector<8x2048xi32>
      %xor3A_1294 = arith.xori %or3A_1293, %add3A_1286 : vector<8x2048xi32>
      %add3A_1295 = arith.addi %add3A_1286, %xor3A_1294 : vector<8x2048xi32>
      %shift_left3A_1296 = arith.constant 26 : i32
      %shift_left3A_1297 = vector.broadcast %shift_left3A_1296 : i32 to vector<8x2048xi32>
      %shift_left3A_1298 = arith.shli %xor3A_1294, %shift_left3A_1297 : vector<8x2048xi32>
      %shift_right_logical3A_1299 = arith.constant 6 : i32
      %shift_right_logical3A_1300 = vector.broadcast %shift_right_logical3A_1299 : i32 to vector<8x2048xi32>
      %shift_right_logical3A_1301 = arith.shrui %xor3A_1294, %shift_right_logical3A_1300 : vector<8x2048xi32>
      %or3A_1302 = arith.ori %shift_left3A_1298, %shift_right_logical3A_1301 : vector<8x2048xi32>
      %xor3A_1303 = arith.xori %or3A_1302, %add3A_1295 : vector<8x2048xi32>
      %add3A_1304 = arith.addi %add3A_1295, %xor3A_1303 : vector<8x2048xi32>
      %shift_left3A_1305 = arith.constant 6 : i32
      %shift_left3A_1306 = vector.broadcast %shift_left3A_1305 : i32 to vector<8x2048xi32>
      %shift_left3A_1307 = arith.shli %xor3A_1303, %shift_left3A_1306 : vector<8x2048xi32>
      %shift_right_logical3A_1308 = arith.constant 26 : i32
      %shift_right_logical3A_1309 = vector.broadcast %shift_right_logical3A_1308 : i32 to vector<8x2048xi32>
      %shift_right_logical3A_1310 = arith.shrui %xor3A_1303, %shift_right_logical3A_1309 : vector<8x2048xi32>
      %or3A_1311 = arith.ori %shift_left3A_1307, %shift_right_logical3A_1310 : vector<8x2048xi32>
      %xor3A_1312 = arith.xori %or3A_1311, %add3A_1304 : vector<8x2048xi32>
      %add3A_1313 = arith.constant -1749498911 : i32
      %add3A_1314 = vector.broadcast %add3A_1313 : i32 to vector<8x2048xi32>
      %add3A_1315 = arith.addi %add3A_1304, %add3A_1314 : vector<8x2048xi32>
      %add3A_1316 = arith.constant 161448895 : i32
      %add3A_1317 = vector.broadcast %add3A_1316 : i32 to vector<8x2048xi32>
      %add3A_1318 = arith.addi %xor3A_1312, %add3A_1317 : vector<8x2048xi32>
      %add3A_1319 = arith.addi %add3A_1315, %add3A_1318 : vector<8x2048xi32>
      %shift_left3A_1320 = arith.constant 17 : i32
      %shift_left3A_1321 = vector.broadcast %shift_left3A_1320 : i32 to vector<8x2048xi32>
      %shift_left3A_1322 = arith.shli %add3A_1318, %shift_left3A_1321 : vector<8x2048xi32>
      %shift_right_logical3A_1323 = arith.constant 15 : i32
      %shift_right_logical3A_1324 = vector.broadcast %shift_right_logical3A_1323 : i32 to vector<8x2048xi32>
      %shift_right_logical3A_1325 = arith.shrui %add3A_1318, %shift_right_logical3A_1324 : vector<8x2048xi32>
      %or3A_1326 = arith.ori %shift_left3A_1322, %shift_right_logical3A_1325 : vector<8x2048xi32>
      %xor3A_1327 = arith.xori %or3A_1326, %add3A_1319 : vector<8x2048xi32>
      %add3A_1328 = arith.addi %add3A_1319, %xor3A_1327 : vector<8x2048xi32>
      %shift_left3A_1329 = arith.constant 29 : i32
      %shift_left3A_1330 = vector.broadcast %shift_left3A_1329 : i32 to vector<8x2048xi32>
      %shift_left3A_1331 = arith.shli %xor3A_1327, %shift_left3A_1330 : vector<8x2048xi32>
      %shift_right_logical3A_1332 = arith.constant 3 : i32
      %shift_right_logical3A_1333 = vector.broadcast %shift_right_logical3A_1332 : i32 to vector<8x2048xi32>
      %shift_right_logical3A_1334 = arith.shrui %xor3A_1327, %shift_right_logical3A_1333 : vector<8x2048xi32>
      %or3A_1335 = arith.ori %shift_left3A_1331, %shift_right_logical3A_1334 : vector<8x2048xi32>
      %xor3A_1336 = arith.xori %or3A_1335, %add3A_1328 : vector<8x2048xi32>
      %add3A_1337 = arith.addi %add3A_1328, %xor3A_1336 : vector<8x2048xi32>
      %shift_left3A_1338 = arith.constant 16 : i32
      %shift_left3A_1339 = vector.broadcast %shift_left3A_1338 : i32 to vector<8x2048xi32>
      %shift_left3A_1340 = arith.shli %xor3A_1336, %shift_left3A_1339 : vector<8x2048xi32>
      %shift_right_logical3A_1341 = arith.constant 16 : i32
      %shift_right_logical3A_1342 = vector.broadcast %shift_right_logical3A_1341 : i32 to vector<8x2048xi32>
      %shift_right_logical3A_1343 = arith.shrui %xor3A_1336, %shift_right_logical3A_1342 : vector<8x2048xi32>
      %or3A_1344 = arith.ori %shift_left3A_1340, %shift_right_logical3A_1343 : vector<8x2048xi32>
      %xor3A_1345 = arith.xori %or3A_1344, %add3A_1337 : vector<8x2048xi32>
      %add3A_1346 = arith.addi %add3A_1337, %xor3A_1345 : vector<8x2048xi32>
      %shift_left3A_1347 = arith.constant 24 : i32
      %shift_left3A_1348 = vector.broadcast %shift_left3A_1347 : i32 to vector<8x2048xi32>
      %shift_left3A_1349 = arith.shli %xor3A_1345, %shift_left3A_1348 : vector<8x2048xi32>
      %shift_right_logical3A_1350 = arith.constant 8 : i32
      %shift_right_logical3A_1351 = vector.broadcast %shift_right_logical3A_1350 : i32 to vector<8x2048xi32>
      %shift_right_logical3A_1352 = arith.shrui %xor3A_1345, %shift_right_logical3A_1351 : vector<8x2048xi32>
      %or3A_1353 = arith.ori %shift_left3A_1349, %shift_right_logical3A_1352 : vector<8x2048xi32>
      %xor3A_1354 = arith.xori %or3A_1353, %add3A_1346 : vector<8x2048xi32>
      %add3A_1355 = arith.constant 161448894 : i32
      %add3A_1356 = vector.broadcast %add3A_1355 : i32 to vector<8x2048xi32>
      %add3A_1357 = arith.addi %add3A_1346, %add3A_1356 : vector<8x2048xi32>
      %add3A_1358 = arith.constant -2047452281 : i32
      %add3A_1359 = vector.broadcast %add3A_1358 : i32 to vector<8x2048xi32>
      %add3A_1360 = arith.addi %xor3A_1354, %add3A_1359 : vector<8x2048xi32>
      %add3A_1361 = arith.addi %add3A_1357, %add3A_1360 : vector<8x2048xi32>
      %shift_left3A_1362 = arith.constant 13 : i32
      %shift_left3A_1363 = vector.broadcast %shift_left3A_1362 : i32 to vector<8x2048xi32>
      %shift_left3A_1364 = arith.shli %add3A_1360, %shift_left3A_1363 : vector<8x2048xi32>
      %shift_right_logical3A_1365 = arith.constant 19 : i32
      %shift_right_logical3A_1366 = vector.broadcast %shift_right_logical3A_1365 : i32 to vector<8x2048xi32>
      %shift_right_logical3A_1367 = arith.shrui %add3A_1360, %shift_right_logical3A_1366 : vector<8x2048xi32>
      %or3A_1368 = arith.ori %shift_left3A_1364, %shift_right_logical3A_1367 : vector<8x2048xi32>
      %xor3A_1369 = arith.xori %or3A_1368, %add3A_1361 : vector<8x2048xi32>
      %add3A_1370 = arith.addi %add3A_1361, %xor3A_1369 : vector<8x2048xi32>
      %shift_left3A_1371 = arith.constant 15 : i32
      %shift_left3A_1372 = vector.broadcast %shift_left3A_1371 : i32 to vector<8x2048xi32>
      %shift_left3A_1373 = arith.shli %xor3A_1369, %shift_left3A_1372 : vector<8x2048xi32>
      %shift_right_logical3A_1374 = arith.constant 17 : i32
      %shift_right_logical3A_1375 = vector.broadcast %shift_right_logical3A_1374 : i32 to vector<8x2048xi32>
      %shift_right_logical3A_1376 = arith.shrui %xor3A_1369, %shift_right_logical3A_1375 : vector<8x2048xi32>
      %or3A_1377 = arith.ori %shift_left3A_1373, %shift_right_logical3A_1376 : vector<8x2048xi32>
      %xor3A_1378 = arith.xori %or3A_1377, %add3A_1370 : vector<8x2048xi32>
      %add3A_1379 = arith.addi %add3A_1370, %xor3A_1378 : vector<8x2048xi32>
      %shift_left3A_1380 = arith.constant 26 : i32
      %shift_left3A_1381 = vector.broadcast %shift_left3A_1380 : i32 to vector<8x2048xi32>
      %shift_left3A_1382 = arith.shli %xor3A_1378, %shift_left3A_1381 : vector<8x2048xi32>
      %shift_right_logical3A_1383 = arith.constant 6 : i32
      %shift_right_logical3A_1384 = vector.broadcast %shift_right_logical3A_1383 : i32 to vector<8x2048xi32>
      %shift_right_logical3A_1385 = arith.shrui %xor3A_1378, %shift_right_logical3A_1384 : vector<8x2048xi32>
      %or3A_1386 = arith.ori %shift_left3A_1382, %shift_right_logical3A_1385 : vector<8x2048xi32>
      %xor3A_1387 = arith.xori %or3A_1386, %add3A_1379 : vector<8x2048xi32>
      %add3A_1388 = arith.addi %add3A_1379, %xor3A_1387 : vector<8x2048xi32>
      %shift_left3A_1389 = arith.constant 6 : i32
      %shift_left3A_1390 = vector.broadcast %shift_left3A_1389 : i32 to vector<8x2048xi32>
      %shift_left3A_1391 = arith.shli %xor3A_1387, %shift_left3A_1390 : vector<8x2048xi32>
      %shift_right_logical3A_1392 = arith.constant 26 : i32
      %shift_right_logical3A_1393 = vector.broadcast %shift_right_logical3A_1392 : i32 to vector<8x2048xi32>
      %shift_right_logical3A_1394 = arith.shrui %xor3A_1387, %shift_right_logical3A_1393 : vector<8x2048xi32>
      %or3A_1395 = arith.ori %shift_left3A_1391, %shift_right_logical3A_1394 : vector<8x2048xi32>
      %xor3A_1396 = arith.xori %or3A_1395, %add3A_1388 : vector<8x2048xi32>
      %add3A_1397 = arith.constant -2047452283 : i32
      %add3A_1398 = vector.broadcast %add3A_1397 : i32 to vector<8x2048xi32>
      %add3A_1399 = arith.addi %add3A_1388, %add3A_1398 : vector<8x2048xi32>
      %add3A_1400 = arith.constant -1749498908 : i32
      %add3A_1401 = vector.broadcast %add3A_1400 : i32 to vector<8x2048xi32>
      %add3A_1402 = arith.addi %xor3A_1396, %add3A_1401 : vector<8x2048xi32>
      %add3A_1403 = arith.addi %add3A_1399, %add3A_1402 : vector<8x2048xi32>
      %shift_left3A_1404 = arith.constant 17 : i32
      %shift_left3A_1405 = vector.broadcast %shift_left3A_1404 : i32 to vector<8x2048xi32>
      %shift_left3A_1406 = arith.shli %add3A_1402, %shift_left3A_1405 : vector<8x2048xi32>
      %shift_right_logical3A_1407 = arith.constant 15 : i32
      %shift_right_logical3A_1408 = vector.broadcast %shift_right_logical3A_1407 : i32 to vector<8x2048xi32>
      %shift_right_logical3A_1409 = arith.shrui %add3A_1402, %shift_right_logical3A_1408 : vector<8x2048xi32>
      %or3A_1410 = arith.ori %shift_left3A_1406, %shift_right_logical3A_1409 : vector<8x2048xi32>
      %xor3A_1411 = arith.xori %or3A_1410, %add3A_1403 : vector<8x2048xi32>
      %add3A_1412 = arith.addi %add3A_1403, %xor3A_1411 : vector<8x2048xi32>
      %shift_left3A_1413 = arith.constant 29 : i32
      %shift_left3A_1414 = vector.broadcast %shift_left3A_1413 : i32 to vector<8x2048xi32>
      %shift_left3A_1415 = arith.shli %xor3A_1411, %shift_left3A_1414 : vector<8x2048xi32>
      %shift_right_logical3A_1416 = arith.constant 3 : i32
      %shift_right_logical3A_1417 = vector.broadcast %shift_right_logical3A_1416 : i32 to vector<8x2048xi32>
      %shift_right_logical3A_1418 = arith.shrui %xor3A_1411, %shift_right_logical3A_1417 : vector<8x2048xi32>
      %or3A_1419 = arith.ori %shift_left3A_1415, %shift_right_logical3A_1418 : vector<8x2048xi32>
      %xor3A_1420 = arith.xori %or3A_1419, %add3A_1412 : vector<8x2048xi32>
      %add3A_1421 = arith.addi %add3A_1412, %xor3A_1420 : vector<8x2048xi32>
      %shift_left3A_1422 = arith.constant 16 : i32
      %shift_left3A_1423 = vector.broadcast %shift_left3A_1422 : i32 to vector<8x2048xi32>
      %shift_left3A_1424 = arith.shli %xor3A_1420, %shift_left3A_1423 : vector<8x2048xi32>
      %shift_right_logical3A_1425 = arith.constant 16 : i32
      %shift_right_logical3A_1426 = vector.broadcast %shift_right_logical3A_1425 : i32 to vector<8x2048xi32>
      %shift_right_logical3A_1427 = arith.shrui %xor3A_1420, %shift_right_logical3A_1426 : vector<8x2048xi32>
      %or3A_1428 = arith.ori %shift_left3A_1424, %shift_right_logical3A_1427 : vector<8x2048xi32>
      %xor3A_1429 = arith.xori %or3A_1428, %add3A_1421 : vector<8x2048xi32>
      %add3A_1430 = arith.addi %add3A_1421, %xor3A_1429 : vector<8x2048xi32>
      %shift_left3A_1431 = arith.constant 24 : i32
      %shift_left3A_1432 = vector.broadcast %shift_left3A_1431 : i32 to vector<8x2048xi32>
      %shift_left3A_1433 = arith.shli %xor3A_1429, %shift_left3A_1432 : vector<8x2048xi32>
      %shift_right_logical3A_1434 = arith.constant 8 : i32
      %shift_right_logical3A_1435 = vector.broadcast %shift_right_logical3A_1434 : i32 to vector<8x2048xi32>
      %shift_right_logical3A_1436 = arith.shrui %xor3A_1429, %shift_right_logical3A_1435 : vector<8x2048xi32>
      %or3A_1437 = arith.ori %shift_left3A_1433, %shift_right_logical3A_1436 : vector<8x2048xi32>
      %xor3A_1438 = arith.xori %or3A_1437, %add3A_1430 : vector<8x2048xi32>
      %add3A_1439 = arith.constant -1749498911 : i32
      %add3A_1440 = vector.broadcast %add3A_1439 : i32 to vector<8x2048xi32>
      %add3A_1441 = arith.addi %add3A_1430, %add3A_1440 : vector<8x2048xi32>
      %add3A_1442 = arith.constant 161448898 : i32
      %add3A_1443 = vector.broadcast %add3A_1442 : i32 to vector<8x2048xi32>
      %add3A_1444 = arith.addi %xor3A_1438, %add3A_1443 : vector<8x2048xi32>
      %add3A_1445 = arith.addi %add3A_1441, %add3A_1444 : vector<8x2048xi32>
      %shift_left3A_1446 = arith.constant 13 : i32
      %shift_left3A_1447 = vector.broadcast %shift_left3A_1446 : i32 to vector<8x2048xi32>
      %shift_left3A_1448 = arith.shli %add3A_1444, %shift_left3A_1447 : vector<8x2048xi32>
      %shift_right_logical3A_1449 = arith.constant 19 : i32
      %shift_right_logical3A_1450 = vector.broadcast %shift_right_logical3A_1449 : i32 to vector<8x2048xi32>
      %shift_right_logical3A_1451 = arith.shrui %add3A_1444, %shift_right_logical3A_1450 : vector<8x2048xi32>
      %or3A_1452 = arith.ori %shift_left3A_1448, %shift_right_logical3A_1451 : vector<8x2048xi32>
      %xor3A_1453 = arith.xori %or3A_1452, %add3A_1445 : vector<8x2048xi32>
      %add3A_1454 = arith.addi %add3A_1445, %xor3A_1453 : vector<8x2048xi32>
      %shift_left3A_1455 = arith.constant 15 : i32
      %shift_left3A_1456 = vector.broadcast %shift_left3A_1455 : i32 to vector<8x2048xi32>
      %shift_left3A_1457 = arith.shli %xor3A_1453, %shift_left3A_1456 : vector<8x2048xi32>
      %shift_right_logical3A_1458 = arith.constant 17 : i32
      %shift_right_logical3A_1459 = vector.broadcast %shift_right_logical3A_1458 : i32 to vector<8x2048xi32>
      %shift_right_logical3A_1460 = arith.shrui %xor3A_1453, %shift_right_logical3A_1459 : vector<8x2048xi32>
      %or3A_1461 = arith.ori %shift_left3A_1457, %shift_right_logical3A_1460 : vector<8x2048xi32>
      %xor3A_1462 = arith.xori %or3A_1461, %add3A_1454 : vector<8x2048xi32>
      %add3A_1463 = arith.addi %add3A_1454, %xor3A_1462 : vector<8x2048xi32>
      %shift_left3A_1464 = arith.constant 26 : i32
      %shift_left3A_1465 = vector.broadcast %shift_left3A_1464 : i32 to vector<8x2048xi32>
      %shift_left3A_1466 = arith.shli %xor3A_1462, %shift_left3A_1465 : vector<8x2048xi32>
      %shift_right_logical3A_1467 = arith.constant 6 : i32
      %shift_right_logical3A_1468 = vector.broadcast %shift_right_logical3A_1467 : i32 to vector<8x2048xi32>
      %shift_right_logical3A_1469 = arith.shrui %xor3A_1462, %shift_right_logical3A_1468 : vector<8x2048xi32>
      %or3A_1470 = arith.ori %shift_left3A_1466, %shift_right_logical3A_1469 : vector<8x2048xi32>
      %xor3A_1471 = arith.xori %or3A_1470, %add3A_1463 : vector<8x2048xi32>
      %add3A_1472 = arith.addi %add3A_1463, %xor3A_1471 : vector<8x2048xi32>
      %shift_left3A_1473 = arith.constant 6 : i32
      %shift_left3A_1474 = vector.broadcast %shift_left3A_1473 : i32 to vector<8x2048xi32>
      %shift_left3A_1475 = arith.shli %xor3A_1471, %shift_left3A_1474 : vector<8x2048xi32>
      %shift_right_logical3A_1476 = arith.constant 26 : i32
      %shift_right_logical3A_1477 = vector.broadcast %shift_right_logical3A_1476 : i32 to vector<8x2048xi32>
      %shift_right_logical3A_1478 = arith.shrui %xor3A_1471, %shift_right_logical3A_1477 : vector<8x2048xi32>
      %or3A_1479 = arith.ori %shift_left3A_1475, %shift_right_logical3A_1478 : vector<8x2048xi32>
      %xor3A_1480 = arith.xori %or3A_1479, %add3A_1472 : vector<8x2048xi32>
      %add3A_1481 = arith.constant 161448894 : i32
      %add3A_1482 = vector.broadcast %add3A_1481 : i32 to vector<8x2048xi32>
      %add3A_1483 = arith.addi %add3A_1472, %add3A_1482 : vector<8x2048xi32>
      %add3A_1484 = arith.constant -2047452278 : i32
      %add3A_1485 = vector.broadcast %add3A_1484 : i32 to vector<8x2048xi32>
      %add3A_1486 = arith.addi %xor3A_1480, %add3A_1485 : vector<8x2048xi32>
      %xor3A_1487 = arith.xori %add3A_1483, %add3A_1486 : vector<8x2048xi32>
      %shift_right_logical3A_1488 = arith.constant 9 : i32
      %shift_right_logical3A_1489 = vector.broadcast %shift_right_logical3A_1488 : i32 to vector<8x2048xi32>
      %shift_right_logical3A_1490 = arith.shrui %xor3A_1487, %shift_right_logical3A_1489 : vector<8x2048xi32>
      %or3A_1491 = arith.constant 1065353216 : i32
      %or3A_1492 = vector.broadcast %or3A_1491 : i32 to vector<8x2048xi32>
      %or3A_1493 = arith.ori %shift_right_logical3A_1490, %or3A_1492 : vector<8x2048xi32>
      %bitcast_convert_type3A_1494 = tpu.bitcast %or3A_1493 : vector<8x2048xi32> -> vector<8x2048xf32>
      %sub3A_1495 = arith.constant 1.000000e+00 : f32
      %sub3A_1496 = vector.broadcast %sub3A_1495 : f32 to vector<8x2048xf32>
      %sub3A_1497 = arith.subf %bitcast_convert_type3A_1494, %sub3A_1496 : vector<8x2048xf32>
      %max3A_1498 = arith.constant 1.17549435E-38 : f32
      %max3A_1499 = vector.broadcast %max3A_1498 : f32 to vector<8x2048xf32>
      %max3A_1500 = arith.maximumf %sub3A_1497, %max3A_1499 : vector<8x2048xf32>
      %log3A_1501 = math.log %max3A_1500 : vector<8x2048xf32>
      %neg3A_1502 = arith.constant 0.000000e+00 : f32
      %neg3A_1503 = vector.broadcast %neg3A_1502 : f32 to vector<8x2048xf32>
      %neg3A_1504 = arith.subf %neg3A_1503, %log3A_1501 : vector<8x2048xf32>
      %log3A_1505 = math.log %neg3A_1504 : vector<8x2048xf32>
      %neg3A_1506 = arith.constant 0.000000e+00 : f32
      %neg3A_1507 = vector.broadcast %neg3A_1506 : f32 to vector<8x2048xf32>
      %neg3A_1508 = arith.subf %neg3A_1507, %log3A_1505 : vector<8x2048xf32>
      %get3A_1509 = arith.constant 0 : index
      %get3A_1510 = arith.index_cast %mul3A_1272 : i32 to index
      %get3A_1511 = vector.load %arg1[%get3A_1509, %get3A_1510] : memref<1x100352xf32, #tpu.memory_space<vmem>>, vector<1x2048xf32>
      %add3A_1512 = vector.broadcast %get3A_1511 : vector<1x2048xf32> to vector<8x2048xf32>
      %add3A_1513 = arith.addf %neg3A_1508, %add3A_1512 : vector<8x2048xf32>
      %gt3A_1514 = arith.cmpf ogt, %add3A_1513, %select_n3A_1266 : vector<8x2048xf32>
      %select_n3A_1515 = arith.select %gt3A_1514, %add3A_1513, %select_n3A_1266 : vector<8x2048xi1>, vector<8x2048xf32>
      %broadcast_in_dim3A_1516 = vector.broadcast %scan3A_1270 : i32 to vector<8x2048xi32>
      %select_n3A_1517 = arith.select %gt3A_1514, %broadcast_in_dim3A_1516, %select_n3A_1268 : vector<8x2048xi1>, vector<8x2048xi32>
      %scan3A_1518 = arith.constant 6 : i32
      %scan3A_1519 = arith.addi %scan3A_34, %scan3A_1518 : i32
      %mul3A_1520 = arith.constant 2048 : i32
      %mul3A_1521 = arith.muli %scan3A_1519, %mul3A_1520 : i32
      %add3A_1522 = vector.broadcast %mul3A_1521 : i32 to vector<8x2048xi32>
      %add3A_1523 = arith.addi %add3A_9, %add3A_1522 : vector<8x2048xi32>
      %broadcast_in_dim3A_1524 = arith.constant -2047452283 : i32
      %broadcast_in_dim3A_1525 = vector.broadcast %broadcast_in_dim3A_1524 : i32 to vector<8x2048xi32>
      %add3A_1526 = arith.addi %broadcast_in_dim3A_1525, %add3A_1523 : vector<8x2048xi32>
      %shift_left3A_1527 = arith.constant 13 : i32
      %shift_left3A_1528 = vector.broadcast %shift_left3A_1527 : i32 to vector<8x2048xi32>
      %shift_left3A_1529 = arith.shli %add3A_1523, %shift_left3A_1528 : vector<8x2048xi32>
      %shift_right_logical3A_1530 = arith.constant 19 : i32
      %shift_right_logical3A_1531 = vector.broadcast %shift_right_logical3A_1530 : i32 to vector<8x2048xi32>
      %shift_right_logical3A_1532 = arith.shrui %add3A_1523, %shift_right_logical3A_1531 : vector<8x2048xi32>
      %or3A_1533 = arith.ori %shift_left3A_1529, %shift_right_logical3A_1532 : vector<8x2048xi32>
      %xor3A_1534 = arith.xori %or3A_1533, %add3A_1526 : vector<8x2048xi32>
      %add3A_1535 = arith.addi %add3A_1526, %xor3A_1534 : vector<8x2048xi32>
      %shift_left3A_1536 = arith.constant 15 : i32
      %shift_left3A_1537 = vector.broadcast %shift_left3A_1536 : i32 to vector<8x2048xi32>
      %shift_left3A_1538 = arith.shli %xor3A_1534, %shift_left3A_1537 : vector<8x2048xi32>
      %shift_right_logical3A_1539 = arith.constant 17 : i32
      %shift_right_logical3A_1540 = vector.broadcast %shift_right_logical3A_1539 : i32 to vector<8x2048xi32>
      %shift_right_logical3A_1541 = arith.shrui %xor3A_1534, %shift_right_logical3A_1540 : vector<8x2048xi32>
      %or3A_1542 = arith.ori %shift_left3A_1538, %shift_right_logical3A_1541 : vector<8x2048xi32>
      %xor3A_1543 = arith.xori %or3A_1542, %add3A_1535 : vector<8x2048xi32>
      %add3A_1544 = arith.addi %add3A_1535, %xor3A_1543 : vector<8x2048xi32>
      %shift_left3A_1545 = arith.constant 26 : i32
      %shift_left3A_1546 = vector.broadcast %shift_left3A_1545 : i32 to vector<8x2048xi32>
      %shift_left3A_1547 = arith.shli %xor3A_1543, %shift_left3A_1546 : vector<8x2048xi32>
      %shift_right_logical3A_1548 = arith.constant 6 : i32
      %shift_right_logical3A_1549 = vector.broadcast %shift_right_logical3A_1548 : i32 to vector<8x2048xi32>
      %shift_right_logical3A_1550 = arith.shrui %xor3A_1543, %shift_right_logical3A_1549 : vector<8x2048xi32>
      %or3A_1551 = arith.ori %shift_left3A_1547, %shift_right_logical3A_1550 : vector<8x2048xi32>
      %xor3A_1552 = arith.xori %or3A_1551, %add3A_1544 : vector<8x2048xi32>
      %add3A_1553 = arith.addi %add3A_1544, %xor3A_1552 : vector<8x2048xi32>
      %shift_left3A_1554 = arith.constant 6 : i32
      %shift_left3A_1555 = vector.broadcast %shift_left3A_1554 : i32 to vector<8x2048xi32>
      %shift_left3A_1556 = arith.shli %xor3A_1552, %shift_left3A_1555 : vector<8x2048xi32>
      %shift_right_logical3A_1557 = arith.constant 26 : i32
      %shift_right_logical3A_1558 = vector.broadcast %shift_right_logical3A_1557 : i32 to vector<8x2048xi32>
      %shift_right_logical3A_1559 = arith.shrui %xor3A_1552, %shift_right_logical3A_1558 : vector<8x2048xi32>
      %or3A_1560 = arith.ori %shift_left3A_1556, %shift_right_logical3A_1559 : vector<8x2048xi32>
      %xor3A_1561 = arith.xori %or3A_1560, %add3A_1553 : vector<8x2048xi32>
      %add3A_1562 = arith.constant -1749498911 : i32
      %add3A_1563 = vector.broadcast %add3A_1562 : i32 to vector<8x2048xi32>
      %add3A_1564 = arith.addi %add3A_1553, %add3A_1563 : vector<8x2048xi32>
      %add3A_1565 = arith.constant 161448895 : i32
      %add3A_1566 = vector.broadcast %add3A_1565 : i32 to vector<8x2048xi32>
      %add3A_1567 = arith.addi %xor3A_1561, %add3A_1566 : vector<8x2048xi32>
      %add3A_1568 = arith.addi %add3A_1564, %add3A_1567 : vector<8x2048xi32>
      %shift_left3A_1569 = arith.constant 17 : i32
      %shift_left3A_1570 = vector.broadcast %shift_left3A_1569 : i32 to vector<8x2048xi32>
      %shift_left3A_1571 = arith.shli %add3A_1567, %shift_left3A_1570 : vector<8x2048xi32>
      %shift_right_logical3A_1572 = arith.constant 15 : i32
      %shift_right_logical3A_1573 = vector.broadcast %shift_right_logical3A_1572 : i32 to vector<8x2048xi32>
      %shift_right_logical3A_1574 = arith.shrui %add3A_1567, %shift_right_logical3A_1573 : vector<8x2048xi32>
      %or3A_1575 = arith.ori %shift_left3A_1571, %shift_right_logical3A_1574 : vector<8x2048xi32>
      %xor3A_1576 = arith.xori %or3A_1575, %add3A_1568 : vector<8x2048xi32>
      %add3A_1577 = arith.addi %add3A_1568, %xor3A_1576 : vector<8x2048xi32>
      %shift_left3A_1578 = arith.constant 29 : i32
      %shift_left3A_1579 = vector.broadcast %shift_left3A_1578 : i32 to vector<8x2048xi32>
      %shift_left3A_1580 = arith.shli %xor3A_1576, %shift_left3A_1579 : vector<8x2048xi32>
      %shift_right_logical3A_1581 = arith.constant 3 : i32
      %shift_right_logical3A_1582 = vector.broadcast %shift_right_logical3A_1581 : i32 to vector<8x2048xi32>
      %shift_right_logical3A_1583 = arith.shrui %xor3A_1576, %shift_right_logical3A_1582 : vector<8x2048xi32>
      %or3A_1584 = arith.ori %shift_left3A_1580, %shift_right_logical3A_1583 : vector<8x2048xi32>
      %xor3A_1585 = arith.xori %or3A_1584, %add3A_1577 : vector<8x2048xi32>
      %add3A_1586 = arith.addi %add3A_1577, %xor3A_1585 : vector<8x2048xi32>
      %shift_left3A_1587 = arith.constant 16 : i32
      %shift_left3A_1588 = vector.broadcast %shift_left3A_1587 : i32 to vector<8x2048xi32>
      %shift_left3A_1589 = arith.shli %xor3A_1585, %shift_left3A_1588 : vector<8x2048xi32>
      %shift_right_logical3A_1590 = arith.constant 16 : i32
      %shift_right_logical3A_1591 = vector.broadcast %shift_right_logical3A_1590 : i32 to vector<8x2048xi32>
      %shift_right_logical3A_1592 = arith.shrui %xor3A_1585, %shift_right_logical3A_1591 : vector<8x2048xi32>
      %or3A_1593 = arith.ori %shift_left3A_1589, %shift_right_logical3A_1592 : vector<8x2048xi32>
      %xor3A_1594 = arith.xori %or3A_1593, %add3A_1586 : vector<8x2048xi32>
      %add3A_1595 = arith.addi %add3A_1586, %xor3A_1594 : vector<8x2048xi32>
      %shift_left3A_1596 = arith.constant 24 : i32
      %shift_left3A_1597 = vector.broadcast %shift_left3A_1596 : i32 to vector<8x2048xi32>
      %shift_left3A_1598 = arith.shli %xor3A_1594, %shift_left3A_1597 : vector<8x2048xi32>
      %shift_right_logical3A_1599 = arith.constant 8 : i32
      %shift_right_logical3A_1600 = vector.broadcast %shift_right_logical3A_1599 : i32 to vector<8x2048xi32>
      %shift_right_logical3A_1601 = arith.shrui %xor3A_1594, %shift_right_logical3A_1600 : vector<8x2048xi32>
      %or3A_1602 = arith.ori %shift_left3A_1598, %shift_right_logical3A_1601 : vector<8x2048xi32>
      %xor3A_1603 = arith.xori %or3A_1602, %add3A_1595 : vector<8x2048xi32>
      %add3A_1604 = arith.constant 161448894 : i32
      %add3A_1605 = vector.broadcast %add3A_1604 : i32 to vector<8x2048xi32>
      %add3A_1606 = arith.addi %add3A_1595, %add3A_1605 : vector<8x2048xi32>
      %add3A_1607 = arith.constant -2047452281 : i32
      %add3A_1608 = vector.broadcast %add3A_1607 : i32 to vector<8x2048xi32>
      %add3A_1609 = arith.addi %xor3A_1603, %add3A_1608 : vector<8x2048xi32>
      %add3A_1610 = arith.addi %add3A_1606, %add3A_1609 : vector<8x2048xi32>
      %shift_left3A_1611 = arith.constant 13 : i32
      %shift_left3A_1612 = vector.broadcast %shift_left3A_1611 : i32 to vector<8x2048xi32>
      %shift_left3A_1613 = arith.shli %add3A_1609, %shift_left3A_1612 : vector<8x2048xi32>
      %shift_right_logical3A_1614 = arith.constant 19 : i32
      %shift_right_logical3A_1615 = vector.broadcast %shift_right_logical3A_1614 : i32 to vector<8x2048xi32>
      %shift_right_logical3A_1616 = arith.shrui %add3A_1609, %shift_right_logical3A_1615 : vector<8x2048xi32>
      %or3A_1617 = arith.ori %shift_left3A_1613, %shift_right_logical3A_1616 : vector<8x2048xi32>
      %xor3A_1618 = arith.xori %or3A_1617, %add3A_1610 : vector<8x2048xi32>
      %add3A_1619 = arith.addi %add3A_1610, %xor3A_1618 : vector<8x2048xi32>
      %shift_left3A_1620 = arith.constant 15 : i32
      %shift_left3A_1621 = vector.broadcast %shift_left3A_1620 : i32 to vector<8x2048xi32>
      %shift_left3A_1622 = arith.shli %xor3A_1618, %shift_left3A_1621 : vector<8x2048xi32>
      %shift_right_logical3A_1623 = arith.constant 17 : i32
      %shift_right_logical3A_1624 = vector.broadcast %shift_right_logical3A_1623 : i32 to vector<8x2048xi32>
      %shift_right_logical3A_1625 = arith.shrui %xor3A_1618, %shift_right_logical3A_1624 : vector<8x2048xi32>
      %or3A_1626 = arith.ori %shift_left3A_1622, %shift_right_logical3A_1625 : vector<8x2048xi32>
      %xor3A_1627 = arith.xori %or3A_1626, %add3A_1619 : vector<8x2048xi32>
      %add3A_1628 = arith.addi %add3A_1619, %xor3A_1627 : vector<8x2048xi32>
      %shift_left3A_1629 = arith.constant 26 : i32
      %shift_left3A_1630 = vector.broadcast %shift_left3A_1629 : i32 to vector<8x2048xi32>
      %shift_left3A_1631 = arith.shli %xor3A_1627, %shift_left3A_1630 : vector<8x2048xi32>
      %shift_right_logical3A_1632 = arith.constant 6 : i32
      %shift_right_logical3A_1633 = vector.broadcast %shift_right_logical3A_1632 : i32 to vector<8x2048xi32>
      %shift_right_logical3A_1634 = arith.shrui %xor3A_1627, %shift_right_logical3A_1633 : vector<8x2048xi32>
      %or3A_1635 = arith.ori %shift_left3A_1631, %shift_right_logical3A_1634 : vector<8x2048xi32>
      %xor3A_1636 = arith.xori %or3A_1635, %add3A_1628 : vector<8x2048xi32>
      %add3A_1637 = arith.addi %add3A_1628, %xor3A_1636 : vector<8x2048xi32>
      %shift_left3A_1638 = arith.constant 6 : i32
      %shift_left3A_1639 = vector.broadcast %shift_left3A_1638 : i32 to vector<8x2048xi32>
      %shift_left3A_1640 = arith.shli %xor3A_1636, %shift_left3A_1639 : vector<8x2048xi32>
      %shift_right_logical3A_1641 = arith.constant 26 : i32
      %shift_right_logical3A_1642 = vector.broadcast %shift_right_logical3A_1641 : i32 to vector<8x2048xi32>
      %shift_right_logical3A_1643 = arith.shrui %xor3A_1636, %shift_right_logical3A_1642 : vector<8x2048xi32>
      %or3A_1644 = arith.ori %shift_left3A_1640, %shift_right_logical3A_1643 : vector<8x2048xi32>
      %xor3A_1645 = arith.xori %or3A_1644, %add3A_1637 : vector<8x2048xi32>
      %add3A_1646 = arith.constant -2047452283 : i32
      %add3A_1647 = vector.broadcast %add3A_1646 : i32 to vector<8x2048xi32>
      %add3A_1648 = arith.addi %add3A_1637, %add3A_1647 : vector<8x2048xi32>
      %add3A_1649 = arith.constant -1749498908 : i32
      %add3A_1650 = vector.broadcast %add3A_1649 : i32 to vector<8x2048xi32>
      %add3A_1651 = arith.addi %xor3A_1645, %add3A_1650 : vector<8x2048xi32>
      %add3A_1652 = arith.addi %add3A_1648, %add3A_1651 : vector<8x2048xi32>
      %shift_left3A_1653 = arith.constant 17 : i32
      %shift_left3A_1654 = vector.broadcast %shift_left3A_1653 : i32 to vector<8x2048xi32>
      %shift_left3A_1655 = arith.shli %add3A_1651, %shift_left3A_1654 : vector<8x2048xi32>
      %shift_right_logical3A_1656 = arith.constant 15 : i32
      %shift_right_logical3A_1657 = vector.broadcast %shift_right_logical3A_1656 : i32 to vector<8x2048xi32>
      %shift_right_logical3A_1658 = arith.shrui %add3A_1651, %shift_right_logical3A_1657 : vector<8x2048xi32>
      %or3A_1659 = arith.ori %shift_left3A_1655, %shift_right_logical3A_1658 : vector<8x2048xi32>
      %xor3A_1660 = arith.xori %or3A_1659, %add3A_1652 : vector<8x2048xi32>
      %add3A_1661 = arith.addi %add3A_1652, %xor3A_1660 : vector<8x2048xi32>
      %shift_left3A_1662 = arith.constant 29 : i32
      %shift_left3A_1663 = vector.broadcast %shift_left3A_1662 : i32 to vector<8x2048xi32>
      %shift_left3A_1664 = arith.shli %xor3A_1660, %shift_left3A_1663 : vector<8x2048xi32>
      %shift_right_logical3A_1665 = arith.constant 3 : i32
      %shift_right_logical3A_1666 = vector.broadcast %shift_right_logical3A_1665 : i32 to vector<8x2048xi32>
      %shift_right_logical3A_1667 = arith.shrui %xor3A_1660, %shift_right_logical3A_1666 : vector<8x2048xi32>
      %or3A_1668 = arith.ori %shift_left3A_1664, %shift_right_logical3A_1667 : vector<8x2048xi32>
      %xor3A_1669 = arith.xori %or3A_1668, %add3A_1661 : vector<8x2048xi32>
      %add3A_1670 = arith.addi %add3A_1661, %xor3A_1669 : vector<8x2048xi32>
      %shift_left3A_1671 = arith.constant 16 : i32
      %shift_left3A_1672 = vector.broadcast %shift_left3A_1671 : i32 to vector<8x2048xi32>
      %shift_left3A_1673 = arith.shli %xor3A_1669, %shift_left3A_1672 : vector<8x2048xi32>
      %shift_right_logical3A_1674 = arith.constant 16 : i32
      %shift_right_logical3A_1675 = vector.broadcast %shift_right_logical3A_1674 : i32 to vector<8x2048xi32>
      %shift_right_logical3A_1676 = arith.shrui %xor3A_1669, %shift_right_logical3A_1675 : vector<8x2048xi32>
      %or3A_1677 = arith.ori %shift_left3A_1673, %shift_right_logical3A_1676 : vector<8x2048xi32>
      %xor3A_1678 = arith.xori %or3A_1677, %add3A_1670 : vector<8x2048xi32>
      %add3A_1679 = arith.addi %add3A_1670, %xor3A_1678 : vector<8x2048xi32>
      %shift_left3A_1680 = arith.constant 24 : i32
      %shift_left3A_1681 = vector.broadcast %shift_left3A_1680 : i32 to vector<8x2048xi32>
      %shift_left3A_1682 = arith.shli %xor3A_1678, %shift_left3A_1681 : vector<8x2048xi32>
      %shift_right_logical3A_1683 = arith.constant 8 : i32
      %shift_right_logical3A_1684 = vector.broadcast %shift_right_logical3A_1683 : i32 to vector<8x2048xi32>
      %shift_right_logical3A_1685 = arith.shrui %xor3A_1678, %shift_right_logical3A_1684 : vector<8x2048xi32>
      %or3A_1686 = arith.ori %shift_left3A_1682, %shift_right_logical3A_1685 : vector<8x2048xi32>
      %xor3A_1687 = arith.xori %or3A_1686, %add3A_1679 : vector<8x2048xi32>
      %add3A_1688 = arith.constant -1749498911 : i32
      %add3A_1689 = vector.broadcast %add3A_1688 : i32 to vector<8x2048xi32>
      %add3A_1690 = arith.addi %add3A_1679, %add3A_1689 : vector<8x2048xi32>
      %add3A_1691 = arith.constant 161448898 : i32
      %add3A_1692 = vector.broadcast %add3A_1691 : i32 to vector<8x2048xi32>
      %add3A_1693 = arith.addi %xor3A_1687, %add3A_1692 : vector<8x2048xi32>
      %add3A_1694 = arith.addi %add3A_1690, %add3A_1693 : vector<8x2048xi32>
      %shift_left3A_1695 = arith.constant 13 : i32
      %shift_left3A_1696 = vector.broadcast %shift_left3A_1695 : i32 to vector<8x2048xi32>
      %shift_left3A_1697 = arith.shli %add3A_1693, %shift_left3A_1696 : vector<8x2048xi32>
      %shift_right_logical3A_1698 = arith.constant 19 : i32
      %shift_right_logical3A_1699 = vector.broadcast %shift_right_logical3A_1698 : i32 to vector<8x2048xi32>
      %shift_right_logical3A_1700 = arith.shrui %add3A_1693, %shift_right_logical3A_1699 : vector<8x2048xi32>
      %or3A_1701 = arith.ori %shift_left3A_1697, %shift_right_logical3A_1700 : vector<8x2048xi32>
      %xor3A_1702 = arith.xori %or3A_1701, %add3A_1694 : vector<8x2048xi32>
      %add3A_1703 = arith.addi %add3A_1694, %xor3A_1702 : vector<8x2048xi32>
      %shift_left3A_1704 = arith.constant 15 : i32
      %shift_left3A_1705 = vector.broadcast %shift_left3A_1704 : i32 to vector<8x2048xi32>
      %shift_left3A_1706 = arith.shli %xor3A_1702, %shift_left3A_1705 : vector<8x2048xi32>
      %shift_right_logical3A_1707 = arith.constant 17 : i32
      %shift_right_logical3A_1708 = vector.broadcast %shift_right_logical3A_1707 : i32 to vector<8x2048xi32>
      %shift_right_logical3A_1709 = arith.shrui %xor3A_1702, %shift_right_logical3A_1708 : vector<8x2048xi32>
      %or3A_1710 = arith.ori %shift_left3A_1706, %shift_right_logical3A_1709 : vector<8x2048xi32>
      %xor3A_1711 = arith.xori %or3A_1710, %add3A_1703 : vector<8x2048xi32>
      %add3A_1712 = arith.addi %add3A_1703, %xor3A_1711 : vector<8x2048xi32>
      %shift_left3A_1713 = arith.constant 26 : i32
      %shift_left3A_1714 = vector.broadcast %shift_left3A_1713 : i32 to vector<8x2048xi32>
      %shift_left3A_1715 = arith.shli %xor3A_1711, %shift_left3A_1714 : vector<8x2048xi32>
      %shift_right_logical3A_1716 = arith.constant 6 : i32
      %shift_right_logical3A_1717 = vector.broadcast %shift_right_logical3A_1716 : i32 to vector<8x2048xi32>
      %shift_right_logical3A_1718 = arith.shrui %xor3A_1711, %shift_right_logical3A_1717 : vector<8x2048xi32>
      %or3A_1719 = arith.ori %shift_left3A_1715, %shift_right_logical3A_1718 : vector<8x2048xi32>
      %xor3A_1720 = arith.xori %or3A_1719, %add3A_1712 : vector<8x2048xi32>
      %add3A_1721 = arith.addi %add3A_1712, %xor3A_1720 : vector<8x2048xi32>
      %shift_left3A_1722 = arith.constant 6 : i32
      %shift_left3A_1723 = vector.broadcast %shift_left3A_1722 : i32 to vector<8x2048xi32>
      %shift_left3A_1724 = arith.shli %xor3A_1720, %shift_left3A_1723 : vector<8x2048xi32>
      %shift_right_logical3A_1725 = arith.constant 26 : i32
      %shift_right_logical3A_1726 = vector.broadcast %shift_right_logical3A_1725 : i32 to vector<8x2048xi32>
      %shift_right_logical3A_1727 = arith.shrui %xor3A_1720, %shift_right_logical3A_1726 : vector<8x2048xi32>
      %or3A_1728 = arith.ori %shift_left3A_1724, %shift_right_logical3A_1727 : vector<8x2048xi32>
      %xor3A_1729 = arith.xori %or3A_1728, %add3A_1721 : vector<8x2048xi32>
      %add3A_1730 = arith.constant 161448894 : i32
      %add3A_1731 = vector.broadcast %add3A_1730 : i32 to vector<8x2048xi32>
      %add3A_1732 = arith.addi %add3A_1721, %add3A_1731 : vector<8x2048xi32>
      %add3A_1733 = arith.constant -2047452278 : i32
      %add3A_1734 = vector.broadcast %add3A_1733 : i32 to vector<8x2048xi32>
      %add3A_1735 = arith.addi %xor3A_1729, %add3A_1734 : vector<8x2048xi32>
      %xor3A_1736 = arith.xori %add3A_1732, %add3A_1735 : vector<8x2048xi32>
      %shift_right_logical3A_1737 = arith.constant 9 : i32
      %shift_right_logical3A_1738 = vector.broadcast %shift_right_logical3A_1737 : i32 to vector<8x2048xi32>
      %shift_right_logical3A_1739 = arith.shrui %xor3A_1736, %shift_right_logical3A_1738 : vector<8x2048xi32>
      %or3A_1740 = arith.constant 1065353216 : i32
      %or3A_1741 = vector.broadcast %or3A_1740 : i32 to vector<8x2048xi32>
      %or3A_1742 = arith.ori %shift_right_logical3A_1739, %or3A_1741 : vector<8x2048xi32>
      %bitcast_convert_type3A_1743 = tpu.bitcast %or3A_1742 : vector<8x2048xi32> -> vector<8x2048xf32>
      %sub3A_1744 = arith.constant 1.000000e+00 : f32
      %sub3A_1745 = vector.broadcast %sub3A_1744 : f32 to vector<8x2048xf32>
      %sub3A_1746 = arith.subf %bitcast_convert_type3A_1743, %sub3A_1745 : vector<8x2048xf32>
      %max3A_1747 = arith.constant 1.17549435E-38 : f32
      %max3A_1748 = vector.broadcast %max3A_1747 : f32 to vector<8x2048xf32>
      %max3A_1749 = arith.maximumf %sub3A_1746, %max3A_1748 : vector<8x2048xf32>
      %log3A_1750 = math.log %max3A_1749 : vector<8x2048xf32>
      %neg3A_1751 = arith.constant 0.000000e+00 : f32
      %neg3A_1752 = vector.broadcast %neg3A_1751 : f32 to vector<8x2048xf32>
      %neg3A_1753 = arith.subf %neg3A_1752, %log3A_1750 : vector<8x2048xf32>
      %log3A_1754 = math.log %neg3A_1753 : vector<8x2048xf32>
      %neg3A_1755 = arith.constant 0.000000e+00 : f32
      %neg3A_1756 = vector.broadcast %neg3A_1755 : f32 to vector<8x2048xf32>
      %neg3A_1757 = arith.subf %neg3A_1756, %log3A_1754 : vector<8x2048xf32>
      %get3A_1758 = arith.constant 0 : index
      %get3A_1759 = arith.index_cast %mul3A_1521 : i32 to index
      %get3A_1760 = vector.load %arg1[%get3A_1758, %get3A_1759] : memref<1x100352xf32, #tpu.memory_space<vmem>>, vector<1x2048xf32>
      %add3A_1761 = vector.broadcast %get3A_1760 : vector<1x2048xf32> to vector<8x2048xf32>
      %add3A_1762 = arith.addf %neg3A_1757, %add3A_1761 : vector<8x2048xf32>
      %gt3A_1763 = arith.cmpf ogt, %add3A_1762, %select_n3A_1515 : vector<8x2048xf32>
      %select_n3A_1764 = arith.select %gt3A_1763, %add3A_1762, %select_n3A_1515 : vector<8x2048xi1>, vector<8x2048xf32>
      %broadcast_in_dim3A_1765 = vector.broadcast %scan3A_1519 : i32 to vector<8x2048xi32>
      %select_n3A_1766 = arith.select %gt3A_1763, %broadcast_in_dim3A_1765, %select_n3A_1517 : vector<8x2048xi1>, vector<8x2048xi32>
      scf.yield %select_n3A_1764, %select_n3A_1766 : vector<8x2048xf32>, vector<8x2048xi32>
    }
    %scan3A_17 = arith.constant 49 : i32
    %iota3A_18 = tpu.iota {dimensions = array<i32: 1>} : vector<8x2048xi32>
    %mul3A_19 = arith.constant 2048 : i32
    %mul3A_20 = vector.broadcast %mul3A_19 : i32 to vector<8x2048xi32>
    %mul3A_21 = arith.muli %scan3A_16#1, %mul3A_20 : vector<8x2048xi32>
    %add3A_22 = arith.addi %mul3A_21, %iota3A_18 : vector<8x2048xi32>
    %reduce_max3A = arith.constant dense<0xFF800000> : vector<8xf32>
    %reduce_max3A_23 = vector.multi_reduction <maximumf>, %scan3A_16#0, %reduce_max3A [1] : vector<8x2048xf32> to vector<8xf32>
    %broadcast_in_dim3A_24 = vector.shape_cast %reduce_max3A_23 : vector<8xf32> to vector<8x1xf32>
    %eq3A = vector.broadcast %broadcast_in_dim3A_24 : vector<8x1xf32> to vector<8x2048xf32>
    %eq3A_25 = arith.cmpf oeq, %scan3A_16#0, %eq3A : vector<8x2048xf32>
    %jit3A = arith.constant 2147483647 : i32
    %broadcast_in_dim3A_26 = vector.broadcast %jit3A : i32 to vector<8x2048xi32>
    %select_n3A = arith.select %eq3A_25, %add3A_22, %broadcast_in_dim3A_26 : vector<8x2048xi1>, vector<8x2048xi32>
    %reduce_min3A = arith.constant dense<2147483647> : vector<8xi32>
    %reduce_min3A_27 = vector.multi_reduction <minsi>, %select_n3A, %reduce_min3A [1] : vector<8x2048xi32> to vector<8xi32>
    %broadcast_in_dim3A_28 = vector.shape_cast %reduce_min3A_27 : vector<8xi32> to vector<8x1xi32>
    %swap3A = arith.constant 0 : index
    %swap3A_29 = arith.constant 0 : index
    %swap3A_30 = arith.constant 0 : index
    %swap3A_31 = vector.load %arg2[%swap3A, %swap3A_29, %swap3A_30] : memref<1x8x1xi32, #tpu.memory_space<vmem>>, vector<1x8x1xi32>
    %swap3A_32 = vector.shape_cast %swap3A_31 : vector<1x8x1xi32> to vector<8x1xi32>
    %swap3A_33 = vector.shape_cast %broadcast_in_dim3A_28 : vector<8x1xi32> to vector<1x8x1xi32>
    tpu.vector_store %arg2[%swap3A, %swap3A_29, %swap3A_30], %swap3A_33 {strides = array<i32>} : memref<1x8x1xi32, #tpu.memory_space<vmem>>, vector<1x8x1xi32>,
    return
  }
  func.func @transform_0(%arg0: i32) -> (i32, i32) {
    %c0_i32 = arith.constant 0 : i32
    %c0_i32_0 = arith.constant 0 : i32
    %c0_i32_1 = arith.constant 0 : i32
    return %c0_i32, %c0_i32_0 : i32, i32
  }
  func.func @transform_1(%arg0: i32) -> (i32, i32, i32) {
    %c0_i32 = arith.constant 0 : i32
    %c0_i32_0 = arith.constant 0 : i32
    %c0_i32_1 = arith.constant 0 : i32
    return %arg0, %c0_i32, %c0_i32_0 : i32, i32, i32
  }
}

module attributes {stable_mosaic.version = 14 : i64} {
  func.func @_finisher_body(%arg0: i32, %arg1: memref<1x100352xf32, #tpu.memory_space<vmem>>, %arg2: memref<8x100352xi32, #tpu.memory_space<vmem>>, %arg3: memref<1x8x1xi32, #tpu.memory_space<vmem>>) attributes {dimension_semantics = [#tpu.dimension_semantics<parallel>], iteration_bounds = array<i64: 148>, scalar_prefetch = 0 : i64, scratch_operands = 0 : i64, tpu.core_type = #tpu.core_type<tc>, window_params = [{pipeline_mode = #tpu.pipeline_mode<synchronous>, transform_indices = @transform_0, window_bounds = array<i64: 1, 100352>}, {transform_indices = @transform_1, window_bounds = array<i64: 8, 100352>}, {transform_indices = @transform_2, window_bounds = array<i64: 1, 8, 1>}]} {
    %broadcast_in_dim3A = arith.constant 0xFF800000 : f32
    %broadcast_in_dim3A_0 = vector.broadcast %broadcast_in_dim3A : f32 to vector<8x2048xf32>
    %broadcast_in_dim3A_1 = arith.constant 0 : i32
    %broadcast_in_dim3A_2 = vector.broadcast %broadcast_in_dim3A_1 : i32 to vector<8x2048xi32>
    %scan3A = arith.constant 0 : i32
    %scan3A_3 = arith.constant 49 : i32
    %scan3A_4 = arith.addi %scan3A, %scan3A_3 : i32
    %scan3A_5 = arith.constant 7 : i32
    %scan3A_6:2 = scf.for %scan3A_21 = %scan3A to %scan3A_4 step %scan3A_5 iter_args(%scan3A_22 = %broadcast_in_dim3A_0, %scan3A_23 = %broadcast_in_dim3A_2) -> (vector<8x2048xf32>, vector<8x2048xi32>)  : i32 {
      %mul3A_24 = arith.constant 2048 : i32
      %mul3A_25 = arith.muli %scan3A_21, %mul3A_24 : i32
      %get3A = arith.constant 0 : index
      %get3A_26 = arith.index_cast %mul3A_25 : i32 to index
      %get3A_27 = vector.load %arg2[%get3A, %get3A_26] : memref<8x100352xi32, #tpu.memory_space<vmem>>, vector<8x2048xi32>
      %shift_right_logical3A = arith.constant 9 : i32
      %shift_right_logical3A_28 = vector.broadcast %shift_right_logical3A : i32 to vector<8x2048xi32>
      %shift_right_logical3A_29 = arith.shrui %get3A_27, %shift_right_logical3A_28 : vector<8x2048xi32>
      %or3A = arith.constant 1065353216 : i32
      %or3A_30 = vector.broadcast %or3A : i32 to vector<8x2048xi32>
      %or3A_31 = arith.ori %shift_right_logical3A_29, %or3A_30 : vector<8x2048xi32>
      %bitcast_convert_type3A = tpu.bitcast %or3A_31 : vector<8x2048xi32> -> vector<8x2048xf32>
      %sub3A = arith.constant 1.000000e+00 : f32
      %sub3A_32 = vector.broadcast %sub3A : f32 to vector<8x2048xf32>
      %sub3A_33 = arith.subf %bitcast_convert_type3A, %sub3A_32 : vector<8x2048xf32>
      %max3A = arith.constant 1.17549435E-38 : f32
      %max3A_34 = vector.broadcast %max3A : f32 to vector<8x2048xf32>
      %max3A_35 = arith.maximumf %sub3A_33, %max3A_34 : vector<8x2048xf32>
      %log3A = math.log %max3A_35 : vector<8x2048xf32>
      %neg3A = arith.constant 0.000000e+00 : f32
      %neg3A_36 = vector.broadcast %neg3A : f32 to vector<8x2048xf32>
      %neg3A_37 = arith.subf %neg3A_36, %log3A : vector<8x2048xf32>
      %log3A_38 = math.log %neg3A_37 : vector<8x2048xf32>
      %neg3A_39 = arith.constant 0.000000e+00 : f32
      %neg3A_40 = vector.broadcast %neg3A_39 : f32 to vector<8x2048xf32>
      %neg3A_41 = arith.subf %neg3A_40, %log3A_38 : vector<8x2048xf32>
      %get3A_42 = arith.constant 0 : index
      %get3A_43 = arith.index_cast %mul3A_25 : i32 to index
      %get3A_44 = vector.load %arg1[%get3A_42, %get3A_43] : memref<1x100352xf32, #tpu.memory_space<vmem>>, vector<1x2048xf32>
      %add3A_45 = vector.broadcast %get3A_44 : vector<1x2048xf32> to vector<8x2048xf32>
      %add3A_46 = arith.addf %neg3A_41, %add3A_45 : vector<8x2048xf32>
      %gt3A = arith.cmpf ogt, %add3A_46, %scan3A_22 : vector<8x2048xf32>
      %select_n3A_47 = arith.select %gt3A, %add3A_46, %scan3A_22 : vector<8x2048xi1>, vector<8x2048xf32>
      %broadcast_in_dim3A_48 = vector.broadcast %scan3A_21 : i32 to vector<8x2048xi32>
      %select_n3A_49 = arith.select %gt3A, %broadcast_in_dim3A_48, %scan3A_23 : vector<8x2048xi1>, vector<8x2048xi32>
      %scan3A_50 = arith.constant 1 : i32
      %scan3A_51 = arith.addi %scan3A_21, %scan3A_50 : i32
      %mul3A_52 = arith.constant 2048 : i32
      %mul3A_53 = arith.muli %scan3A_51, %mul3A_52 : i32
      %get3A_54 = arith.constant 0 : index
      %get3A_55 = arith.index_cast %mul3A_53 : i32 to index
      %get3A_56 = vector.load %arg2[%get3A_54, %get3A_55] : memref<8x100352xi32, #tpu.memory_space<vmem>>, vector<8x2048xi32>
      %shift_right_logical3A_57 = arith.constant 9 : i32
      %shift_right_logical3A_58 = vector.broadcast %shift_right_logical3A_57 : i32 to vector<8x2048xi32>
      %shift_right_logical3A_59 = arith.shrui %get3A_56, %shift_right_logical3A_58 : vector<8x2048xi32>
      %or3A_60 = arith.constant 1065353216 : i32
      %or3A_61 = vector.broadcast %or3A_60 : i32 to vector<8x2048xi32>
      %or3A_62 = arith.ori %shift_right_logical3A_59, %or3A_61 : vector<8x2048xi32>
      %bitcast_convert_type3A_63 = tpu.bitcast %or3A_62 : vector<8x2048xi32> -> vector<8x2048xf32>
      %sub3A_64 = arith.constant 1.000000e+00 : f32
      %sub3A_65 = vector.broadcast %sub3A_64 : f32 to vector<8x2048xf32>
      %sub3A_66 = arith.subf %bitcast_convert_type3A_63, %sub3A_65 : vector<8x2048xf32>
      %max3A_67 = arith.constant 1.17549435E-38 : f32
      %max3A_68 = vector.broadcast %max3A_67 : f32 to vector<8x2048xf32>
      %max3A_69 = arith.maximumf %sub3A_66, %max3A_68 : vector<8x2048xf32>
      %log3A_70 = math.log %max3A_69 : vector<8x2048xf32>
      %neg3A_71 = arith.constant 0.000000e+00 : f32
      %neg3A_72 = vector.broadcast %neg3A_71 : f32 to vector<8x2048xf32>
      %neg3A_73 = arith.subf %neg3A_72, %log3A_70 : vector<8x2048xf32>
      %log3A_74 = math.log %neg3A_73 : vector<8x2048xf32>
      %neg3A_75 = arith.constant 0.000000e+00 : f32
      %neg3A_76 = vector.broadcast %neg3A_75 : f32 to vector<8x2048xf32>
      %neg3A_77 = arith.subf %neg3A_76, %log3A_74 : vector<8x2048xf32>
      %get3A_78 = arith.constant 0 : index
      %get3A_79 = arith.index_cast %mul3A_53 : i32 to index
      %get3A_80 = vector.load %arg1[%get3A_78, %get3A_79] : memref<1x100352xf32, #tpu.memory_space<vmem>>, vector<1x2048xf32>
      %add3A_81 = vector.broadcast %get3A_80 : vector<1x2048xf32> to vector<8x2048xf32>
      %add3A_82 = arith.addf %neg3A_77, %add3A_81 : vector<8x2048xf32>
      %gt3A_83 = arith.cmpf ogt, %add3A_82, %select_n3A_47 : vector<8x2048xf32>
      %select_n3A_84 = arith.select %gt3A_83, %add3A_82, %select_n3A_47 : vector<8x2048xi1>, vector<8x2048xf32>
      %broadcast_in_dim3A_85 = vector.broadcast %scan3A_51 : i32 to vector<8x2048xi32>
      %select_n3A_86 = arith.select %gt3A_83, %broadcast_in_dim3A_85, %select_n3A_49 : vector<8x2048xi1>, vector<8x2048xi32>
      %scan3A_87 = arith.constant 2 : i32
      %scan3A_88 = arith.addi %scan3A_21, %scan3A_87 : i32
      %mul3A_89 = arith.constant 2048 : i32
      %mul3A_90 = arith.muli %scan3A_88, %mul3A_89 : i32
      %get3A_91 = arith.constant 0 : index
      %get3A_92 = arith.index_cast %mul3A_90 : i32 to index
      %get3A_93 = vector.load %arg2[%get3A_91, %get3A_92] : memref<8x100352xi32, #tpu.memory_space<vmem>>, vector<8x2048xi32>
      %shift_right_logical3A_94 = arith.constant 9 : i32
      %shift_right_logical3A_95 = vector.broadcast %shift_right_logical3A_94 : i32 to vector<8x2048xi32>
      %shift_right_logical3A_96 = arith.shrui %get3A_93, %shift_right_logical3A_95 : vector<8x2048xi32>
      %or3A_97 = arith.constant 1065353216 : i32
      %or3A_98 = vector.broadcast %or3A_97 : i32 to vector<8x2048xi32>
      %or3A_99 = arith.ori %shift_right_logical3A_96, %or3A_98 : vector<8x2048xi32>
      %bitcast_convert_type3A_100 = tpu.bitcast %or3A_99 : vector<8x2048xi32> -> vector<8x2048xf32>
      %sub3A_101 = arith.constant 1.000000e+00 : f32
      %sub3A_102 = vector.broadcast %sub3A_101 : f32 to vector<8x2048xf32>
      %sub3A_103 = arith.subf %bitcast_convert_type3A_100, %sub3A_102 : vector<8x2048xf32>
      %max3A_104 = arith.constant 1.17549435E-38 : f32
      %max3A_105 = vector.broadcast %max3A_104 : f32 to vector<8x2048xf32>
      %max3A_106 = arith.maximumf %sub3A_103, %max3A_105 : vector<8x2048xf32>
      %log3A_107 = math.log %max3A_106 : vector<8x2048xf32>
      %neg3A_108 = arith.constant 0.000000e+00 : f32
      %neg3A_109 = vector.broadcast %neg3A_108 : f32 to vector<8x2048xf32>
      %neg3A_110 = arith.subf %neg3A_109, %log3A_107 : vector<8x2048xf32>
      %log3A_111 = math.log %neg3A_110 : vector<8x2048xf32>
      %neg3A_112 = arith.constant 0.000000e+00 : f32
      %neg3A_113 = vector.broadcast %neg3A_112 : f32 to vector<8x2048xf32>
      %neg3A_114 = arith.subf %neg3A_113, %log3A_111 : vector<8x2048xf32>
      %get3A_115 = arith.constant 0 : index
      %get3A_116 = arith.index_cast %mul3A_90 : i32 to index
      %get3A_117 = vector.load %arg1[%get3A_115, %get3A_116] : memref<1x100352xf32, #tpu.memory_space<vmem>>, vector<1x2048xf32>
      %add3A_118 = vector.broadcast %get3A_117 : vector<1x2048xf32> to vector<8x2048xf32>
      %add3A_119 = arith.addf %neg3A_114, %add3A_118 : vector<8x2048xf32>
      %gt3A_120 = arith.cmpf ogt, %add3A_119, %select_n3A_84 : vector<8x2048xf32>
      %select_n3A_121 = arith.select %gt3A_120, %add3A_119, %select_n3A_84 : vector<8x2048xi1>, vector<8x2048xf32>
      %broadcast_in_dim3A_122 = vector.broadcast %scan3A_88 : i32 to vector<8x2048xi32>
      %select_n3A_123 = arith.select %gt3A_120, %broadcast_in_dim3A_122, %select_n3A_86 : vector<8x2048xi1>, vector<8x2048xi32>
      %scan3A_124 = arith.constant 3 : i32
      %scan3A_125 = arith.addi %scan3A_21, %scan3A_124 : i32
      %mul3A_126 = arith.constant 2048 : i32
      %mul3A_127 = arith.muli %scan3A_125, %mul3A_126 : i32
      %get3A_128 = arith.constant 0 : index
      %get3A_129 = arith.index_cast %mul3A_127 : i32 to index
      %get3A_130 = vector.load %arg2[%get3A_128, %get3A_129] : memref<8x100352xi32, #tpu.memory_space<vmem>>, vector<8x2048xi32>
      %shift_right_logical3A_131 = arith.constant 9 : i32
      %shift_right_logical3A_132 = vector.broadcast %shift_right_logical3A_131 : i32 to vector<8x2048xi32>
      %shift_right_logical3A_133 = arith.shrui %get3A_130, %shift_right_logical3A_132 : vector<8x2048xi32>
      %or3A_134 = arith.constant 1065353216 : i32
      %or3A_135 = vector.broadcast %or3A_134 : i32 to vector<8x2048xi32>
      %or3A_136 = arith.ori %shift_right_logical3A_133, %or3A_135 : vector<8x2048xi32>
      %bitcast_convert_type3A_137 = tpu.bitcast %or3A_136 : vector<8x2048xi32> -> vector<8x2048xf32>
      %sub3A_138 = arith.constant 1.000000e+00 : f32
      %sub3A_139 = vector.broadcast %sub3A_138 : f32 to vector<8x2048xf32>
      %sub3A_140 = arith.subf %bitcast_convert_type3A_137, %sub3A_139 : vector<8x2048xf32>
      %max3A_141 = arith.constant 1.17549435E-38 : f32
      %max3A_142 = vector.broadcast %max3A_141 : f32 to vector<8x2048xf32>
      %max3A_143 = arith.maximumf %sub3A_140, %max3A_142 : vector<8x2048xf32>
      %log3A_144 = math.log %max3A_143 : vector<8x2048xf32>
      %neg3A_145 = arith.constant 0.000000e+00 : f32
      %neg3A_146 = vector.broadcast %neg3A_145 : f32 to vector<8x2048xf32>
      %neg3A_147 = arith.subf %neg3A_146, %log3A_144 : vector<8x2048xf32>
      %log3A_148 = math.log %neg3A_147 : vector<8x2048xf32>
      %neg3A_149 = arith.constant 0.000000e+00 : f32
      %neg3A_150 = vector.broadcast %neg3A_149 : f32 to vector<8x2048xf32>
      %neg3A_151 = arith.subf %neg3A_150, %log3A_148 : vector<8x2048xf32>
      %get3A_152 = arith.constant 0 : index
      %get3A_153 = arith.index_cast %mul3A_127 : i32 to index
      %get3A_154 = vector.load %arg1[%get3A_152, %get3A_153] : memref<1x100352xf32, #tpu.memory_space<vmem>>, vector<1x2048xf32>
      %add3A_155 = vector.broadcast %get3A_154 : vector<1x2048xf32> to vector<8x2048xf32>
      %add3A_156 = arith.addf %neg3A_151, %add3A_155 : vector<8x2048xf32>
      %gt3A_157 = arith.cmpf ogt, %add3A_156, %select_n3A_121 : vector<8x2048xf32>
      %select_n3A_158 = arith.select %gt3A_157, %add3A_156, %select_n3A_121 : vector<8x2048xi1>, vector<8x2048xf32>
      %broadcast_in_dim3A_159 = vector.broadcast %scan3A_125 : i32 to vector<8x2048xi32>
      %select_n3A_160 = arith.select %gt3A_157, %broadcast_in_dim3A_159, %select_n3A_123 : vector<8x2048xi1>, vector<8x2048xi32>
      %scan3A_161 = arith.constant 4 : i32
      %scan3A_162 = arith.addi %scan3A_21, %scan3A_161 : i32
      %mul3A_163 = arith.constant 2048 : i32
      %mul3A_164 = arith.muli %scan3A_162, %mul3A_163 : i32
      %get3A_165 = arith.constant 0 : index
      %get3A_166 = arith.index_cast %mul3A_164 : i32 to index
      %get3A_167 = vector.load %arg2[%get3A_165, %get3A_166] : memref<8x100352xi32, #tpu.memory_space<vmem>>, vector<8x2048xi32>
      %shift_right_logical3A_168 = arith.constant 9 : i32
      %shift_right_logical3A_169 = vector.broadcast %shift_right_logical3A_168 : i32 to vector<8x2048xi32>
      %shift_right_logical3A_170 = arith.shrui %get3A_167, %shift_right_logical3A_169 : vector<8x2048xi32>
      %or3A_171 = arith.constant 1065353216 : i32
      %or3A_172 = vector.broadcast %or3A_171 : i32 to vector<8x2048xi32>
      %or3A_173 = arith.ori %shift_right_logical3A_170, %or3A_172 : vector<8x2048xi32>
      %bitcast_convert_type3A_174 = tpu.bitcast %or3A_173 : vector<8x2048xi32> -> vector<8x2048xf32>
      %sub3A_175 = arith.constant 1.000000e+00 : f32
      %sub3A_176 = vector.broadcast %sub3A_175 : f32 to vector<8x2048xf32>
      %sub3A_177 = arith.subf %bitcast_convert_type3A_174, %sub3A_176 : vector<8x2048xf32>
      %max3A_178 = arith.constant 1.17549435E-38 : f32
      %max3A_179 = vector.broadcast %max3A_178 : f32 to vector<8x2048xf32>
      %max3A_180 = arith.maximumf %sub3A_177, %max3A_179 : vector<8x2048xf32>
      %log3A_181 = math.log %max3A_180 : vector<8x2048xf32>
      %neg3A_182 = arith.constant 0.000000e+00 : f32
      %neg3A_183 = vector.broadcast %neg3A_182 : f32 to vector<8x2048xf32>
      %neg3A_184 = arith.subf %neg3A_183, %log3A_181 : vector<8x2048xf32>
      %log3A_185 = math.log %neg3A_184 : vector<8x2048xf32>
      %neg3A_186 = arith.constant 0.000000e+00 : f32
      %neg3A_187 = vector.broadcast %neg3A_186 : f32 to vector<8x2048xf32>
      %neg3A_188 = arith.subf %neg3A_187, %log3A_185 : vector<8x2048xf32>
      %get3A_189 = arith.constant 0 : index
      %get3A_190 = arith.index_cast %mul3A_164 : i32 to index
      %get3A_191 = vector.load %arg1[%get3A_189, %get3A_190] : memref<1x100352xf32, #tpu.memory_space<vmem>>, vector<1x2048xf32>
      %add3A_192 = vector.broadcast %get3A_191 : vector<1x2048xf32> to vector<8x2048xf32>
      %add3A_193 = arith.addf %neg3A_188, %add3A_192 : vector<8x2048xf32>
      %gt3A_194 = arith.cmpf ogt, %add3A_193, %select_n3A_158 : vector<8x2048xf32>
      %select_n3A_195 = arith.select %gt3A_194, %add3A_193, %select_n3A_158 : vector<8x2048xi1>, vector<8x2048xf32>
      %broadcast_in_dim3A_196 = vector.broadcast %scan3A_162 : i32 to vector<8x2048xi32>
      %select_n3A_197 = arith.select %gt3A_194, %broadcast_in_dim3A_196, %select_n3A_160 : vector<8x2048xi1>, vector<8x2048xi32>
      %scan3A_198 = arith.constant 5 : i32
      %scan3A_199 = arith.addi %scan3A_21, %scan3A_198 : i32
      %mul3A_200 = arith.constant 2048 : i32
      %mul3A_201 = arith.muli %scan3A_199, %mul3A_200 : i32
      %get3A_202 = arith.constant 0 : index
      %get3A_203 = arith.index_cast %mul3A_201 : i32 to index
      %get3A_204 = vector.load %arg2[%get3A_202, %get3A_203] : memref<8x100352xi32, #tpu.memory_space<vmem>>, vector<8x2048xi32>
      %shift_right_logical3A_205 = arith.constant 9 : i32
      %shift_right_logical3A_206 = vector.broadcast %shift_right_logical3A_205 : i32 to vector<8x2048xi32>
      %shift_right_logical3A_207 = arith.shrui %get3A_204, %shift_right_logical3A_206 : vector<8x2048xi32>
      %or3A_208 = arith.constant 1065353216 : i32
      %or3A_209 = vector.broadcast %or3A_208 : i32 to vector<8x2048xi32>
      %or3A_210 = arith.ori %shift_right_logical3A_207, %or3A_209 : vector<8x2048xi32>
      %bitcast_convert_type3A_211 = tpu.bitcast %or3A_210 : vector<8x2048xi32> -> vector<8x2048xf32>
      %sub3A_212 = arith.constant 1.000000e+00 : f32
      %sub3A_213 = vector.broadcast %sub3A_212 : f32 to vector<8x2048xf32>
      %sub3A_214 = arith.subf %bitcast_convert_type3A_211, %sub3A_213 : vector<8x2048xf32>
      %max3A_215 = arith.constant 1.17549435E-38 : f32
      %max3A_216 = vector.broadcast %max3A_215 : f32 to vector<8x2048xf32>
      %max3A_217 = arith.maximumf %sub3A_214, %max3A_216 : vector<8x2048xf32>
      %log3A_218 = math.log %max3A_217 : vector<8x2048xf32>
      %neg3A_219 = arith.constant 0.000000e+00 : f32
      %neg3A_220 = vector.broadcast %neg3A_219 : f32 to vector<8x2048xf32>
      %neg3A_221 = arith.subf %neg3A_220, %log3A_218 : vector<8x2048xf32>
      %log3A_222 = math.log %neg3A_221 : vector<8x2048xf32>
      %neg3A_223 = arith.constant 0.000000e+00 : f32
      %neg3A_224 = vector.broadcast %neg3A_223 : f32 to vector<8x2048xf32>
      %neg3A_225 = arith.subf %neg3A_224, %log3A_222 : vector<8x2048xf32>
      %get3A_226 = arith.constant 0 : index
      %get3A_227 = arith.index_cast %mul3A_201 : i32 to index
      %get3A_228 = vector.load %arg1[%get3A_226, %get3A_227] : memref<1x100352xf32, #tpu.memory_space<vmem>>, vector<1x2048xf32>
      %add3A_229 = vector.broadcast %get3A_228 : vector<1x2048xf32> to vector<8x2048xf32>
      %add3A_230 = arith.addf %neg3A_225, %add3A_229 : vector<8x2048xf32>
      %gt3A_231 = arith.cmpf ogt, %add3A_230, %select_n3A_195 : vector<8x2048xf32>
      %select_n3A_232 = arith.select %gt3A_231, %add3A_230, %select_n3A_195 : vector<8x2048xi1>, vector<8x2048xf32>
      %broadcast_in_dim3A_233 = vector.broadcast %scan3A_199 : i32 to vector<8x2048xi32>
      %select_n3A_234 = arith.select %gt3A_231, %broadcast_in_dim3A_233, %select_n3A_197 : vector<8x2048xi1>, vector<8x2048xi32>
      %scan3A_235 = arith.constant 6 : i32
      %scan3A_236 = arith.addi %scan3A_21, %scan3A_235 : i32
      %mul3A_237 = arith.constant 2048 : i32
      %mul3A_238 = arith.muli %scan3A_236, %mul3A_237 : i32
      %get3A_239 = arith.constant 0 : index
      %get3A_240 = arith.index_cast %mul3A_238 : i32 to index
      %get3A_241 = vector.load %arg2[%get3A_239, %get3A_240] : memref<8x100352xi32, #tpu.memory_space<vmem>>, vector<8x2048xi32>
      %shift_right_logical3A_242 = arith.constant 9 : i32
      %shift_right_logical3A_243 = vector.broadcast %shift_right_logical3A_242 : i32 to vector<8x2048xi32>
      %shift_right_logical3A_244 = arith.shrui %get3A_241, %shift_right_logical3A_243 : vector<8x2048xi32>
      %or3A_245 = arith.constant 1065353216 : i32
      %or3A_246 = vector.broadcast %or3A_245 : i32 to vector<8x2048xi32>
      %or3A_247 = arith.ori %shift_right_logical3A_244, %or3A_246 : vector<8x2048xi32>
      %bitcast_convert_type3A_248 = tpu.bitcast %or3A_247 : vector<8x2048xi32> -> vector<8x2048xf32>
      %sub3A_249 = arith.constant 1.000000e+00 : f32
      %sub3A_250 = vector.broadcast %sub3A_249 : f32 to vector<8x2048xf32>
      %sub3A_251 = arith.subf %bitcast_convert_type3A_248, %sub3A_250 : vector<8x2048xf32>
      %max3A_252 = arith.constant 1.17549435E-38 : f32
      %max3A_253 = vector.broadcast %max3A_252 : f32 to vector<8x2048xf32>
      %max3A_254 = arith.maximumf %sub3A_251, %max3A_253 : vector<8x2048xf32>
      %log3A_255 = math.log %max3A_254 : vector<8x2048xf32>
      %neg3A_256 = arith.constant 0.000000e+00 : f32
      %neg3A_257 = vector.broadcast %neg3A_256 : f32 to vector<8x2048xf32>
      %neg3A_258 = arith.subf %neg3A_257, %log3A_255 : vector<8x2048xf32>
      %log3A_259 = math.log %neg3A_258 : vector<8x2048xf32>
      %neg3A_260 = arith.constant 0.000000e+00 : f32
      %neg3A_261 = vector.broadcast %neg3A_260 : f32 to vector<8x2048xf32>
      %neg3A_262 = arith.subf %neg3A_261, %log3A_259 : vector<8x2048xf32>
      %get3A_263 = arith.constant 0 : index
      %get3A_264 = arith.index_cast %mul3A_238 : i32 to index
      %get3A_265 = vector.load %arg1[%get3A_263, %get3A_264] : memref<1x100352xf32, #tpu.memory_space<vmem>>, vector<1x2048xf32>
      %add3A_266 = vector.broadcast %get3A_265 : vector<1x2048xf32> to vector<8x2048xf32>
      %add3A_267 = arith.addf %neg3A_262, %add3A_266 : vector<8x2048xf32>
      %gt3A_268 = arith.cmpf ogt, %add3A_267, %select_n3A_232 : vector<8x2048xf32>
      %select_n3A_269 = arith.select %gt3A_268, %add3A_267, %select_n3A_232 : vector<8x2048xi1>, vector<8x2048xf32>
      %broadcast_in_dim3A_270 = vector.broadcast %scan3A_236 : i32 to vector<8x2048xi32>
      %select_n3A_271 = arith.select %gt3A_268, %broadcast_in_dim3A_270, %select_n3A_234 : vector<8x2048xi1>, vector<8x2048xi32>
      scf.yield %select_n3A_269, %select_n3A_271 : vector<8x2048xf32>, vector<8x2048xi32>
    }
    %scan3A_7 = arith.constant 49 : i32
    %iota3A = tpu.iota {dimensions = array<i32: 1>} : vector<8x2048xi32>
    %mul3A = arith.constant 2048 : i32
    %mul3A_8 = vector.broadcast %mul3A : i32 to vector<8x2048xi32>
    %mul3A_9 = arith.muli %scan3A_6#1, %mul3A_8 : vector<8x2048xi32>
    %add3A = arith.addi %mul3A_9, %iota3A : vector<8x2048xi32>
    %reduce_max3A = arith.constant dense<0xFF800000> : vector<8xf32>
    %reduce_max3A_10 = vector.multi_reduction <maximumf>, %scan3A_6#0, %reduce_max3A [1] : vector<8x2048xf32> to vector<8xf32>
    %broadcast_in_dim3A_11 = vector.shape_cast %reduce_max3A_10 : vector<8xf32> to vector<8x1xf32>
    %eq3A = vector.broadcast %broadcast_in_dim3A_11 : vector<8x1xf32> to vector<8x2048xf32>
    %eq3A_12 = arith.cmpf oeq, %scan3A_6#0, %eq3A : vector<8x2048xf32>
    %jit3A = arith.constant 2147483647 : i32
    %broadcast_in_dim3A_13 = vector.broadcast %jit3A : i32 to vector<8x2048xi32>
    %select_n3A = arith.select %eq3A_12, %add3A, %broadcast_in_dim3A_13 : vector<8x2048xi1>, vector<8x2048xi32>
    %reduce_min3A = arith.constant dense<2147483647> : vector<8xi32>
    %reduce_min3A_14 = vector.multi_reduction <minsi>, %select_n3A, %reduce_min3A [1] : vector<8x2048xi32> to vector<8xi32>
    %broadcast_in_dim3A_15 = vector.shape_cast %reduce_min3A_14 : vector<8xi32> to vector<8x1xi32>
    %swap3A = arith.constant 0 : index
    %swap3A_16 = arith.constant 0 : index
    %swap3A_17 = arith.constant 0 : index
    %swap3A_18 = vector.load %arg3[%swap3A, %swap3A_16, %swap3A_17] : memref<1x8x1xi32, #tpu.memory_space<vmem>>, vector<1x8x1xi32>
    %swap3A_19 = vector.shape_cast %swap3A_18 : vector<1x8x1xi32> to vector<8x1xi32>
    %swap3A_20 = vector.shape_cast %broadcast_in_dim3A_15 : vector<8x1xi32> to vector<1x8x1xi32>
    tpu.vector_store %arg3[%swap3A, %swap3A_16, %swap3A_17], %swap3A_20 {strides = array<i32>} : memref<1x8x1xi32, #tpu.memory_space<vmem>>, vector<1x8x1xi32>,
    return
  }
  func.func @transform_0(%arg0: i32) -> (i32, i32) {
    %c0_i32 = arith.constant 0 : i32
    %c0_i32_0 = arith.constant 0 : i32
    %c0_i32_1 = arith.constant 0 : i32
    return %c0_i32, %c0_i32_0 : i32, i32
  }
  func.func @transform_1(%arg0: i32) -> (i32, i32) {
    %c0_i32 = arith.constant 0 : i32
    %c0_i32_0 = arith.constant 0 : i32
    return %arg0, %c0_i32 : i32, i32
  }
  func.func @transform_2(%arg0: i32) -> (i32, i32, i32) {
    %c0_i32 = arith.constant 0 : i32
    %c0_i32_0 = arith.constant 0 : i32
    %c0_i32_1 = arith.constant 0 : i32
    return %arg0, %c0_i32, %c0_i32_0 : i32, i32, i32
  }
}

</mosaic_0001>

<sc_bundles>
// kernel: kernel.10.cloned.1.call-start
scs
__scs_entry_jumppad:
0x0: {  	(pc) =	sbr.rel $0x88, $3  }
0x1: {  	(tag) =	ssettag $0x0;
	lr =	simm.s32 $0x1  }
0x2: {  	[smem:$0x3F9F] =	sst lr;
	_ =	strace $0xD0000000  }
0x3: {  	_ = 	snop  }
0x4: {  	_ = 	snop  }
0x5: {  	_ = 	snop  }
0x6: {  	_ = 	snop  }
0x7: {  	_ = 	snop  }
__scs_overlays_trampoline_lowered:
0x8: {  	[smem:$0x3FAE] =	sst s0  }
0x9: {  	[smem:$0x3FAF] =	sst s1  }
0xa: {  	[smem:$0x3FB0] =	sst s2  }
0xb: {  	[smem:$0x3FB1] =	sst s3  }
0xc: {  	[smem:$0x3FB2] =	sst s4  }
0xd: {  	[smem:$0x3FB3] =	sst s5  }
0xe: {  	[smem:$0x3FB4] =	sst s6  }
0xf: {  	[smem:$0x3FB5] =	sst s7  }
0x10: {  	[smem:$0x3FB6] =	sst s8  }
0x11: {  	[smem:$0x3FB7] =	sst s9;
	s0 =	simm.s32 @!p0 $0x0  }
0x12: {  	s1 =	sld [smem:$0x3F9D];
	s0 =	simm.s32 @p0 $0x1  }
0x13: {  	[smem:$0x3FB8] =	sst s0;
	s0 =	simm.s32 @!p1 $0x0  }
0x14: {  	s2 =	sld [smem:$0x3F9C];
	s0 =	simm.s32 @p1 $0x1  }
0x15: {  	[smem:$0x3FB9] =	sst s0;
	s0 =	simm.s32 @!p2 $0x0  }
0x16: {  	s3 =	sld [smem:$0x3FDB];
	s0 =	simm.s32 @p2 $0x1  }
0x17: {  	s4 =	simm.s32 $0x1BF5;
	[smem:$0x3FBB] =	sst s0  }
0x18: {  	s0 =	sld [smem:$0x3F9E];
	_ =	swait.ge [sflag:s4], $0x0  }
0x19: {  	s7 =	sld [smem:$0x3F9F]  }
0x1a: {  	s8 =	sadd.s32 $0xFFFFE003, lr  }
0x1b: {  	s9 =	sadd.s32 $0xFFFFFEF7, lr;
	s5 =	simm.s32 $0xFFFFFFFF;
	p2 =	slt.u32 s8, $0xFFFFF086  }
0x1c: {  	p1 =	slt.u32 s9, $0xF7A;
	s5 =	simm.s32 @!p2 $0x0  }
0x1d: {  	s5 =	simm.s32 @p1 $0x1;
	p0 =	seq.s32 s7, s2  }
0x1e: {  	s7 =	smul.u32 @!p0 $0xF7A, s2;
	p2 =	seq.s32 @!p0 s5, $0x0  }
0x1f: {  	s9 =	smul.u32 $0xF7A, s1;
	s8 =	simm.s32 @!p0 $0x1BF5;
	p2 =	por !p2, p0  }
0x20: {  	[sflag:s8] =	ssyncset.s32 @!p0 $0xFFFFF086;
	s6 =	sadd.s32 @!p0 s3, s7;
	s7 =	simm.s32 @!p0 $0x108  }
0x21: {  	s3 =	sadd.s32 s3, s9;
	s6 =	sadd.s32 @!p0 $0x88, s6;
	s7 =	simm.s32 @p2 $0x1082  }
0x22: {  	[simem:s7], [sflag:s8] =	dma.local @!p0 [hbm:s6], $0xF7A  }
0x23: {  	s9 =	sor.u32 $0xD0000000, s2;
	s6 =	simm.s32 $0x108;
	_ =	swait.ge @!p0 [sflag:s8], $0x0  }
0x24: {  	s3 =	sadd.s32 $0x88, s3;
	s6 =	simm.s32 @!p1 $0x1082;
	[sflag:s4] =	ssyncset.s32 $0xFFFFF086  }
0x25: {  	[simem:s6], [sflag:s4] =	dma.local [hbm:s3], $0xF7A  }
0x26: {  	[smem:$0x3F9F] =	sst s1;
	(tag) =	ssettag s2;
	_ =	strace s9  }
0x27: {  	s1 =	sld [smem:$0x3FAF]  }
0x28: {  	s2 =	sld [smem:$0x3FB0]  }
0x29: {  	s4 =	sld [smem:$0x3FB2]  }
0x2a: {  	p0 =	seq.s32 s5, $0x0;
	s5 =	sld [smem:$0x3FB3]  }
0x2b: {  	s6 =	sld [smem:$0x3FB4]  }
0x2c: {  	s7 =	sld [smem:$0x3FB5]  }
0x2d: {  	s3 =	simm.s32 $0x108;
	s8 =	sld [smem:$0x3FB6]  }
0x2e: {  	s3 =	simm.s32 @!p0 $0x1082;
	s9 =	sld [smem:$0x3FB7]  }
0x2f: {  	lr =	sadd.s32 s0, s3;
	s0 =	sld [smem:$0x3FAE]  }
0x30: {  	s3 =	sld [smem:$0x3FB1]  }
0x31: {  	[smem:$0x3FBA] =	sst s10  }
0x32: {  	s10 =	sld [smem:$0x3FB8];
	_ =	sdelay $0x3  }
0x33: {  	p0 =	seq.s32 s10, $0x1;
	s10 =	sld [smem:$0x3FBA];
	_ =	sdelay $0x3  }
0x34: {  	[smem:$0x3FBA] =	sst s10  }
0x35: {  	s10 =	sld [smem:$0x3FB9];
	_ =	sdelay $0x3  }
0x36: {  	p1 =	seq.s32 s10, $0x1;
	s10 =	sld [smem:$0x3FBA];
	_ =	sdelay $0x3  }
0x37: {  	[smem:$0x3FBA] =	sst s10  }
0x38: {  	s10 =	sld [smem:$0x3FBB]  }
0x39: {  	_ = 	snop;
	(pc) =	sbr.ind lr, $3  }
0x3a: {  	_ = 	snop  }
0x3b: {  	_ = 	snop  }
0x3c: {  	p2 =	seq.s32 s10, $0x1;
	s10 =	sld [smem:$0x3FBA]  }
0x3d: {  	_ =	shalt  }
0x3e: {  	_ =	shalt  }
0x3f: {  	_ =	shalt  }
0x40: {  	_ =	shalt  }
0x41: {  	_ =	shalt  }
0x42: {  	_ =	shalt  }
0x43: {  	_ =	shalt  }
0x44: {  	_ =	shalt  }
0x45: {  	_ =	shalt  }
0x46: {  	_ =	shalt  }
0x47: {  	_ =	shalt  }
0x48: {  	_ =	shalt  }
0x49: {  	_ =	shalt  }
0x4a: {  	_ =	shalt  }
0x4b: {  	_ =	shalt  }
0x4c: {  	_ =	shalt  }
0x4d: {  	_ =	shalt  }
0x4e: {  	_ =	shalt  }
0x4f: {  	_ =	shalt  }
0x50: {  	_ =	shalt  }
0x51: {  	_ =	shalt  }
0x52: {  	_ =	shalt  }
0x53: {  	_ =	shalt  }
0x54: {  	_ =	shalt  }
0x55: {  	_ =	shalt  }
0x56: {  	_ =	shalt  }
0x57: {  	_ =	shalt  }
0x58: {  	_ =	shalt  }
0x59: {  	_ =	shalt  }
0x5a: {  	_ =	shalt  }
0x5b: {  	_ =	shalt  }
0x5c: {  	_ =	shalt  }
0x5d: {  	_ =	shalt  }
0x5e: {  	_ =	shalt  }
0x5f: {  	_ =	shalt  }
0x60: {  	_ =	shalt  }
0x61: {  	_ =	shalt  }
0x62: {  	_ =	shalt  }
0x63: {  	_ =	shalt  }
0x64: {  	_ =	shalt  }
0x65: {  	_ =	shalt  }
0x66: {  	_ =	shalt  }
0x67: {  	_ =	shalt  }
0x68: {  	_ =	shalt  }
0x69: {  	_ =	shalt  }
0x6a: {  	_ =	shalt  }
0x6b: {  	_ =	shalt  }
0x6c: {  	_ =	shalt  }
0x6d: {  	_ =	shalt  }
0x6e: {  	_ =	shalt  }
0x6f: {  	_ =	shalt  }
0x70: {  	_ =	shalt  }
0x71: {  	_ =	shalt  }
0x72: {  	_ =	shalt  }
0x73: {  	_ =	shalt  }
0x74: {  	_ =	shalt  }
0x75: {  	_ =	shalt  }
0x76: {  	_ =	shalt  }
0x77: {  	_ =	shalt  }
0x78: {  	_ =	shalt  }
0x79: {  	_ =	shalt  }
0x7a: {  	_ =	shalt  }
0x7b: {  	_ =	shalt  }
0x7c: {  	_ =	shalt  }
0x7d: {  	_ =	shalt  }
0x7e: {  	_ =	shalt  }
0x7f: {  	_ =	shalt  }
0x80: {  	_ =	shalt  }
0x81: {  	_ =	shalt  }
0x82: {  	_ =	shalt  }
0x83: {  	_ =	shalt  }
0x84: {  	_ =	shalt  }
0x85: {  	_ =	shalt  }
0x86: {  	_ =	shalt  }
0x87: {  	_ =	shalt  }
.Lfunc_end0:
.L_simem_size_0:
called_computation.1_lowered:
.L_overlay_start_0:
0x88: {  	s2 =	sld [smem:$0x3FD9]  }
0x89: {  	s3 =	sld [smem:$0x3FFE];
	_ =	sdelay $0x1  }
0x8a: {  	s1 =	srdreg.scid  }
0x8b: {  	s0 =	sand.u32 $0x1, s1  }
0x8c: {  	s14 =	sshll.u32 s0, $0xA;
	s2 =	sadd.s32 s3, s2  }
0x8d: {  	s2 =	sadd.s32 s2, s14  }
0x8e: {  	[smem:$0x3FC6] =	sst s2  }
0x8f: {  	_ = 	snop  }
0x90: {  	s2 =	sld [smem:$0x3FD0];
	_ =	sdelay $0x1  }
0x91: {  	s15 =	sld [smem:$0x3FC9]  }
0x92: {  	s5 =	simm.s32 $0xA;
	s6 =	simm.s32 $0x10;
	s4 =	sld [smem:$0x3FC8]  }
0x93: {  	[smem:s6], [sflag:s5] =	dma.local [hbm:s2], $0x1  }
0x94: {  	_ =	swait.eq [sflag:s5], $0x1  }
0x95: {  	s16 =	sld [smem:$0x10];
	[sflag:s5] =	ssyncset.done $0x0  }
0x96: {  	s17 =	sld [smem:$0x11];
	[sflag:s5] =	ssyncadd.s32 $0xFFFFFFFF  }
0x97: {  	s18 =	sld [smem:$0x12];
	(tm) =	ssettm $0x1  }
0x98: {  	s7 =	sld [smem:$0x3FFB];
	_ =	sdelay $0x3  }
0x99: {  	_ =	strace s7  }
0x9a: {  	s7 =	sld [smem:$0x3FFC];
	_ =	sdelay $0x3  }
0x9b: {  	_ =	strace s7  }
0x9c: {  	s7 =	sld [smem:$0x3FFD];
	_ =	sdelay $0x3  }
0x9d: {  	_ =	strace s7  }
0x9e: {  	_ =	strace $0x8FFFFFFF  }
0x9f: {  	s19 =	sld [smem:$0x3FDB];
	_ =	sdelay $0x1  }
0xa0: {  	s8 =	simm.s32 $_scs_section_size  }
0xa1: {  	s9 =	simm.s32 $_size__tile_overlayer_lowered;
	s10 =	simm.s32 $_tile_overlayer_lowered  }
0xa2: {  	s22 =	simm.s32 $0x1BFF;
	s21 =	sshll.u32 s10, $0x1;
	s7 =	sadd.s32 s8, s19  }
0xa3: {  	s11 =	simm.s32 $0x0;
	s20 =	sshll.u32 s9, $0x1;
	s9 =	sadd.s32 s21, s7  }
0xa4: {  	[timem:s11], [sflag:s22] =	dma.local [hbm:s9], s20  }
0xa5: {  	_ =	swait.ge [sflag:s22], s20  }
0xa6: {  	s8 =	ssub.s32 $0x0, s20;
	[sflag:s22] =	ssyncset.done $0x0  }
0xa7: {  	[sflag:s22] =	ssyncadd.s32 s8;
	_ =	sdelay $0x1  }
0xa8: {  	s23 =	simm.s32 $0x1B8B  }
0xa9: {  	_ =	swait.ge [sflag:s23], $0x1  }
0xaa: {  	[sflag:s23] =	ssyncset.done $0x0  }
0xab: {  	s25 =	simm.s32 $0x1B8E;
	s24 =	sld [smem:$0x3FFE];
	[sflag:s23] =	ssyncadd.s32 $0xFFFFFFFF  }
0xac: {  	s26 =	simm.s32 $execute0_lowered;
	[smem:$0x3FD2] =	sst s25  }
0xad: {  	s9 =	sshll.u32 s26, $0x1;
	_ =	strace $0x80000049;
	[dreg:$0x1] =	wrdreg $0xFFFFFFFF  }
0xae: {  	s28 =	simm.s32 $_size_execute0_lowered;
	s7 =	sadd.s32 s7, s9;
	[dreg:$0x0] =	wrdreg $0x0  }
0xaf: {  	s9 =	sshll.u32 s28, $0x1;
	[dreg:$0x2] =	wrdreg s7  }
0xb0: {  	[dreg:$0x3] =	wrdreg s9  }
0xb1: {  	[dreg:$0x4] =	wrdreg $0xC0  }
0xb2: {  	_ =	task [dreg:s11], $0x5FFFF  }
0xb3: {  	[dreg:$0x1] =	wrdreg $0xFFFFFFFF  }
0xb4: {  	[dreg:$0x0] =	wrdreg $0x60  }
0xb5: {  	[dreg:$0x2] =	wrdreg s15  }
0xb6: {  	[dreg:$0x3] =	wrdreg s4  }
0xb7: {  	[dreg:$0x4] =	wrdreg s24  }
0xb8: {  	[dreg:$0x5] =	wrdreg s18  }
0xb9: {  	[dreg:$0x6] =	wrdreg s16  }
0xba: {  	[dreg:$0x7] =	wrdreg s17  }
0xbb: {  	[dreg:$0x8] =	wrdreg $0x9  }
0xbc: {  	_ =	task.clear_ibuf [dreg:s11], $0x9FFFF;
	_ =	strace $0x90000049  }
0xbd: {  	s29 =	simm.s32 $0x9;
	_ =	strace $0x8000004B  }
0xbe: {  	_ =	swait.ge [sflag:s29], $0x1  }
0xbf: {  	[sflag:s29] =	ssyncadd.s32 $0xFFFFFFFF  }
0xc0: {  	_ =	strace $0x9000004B  }
0xc1: {  	_ =	sfence  }
0xc2: {  	s30 =	sld [smem:$0x0];
	_ =	sdelay $0x2  }
0xc3: {  	s31 =	sshll.u32 s1, $0xD;
	s1 =	sshrl.u32 s1, $0x2  }
0xc4: {  	s3 =	sand.u32 $0x4000, s31;
	s1 =	sadd.s32 s1, s30  }
0xc5: {  	s0 =	sor.u32 s3, s0;
	s1 =	sshll.u32 s1, $0x11  }
0xc6: {  	s0 =	sor.u32 s1, s0  }
0xc7: {  	s0 =	sadd.s32 $0x8F2B, s0  }
0xc8: {  	[sflag:s0] =	ssyncadd.remote.s32 $0x1  }
0xc9: {  	_ =	sfence.sel $0xFFFF  }
0xca: {  	[dreg:$0x0] =	wrdreg $0xFFFFFFFF;
	(pc) =	sbr.abs _section_cstart, $3  }
0xcb: {  	[dreg:$0x1] =	wrdreg $0xFFFFFFFF  }
0xcc: {  	_ =	task.clear_ibuf [dreg:s11], $0x2FFFF;
	_ =	strace $0x9FFFFFFF  }
0xcd: {  	(tm) =	ssettm $0x7FFFFFFF  }
tec
execute0_lowered:
.L_overlay_start_1:
0x0: {  	(tag) =	ssettag $0x1  }
0x1: {  	s4 =	rddreg [dreg:$0x0]  }
0x2: {  	s5 =	rddreg [dreg:$0x1]  }
0x3: {  	s9 =	rddreg [dreg:$0x2]  }
0x4: {  	s3 =	rddreg [dreg:$0x3];
	s1 =	srdreg.scid  }
0x5: {  	s12 =	rddreg [dreg:$0x4];
	s0 =	stileid.u32;
	s13 =	sand.u32 $0x1, s1  }
0x6: {  	s15 =	rddreg [dreg:$0x5];
	s6 =	sshll.u32 s0, $0x8;
	s7 =	sshll.u32 s13, $0x7  }
0x7: {  	s2 =	simm.s32 $0x0;
	s1 =	rddreg [dreg:$0x6];
	s16 =	sor.u32 s7, s6  }
0x8: {  	[smem:$0x7FF] =	sst s2;
	s17 =	sshrl.u32 s16, $0x3  }
0x9: {  	_ =	strace $0x8000004A;
	s7 =	sadd.s32 s3, s17;
	s3 =	simm.s32 $0x3  }
0xa: {  	[tilespmem:s2], [sflag:$0x3] =	stream.linear.gather [hbm4b:s7+s2], $0x80, $0x38;
	[tilespmem:$0x4200] =	vst v63  }
0xb: {  	_ =	swait.ge [sflag:s3], $0x80  }
0xc: {  	[sflag:s3] =	ssyncset.done $0x0  }
0xd: {  	s6 =	simm.s32 $0x80;
	[sflag:s3] =	ssyncadd.s32 $0xFFFFFF80  }
0xe: {  	[tilespmem:s6], [sflag:$0x1] =	stream.indirect.gather [hbm4b:s4+s6], $0x80, s2, s6, $0xb8;
	[tilespmem:$0x4200] =	vst v63  }
0xf: {  	s8 =	simm.s32 $0x4080  }
0x10: {  	[tilespmem:s8], [sflag:$0x2] =	stream.indirect.gather [hbm4b:s5+s6], $0x1, s2, s6, $0xb8;
	[tilespmem:$0x4200] =	vst v63  }
0x11: {  	s11 =	simm.s32 $0x4180;
	s10 =	sadd.s32 $0xE2A600, s9  }
0x12: {  	[tilespmem:s11], [sflag:$0x3] =	stream.linear.gather [hbm4b:s10+s2], $0x80, $0x38;
	[tilespmem:$0x4200] =	vst v63  }
0x13: {  	_ =	swait.ge [sflag:s3], $0x80  }
0x14: {  	[sflag:s3] =	ssyncset.done $0x0  }
0x15: {  	s14 =	simm.s32 $0x2;
	[sflag:s3] =	ssyncadd.s32 $0xFFFFFF80  }
0x16: {  	_ =	swait.ge [sflag:s14], $0x80  }
0x17: {  	[sflag:s14] =	ssyncset.done $0x0  }
0x18: {  	s29 =	ssub.s32 $0x2, s13;
	[sflag:s14] =	ssyncadd.s32 $0xFFFFFF80  }
0x19: {  	s13 =	sshrl.u32 s29, $0x1;
	v1 =	vld [tilespmem:$0x40F0]  }
0x1a: {  	s9 =	ssub.s32 s29, s13;
	v4 =	vld [tilespmem:$0x40E0]  }
0x1b: {  	s31 =	smax.u32 s9, $0x1;
	v3 =	vld [tilespmem:$0x40B0]  }
0x1c: {  	p0 =	sne.s32 s31, $0x1;
	v2 =	vld [tilespmem:$0x4080]  }
.Ltmp0:
0x1d: {  	v0 =	vld [tilespmem:$0x4180];
	(pc) =	sbr.rel @!p0 .LBB2_2-.Ltmp0, $4  }
0x1e: {  	v7 =	vld [tilespmem:$0x40D0]  }
0x1f: {  	s30 =	sshll.u32 s16, $0x4;
	v6 =	vld [tilespmem:$0x40A0]  }
0x20: {  	s13 =	simm.s32 $0x4100;
	s12 =	sadd.s32 s12, s30;
	v5 =	vld [tilespmem:$0x40C0]  }
0x21: {  	s9 =	sadd.s32 s15, s17;
	s15 =	simm.s32 $0x1;
	s16 =	sadd.s32 $0xFFFFFFFF, s31;
	v8 =	vld [tilespmem:$0x4090]  }
.LBB2_1:
0x22: {  	p0 =	sne.s32 s16, $0x1;
	s16 =	sadd.s32 $0xFFFFFFFF, s16;
	v4 =	vsub.f32 v4, v0;
	v1 =	vsub.f32 v1, v0  }
0x23: {  	v3 =	vsub.f32 v3, v0;
	v7 =	vsub.f32 v7, v0  }
0x24: {  	[tilespmem:$0x4160] =	vst v4  }
0x25: {  	v4 =	vsub.f32 v6, v0;
	[tilespmem:$0x4130] =	vst v3;
	v3 =	vsub.f32 v5, v0  }
0x26: {  	v2 =	vsub.f32 v2, v0;
	v0 =	vsub.f32 v8, v0;
	[tilespmem:$0x4150] =	vst v7  }
0x27: {  	[tilespmem:$0x4120] =	vst v4  }
0x28: {  	[tilespmem:$0x4110] =	vst v0  }
0x29: {  	[tilespmem:$0x4100] =	vst v2  }
0x2a: {  	[tilespmem:$0x4170] =	vst v1  }
0x2b: {  	[tilespmem:$0x4140] =	vst v3  }
0x2c: {  	_ =	swait.ge [sflag:s15], $0x4000  }
0x2d: {  	[sflag:s15] =	ssyncset.done $0x0  }
0x2e: {  	[sflag:s15] =	ssyncadd.s32 $0xFFFFC000  }
0x2f: {  	[hbm4b:s12+s2] =	stream.linear.scatter [tilespmem:s6], [sflag:$0x3], $0x4000, $0x38;
	[tilespmem:$0x4200] =	vst v63  }
0x30: {  	_ =	swait.ge [sflag:s3], $0x4000  }
0x31: {  	[sflag:s3] =	ssyncset.done $0x0  }
0x32: {  	[sflag:s3] =	ssyncadd.s32 $0xFFFFC000  }
0x33: {  	[hbm4b:s9+s2] =	stream.linear.scatter [tilespmem:s13], [sflag:$0x3], $0x80, $0x38;
	[tilespmem:$0x4200] =	vst v63  }
0x34: {  	_ =	swait.ge [sflag:s3], $0x80  }
0x35: {  	[sflag:s3] =	ssyncset.done $0x0  }
0x36: {  	[sflag:s3] =	ssyncadd.s32 $0xFFFFFF80  }
0x37: {  	[tilespmem:s2], [sflag:$0x3] =	stream.linear.gather [hbm4b:s7+s2], $0x80, $0x38;
	[tilespmem:$0x4200] =	vst v63  }
0x38: {  	_ =	swait.ge [sflag:s3], $0x80  }
0x39: {  	[sflag:s3] =	ssyncset.done $0x0  }
0x3a: {  	[sflag:s3] =	ssyncadd.s32 $0xFFFFFF80  }
0x3b: {  	[tilespmem:s6], [sflag:$0x1] =	stream.indirect.gather [hbm4b:s4+s6], $0x80, s2, s6, $0xb8;
	[tilespmem:$0x4200] =	vst v63  }
0x3c: {  	_ = 	snop  }
0x3d: {  	[tilespmem:s8], [sflag:$0x2] =	stream.indirect.gather [hbm4b:s5+s6], $0x1, s2, s6, $0xb8;
	[tilespmem:$0x4200] =	vst v63  }
0x3e: {  	_ = 	snop  }
0x3f: {  	[tilespmem:s11], [sflag:$0x3] =	stream.linear.gather [hbm4b:s10+s2], $0x80, $0x38;
	[tilespmem:$0x4200] =	vst v63  }
0x40: {  	_ =	swait.ge [sflag:s3], $0x80  }
0x41: {  	[sflag:s3] =	ssyncset.done $0x0  }
0x42: {  	[sflag:s3] =	ssyncadd.s32 $0xFFFFFF80  }
0x43: {  	_ =	swait.ge [sflag:s14], $0x80  }
0x44: {  	[sflag:s14] =	ssyncset.done $0x0  }
0x45: {  	[sflag:s14] =	ssyncadd.s32 $0xFFFFFF80  }
0x46: {  	v1 =	vld [tilespmem:$0x40F0]  }
0x47: {  	v4 =	vld [tilespmem:$0x40E0]  }
0x48: {  	v3 =	vld [tilespmem:$0x40B0]  }
0x49: {  	v2 =	vld [tilespmem:$0x4080]  }
.Ltmp1:
0x4a: {  	v0 =	vld [tilespmem:$0x4180];
	(pc) =	sbr.rel @p0 .LBB2_1-.Ltmp1, $4  }
0x4b: {  	v7 =	vld [tilespmem:$0x40D0]  }
0x4c: {  	v6 =	vld [tilespmem:$0x40A0]  }
0x4d: {  	v5 =	vld [tilespmem:$0x40C0]  }
0x4e: {  	v8 =	vld [tilespmem:$0x4090]  }
.LBB2_2:
0x4f: {  	v4 =	vsub.f32 v4, v0  }
0x50: {  	v3 =	vsub.f32 v3, v0  }
0x51: {  	v2 =	vsub.f32 v2, v0;
	[tilespmem:$0x4160] =	vst v4  }
0x52: {  	v1 =	vsub.f32 v1, v0;
	[tilespmem:$0x4130] =	vst v3  }
0x53: {  	v7 =	vsub.f32 v7, v0;
	[tilespmem:$0x4100] =	vst v2  }
0x54: {  	v61 =	vsub.f32 v6, v0;
	[tilespmem:$0x4170] =	vst v1  }
0x55: {  	[tilespmem:$0x4150] =	vst v7;
	v63 =	vsub.f32 v5, v0  }
0x56: {  	v62 =	vsub.f32 v8, v0;
	[tilespmem:$0x4120] =	vst v61  }
0x57: {  	[tilespmem:$0x4140] =	vst v63  }
0x58: {  	[tilespmem:$0x4110] =	vst v62  }
0x59: {  	_ =	swait.ge [sflag:s15], $0x4000  }
0x5a: {  	[sflag:s15] =	ssyncset.done $0x0  }
0x5b: {  	[sflag:s15] =	ssyncadd.s32 $0xFFFFC000  }
0x5c: {  	[hbm4b:s12+s2] =	stream.linear.scatter [tilespmem:s6], [sflag:$0x3], $0x4000, $0x38;
	[tilespmem:$0x4200] =	vst v63  }
0x5d: {  	_ =	swait.ge [sflag:s3], $0x4000  }
0x5e: {  	[sflag:s3] =	ssyncset.done $0x0  }
0x5f: {  	[sflag:s3] =	ssyncadd.s32 $0xFFFFC000  }
0x60: {  	[hbm4b:s9+s2] =	stream.linear.scatter [tilespmem:s13], [sflag:$0x3], $0x80, $0x38;
	[tilespmem:$0x4200] =	vst v63  }
0x61: {  	_ =	swait.ge [sflag:s3], $0x80  }
0x62: {  	[sflag:s3] =	ssyncset.done $0x0  }
0x63: {  	[sflag:s3] =	ssyncadd.s32 $0xFFFFFF80  }
0x64: {  	_ =	sfence.sel $0x180000  }
0x65: {  	[bflag:$0x0] =	sbarrier.arrive $0xFFFF  }
0x66: {  	p0 =	sne.s32 s0, $0x0;
	_ =	strace $0x9000004A  }
0x67: {  	s0 =	sadd.s32 @!p0 $0x100000, s1;
	[bflag:$0x2] =	sbarrier.arrive $0xFFFF  }
0x68: {  	[sflag:s0] =	ssyncadd.tile.s32 @!p0 $0x1;
	_ =	shalt  }
.Lfunc_end2:
_tile_overlayer_lowered:
.L_overlay_start_2:
0x69: {  	(tag) =	ssettag $0x2  }
0x6a: {  	s0 =	rddreg [dreg:$0x0];
	s2 =	stileid.u32  }
0x6b: {  	s1 =	rddreg [dreg:$0x1];
	p0 =	sne.s32 s2, $0x0  }
0x6c: {  	s3 =	rddreg [dreg:$0x2];
	[bflag:$0x3] =	sbarrier.arrive $0xFFFF;
	s2 =	simm.s32 @!p0 $0x1C03  }
0x6d: {  	[timem:s3], [sflag:s2] =	dma.local @!p0 [hbm:s0], s1  }
0x6e: {  	s0 =	simm.s32 @!p0 $0x3  }
0x6f: {  	_ =	swait.ge @!p0 [sflag:s0], s1  }
0x70: {  	s1 =	ssub.s32 @!p0 $0x0, s1;
	[sflag:s0] =	ssyncset.done @!p0 $0x0  }
0x71: {  	[sflag:s0] =	ssyncadd.s32 @!p0 s1  }
0x72: {  	[bflag:$0x3] =	sbarrier.arrive $0xFFFF  }
0x73: {  	_ =	shalt  }

// kernel: kernel.7.cloned.1.call-start
scs
__scs_entry_jumppad:
0x0: {  	(pc) =	sbr.rel $0x88, $3  }
0x1: {  	(tag) =	ssettag $0x0;
	lr =	simm.s32 $0x1  }
0x2: {  	[smem:$0x3F9F] =	sst lr;
	_ =	strace $0xD0000000  }
0x3: {  	_ = 	snop  }
0x4: {  	_ = 	snop  }
0x5: {  	_ = 	snop  }
0x6: {  	_ = 	snop  }
0x7: {  	_ = 	snop  }
__scs_overlays_trampoline_lowered:
0x8: {  	[smem:$0x3FAE] =	sst s0  }
0x9: {  	[smem:$0x3FAF] =	sst s1  }
0xa: {  	[smem:$0x3FB0] =	sst s2  }
0xb: {  	[smem:$0x3FB1] =	sst s3  }
0xc: {  	[smem:$0x3FB2] =	sst s4  }
0xd: {  	[smem:$0x3FB3] =	sst s5  }
0xe: {  	[smem:$0x3FB4] =	sst s6  }
0xf: {  	[smem:$0x3FB5] =	sst s7  }
0x10: {  	[smem:$0x3FB6] =	sst s8  }
0x11: {  	[smem:$0x3FB7] =	sst s9;
	s0 =	simm.s32 @!p0 $0x0  }
0x12: {  	s1 =	sld [smem:$0x3F9D];
	s0 =	simm.s32 @p0 $0x1  }
0x13: {  	[smem:$0x3FB8] =	sst s0;
	s0 =	simm.s32 @!p1 $0x0  }
0x14: {  	s2 =	sld [smem:$0x3F9C];
	s0 =	simm.s32 @p1 $0x1  }
0x15: {  	[smem:$0x3FB9] =	sst s0;
	s0 =	simm.s32 @!p2 $0x0  }
0x16: {  	s3 =	sld [smem:$0x3FDB];
	s0 =	simm.s32 @p2 $0x1  }
0x17: {  	s4 =	simm.s32 $0x1BF5;
	[smem:$0x3FBB] =	sst s0  }
0x18: {  	s0 =	sld [smem:$0x3F9E];
	_ =	swait.ge [sflag:s4], $0x0  }
0x19: {  	s7 =	sld [smem:$0x3F9F]  }
0x1a: {  	s8 =	sadd.s32 $0xFFFFE003, lr  }
0x1b: {  	s9 =	sadd.s32 $0xFFFFFEF7, lr;
	s5 =	simm.s32 $0xFFFFFFFF;
	p2 =	slt.u32 s8, $0xFFFFF086  }
0x1c: {  	p1 =	slt.u32 s9, $0xF7A;
	s5 =	simm.s32 @!p2 $0x0  }
0x1d: {  	s5 =	simm.s32 @p1 $0x1;
	p0 =	seq.s32 s7, s2  }
0x1e: {  	s7 =	smul.u32 @!p0 $0xF7A, s2;
	p2 =	seq.s32 @!p0 s5, $0x0  }
0x1f: {  	s9 =	smul.u32 $0xF7A, s1;
	s8 =	simm.s32 @!p0 $0x1BF5;
	p2 =	por !p2, p0  }
0x20: {  	[sflag:s8] =	ssyncset.s32 @!p0 $0xFFFFF086;
	s6 =	sadd.s32 @!p0 s3, s7;
	s7 =	simm.s32 @!p0 $0x108  }
0x21: {  	s3 =	sadd.s32 s3, s9;
	s6 =	sadd.s32 @!p0 $0x88, s6;
	s7 =	simm.s32 @p2 $0x1082  }
0x22: {  	[simem:s7], [sflag:s8] =	dma.local @!p0 [hbm:s6], $0xF7A  }
0x23: {  	s9 =	sor.u32 $0xD0000000, s2;
	s6 =	simm.s32 $0x108;
	_ =	swait.ge @!p0 [sflag:s8], $0x0  }
0x24: {  	s3 =	sadd.s32 $0x88, s3;
	s6 =	simm.s32 @!p1 $0x1082;
	[sflag:s4] =	ssyncset.s32 $0xFFFFF086  }
0x25: {  	[simem:s6], [sflag:s4] =	dma.local [hbm:s3], $0xF7A  }
0x26: {  	[smem:$0x3F9F] =	sst s1;
	(tag) =	ssettag s2;
	_ =	strace s9  }
0x27: {  	s1 =	sld [smem:$0x3FAF]  }
0x28: {  	s2 =	sld [smem:$0x3FB0]  }
0x29: {  	s4 =	sld [smem:$0x3FB2]  }
0x2a: {  	p0 =	seq.s32 s5, $0x0;
	s5 =	sld [smem:$0x3FB3]  }
0x2b: {  	s6 =	sld [smem:$0x3FB4]  }
0x2c: {  	s7 =	sld [smem:$0x3FB5]  }
0x2d: {  	s3 =	simm.s32 $0x108;
	s8 =	sld [smem:$0x3FB6]  }
0x2e: {  	s3 =	simm.s32 @!p0 $0x1082;
	s9 =	sld [smem:$0x3FB7]  }
0x2f: {  	lr =	sadd.s32 s0, s3;
	s0 =	sld [smem:$0x3FAE]  }
0x30: {  	s3 =	sld [smem:$0x3FB1]  }
0x31: {  	[smem:$0x3FBA] =	sst s10  }
0x32: {  	s10 =	sld [smem:$0x3FB8];
	_ =	sdelay $0x3  }
0x33: {  	p0 =	seq.s32 s10, $0x1;
	s10 =	sld [smem:$0x3FBA];
	_ =	sdelay $0x3  }
0x34: {  	[smem:$0x3FBA] =	sst s10  }
0x35: {  	s10 =	sld [smem:$0x3FB9];
	_ =	sdelay $0x3  }
0x36: {  	p1 =	seq.s32 s10, $0x1;
	s10 =	sld [smem:$0x3FBA];
	_ =	sdelay $0x3  }
0x37: {  	[smem:$0x3FBA] =	sst s10  }
0x38: {  	s10 =	sld [smem:$0x3FBB]  }
0x39: {  	_ = 	snop;
	(pc) =	sbr.ind lr, $3  }
0x3a: {  	_ = 	snop  }
0x3b: {  	_ = 	snop  }
0x3c: {  	p2 =	seq.s32 s10, $0x1;
	s10 =	sld [smem:$0x3FBA]  }
0x3d: {  	_ =	shalt  }
0x3e: {  	_ =	shalt  }
0x3f: {  	_ =	shalt  }
0x40: {  	_ =	shalt  }
0x41: {  	_ =	shalt  }
0x42: {  	_ =	shalt  }
0x43: {  	_ =	shalt  }
0x44: {  	_ =	shalt  }
0x45: {  	_ =	shalt  }
0x46: {  	_ =	shalt  }
0x47: {  	_ =	shalt  }
0x48: {  	_ =	shalt  }
0x49: {  	_ =	shalt  }
0x4a: {  	_ =	shalt  }
0x4b: {  	_ =	shalt  }
0x4c: {  	_ =	shalt  }
0x4d: {  	_ =	shalt  }
0x4e: {  	_ =	shalt  }
0x4f: {  	_ =	shalt  }
0x50: {  	_ =	shalt  }
0x51: {  	_ =	shalt  }
0x52: {  	_ =	shalt  }
0x53: {  	_ =	shalt  }
0x54: {  	_ =	shalt  }
0x55: {  	_ =	shalt  }
0x56: {  	_ =	shalt  }
0x57: {  	_ =	shalt  }
0x58: {  	_ =	shalt  }
0x59: {  	_ =	shalt  }
0x5a: {  	_ =	shalt  }
0x5b: {  	_ =	shalt  }
0x5c: {  	_ =	shalt  }
0x5d: {  	_ =	shalt  }
0x5e: {  	_ =	shalt  }
0x5f: {  	_ =	shalt  }
0x60: {  	_ =	shalt  }
0x61: {  	_ =	shalt  }
0x62: {  	_ =	shalt  }
0x63: {  	_ =	shalt  }
0x64: {  	_ =	shalt  }
0x65: {  	_ =	shalt  }
0x66: {  	_ =	shalt  }
0x67: {  	_ =	shalt  }
0x68: {  	_ =	shalt  }
0x69: {  	_ =	shalt  }
0x6a: {  	_ =	shalt  }
0x6b: {  	_ =	shalt  }
0x6c: {  	_ =	shalt  }
0x6d: {  	_ =	shalt  }
0x6e: {  	_ =	shalt  }
0x6f: {  	_ =	shalt  }
0x70: {  	_ =	shalt  }
0x71: {  	_ =	shalt  }
0x72: {  	_ =	shalt  }
0x73: {  	_ =	shalt  }
0x74: {  	_ =	shalt  }
0x75: {  	_ =	shalt  }
0x76: {  	_ =	shalt  }
0x77: {  	_ =	shalt  }
0x78: {  	_ =	shalt  }
0x79: {  	_ =	shalt  }
0x7a: {  	_ =	shalt  }
0x7b: {  	_ =	shalt  }
0x7c: {  	_ =	shalt  }
0x7d: {  	_ =	shalt  }
0x7e: {  	_ =	shalt  }
0x7f: {  	_ =	shalt  }
0x80: {  	_ =	shalt  }
0x81: {  	_ =	shalt  }
0x82: {  	_ =	shalt  }
0x83: {  	_ =	shalt  }
0x84: {  	_ =	shalt  }
0x85: {  	_ =	shalt  }
0x86: {  	_ =	shalt  }
0x87: {  	_ =	shalt  }
.Lfunc_end0:
.L_simem_size_0:
called_computation_lowered:
.L_overlay_start_0:
0x88: {  	s2 =	sld [smem:$0x3FD9]  }
0x89: {  	s3 =	sld [smem:$0x3FFE];
	_ =	sdelay $0x1  }
0x8a: {  	s1 =	srdreg.scid  }
0x8b: {  	s0 =	sand.u32 $0x1, s1  }
0x8c: {  	s16 =	sshll.u32 s0, $0xA;
	s2 =	sadd.s32 s3, s2  }
0x8d: {  	s2 =	sadd.s32 s2, s16  }
0x8e: {  	[smem:$0x3FC6] =	sst s2  }
0x8f: {  	_ = 	snop  }
0x90: {  	(tm) =	ssettm $0x1  }
0x91: {  	s17 =	sld [smem:$0x3FFB];
	_ =	sdelay $0x3  }
0x92: {  	_ =	strace s17  }
0x93: {  	s2 =	sld [smem:$0x3FFC];
	_ =	sdelay $0x3  }
0x94: {  	_ =	strace s2  }
0x95: {  	s2 =	sld [smem:$0x3FFD];
	_ =	sdelay $0x3  }
0x96: {  	_ =	strace s2  }
0x97: {  	_ =	strace $0x8FFFFFFF  }
0x98: {  	s18 =	sld [smem:$0x3FDB];
	_ =	sdelay $0x1  }
0x99: {  	s19 =	simm.s32 $_scs_section_size  }
0x9a: {  	s4 =	simm.s32 $_size__tile_overlayer_lowered;
	s5 =	simm.s32 $_tile_overlayer_lowered  }
0x9b: {  	s22 =	simm.s32 $0x1BFF;
	s21 =	sshll.u32 s5, $0x1;
	s2 =	sadd.s32 s19, s18  }
0x9c: {  	s6 =	simm.s32 $0x0;
	s20 =	sshll.u32 s4, $0x1;
	s4 =	sadd.s32 s21, s2  }
0x9d: {  	[timem:s6], [sflag:s22] =	dma.local [hbm:s4], s20  }
0x9e: {  	_ =	swait.ge [sflag:s22], s20  }
0x9f: {  	s3 =	ssub.s32 $0x0, s20;
	[sflag:s22] =	ssyncset.done $0x0  }
0xa0: {  	[sflag:s22] =	ssyncadd.s32 s3;
	_ =	sdelay $0x1  }
0xa1: {  	s23 =	simm.s32 $0x1B8B  }
0xa2: {  	_ =	swait.ge [sflag:s23], $0x1  }
0xa3: {  	[sflag:s23] =	ssyncset.done $0x0  }
0xa4: {  	s25 =	simm.s32 $0x1B8E;
	s24 =	sld [smem:$0x3FFE];
	[sflag:s23] =	ssyncadd.s32 $0xFFFFFFFF  }
0xa5: {  	s26 =	simm.s32 $execute0_lowered;
	[smem:$0x3FD2] =	sst s25  }
0xa6: {  	s4 =	sshll.u32 s26, $0x1;
	_ =	strace $0x80000046;
	[dreg:$0x1] =	wrdreg $0xFFFFFFFF  }
0xa7: {  	s28 =	simm.s32 $_size_execute0_lowered;
	s2 =	sadd.s32 s2, s4;
	[dreg:$0x0] =	wrdreg $0x0  }
0xa8: {  	s4 =	sshll.u32 s28, $0x1;
	[dreg:$0x2] =	wrdreg s2  }
0xa9: {  	[dreg:$0x3] =	wrdreg s4  }
0xaa: {  	[dreg:$0x4] =	wrdreg $0xC0  }
0xab: {  	_ =	task [dreg:s6], $0x5FFFF  }
0xac: {  	[dreg:$0x1] =	wrdreg $0xFFFFFFFF  }
0xad: {  	[dreg:$0x0] =	wrdreg $0x60  }
0xae: {  	[dreg:$0x2] =	wrdreg s24  }
0xaf: {  	[dreg:$0x3] =	wrdreg $0x9  }
0xb0: {  	_ =	task.clear_ibuf [dreg:s6], $0x4FFFF;
	_ =	strace $0x90000046  }
0xb1: {  	s29 =	simm.s32 $0x9;
	_ =	strace $0x80000048  }
0xb2: {  	_ =	swait.ge [sflag:s29], $0x1  }
0xb3: {  	[sflag:s29] =	ssyncadd.s32 $0xFFFFFFFF  }
0xb4: {  	_ =	strace $0x90000048  }
0xb5: {  	_ =	sfence  }
0xb6: {  	s30 =	sld [smem:$0x0];
	_ =	sdelay $0x2  }
0xb7: {  	s31 =	sshll.u32 s1, $0xD;
	s1 =	sshrl.u32 s1, $0x2  }
0xb8: {  	s3 =	sand.u32 $0x4000, s31;
	s1 =	sadd.s32 s1, s30  }
0xb9: {  	s0 =	sor.u32 s3, s0;
	s1 =	sshll.u32 s1, $0x11  }
0xba: {  	s0 =	sor.u32 s1, s0  }
0xbb: {  	s0 =	sadd.s32 $0x8F2B, s0  }
0xbc: {  	[sflag:s0] =	ssyncadd.remote.s32 $0x1  }
0xbd: {  	_ =	sfence.sel $0xFFFF  }
0xbe: {  	[dreg:$0x0] =	wrdreg $0xFFFFFFFF;
	(pc) =	sbr.abs _section_cstart, $3  }
0xbf: {  	[dreg:$0x1] =	wrdreg $0xFFFFFFFF  }
0xc0: {  	_ =	task.clear_ibuf [dreg:s6], $0x2FFFF;
	_ =	strace $0x9FFFFFFF  }
0xc1: {  	(tm) =	ssettm $0x7FFFFFFF  }
tec
execute0_lowered:
.L_overlay_start_1:
0x0: {  	(tag) =	ssettag $0x1  }
0x1: {  	s3 =	rddreg [dreg:$0x0];
	s1 =	srdreg.scid  }
0x2: {  	s0 =	rddreg [dreg:$0x1];
	s2 =	simm.s32 $0x0;
	s8 =	simm.s32 $0x1  }
0x3: {  	s9 =	simm.s32 $0x0;
	s4 =	sand.u32 $0x1, s1;
	[smem:$0x7FF] =	sst s2  }
0x4: {  	s1 =	stileid.u32;
	s3 =	sadd.s32 $0x600, s3;
	s5 =	ssub.s32 $0x2, s4  }
0x5: {  	_ =	strace $0x80000047;
	s7 =	sshll.u32 s1, $0x1;
	s6 =	sshrl.u32 s5, $0x1  }
0x6: {  	s4 =	sor.u32 s4, s7;
	s7 =	simm.s32 $0x400;
	s5 =	ssub.s32 s5, s6  }
0x7: {  	v0 =	vlaneseq.u32;
	s4 =	smul.u32 $0x25, s4;
	s6 =	simm.s32 $0x80;
	s5 =	smax.u32 s5, $0x1  }
.LBB2_1:
0x8: {  	s10 =	simm.s32 $0x0  }
.LBB2_2:
0x9: {  	s11 =	sadd.s32 s4, s10  }
0xa: {  	s12 =	smul.u32 $0x186A0, s11;
	_ =	sdelay $0x1  }
0xb: {  	s12 =	sadd.s32 $0xA9141FE1, s12  }
0xc: {  	s25 =	simm.s32 $0x70;
	v1 =	vadd.s32 s12, v0  }
0xd: {  	s13 =	simm.s32 $0x10;
	s14 =	simm.s32 $0x60;
	s26 =	simm.s32 $0x20;
	v2 =	vadd.s32 s25, v1  }
0xe: {  	s28 =	simm.s32 $0x0;
	s30 =	simm.s32 $0x40;
	s31 =	simm.s32 $0x50;
	v3 =	vadd.s32 s13, v1;
	v4 =	vadd.s32 s14, v1;
	v6 =	vadd.s32 s26, v1  }
0xf: {  	v9 =	vadd.s32 s28, v1;
	v10 =	vadd.s32 s30, v1;
	v11 =	vadd.s32 s31, v1  }
0x10: {  	v5 =	vshrl.u32 v2, $0x13;
	v7 =	vshrl.u32 v4, $0x13;
	v8 =	vshll.u32 v4, $0xD  }
0x11: {  	v4 =	vadd.s32 $0x85F65B85, v4;
	v14 =	vshrl.u32 v9, $0x13;
	v41 =	vshll.u32 v9, $0xD  }
0x12: {  	v42 =	vshrl.u32 v3, $0x13;
	v15 =	vshll.u32 v3, $0xD;
	v18 =	vshrl.u32 v6, $0x13  }
0x13: {  	v43 =	vshll.u32 v6, $0xD;
	v22 =	vshrl.u32 v10, $0x13;
	v45 =	vshll.u32 v10, $0xD  }
0x14: {  	v46 =	vshrl.u32 v11, $0x13;
	v23 =	vshll.u32 v11, $0xD;
	v24 =	vshll.u32 v2, $0xD  }
0x15: {  	v9 =	vadd.s32 $0x85F65B85, v9;
	v3 =	vadd.s32 $0x85F65B85, v3;
	v6 =	vadd.s32 $0x85F65B85, v6  }
0x16: {  	s29 =	simm.s32 $0x30;
	v10 =	vadd.s32 $0x85F65B85, v10;
	v11 =	vadd.s32 $0x85F65B85, v11;
	v2 =	vadd.s32 $0x85F65B85, v2  }
0x17: {  	v7 =	vor.u32 v7, v8;
	v8 =	vadd.s32 s29, v1;
	v47 =	vor.u32 v18, v43  }
0x18: {  	v51 =	vor.u32 v22, v45;
	v52 =	vor.u32 v46, v23;
	v5 =	vor.u32 v5, v24  }
0x19: {  	v7 =	vxor.u32 v4, v7;
	v44 =	vshrl.u32 v8, $0x13;
	v19 =	vshll.u32 v8, $0xD  }
0x1a: {  	v8 =	vadd.s32 $0x85F65B85, v8;
	v58 =	vxor.u32 v10, v51;
	v5 =	vxor.u32 v2, v5  }
0x1b: {  	v12 =	vshrl.u32 v7, $0x11;
	v13 =	vshll.u32 v7, $0xF;
	v4 =	vadd.s32 v4, v7  }
0x1c: {  	v48 =	vor.u32 v44, v19;
	v28 =	vshrl.u32 v58, $0x11;
	v40 =	vshll.u32 v58, $0xF  }
0x1d: {  	v30 =	vshrl.u32 v5, $0x11;
	v10 =	vadd.s32 v10, v58;
	v7 =	vor.u32 v12, v13  }
0x1e: {  	v12 =	vor.u32 v14, v41;
	v13 =	vor.u32 v42, v15;
	v14 =	vxor.u32 v6, v47  }
0x1f: {  	v15 =	vxor.u32 v8, v48;
	v42 =	vshll.u32 v5, $0xF;
	v46 =	vor.u32 v28, v40  }
0x20: {  	v5 =	vadd.s32 v2, v5;
	v7 =	vxor.u32 v4, v7;
	v12 =	vxor.u32 v9, v12  }
0x21: {  	v13 =	vxor.u32 v3, v13;
	v36 =	vshrl.u32 v14, $0x11;
	v37 =	vshll.u32 v14, $0xF  }
0x22: {  	v38 =	vshrl.u32 v15, $0x11;
	v16 =	vshrl.u32 v7, $0x6;
	v17 =	vshll.u32 v7, $0x1A  }
0x23: {  	v39 =	vshll.u32 v15, $0xF;
	v4 =	vadd.s32 v4, v7;
	v7 =	vor.u32 v16, v17  }
0x24: {  	v6 =	vadd.s32 v6, v14;
	v8 =	vadd.s32 v8, v15;
	v7 =	vxor.u32 v4, v7  }
0x25: {  	v2 =	vor.u32 v30, v42;
	v20 =	vshrl.u32 v7, $0x1A;
	v21 =	vshll.u32 v7, $0x6  }
0x26: {  	v61 =	vshrl.u32 v12, $0x11;
	v4 =	vadd.s32 v4, v7;
	v7 =	vor.u32 v20, v21  }
0x27: {  	v62 =	vshll.u32 v12, $0xF;
	v63 =	vshrl.u32 v13, $0x11;
	v7 =	vxor.u32 v4, v7  }
0x28: {  	v33 =	vshll.u32 v13, $0xF;
	v43 =	vor.u32 v36, v37;
	v7 =	vadd.s32 $0x99F83BF, v7  }
0x29: {  	v4 =	vadd.s32 v7, v4;
	v25 =	vshrl.u32 v7, $0xF;
	v7 =	vshll.u32 v7, $0x11  }
0x2a: {  	v23 =	vor.u32 v38, v39;
	v4 =	vadd.s32 $0x97B8C3E1, v4;
	v7 =	vor.u32 v25, v7  }
0x2b: {  	v9 =	vadd.s32 v9, v12;
	v3 =	vadd.s32 v3, v13;
	v7 =	vxor.u32 v4, v7  }
0x2c: {  	v16 =	vxor.u32 v11, v52;
	v49 =	vshrl.u32 v7, $0x3;
	v50 =	vshll.u32 v7, $0x1D  }
0x2d: {  	v18 =	vor.u32 v61, v62;
	v4 =	vadd.s32 v4, v7;
	v7 =	vor.u32 v49, v50  }
0x2e: {  	v19 =	vor.u32 v63, v33;
	v61 =	vxor.u32 v5, v2;
	v7 =	vxor.u32 v4, v7  }
0x2f: {  	v41 =	vshrl.u32 v16, $0x11;
	v53 =	vshrl.u32 v7, $0x10;
	v54 =	vshll.u32 v7, $0x10  }
0x30: {  	v29 =	vshll.u32 v16, $0xF;
	v4 =	vadd.s32 v4, v7;
	v7 =	vor.u32 v53, v54  }
0x31: {  	v11 =	vadd.s32 v11, v16;
	v52 =	vxor.u32 v9, v18;
	v7 =	vxor.u32 v4, v7  }
0x32: {  	v5 =	vadd.s32 v5, v61;
	v55 =	vshrl.u32 v7, $0x8;
	v56 =	vshll.u32 v7, $0x18  }
0x33: {  	v47 =	vor.u32 v41, v29;
	v4 =	vadd.s32 v4, v7;
	v7 =	vor.u32 v55, v56  }
0x34: {  	v62 =	vshrl.u32 v52, $0x6;
	v63 =	vshll.u32 v52, $0x1A;
	v7 =	vxor.u32 v4, v7  }
0x35: {  	v9 =	vadd.s32 v9, v52;
	v58 =	vxor.u32 v11, v47;
	v7 =	vadd.s32 $0x85F65B87, v7  }
0x36: {  	v4 =	vadd.s32 v7, v4;
	v57 =	vshrl.u32 v7, $0x13;
	v7 =	vshll.u32 v7, $0xD  }
0x37: {  	v42 =	vshrl.u32 v58, $0x6;
	v4 =	vadd.s32 $0x99F83BE, v4;
	v7 =	vor.u32 v57, v7  }
0x38: {  	v11 =	vadd.s32 v11, v58;
	v53 =	vxor.u32 v3, v19;
	v7 =	vxor.u32 v4, v7  }
0x39: {  	v19 =	vor.u32 v62, v63;
	v59 =	vshrl.u32 v7, $0x11;
	v60 =	vshll.u32 v7, $0xF  }
0x3a: {  	v33 =	vshll.u32 v53, $0x1A;
	v4 =	vadd.s32 v4, v7;
	v7 =	vor.u32 v59, v60  }
0x3b: {  	v3 =	vadd.s32 v3, v53;
	v55 =	vxor.u32 v6, v43;
	v7 =	vxor.u32 v4, v7  }
0x3c: {  	v56 =	vxor.u32 v8, v23;
	v34 =	vshrl.u32 v7, $0x6;
	v35 =	vshll.u32 v7, $0x1A  }
0x3d: {  	v43 =	vshll.u32 v58, $0x1A;
	v4 =	vadd.s32 v4, v7;
	v7 =	vor.u32 v34, v35  }
0x3e: {  	v36 =	vshrl.u32 v56, $0x6;
	v39 =	vshll.u32 v56, $0x1A;
	v7 =	vxor.u32 v4, v7  }
0x3f: {  	v47 =	vor.u32 v42, v43;
	v26 =	vshrl.u32 v7, $0x1A;
	v27 =	vshll.u32 v7, $0x6  }
0x40: {  	v6 =	vadd.s32 v6, v55;
	v4 =	vadd.s32 v4, v7;
	v7 =	vor.u32 v26, v27  }
0x41: {  	v8 =	vadd.s32 v8, v56;
	v57 =	vxor.u32 v10, v46;
	v7 =	vxor.u32 v4, v7  }
0x42: {  	v12 =	vxor.u32 v11, v47;
	v40 =	vshrl.u32 v57, $0x6;
	v7 =	vadd.s32 $0x97B8C3E4, v7  }
0x43: {  	v4 =	vadd.s32 v7, v4;
	v31 =	vshrl.u32 v7, $0xF;
	v7 =	vshll.u32 v7, $0x11  }
0x44: {  	v41 =	vshll.u32 v57, $0x1A;
	v4 =	vadd.s32 $0x85F65B85, v4;
	v7 =	vor.u32 v31, v7  }
0x45: {  	v10 =	vadd.s32 v10, v57;
	v46 =	vor.u32 v40, v41;
	v7 =	vxor.u32 v4, v7  }
0x46: {  	v16 =	vxor.u32 v10, v46;
	v44 =	vshrl.u32 v7, $0x3;
	v45 =	vshll.u32 v7, $0x1D  }
0x47: {  	v58 =	vshrl.u32 v16, $0x1A;
	v4 =	vadd.s32 v4, v7;
	v7 =	vor.u32 v44, v45  }
0x48: {  	v34 =	vshrl.u32 v55, $0x6;
	v35 =	vshll.u32 v55, $0x1A;
	v7 =	vxor.u32 v4, v7  }
0x49: {  	v21 =	vor.u32 v34, v35;
	v48 =	vshrl.u32 v7, $0x10;
	v49 =	vshll.u32 v7, $0x10  }
0x4a: {  	v44 =	vshll.u32 v61, $0x1A;
	v4 =	vadd.s32 v4, v7;
	v7 =	vor.u32 v48, v49  }
0x4b: {  	v45 =	vor.u32 v36, v39;
	v48 =	vxor.u32 v9, v19;
	v7 =	vxor.u32 v4, v7  }
0x4c: {  	v49 =	vxor.u32 v6, v21;
	v50 =	vshrl.u32 v7, $0x8;
	v51 =	vshll.u32 v7, $0x18  }
0x4d: {  	v52 =	vshll.u32 v48, $0x6;
	v4 =	vadd.s32 v4, v7;
	v7 =	vor.u32 v50, v51  }
0x4e: {  	v21 =	vshrl.u32 v49, $0x1A;
	v55 =	vshll.u32 v49, $0x6;
	v7 =	vxor.u32 v4, v7  }
0x4f: {  	v9 =	vadd.s32 v9, v48;
	v6 =	vadd.s32 v6, v49;
	v7 =	vadd.s32 $0x99F83C2, v7  }
0x50: {  	v4 =	vadd.s32 v7, v4;
	v54 =	vshrl.u32 v7, $0x13;
	v7 =	vshll.u32 v7, $0xD  }
0x51: {  	v50 =	vxor.u32 v8, v45;
	v4 =	vadd.s32 $0x97B8C3E1, v4;
	v7 =	vor.u32 v54, v7  }
0x52: {  	v51 =	vshrl.u32 v48, $0x1A;
	v56 =	vshrl.u32 v50, $0x1A;
	v7 =	vxor.u32 v4, v7  }
0x53: {  	v57 =	vshll.u32 v50, $0x6;
	v59 =	vshrl.u32 v7, $0x11;
	v60 =	vshll.u32 v7, $0xF  }
0x54: {  	v17 =	vor.u32 v51, v52;
	v4 =	vadd.s32 v4, v7;
	v7 =	vor.u32 v59, v60  }
0x55: {  	v59 =	vshll.u32 v16, $0x6;
	v60 =	vshrl.u32 v12, $0x1A;
	v2 =	vxor.u32 v4, v7  }
0x56: {  	v7 =	vshrl.u32 v53, $0x6;
	v34 =	vor.u32 v58, v59;
	v31 =	vshrl.u32 v2, $0x6  }
0x57: {  	v32 =	vshll.u32 v2, $0x1A;
	v2 =	vadd.s32 v4, v2;
	v7 =	vor.u32 v7, v33  }
0x58: {  	v33 =	vor.u32 v56, v57;
	v4 =	vor.u32 v31, v32;
	v7 =	vxor.u32 v3, v7  }
0x59: {  	v32 =	vor.u32 v21, v55;
	v4 =	vxor.u32 v2, v4;
	v53 =	vshrl.u32 v7, $0x1A  }
0x5a: {  	v54 =	vshll.u32 v7, $0x6;
	v3 =	vadd.s32 v3, v7;
	v7 =	vadd.s32 v8, v50  }
0x5b: {  	v8 =	vadd.s32 v10, v16;
	v10 =	vadd.s32 v11, v12;
	v11 =	vxor.u32 v9, v17  }
0x5c: {  	v37 =	vshrl.u32 v4, $0x1A;
	v38 =	vshll.u32 v4, $0x6;
	v2 =	vadd.s32 v2, v4  }
0x5d: {  	v31 =	vor.u32 v53, v54;
	v39 =	vxor.u32 v8, v34;
	v11 =	vadd.s32 $0x99F83BF, v11  }
0x5e: {  	v4 =	vor.u32 v37, v38;
	v36 =	vxor.u32 v3, v31;
	v37 =	vxor.u32 v6, v32  }
0x5f: {  	v38 =	vxor.u32 v7, v33;
	v15 =	vadd.s32 $0x99F83BF, v39;
	v9 =	vadd.s32 v11, v9  }
0x60: {  	v41 =	vshrl.u32 v11, $0xF;
	v11 =	vshll.u32 v11, $0x11;
	v4 =	vxor.u32 v2, v4  }
0x61: {  	v2 =	vadd.s32 $0x99F83BE, v2;
	v13 =	vadd.s32 $0x99F83BF, v37;
	v14 =	vadd.s32 $0x99F83BF, v38  }
0x62: {  	v8 =	vadd.s32 v15, v8;
	v45 =	vshrl.u32 v15, $0xF;
	v15 =	vshll.u32 v15, $0x11  }
0x63: {  	v9 =	vadd.s32 $0x97B8C3E1, v9;
	v11 =	vor.u32 v41, v11;
	v4 =	vadd.s32 $0x85F65B8A, v4  }
0x64: {  	v6 =	vadd.s32 v13, v6;
	v43 =	vshrl.u32 v13, $0xF;
	v13 =	vshll.u32 v13, $0x11  }
0x65: {  	v7 =	vadd.s32 v14, v7;
	v8 =	vadd.s32 $0x97B8C3E1, v8;
	v15 =	vor.u32 v45, v15  }
0x66: {  	v11 =	vxor.u32 v9, v11;
	v2 =	vxor.u32 v2, v4;
	v4 =	vshrl.u32 v61, $0x6  }
0x67: {  	v61 =	vshll.u32 v12, $0x6;
	v12 =	vadd.s32 $0x99F83BF, v36;
	v6 =	vadd.s32 $0x97B8C3E1, v6  }
0x68: {  	v13 =	vor.u32 v43, v13;
	v7 =	vadd.s32 $0x97B8C3E1, v7;
	v15 =	vxor.u32 v8, v15  }
0x69: {  	v48 =	vshrl.u32 v11, $0x3;
	v49 =	vshll.u32 v11, $0x1D;
	v9 =	vadd.s32 v9, v11  }
0x6a: {  	v4 =	vor.u32 v4, v44;
	v35 =	vor.u32 v60, v61;
	v3 =	vadd.s32 v12, v3  }
0x6b: {  	v42 =	vshrl.u32 v12, $0xF;
	v12 =	vshll.u32 v12, $0x11;
	v44 =	vshrl.u32 v14, $0xF  }
0x6c: {  	v14 =	vshll.u32 v14, $0x11;
	v13 =	vxor.u32 v6, v13;
	v56 =	vshrl.u32 v15, $0x3  }
0x6d: {  	v57 =	vshll.u32 v15, $0x1D;
	v17 =	vor.u32 v48, v49;
	v8 =	vadd.s32 v8, v15  }
0x6e: {  	v4 =	vxor.u32 v5, v4;
	v40 =	vxor.u32 v10, v35;
	v3 =	vadd.s32 $0x97B8C3E1, v3  }
0x6f: {  	v12 =	vor.u32 v42, v12;
	v14 =	vor.u32 v44, v14;
	v52 =	vshrl.u32 v13, $0x3  }
0x70: {  	v53 =	vshll.u32 v13, $0x1D;
	v31 =	vor.u32 v56, v57;
	v6 =	vadd.s32 v6, v13  }
0x71: {  	v11 =	vxor.u32 v9, v17;
	v62 =	vshrl.u32 v4, $0x1A;
	v63 =	vshll.u32 v4, $0x6  }
0x72: {  	v4 =	vadd.s32 v5, v4;
	v16 =	vadd.s32 $0x99F83BF, v40;
	v12 =	vxor.u32 v3, v12  }
0x73: {  	v14 =	vxor.u32 v7, v14;
	v15 =	vxor.u32 v8, v31;
	v17 =	vshrl.u32 v11, $0x10  }
0x74: {  	v33 =	vshll.u32 v11, $0x10;
	v9 =	vadd.s32 v9, v11;
	v5 =	vor.u32 v62, v63  }
0x75: {  	v10 =	vadd.s32 v16, v10;
	v46 =	vshrl.u32 v16, $0xF;
	v16 =	vshll.u32 v16, $0x11  }
0x76: {  	v50 =	vshrl.u32 v12, $0x3;
	v51 =	vshll.u32 v12, $0x1D;
	v54 =	vshrl.u32 v14, $0x3  }
0x77: {  	v55 =	vshll.u32 v14, $0x1D;
	v63 =	vor.u32 v52, v53;
	v3 =	vadd.s32 v3, v12  }
0x78: {  	v7 =	vadd.s32 v7, v14;
	v40 =	vshrl.u32 v15, $0x10;
	v41 =	vshll.u32 v15, $0x10  }
0x79: {  	v17 =	vor.u32 v17, v33;
	v8 =	vadd.s32 v8, v15;
	v5 =	vxor.u32 v4, v5  }
0x7a: {  	v10 =	vadd.s32 $0x97B8C3E1, v10;
	v16 =	vor.u32 v46, v16;
	v62 =	vor.u32 v50, v51  }
0x7b: {  	v24 =	vor.u32 v54, v55;
	v13 =	vxor.u32 v6, v63;
	v11 =	vor.u32 v40, v41  }
0x7c: {  	v50 =	vxor.u32 v9, v17;
	v5 =	vadd.s32 $0x99F83BF, v5;
	v16 =	vxor.u32 v10, v16  }
0x7d: {  	v12 =	vxor.u32 v3, v62;
	v14 =	vxor.u32 v7, v24;
	v36 =	vshrl.u32 v13, $0x10  }
0x7e: {  	v37 =	vshll.u32 v13, $0x10;
	v6 =	vadd.s32 v6, v13;
	v11 =	vxor.u32 v8, v11  }
0x7f: {  	v53 =	vshrl.u32 v50, $0x8;
	v55 =	vshll.u32 v50, $0x18;
	v9 =	vadd.s32 v9, v50  }
0x80: {  	v4 =	vadd.s32 v5, v4;
	v47 =	vshrl.u32 v5, $0xF;
	v5 =	vshll.u32 v5, $0x11  }
0x81: {  	v58 =	vshrl.u32 v16, $0x3;
	v59 =	vshll.u32 v16, $0x1D;
	v10 =	vadd.s32 v10, v16  }
0x82: {  	v34 =	vshrl.u32 v12, $0x10;
	v35 =	vshll.u32 v12, $0x10;
	v38 =	vshrl.u32 v14, $0x10  }
0x83: {  	v39 =	vshll.u32 v14, $0x10;
	v46 =	vor.u32 v36, v37;
	v3 =	vadd.s32 v3, v12  }
0x84: {  	v7 =	vadd.s32 v7, v14;
	v62 =	vshll.u32 v11, $0x18;
	v4 =	vadd.s32 $0x97B8C3E1, v4  }
0x85: {  	v5 =	vor.u32 v47, v5;
	v32 =	vor.u32 v58, v59;
	v19 =	vor.u32 v34, v35  }
0x86: {  	v47 =	vor.u32 v38, v39;
	v5 =	vxor.u32 v4, v5;
	v16 =	vxor.u32 v10, v32  }
0x87: {  	v51 =	vxor.u32 v3, v19;
	v52 =	vxor.u32 v7, v47;
	v60 =	vshrl.u32 v5, $0x3  }
0x88: {  	v61 =	vshll.u32 v5, $0x1D;
	v4 =	vadd.s32 v4, v5;
	v42 =	vshrl.u32 v16, $0x10  }
0x89: {  	v43 =	vshll.u32 v16, $0x10;
	v10 =	vadd.s32 v10, v16;
	v19 =	vshrl.u32 v51, $0x8  }
0x8a: {  	v56 =	vshll.u32 v51, $0x18;
	v59 =	vshrl.u32 v52, $0x8;
	v16 =	vor.u32 v53, v55  }
0x8b: {  	v3 =	vadd.s32 v3, v51;
	v5 =	vor.u32 v60, v61;
	v48 =	vor.u32 v42, v43  }
0x8c: {  	v60 =	vshll.u32 v52, $0x18;
	v61 =	vshrl.u32 v11, $0x8;
	v34 =	vor.u32 v19, v56  }
0x8d: {  	v5 =	vxor.u32 v4, v5;
	v54 =	vxor.u32 v10, v48;
	v37 =	vor.u32 v59, v60  }
0x8e: {  	v38 =	vor.u32 v61, v62;
	v40 =	vxor.u32 v3, v34;
	v44 =	vshrl.u32 v5, $0x10  }
0x8f: {  	v45 =	vshll.u32 v5, $0x10;
	v4 =	vadd.s32 v4, v5;
	v5 =	vxor.u32 v6, v46  }
0x90: {  	v63 =	vshrl.u32 v54, $0x8;
	v32 =	vshll.u32 v54, $0x18;
	v49 =	vor.u32 v44, v45  }
0x91: {  	v57 =	vshrl.u32 v5, $0x8;
	v58 =	vshll.u32 v5, $0x18;
	v39 =	vor.u32 v63, v32  }
0x92: {  	v5 =	vadd.s32 v6, v5;
	v6 =	vadd.s32 v7, v52;
	v7 =	vadd.s32 v8, v11  }
0x93: {  	v8 =	vadd.s32 v10, v54;
	v11 =	vxor.u32 v9, v16;
	v12 =	vxor.u32 v4, v49  }
0x94: {  	v36 =	vor.u32 v57, v58;
	v15 =	vxor.u32 v6, v37;
	v42 =	vxor.u32 v7, v38  }
0x95: {  	v13 =	vxor.u32 v8, v39;
	v11 =	vadd.s32 $0x85F65B87, v11;
	v33 =	vshrl.u32 v12, $0x8  }
0x96: {  	v35 =	vshll.u32 v12, $0x18;
	v4 =	vadd.s32 v4, v12;
	v41 =	vxor.u32 v5, v36  }
0x97: {  	v12 =	vadd.s32 $0x85F65B87, v40;
	v15 =	vadd.s32 $0x85F65B87, v15;
	v16 =	vadd.s32 $0x85F65B87, v42  }
0x98: {  	v9 =	vadd.s32 v11, v9;
	v13 =	vadd.s32 $0x85F65B87, v13;
	v43 =	vshrl.u32 v11, $0x13  }
0x99: {  	v11 =	vshll.u32 v11, $0xD;
	v10 =	vor.u32 v33, v35;
	v14 =	vadd.s32 $0x85F65B87, v41  }
0x9a: {  	v3 =	vadd.s32 v12, v3;
	v44 =	vshrl.u32 v12, $0x13;
	v12 =	vshll.u32 v12, $0xD  }
0x9b: {  	v6 =	vadd.s32 v15, v6;
	v46 =	vshrl.u32 v15, $0x13;
	v15 =	vshll.u32 v15, $0xD  }
0x9c: {  	v7 =	vadd.s32 v16, v7;
	v47 =	vshrl.u32 v16, $0x13;
	v16 =	vshll.u32 v16, $0xD  }
0x9d: {  	v8 =	vadd.s32 v13, v8;
	v48 =	vshrl.u32 v13, $0x13;
	v13 =	vshll.u32 v13, $0xD  }
0x9e: {  	v9 =	vadd.s32 $0x99F83BE, v9;
	v11 =	vor.u32 v43, v11;
	v10 =	vxor.u32 v4, v10  }
0x9f: {  	v5 =	vadd.s32 v14, v5;
	v45 =	vshrl.u32 v14, $0x13;
	v14 =	vshll.u32 v14, $0xD  }
0xa0: {  	v3 =	vadd.s32 $0x99F83BE, v3;
	v12 =	vor.u32 v44, v12;
	v6 =	vadd.s32 $0x99F83BE, v6  }
0xa1: {  	v15 =	vor.u32 v46, v15;
	v7 =	vadd.s32 $0x99F83BE, v7;
	v16 =	vor.u32 v47, v16  }
0xa2: {  	v8 =	vadd.s32 $0x99F83BE, v8;
	v13 =	vor.u32 v48, v13;
	v11 =	vxor.u32 v9, v11  }
0xa3: {  	v10 =	vadd.s32 $0x85F65B87, v10;
	v5 =	vadd.s32 $0x99F83BE, v5;
	v14 =	vor.u32 v45, v14  }
0xa4: {  	v12 =	vxor.u32 v3, v12;
	v15 =	vxor.u32 v6, v15;
	v16 =	vxor.u32 v7, v16  }
0xa5: {  	v50 =	vshrl.u32 v11, $0x11;
	v13 =	vxor.u32 v8, v13;
	v51 =	vshll.u32 v11, $0xF  }
0xa6: {  	v9 =	vadd.s32 v9, v11;
	v4 =	vadd.s32 v10, v4;
	v49 =	vshrl.u32 v10, $0x13  }
0xa7: {  	v10 =	vshll.u32 v10, $0xD;
	v14 =	vxor.u32 v5, v14;
	v52 =	vshrl.u32 v12, $0x11  }
0xa8: {  	v53 =	vshll.u32 v12, $0xF;
	v56 =	vshrl.u32 v15, $0x11;
	v57 =	vshll.u32 v15, $0xF  }
0xa9: {  	v58 =	vshrl.u32 v16, $0x11;
	v59 =	vshll.u32 v16, $0xF;
	v60 =	vshrl.u32 v13, $0x11  }
0xaa: {  	v61 =	vshll.u32 v13, $0xF;
	v17 =	vor.u32 v50, v51;
	v3 =	vadd.s32 v3, v12  }
0xab: {  	v6 =	vadd.s32 v6, v15;
	v7 =	vadd.s32 v7, v16;
	v8 =	vadd.s32 v8, v13  }
0xac: {  	v4 =	vadd.s32 $0x99F83BE, v4;
	v10 =	vor.u32 v49, v10;
	v54 =	vshrl.u32 v14, $0x11  }
0xad: {  	v55 =	vshll.u32 v14, $0xF;
	v63 =	vor.u32 v52, v53;
	v32 =	vor.u32 v56, v57  }
0xae: {  	v33 =	vor.u32 v58, v59;
	v11 =	vor.u32 v60, v61;
	v5 =	vadd.s32 v5, v14  }
0xaf: {  	v34 =	vxor.u32 v9, v17;
	v10 =	vxor.u32 v4, v10;
	v31 =	vor.u32 v54, v55  }
0xb0: {  	v35 =	vxor.u32 v3, v63;
	v15 =	vxor.u32 v6, v32;
	v16 =	vxor.u32 v7, v33  }
0xb1: {  	v11 =	vxor.u32 v8, v11;
	v17 =	vshrl.u32 v34, $0x6;
	v36 =	vshll.u32 v34, $0x1A  }
0xb2: {  	v9 =	vadd.s32 v9, v34;
	v62 =	vshrl.u32 v10, $0x11;
	v30 =	vshll.u32 v10, $0xF  }
0xb3: {  	v4 =	vadd.s32 v4, v10;
	v14 =	vxor.u32 v5, v31;
	v37 =	vshrl.u32 v35, $0x6  }
0xb4: {  	v38 =	vshll.u32 v35, $0x1A;
	v41 =	vshrl.u32 v15, $0x6;
	v42 =	vshll.u32 v15, $0x1A  }
0xb5: {  	v43 =	vshrl.u32 v16, $0x6;
	v44 =	vshll.u32 v16, $0x1A;
	v45 =	vshrl.u32 v11, $0x6  }
0xb6: {  	v46 =	vshll.u32 v11, $0x1A;
	v17 =	vor.u32 v17, v36;
	v3 =	vadd.s32 v3, v35  }
0xb7: {  	v6 =	vadd.s32 v6, v15;
	v7 =	vadd.s32 v7, v16;
	v8 =	vadd.s32 v8, v11  }
0xb8: {  	v10 =	vor.u32 v62, v30;
	v39 =	vshrl.u32 v14, $0x6;
	v40 =	vshll.u32 v14, $0x1A  }
0xb9: {  	v49 =	vor.u32 v37, v38;
	v51 =	vor.u32 v41, v42;
	v52 =	vor.u32 v43, v44  }
0xba: {  	v53 =	vor.u32 v45, v46;
	v5 =	vadd.s32 v5, v14;
	v11 =	vxor.u32 v9, v17  }
0xbb: {  	v10 =	vxor.u32 v4, v10;
	v50 =	vor.u32 v39, v40;
	v54 =	vxor.u32 v3, v49  }
0xbc: {  	v56 =	vxor.u32 v6, v51;
	v57 =	vxor.u32 v7, v52;
	v58 =	vxor.u32 v8, v53  }
0xbd: {  	v17 =	vshrl.u32 v11, $0x1A;
	v59 =	vshll.u32 v11, $0x6;
	v9 =	vadd.s32 v9, v11  }
0xbe: {  	v47 =	vshrl.u32 v10, $0x6;
	v48 =	vshll.u32 v10, $0x1A;
	v4 =	vadd.s32 v4, v10  }
0xbf: {  	v55 =	vxor.u32 v5, v50;
	v60 =	vshrl.u32 v54, $0x1A;
	v61 =	vshll.u32 v54, $0x6  }
0xc0: {  	v32 =	vshrl.u32 v56, $0x1A;
	v33 =	vshll.u32 v56, $0x6;
	v34 =	vshrl.u32 v57, $0x1A  }
0xc1: {  	v35 =	vshll.u32 v57, $0x6;
	v36 =	vshrl.u32 v58, $0x1A;
	v37 =	vshll.u32 v58, $0x6  }
0xc2: {  	v17 =	vor.u32 v17, v59;
	v3 =	vadd.s32 v3, v54;
	v6 =	vadd.s32 v6, v56  }
0xc3: {  	v7 =	vadd.s32 v7, v57;
	v8 =	vadd.s32 v8, v58;
	v10 =	vor.u32 v47, v48  }
0xc4: {  	v62 =	vshrl.u32 v55, $0x1A;
	v63 =	vshll.u32 v55, $0x6;
	v19 =	vor.u32 v60, v61  }
0xc5: {  	v41 =	vor.u32 v32, v33;
	v11 =	vor.u32 v34, v35;
	v42 =	vor.u32 v36, v37  }
0xc6: {  	v5 =	vadd.s32 v5, v55;
	v44 =	vxor.u32 v9, v17;
	v10 =	vxor.u32 v4, v10  }
0xc7: {  	v40 =	vor.u32 v62, v63;
	v45 =	vxor.u32 v3, v19;
	v46 =	vxor.u32 v6, v41  }
0xc8: {  	v11 =	vxor.u32 v7, v11;
	v13 =	vadd.s32 $0x97B8C3E4, v44;
	v16 =	vxor.u32 v8, v42  }
0xc9: {  	v38 =	vshrl.u32 v10, $0x1A;
	v39 =	vshll.u32 v10, $0x6;
	v4 =	vadd.s32 v4, v10  }
0xca: {  	v10 =	vxor.u32 v5, v40;
	v14 =	vadd.s32 $0x97B8C3E4, v45;
	v15 =	vadd.s32 $0x97B8C3E4, v46  }
0xcb: {  	v11 =	vadd.s32 $0x97B8C3E4, v11;
	v16 =	vadd.s32 $0x97B8C3E4, v16;
	v9 =	vadd.s32 v13, v9  }
0xcc: {  	v47 =	vshrl.u32 v13, $0xF;
	v13 =	vshll.u32 v13, $0x11;
	v43 =	vor.u32 v38, v39  }
0xcd: {  	v10 =	vadd.s32 $0x97B8C3E4, v10;
	v3 =	vadd.s32 v14, v3;
	v48 =	vshrl.u32 v14, $0xF  }
0xce: {  	v14 =	vshll.u32 v14, $0x11;
	v6 =	vadd.s32 v15, v6;
	v50 =	vshrl.u32 v15, $0xF  }
0xcf: {  	v15 =	vshll.u32 v15, $0x11;
	v7 =	vadd.s32 v11, v7;
	v51 =	vshrl.u32 v11, $0xF  }
0xd0: {  	v11 =	vshll.u32 v11, $0x11;
	v8 =	vadd.s32 v16, v8;
	v52 =	vshrl.u32 v16, $0xF  }
0xd1: {  	v16 =	vshll.u32 v16, $0x11;
	v9 =	vadd.s32 $0x85F65B85, v9;
	v13 =	vor.u32 v47, v13  }
0xd2: {  	v12 =	vxor.u32 v4, v43;
	v5 =	vadd.s32 v10, v5;
	v49 =	vshrl.u32 v10, $0xF  }
0xd3: {  	v10 =	vshll.u32 v10, $0x11;
	v3 =	vadd.s32 $0x85F65B85, v3;
	v14 =	vor.u32 v48, v14  }
0xd4: {  	v6 =	vadd.s32 $0x85F65B85, v6;
	v15 =	vor.u32 v50, v15;
	v7 =	vadd.s32 $0x85F65B85, v7  }
0xd5: {  	v11 =	vor.u32 v51, v11;
	v8 =	vadd.s32 $0x85F65B85, v8;
	v16 =	vor.u32 v52, v16  }
0xd6: {  	v13 =	vxor.u32 v9, v13;
	v12 =	vadd.s32 $0x97B8C3E4, v12;
	v5 =	vadd.s32 $0x85F65B85, v5  }
0xd7: {  	v10 =	vor.u32 v49, v10;
	v14 =	vxor.u32 v3, v14;
	v15 =	vxor.u32 v6, v15  }
0xd8: {  	v11 =	vxor.u32 v7, v11;
	v16 =	vxor.u32 v8, v16;
	v54 =	vshrl.u32 v13, $0x3  }
0xd9: {  	v55 =	vshll.u32 v13, $0x1D;
	v9 =	vadd.s32 v9, v13;
	v4 =	vadd.s32 v12, v4  }
0xda: {  	v53 =	vshrl.u32 v12, $0xF;
	v12 =	vshll.u32 v12, $0x11;
	v10 =	vxor.u32 v5, v10  }
0xdb: {  	v56 =	vshrl.u32 v14, $0x3;
	v57 =	vshll.u32 v14, $0x1D;
	v60 =	vshrl.u32 v15, $0x3  }
0xdc: {  	v61 =	vshll.u32 v15, $0x1D;
	v62 =	vshrl.u32 v11, $0x3;
	v63 =	vshll.u32 v11, $0x1D  }
0xdd: {  	v32 =	vshrl.u32 v16, $0x3;
	v33 =	vshll.u32 v16, $0x1D;
	v17 =	vor.u32 v54, v55  }
0xde: {  	v3 =	vadd.s32 v3, v14;
	v6 =	vadd.s32 v6, v15;
	v7 =	vadd.s32 v7, v11  }
0xdf: {  	v8 =	vadd.s32 v8, v16;
	v4 =	vadd.s32 $0x85F65B85, v4;
	v12 =	vor.u32 v53, v12  }
0xe0: {  	v58 =	vshrl.u32 v10, $0x3;
	v59 =	vshll.u32 v10, $0x1D;
	v19 =	vor.u32 v56, v57  }
0xe1: {  	v37 =	vor.u32 v60, v61;
	v38 =	vor.u32 v62, v63;
	v39 =	vor.u32 v32, v33  }
0xe2: {  	v5 =	vadd.s32 v5, v10;
	v11 =	vxor.u32 v9, v17;
	v12 =	vxor.u32 v4, v12  }
0xe3: {  	v36 =	vor.u32 v58, v59;
	v14 =	vxor.u32 v3, v19;
	v15 =	vxor.u32 v6, v37  }
0xe4: {  	v13 =	vxor.u32 v7, v38;
	v41 =	vshrl.u32 v11, $0x10;
	v42 =	vxor.u32 v8, v39  }
0xe5: {  	v43 =	vshll.u32 v11, $0x10;
	v9 =	vadd.s32 v9, v11;
	v34 =	vshrl.u32 v12, $0x3  }
0xe6: {  	v35 =	vshll.u32 v12, $0x1D;
	v4 =	vadd.s32 v4, v12;
	v40 =	vxor.u32 v5, v36  }
0xe7: {  	v19 =	vshrl.u32 v14, $0x10;
	v44 =	vshll.u32 v14, $0x10;
	v47 =	vshrl.u32 v15, $0x10  }
0xe8: {  	v48 =	vshll.u32 v15, $0x10;
	v49 =	vshrl.u32 v13, $0x10;
	v50 =	vshll.u32 v13, $0x10  }
0xe9: {  	v51 =	vshrl.u32 v42, $0x10;
	v52 =	vshll.u32 v42, $0x10;
	v16 =	vor.u32 v41, v43  }
0xea: {  	v3 =	vadd.s32 v3, v14;
	v6 =	vadd.s32 v6, v15;
	v7 =	vadd.s32 v7, v13  }
0xeb: {  	v8 =	vadd.s32 v8, v42;
	v10 =	vor.u32 v34, v35;
	v45 =	vshrl.u32 v40, $0x10  }
0xec: {  	v46 =	vshll.u32 v40, $0x10;
	v54 =	vor.u32 v19, v44;
	v57 =	vor.u32 v47, v48  }
0xed: {  	v58 =	vor.u32 v49, v50;
	v11 =	vor.u32 v51, v52;
	v5 =	vadd.s32 v5, v40  }
0xee: {  	v59 =	vxor.u32 v9, v16;
	v10 =	vxor.u32 v4, v10;
	v56 =	vor.u32 v45, v46  }
0xef: {  	v60 =	vxor.u32 v3, v54;
	v15 =	vxor.u32 v6, v57;
	v62 =	vxor.u32 v7, v58  }
0xf0: {  	v11 =	vxor.u32 v8, v11;
	v63 =	vshrl.u32 v59, $0x8;
	v33 =	vshll.u32 v59, $0x18  }
0xf1: {  	v9 =	vadd.s32 v9, v59;
	v53 =	vshrl.u32 v10, $0x10;
	v55 =	vshll.u32 v10, $0x10  }
0xf2: {  	v4 =	vadd.s32 v4, v10;
	v61 =	vxor.u32 v5, v56;
	v34 =	vshrl.u32 v60, $0x8  }
0xf3: {  	v35 =	vshll.u32 v60, $0x18;
	v38 =	vshrl.u32 v15, $0x8;
	v39 =	vshll.u32 v15, $0x18  }
0xf4: {  	v40 =	vshrl.u32 v62, $0x8;
	v41 =	vshll.u32 v62, $0x18;
	v42 =	vshrl.u32 v11, $0x8  }
0xf5: {  	v43 =	vshll.u32 v11, $0x18;
	v17 =	vor.u32 v63, v33;
	v3 =	vadd.s32 v3, v60  }
0xf6: {  	v6 =	vadd.s32 v6, v15;
	v7 =	vadd.s32 v7, v62;
	v8 =	vadd.s32 v8, v11  }
0xf7: {  	v10 =	vor.u32 v53, v55;
	v36 =	vshrl.u32 v61, $0x8;
	v37 =	vshll.u32 v61, $0x18  }
0xf8: {  	v46 =	vor.u32 v34, v35;
	v48 =	vor.u32 v38, v39;
	v49 =	vor.u32 v40, v41  }
0xf9: {  	v50 =	vor.u32 v42, v43;
	v5 =	vadd.s32 v5, v61;
	v11 =	vxor.u32 v9, v17  }
0xfa: {  	v10 =	vxor.u32 v4, v10;
	v47 =	vor.u32 v36, v37;
	v51 =	vxor.u32 v3, v46  }
0xfb: {  	v53 =	vxor.u32 v6, v48;
	v54 =	vxor.u32 v7, v49;
	v55 =	vxor.u32 v8, v50  }
0xfc: {  	v11 =	vadd.s32 $0x99F83C2, v11;
	v44 =	vshrl.u32 v10, $0x8;
	v45 =	vshll.u32 v10, $0x18  }
0xfd: {  	v4 =	vadd.s32 v4, v10;
	v52 =	vxor.u32 v5, v47;
	v12 =	vadd.s32 $0x99F83C2, v51  }
0xfe: {  	v14 =	vadd.s32 $0x99F83C2, v53;
	v15 =	vadd.s32 $0x99F83C2, v54;
	v16 =	vadd.s32 $0x99F83C2, v55  }
0xff: {  	v9 =	vadd.s32 v11, v9;
	v56 =	vshrl.u32 v11, $0x13;
	v11 =	vshll.u32 v11, $0xD  }
0x100: {  	v10 =	vor.u32 v44, v45;
	v13 =	vadd.s32 $0x99F83C2, v52;
	v3 =	vadd.s32 v12, v3  }
0x101: {  	v57 =	vshrl.u32 v12, $0x13;
	v12 =	vshll.u32 v12, $0xD;
	v6 =	vadd.s32 v14, v6  }
0x102: {  	v59 =	vshrl.u32 v14, $0x13;
	v14 =	vshll.u32 v14, $0xD;
	v7 =	vadd.s32 v15, v7  }
0x103: {  	v60 =	vshrl.u32 v15, $0x13;
	v15 =	vshll.u32 v15, $0xD;
	v8 =	vadd.s32 v16, v8  }
0x104: {  	v61 =	vshrl.u32 v16, $0x13;
	v16 =	vshll.u32 v16, $0xD;
	v9 =	vadd.s32 $0x97B8C3E1, v9  }
0x105: {  	v11 =	vor.u32 v56, v11;
	v10 =	vxor.u32 v4, v10;
	v5 =	vadd.s32 v13, v5  }
0x106: {  	v58 =	vshrl.u32 v13, $0x13;
	v13 =	vshll.u32 v13, $0xD;
	v3 =	vadd.s32 $0x97B8C3E1, v3  }
0x107: {  	v12 =	vor.u32 v57, v12;
	v6 =	vadd.s32 $0x97B8C3E1, v6;
	v14 =	vor.u32 v59, v14  }
0x108: {  	v7 =	vadd.s32 $0x97B8C3E1, v7;
	v15 =	vor.u32 v60, v15;
	v8 =	vadd.s32 $0x97B8C3E1, v8  }
0x109: {  	v16 =	vor.u32 v61, v16;
	v11 =	vxor.u32 v9, v11;
	v10 =	vadd.s32 $0x99F83C2, v10  }
0x10a: {  	v5 =	vadd.s32 $0x97B8C3E1, v5;
	v13 =	vor.u32 v58, v13;
	v12 =	vxor.u32 v3, v12  }
0x10b: {  	v14 =	vxor.u32 v6, v14;
	v15 =	vxor.u32 v7, v15;
	v16 =	vxor.u32 v8, v16  }
0x10c: {  	v63 =	vshrl.u32 v11, $0x11;
	v33 =	vshll.u32 v11, $0xF;
	v9 =	vadd.s32 v9, v11  }
0x10d: {  	v4 =	vadd.s32 v10, v4;
	v62 =	vshrl.u32 v10, $0x13;
	v10 =	vshll.u32 v10, $0xD  }
0x10e: {  	v13 =	vxor.u32 v5, v13;
	v34 =	vshrl.u32 v12, $0x11;
	v35 =	vshll.u32 v12, $0xF  }
0x10f: {  	v38 =	vshrl.u32 v14, $0x11;
	v39 =	vshll.u32 v14, $0xF;
	v40 =	vshrl.u32 v15, $0x11  }
0x110: {  	v41 =	vshll.u32 v15, $0xF;
	v42 =	vshrl.u32 v16, $0x11;
	v43 =	vshll.u32 v16, $0xF  }
0x111: {  	v17 =	vor.u32 v63, v33;
	v3 =	vadd.s32 v3, v12;
	v6 =	vadd.s32 v6, v14  }
0x112: {  	v7 =	vadd.s32 v7, v15;
	v8 =	vadd.s32 v8, v16;
	v4 =	vadd.s32 $0x97B8C3E1, v4  }
0x113: {  	v10 =	vor.u32 v62, v10;
	v36 =	vshrl.u32 v13, $0x11;
	v37 =	vshll.u32 v13, $0xF  }
0x114: {  	v46 =	vor.u32 v34, v35;
	v48 =	vor.u32 v38, v39;
	v49 =	vor.u32 v40, v41  }
0x115: {  	v50 =	vor.u32 v42, v43;
	v5 =	vadd.s32 v5, v13;
	v11 =	vxor.u32 v9, v17  }
0x116: {  	v10 =	vxor.u32 v4, v10;
	v47 =	vor.u32 v36, v37;
	v12 =	vxor.u32 v3, v46  }
0x117: {  	v14 =	vxor.u32 v6, v48;
	v15 =	vxor.u32 v7, v49;
	v16 =	vxor.u32 v8, v50  }
0x118: {  	v17 =	vshrl.u32 v11, $0x6;
	v51 =	vshll.u32 v11, $0x1A;
	v9 =	vadd.s32 v9, v11  }
0x119: {  	v44 =	vshrl.u32 v10, $0x11;
	v45 =	vshll.u32 v10, $0xF;
	v4 =	vadd.s32 v4, v10  }
0x11a: {  	v13 =	vxor.u32 v5, v47;
	v52 =	vshrl.u32 v12, $0x6;
	v53 =	vshll.u32 v12, $0x1A  }
0x11b: {  	v56 =	vshrl.u32 v14, $0x6;
	v57 =	vshll.u32 v14, $0x1A;
	v58 =	vshrl.u32 v15, $0x6  }
0x11c: {  	v59 =	vshll.u32 v15, $0x1A;
	v60 =	vshrl.u32 v16, $0x6;
	v61 =	vshll.u32 v16, $0x1A  }
0x11d: {  	v17 =	vor.u32 v17, v51;
	v3 =	vadd.s32 v3, v12;
	v6 =	vadd.s32 v6, v14  }
0x11e: {  	v7 =	vadd.s32 v7, v15;
	v8 =	vadd.s32 v8, v16;
	v10 =	vor.u32 v44, v45  }
0x11f: {  	v54 =	vshrl.u32 v13, $0x6;
	v55 =	vshll.u32 v13, $0x1A;
	v19 =	vor.u32 v52, v53  }
0x120: {  	v32 =	vor.u32 v56, v57;
	v11 =	vor.u32 v58, v59;
	v33 =	vor.u32 v60, v61  }
0x121: {  	v5 =	vadd.s32 v5, v13;
	v35 =	vxor.u32 v9, v17;
	v10 =	vxor.u32 v4, v10  }
0x122: {  	v31 =	vor.u32 v54, v55;
	v36 =	vxor.u32 v3, v19;
	v37 =	vxor.u32 v6, v32  }
0x123: {  	v11 =	vxor.u32 v7, v11;
	v38 =	vshrl.u32 v35, $0x1A;
	v39 =	vxor.u32 v8, v33  }
0x124: {  	v40 =	vshll.u32 v35, $0x6;
	v9 =	vadd.s32 v9, v35;
	v62 =	vshrl.u32 v10, $0x6  }
0x125: {  	v63 =	vshll.u32 v10, $0x1A;
	v4 =	vadd.s32 v4, v10;
	v10 =	vxor.u32 v5, v31  }
0x126: {  	v19 =	vshrl.u32 v36, $0x1A;
	v41 =	vshll.u32 v36, $0x6;
	v44 =	vshrl.u32 v37, $0x1A  }
0x127: {  	v45 =	vshll.u32 v37, $0x6;
	v46 =	vshrl.u32 v11, $0x1A;
	v47 =	vshll.u32 v11, $0x6  }
0x128: {  	v48 =	vshrl.u32 v39, $0x1A;
	v49 =	vshll.u32 v39, $0x6;
	v16 =	vor.u32 v38, v40  }
0x129: {  	v56 =	vadd.s32 v3, v36;
	v6 =	vadd.s32 v6, v37;
	v7 =	vadd.s32 v7, v11  }
0x12a: {  	v8 =	vadd.s32 v8, v39;
	v34 =	vor.u32 v62, v63;
	v42 =	vshrl.u32 v10, $0x1A  }
0x12b: {  	v43 =	vshll.u32 v10, $0x6;
	v51 =	vor.u32 v19, v41;
	v54 =	vor.u32 v44, v45  }
0x12c: {  	v55 =	vor.u32 v46, v47;
	v3 =	vor.u32 v48, v49;
	v5 =	vadd.s32 v5, v10  }
0x12d: {  	v11 =	vxor.u32 v9, v16;
	v9 =	vadd.s32 $0x99F83BE, v9;
	v62 =	vadd.s32 $0x99F83BE, v7  }
0x12e: {  	v63 =	vadd.s32 $0x99F83BE, v8;
	v12 =	vxor.u32 v4, v34;
	v53 =	vor.u32 v42, v43  }
0x12f: {  	v57 =	vxor.u32 v56, v51;
	v15 =	vxor.u32 v6, v54;
	v59 =	vxor.u32 v7, v55  }
0x130: {  	v3 =	vxor.u32 v8, v3;
	v11 =	vadd.s32 $0x85F65B8A, v11;
	v61 =	vadd.s32 $0x99F83BE, v5  }
0x131: {  	v6 =	vadd.s32 $0x99F83BE, v6;
	v50 =	vshrl.u32 v12, $0x1A;
	v52 =	vshll.u32 v12, $0x6  }
0x132: {  	v4 =	vadd.s32 v4, v12;
	v58 =	vxor.u32 v5, v53;
	v12 =	vadd.s32 $0x85F65B8A, v57  }
0x133: {  	s12 =	simm.s32 $0x40;
	v15 =	vadd.s32 $0x85F65B8A, v15;
	v16 =	vadd.s32 $0x85F65B8A, v59;
	v60 =	vadd.s32 $0x85F65B8A, v3  }
0x134: {  	[tilespmem:s12+$0x20] =	vst v2;
	v2 =	vxor.u32 v9, v11;
	v10 =	vor.u32 v50, v52;
	v14 =	vadd.s32 $0x85F65B8A, v58  }
0x135: {  	v5 =	vadd.s32 $0x99F83BE, v4;
	v6 =	vxor.u32 v6, v15;
	v10 =	vxor.u32 v4, v10  }
0x136: {  	[tilespmem:s12+$0xFFFFFFC0] =	vst v2;
	v2 =	vxor.u32 v63, v60;
	v3 =	vadd.s32 $0x85F65B8A, v10;
	v10 =	vadd.s32 $0x99F83BE, v56  }
0x137: {  	s13 =	simm.s32 $0x0;
	s14 =	simm.s32 $0xF0;
	v7 =	vxor.u32 v61, v14;
	v4 =	vxor.u32 v62, v16;
	v8 =	vxor.u32 v10, v12  }
.LBB2_3:
0x138: {  	s15 =	sadd.s32 $0xFFFFFFA0, s14;
	s16 =	sadd.s32 $0xFFFFFFF0, s14;
	v9 =	vadd.s32 s14, v1;
	s13 =	sadd.s32 $0x8, s13;
	[tilespmem:s12+$0xFFFFFFD0] =	vst v8;
	v3 =	vxor.u32 v5, v3  }
0x139: {  	s17 =	sadd.s32 $0xFFFFFFC0, s14;
	v5 =	vadd.s32 s15, v1;
	s15 =	sadd.s32 $0xFFFFFFB0, s14;
	v8 =	vadd.s32 s16, v1;
	v10 =	vshrl.u32 v9, $0x13;
	p0 =	slt.u32 s13, $0x1878;
	[tilespmem:s12+$0xFFFFFFE0] =	vst v7  }
0x13a: {  	s18 =	sadd.s32 $0xFFFFFFE0, s14;
	s16 =	sadd.s32 $0xFFFFFF90, s14;
	v7 =	vadd.s32 s15, v1;
	s15 =	sadd.s32 $0xFFFFFFD0, s14;
	v11 =	vshrl.u32 v8, $0x13;
	v12 =	vshll.u32 v8, $0xD;
	[tilespmem:s12+$0xFFFFFFF0] =	vst v6  }
0x13b: {  	v6 =	vadd.s32 s16, v1;
	v8 =	vadd.s32 $0x85F65B85, v8;
	v11 =	vor.u32 v11, v12;
	[tilespmem:s12+$0x0] =	vst v4  }
0x13c: {  	v4 =	vadd.s32 s17, v1;
	v12 =	vadd.s32 s15, v1;
	v11 =	vxor.u32 v8, v11;
	[tilespmem:s12+$0x10] =	vst v2  }
0x13d: {  	v2 =	vadd.s32 s18, v1;
	v13 =	vshrl.u32 v11, $0x11;
	v14 =	vshll.u32 v11, $0xF;
	[tilespmem:s12+$0x30] =	vst v3  }
0x13e: {  	v3 =	vshrl.u32 v6, $0x13;
	v8 =	vadd.s32 v8, v11;
	v11 =	vor.u32 v13, v14  }
0x13f: {  	v13 =	vshll.u32 v6, $0xD;
	v14 =	vshrl.u32 v5, $0x13;
	v11 =	vxor.u32 v8, v11  }
0x140: {  	v15 =	vshll.u32 v5, $0xD;
	v16 =	vshrl.u32 v11, $0x6;
	v17 =	vshll.u32 v11, $0x1A  }
0x141: {  	v18 =	vshrl.u32 v7, $0x13;
	v8 =	vadd.s32 v8, v11;
	v11 =	vor.u32 v16, v17  }
0x142: {  	v16 =	vshll.u32 v7, $0xD;
	v17 =	vshrl.u32 v4, $0x13;
	v11 =	vxor.u32 v8, v11  }
0x143: {  	v19 =	vshll.u32 v4, $0xD;
	v20 =	vshrl.u32 v11, $0x1A;
	v21 =	vshll.u32 v11, $0x6  }
0x144: {  	v22 =	vshrl.u32 v12, $0x13;
	v8 =	vadd.s32 v8, v11;
	v11 =	vor.u32 v20, v21  }
0x145: {  	v20 =	vshll.u32 v12, $0xD;
	v21 =	vshrl.u32 v2, $0x13;
	v11 =	vxor.u32 v8, v11  }
0x146: {  	v24 =	vshll.u32 v9, $0xD;
	v23 =	vshll.u32 v2, $0xD;
	v11 =	vadd.s32 $0x99F83BF, v11  }
0x147: {  	v8 =	vadd.s32 v11, v8;
	v25 =	vshrl.u32 v11, $0xF;
	v11 =	vshll.u32 v11, $0x11  }
0x148: {  	v3 =	vor.u32 v3, v13;
	v8 =	vadd.s32 $0x97B8C3E1, v8;
	v11 =	vor.u32 v25, v11  }
0x149: {  	v13 =	vor.u32 v14, v15;
	v14 =	vor.u32 v18, v16;
	v11 =	vxor.u32 v8, v11  }
0x14a: {  	v15 =	vor.u32 v17, v19;
	v16 =	vshrl.u32 v11, $0x3;
	v17 =	vshll.u32 v11, $0x1D  }
0x14b: {  	v18 =	vor.u32 v22, v20;
	v8 =	vadd.s32 v8, v11;
	v11 =	vor.u32 v16, v17  }
0x14c: {  	v6 =	vadd.s32 $0x85F65B85, v6;
	v16 =	vor.u32 v21, v23;
	v11 =	vxor.u32 v8, v11  }
0x14d: {  	v5 =	vadd.s32 $0x85F65B85, v5;
	v17 =	vshrl.u32 v11, $0x10;
	v19 =	vshll.u32 v11, $0x10  }
0x14e: {  	v7 =	vadd.s32 $0x85F65B85, v7;
	v8 =	vadd.s32 v8, v11;
	v11 =	vor.u32 v17, v19  }
0x14f: {  	v4 =	vadd.s32 $0x85F65B85, v4;
	v12 =	vadd.s32 $0x85F65B85, v12;
	v11 =	vxor.u32 v8, v11  }
0x150: {  	v2 =	vadd.s32 $0x85F65B85, v2;
	v17 =	vshrl.u32 v11, $0x8;
	v19 =	vshll.u32 v11, $0x18  }
0x151: {  	v10 =	vor.u32 v10, v24;
	v8 =	vadd.s32 v8, v11;
	v11 =	vor.u32 v17, v19  }
0x152: {  	v9 =	vadd.s32 $0x85F65B85, v9;
	v3 =	vxor.u32 v6, v3;
	v11 =	vxor.u32 v8, v11  }
0x153: {  	v13 =	vxor.u32 v5, v13;
	v14 =	vxor.u32 v7, v14;
	v11 =	vadd.s32 $0x85F65B87, v11  }
0x154: {  	v8 =	vadd.s32 v11, v8;
	v17 =	vshrl.u32 v11, $0x13;
	v11 =	vshll.u32 v11, $0xD  }
0x155: {  	v15 =	vxor.u32 v4, v15;
	v8 =	vadd.s32 $0x99F83BE, v8;
	v11 =	vor.u32 v17, v11  }
0x156: {  	v16 =	vxor.u32 v2, v16;
	v17 =	vxor.u32 v12, v18;
	v11 =	vxor.u32 v8, v11  }
0x157: {  	v10 =	vxor.u32 v9, v10;
	v18 =	vshrl.u32 v11, $0x11;
	v19 =	vshll.u32 v11, $0xF  }
0x158: {  	v20 =	vshrl.u32 v3, $0x11;
	v8 =	vadd.s32 v8, v11;
	v11 =	vor.u32 v18, v19  }
0x159: {  	v18 =	vshll.u32 v3, $0xF;
	v19 =	vshrl.u32 v13, $0x11;
	v11 =	vxor.u32 v8, v11  }
0x15a: {  	v21 =	vshll.u32 v13, $0xF;
	v22 =	vshrl.u32 v11, $0x6;
	v23 =	vshll.u32 v11, $0x1A  }
0x15b: {  	v24 =	vshrl.u32 v14, $0x11;
	v8 =	vadd.s32 v8, v11;
	v11 =	vor.u32 v22, v23  }
0x15c: {  	v22 =	vshll.u32 v14, $0xF;
	v23 =	vshrl.u32 v15, $0x11;
	v11 =	vxor.u32 v8, v11  }
0x15d: {  	v25 =	vshll.u32 v15, $0xF;
	v26 =	vshrl.u32 v11, $0x1A;
	v27 =	vshll.u32 v11, $0x6  }
0x15e: {  	v28 =	vshrl.u32 v17, $0x11;
	v8 =	vadd.s32 v8, v11;
	v11 =	vor.u32 v26, v27  }
0x15f: {  	v26 =	vshll.u32 v17, $0xF;
	v27 =	vshrl.u32 v16, $0x11;
	v11 =	vxor.u32 v8, v11  }
0x160: {  	v30 =	vshrl.u32 v10, $0x11;
	v29 =	vshll.u32 v16, $0xF;
	v11 =	vadd.s32 $0x97B8C3E4, v11  }
0x161: {  	v8 =	vadd.s32 v11, v8;
	v31 =	vshrl.u32 v11, $0xF;
	v11 =	vshll.u32 v11, $0x11  }
0x162: {  	v8 =	vadd.s32 $0x85F65B85, v8;
	v11 =	vor.u32 v31, v11;
	v31 =	vshll.u32 v10, $0xF  }
0x163: {  	v18 =	vor.u32 v20, v18;
	v19 =	vor.u32 v19, v21;
	v11 =	vxor.u32 v8, v11  }
0x164: {  	v20 =	vor.u32 v24, v22;
	v21 =	vshrl.u32 v11, $0x3;
	v22 =	vshll.u32 v11, $0x1D  }
0x165: {  	v23 =	vor.u32 v23, v25;
	v8 =	vadd.s32 v8, v11;
	v11 =	vor.u32 v21, v22  }
0x166: {  	v21 =	vor.u32 v28, v26;
	v22 =	vor.u32 v27, v29;
	v11 =	vxor.u32 v8, v11  }
0x167: {  	v3 =	vadd.s32 v6, v3;
	v6 =	vshrl.u32 v11, $0x10;
	v24 =	vshll.u32 v11, $0x10  }
0x168: {  	v5 =	vadd.s32 v5, v13;
	v8 =	vadd.s32 v8, v11;
	v6 =	vor.u32 v6, v24  }
0x169: {  	v7 =	vadd.s32 v7, v14;
	v4 =	vadd.s32 v4, v15;
	v6 =	vxor.u32 v8, v6  }
0x16a: {  	v11 =	vadd.s32 v12, v17;
	v12 =	vshrl.u32 v6, $0x8;
	v13 =	vshll.u32 v6, $0x18  }
0x16b: {  	v2 =	vadd.s32 v2, v16;
	v6 =	vadd.s32 v8, v6;
	v8 =	vor.u32 v12, v13  }
0x16c: {  	v9 =	vadd.s32 v9, v10;
	v10 =	vor.u32 v30, v31;
	v8 =	vxor.u32 v6, v8  }
0x16d: {  	v12 =	vxor.u32 v3, v18;
	v13 =	vxor.u32 v5, v19;
	v8 =	vadd.s32 $0x99F83C2, v8  }
0x16e: {  	v6 =	vadd.s32 v8, v6;
	v14 =	vshrl.u32 v8, $0x13;
	v8 =	vshll.u32 v8, $0xD  }
0x16f: {  	v15 =	vxor.u32 v7, v20;
	v6 =	vadd.s32 $0x97B8C3E1, v6;
	v8 =	vor.u32 v14, v8  }
0x170: {  	v16 =	vxor.u32 v11, v21;
	v14 =	vxor.u32 v4, v23;
	v8 =	vxor.u32 v6, v8  }
0x171: {  	v17 =	vxor.u32 v2, v22;
	v18 =	vshrl.u32 v8, $0x11;
	v19 =	vshll.u32 v8, $0xF  }
0x172: {  	v10 =	vxor.u32 v9, v10;
	v6 =	vadd.s32 v6, v8;
	v8 =	vor.u32 v18, v19  }
0x173: {  	v18 =	vshrl.u32 v12, $0x6;
	v19 =	vshll.u32 v12, $0x1A;
	v8 =	vxor.u32 v6, v8  }
0x174: {  	v20 =	vshrl.u32 v13, $0x6;
	v21 =	vshrl.u32 v8, $0x6;
	v22 =	vshll.u32 v8, $0x1A  }
0x175: {  	v23 =	vshll.u32 v13, $0x1A;
	v6 =	vadd.s32 v6, v8;
	v8 =	vor.u32 v21, v22  }
0x176: {  	v21 =	vshrl.u32 v15, $0x6;
	v22 =	vshll.u32 v15, $0x1A;
	v8 =	vxor.u32 v6, v8  }
0x177: {  	v24 =	vshrl.u32 v14, $0x6;
	v25 =	vshrl.u32 v8, $0x1A;
	v26 =	vshll.u32 v8, $0x6  }
0x178: {  	v27 =	vshll.u32 v14, $0x1A;
	v6 =	vadd.s32 v6, v8;
	v8 =	vor.u32 v25, v26  }
0x179: {  	v25 =	vshrl.u32 v16, $0x6;
	v26 =	vshll.u32 v16, $0x1A;
	v8 =	vxor.u32 v6, v8  }
0x17a: {  	v28 =	vshrl.u32 v17, $0x6;
	v6 =	vadd.s32 $0x99F83BE, v6;
	v8 =	vadd.s32 $0x85F65B8A, v8  }
0x17b: {  	s12 =	sadd.s32 $0x80, s12;
	v29 =	vshll.u32 v17, $0x1A;
	v6 =	vxor.u32 v6, v8;
	v8 =	vshrl.u32 v10, $0x6  }
0x17c: {  	v18 =	vor.u32 v18, v19;
	v19 =	vor.u32 v20, v23;
	[tilespmem:s12+$0x20] =	vst v6;
	v6 =	vshll.u32 v10, $0x1A  }
0x17d: {  	v20 =	vor.u32 v21, v22;
	v21 =	vor.u32 v24, v27;
	v22 =	vor.u32 v25, v26  }
0x17e: {  	v3 =	vadd.s32 v3, v12;
	v5 =	vadd.s32 v5, v13;
	v12 =	vor.u32 v28, v29  }
0x17f: {  	v7 =	vadd.s32 v7, v15;
	v11 =	vadd.s32 v11, v16;
	v4 =	vadd.s32 v4, v14  }
0x180: {  	v9 =	vadd.s32 v9, v10;
	v2 =	vadd.s32 v2, v17;
	v6 =	vor.u32 v8, v6  }
0x181: {  	v13 =	vxor.u32 v7, v20;
	v10 =	vxor.u32 v5, v19;
	v8 =	vxor.u32 v3, v18  }
0x182: {  	v12 =	vxor.u32 v2, v12;
	v14 =	vxor.u32 v4, v21;
	v15 =	vxor.u32 v11, v22  }
0x183: {  	v16 =	vshrl.u32 v8, $0x1A;
	v17 =	vshll.u32 v8, $0x6;
	v6 =	vxor.u32 v9, v6  }
0x184: {  	v20 =	vshrl.u32 v13, $0x1A;
	v18 =	vshrl.u32 v10, $0x1A;
	v19 =	vshll.u32 v10, $0x6  }
0x185: {  	v21 =	vshll.u32 v13, $0x6;
	v23 =	vshll.u32 v14, $0x6;
	v22 =	vshrl.u32 v14, $0x1A  }
0x186: {  	v26 =	vshrl.u32 v12, $0x1A;
	v24 =	vshrl.u32 v15, $0x1A;
	v25 =	vshll.u32 v15, $0x6  }
0x187: {  	v27 =	vshll.u32 v12, $0x6;
	v28 =	vshrl.u32 v6, $0x1A;
	v29 =	vshll.u32 v6, $0x6  }
0x188: {  	v16 =	vor.u32 v16, v17;
	v17 =	vor.u32 v18, v19;
	v18 =	vor.u32 v20, v21  }
0x189: {  	v19 =	vor.u32 v22, v23;
	v20 =	vor.u32 v24, v25;
	v21 =	vor.u32 v26, v27  }
0x18a: {  	v7 =	vadd.s32 v7, v13;
	v5 =	vadd.s32 v5, v10;
	v3 =	vadd.s32 v3, v8  }
0x18b: {  	v2 =	vadd.s32 v2, v12;
	v4 =	vadd.s32 v4, v14;
	v8 =	vadd.s32 v11, v15  }
0x18c: {  	v6 =	vadd.s32 v9, v6;
	v10 =	vxor.u32 v3, v16;
	v9 =	vor.u32 v28, v29  }
0x18d: {  	v11 =	vxor.u32 v5, v17;
	v12 =	vxor.u32 v7, v18;
	v13 =	vxor.u32 v4, v19  }
0x18e: {  	v14 =	vxor.u32 v8, v20;
	v15 =	vxor.u32 v2, v21;
	v9 =	vxor.u32 v6, v9  }
0x18f: {  	v10 =	vadd.s32 $0x99F83BF, v10;
	v11 =	vadd.s32 $0x99F83BF, v11;
	v12 =	vadd.s32 $0x99F83BF, v12  }
0x190: {  	v13 =	vadd.s32 $0x99F83BF, v13;
	v14 =	vadd.s32 $0x99F83BF, v14;
	v15 =	vadd.s32 $0x99F83BF, v15  }
0x191: {  	v3 =	vadd.s32 v10, v3;
	v16 =	vshrl.u32 v10, $0xF;
	v9 =	vadd.s32 $0x99F83BF, v9  }
0x192: {  	v10 =	vshll.u32 v10, $0x11;
	v5 =	vadd.s32 v11, v5;
	v17 =	vshrl.u32 v11, $0xF  }
0x193: {  	v11 =	vshll.u32 v11, $0x11;
	v7 =	vadd.s32 v12, v7;
	v18 =	vshrl.u32 v12, $0xF  }
0x194: {  	v12 =	vshll.u32 v12, $0x11;
	v4 =	vadd.s32 v13, v4;
	v19 =	vshrl.u32 v13, $0xF  }
0x195: {  	v13 =	vshll.u32 v13, $0x11;
	v8 =	vadd.s32 v14, v8;
	v20 =	vshrl.u32 v14, $0xF  }
0x196: {  	v14 =	vshll.u32 v14, $0x11;
	v2 =	vadd.s32 v15, v2;
	v21 =	vshrl.u32 v15, $0xF  }
0x197: {  	v15 =	vshll.u32 v15, $0x11;
	v6 =	vadd.s32 v9, v6;
	v22 =	vshrl.u32 v9, $0xF  }
0x198: {  	v3 =	vadd.s32 $0x97B8C3E1, v3;
	v10 =	vor.u32 v16, v10;
	v9 =	vshll.u32 v9, $0x11  }
0x199: {  	v5 =	vadd.s32 $0x97B8C3E1, v5;
	v11 =	vor.u32 v17, v11;
	v7 =	vadd.s32 $0x97B8C3E1, v7  }
0x19a: {  	v12 =	vor.u32 v18, v12;
	v4 =	vadd.s32 $0x97B8C3E1, v4;
	v13 =	vor.u32 v19, v13  }
0x19b: {  	v8 =	vadd.s32 $0x97B8C3E1, v8;
	v14 =	vor.u32 v20, v14;
	v2 =	vadd.s32 $0x97B8C3E1, v2  }
0x19c: {  	v15 =	vor.u32 v21, v15;
	v6 =	vadd.s32 $0x97B8C3E1, v6;
	v9 =	vor.u32 v22, v9  }
0x19d: {  	v10 =	vxor.u32 v3, v10;
	v11 =	vxor.u32 v5, v11;
	v12 =	vxor.u32 v7, v12  }
0x19e: {  	v13 =	vxor.u32 v4, v13;
	v14 =	vxor.u32 v8, v14;
	v15 =	vxor.u32 v2, v15  }
0x19f: {  	v16 =	vshrl.u32 v10, $0x3;
	v17 =	vshll.u32 v10, $0x1D;
	v9 =	vxor.u32 v6, v9  }
0x1a0: {  	v18 =	vshrl.u32 v11, $0x3;
	v19 =	vshll.u32 v11, $0x1D;
	v20 =	vshrl.u32 v12, $0x3  }
0x1a1: {  	v21 =	vshll.u32 v12, $0x1D;
	v22 =	vshrl.u32 v13, $0x3;
	v23 =	vshll.u32 v13, $0x1D  }
0x1a2: {  	v24 =	vshrl.u32 v14, $0x3;
	v25 =	vshll.u32 v14, $0x1D;
	v26 =	vshrl.u32 v15, $0x3  }
0x1a3: {  	v27 =	vshll.u32 v15, $0x1D;
	v28 =	vshrl.u32 v9, $0x3;
	v29 =	vshll.u32 v9, $0x1D  }
0x1a4: {  	v16 =	vor.u32 v16, v17;
	v17 =	vor.u32 v18, v19;
	v18 =	vor.u32 v20, v21  }
0x1a5: {  	v19 =	vor.u32 v22, v23;
	v20 =	vor.u32 v24, v25;
	v21 =	vor.u32 v26, v27  }
0x1a6: {  	v3 =	vadd.s32 v3, v10;
	v5 =	vadd.s32 v5, v11;
	v7 =	vadd.s32 v7, v12  }
0x1a7: {  	v4 =	vadd.s32 v4, v13;
	v8 =	vadd.s32 v8, v14;
	v2 =	vadd.s32 v2, v15  }
0x1a8: {  	v6 =	vadd.s32 v6, v9;
	v10 =	vxor.u32 v3, v16;
	v9 =	vor.u32 v28, v29  }
0x1a9: {  	v11 =	vxor.u32 v5, v17;
	v12 =	vxor.u32 v7, v18;
	v13 =	vxor.u32 v4, v19  }
0x1aa: {  	v14 =	vxor.u32 v8, v20;
	v15 =	vxor.u32 v2, v21;
	v9 =	vxor.u32 v6, v9  }
0x1ab: {  	v16 =	vshrl.u32 v10, $0x10;
	v17 =	vshll.u32 v10, $0x10;
	v18 =	vshrl.u32 v11, $0x10  }
0x1ac: {  	v19 =	vshll.u32 v11, $0x10;
	v20 =	vshrl.u32 v12, $0x10;
	v21 =	vshll.u32 v12, $0x10  }
0x1ad: {  	v22 =	vshrl.u32 v13, $0x10;
	v23 =	vshll.u32 v13, $0x10;
	v24 =	vshrl.u32 v14, $0x10  }
0x1ae: {  	v25 =	vshll.u32 v14, $0x10;
	v26 =	vshrl.u32 v15, $0x10;
	v27 =	vshll.u32 v15, $0x10  }
0x1af: {  	v16 =	vor.u32 v16, v17;
	v17 =	vshrl.u32 v9, $0x10;
	v28 =	vshll.u32 v9, $0x10  }
0x1b0: {  	v18 =	vor.u32 v18, v19;
	v19 =	vor.u32 v20, v21;
	v20 =	vor.u32 v22, v23  }
0x1b1: {  	v3 =	vadd.s32 v3, v10;
	v10 =	vor.u32 v24, v25;
	v21 =	vor.u32 v26, v27  }
0x1b2: {  	v5 =	vadd.s32 v5, v11;
	v7 =	vadd.s32 v7, v12;
	v4 =	vadd.s32 v4, v13  }
0x1b3: {  	v8 =	vadd.s32 v8, v14;
	v2 =	vadd.s32 v2, v15;
	v11 =	vor.u32 v17, v28  }
0x1b4: {  	v6 =	vadd.s32 v6, v9;
	v12 =	vxor.u32 v3, v16;
	v13 =	vxor.u32 v5, v18  }
0x1b5: {  	v9 =	vxor.u32 v7, v19;
	v14 =	vxor.u32 v4, v20;
	v10 =	vxor.u32 v8, v10  }
0x1b6: {  	v16 =	vxor.u32 v2, v21;
	v15 =	vshrl.u32 v12, $0x8;
	v11 =	vxor.u32 v6, v11  }
0x1b7: {  	v17 =	vshll.u32 v12, $0x18;
	v18 =	vshrl.u32 v13, $0x8;
	v19 =	vshll.u32 v13, $0x18  }
0x1b8: {  	v20 =	vshrl.u32 v9, $0x8;
	v21 =	vshll.u32 v9, $0x18;
	v22 =	vshrl.u32 v14, $0x8  }
0x1b9: {  	v23 =	vshll.u32 v14, $0x18;
	v24 =	vshrl.u32 v10, $0x8;
	v25 =	vshll.u32 v10, $0x18  }
0x1ba: {  	v26 =	vshrl.u32 v16, $0x8;
	v27 =	vshll.u32 v16, $0x18;
	v28 =	vshrl.u32 v11, $0x8  }
0x1bb: {  	v15 =	vor.u32 v15, v17;
	v17 =	vor.u32 v18, v19;
	v18 =	vshll.u32 v11, $0x18  }
0x1bc: {  	v19 =	vor.u32 v20, v21;
	v20 =	vor.u32 v22, v23;
	v21 =	vor.u32 v24, v25  }
0x1bd: {  	v3 =	vadd.s32 v3, v12;
	v5 =	vadd.s32 v5, v13;
	v12 =	vor.u32 v26, v27  }
0x1be: {  	v7 =	vadd.s32 v7, v9;
	v4 =	vadd.s32 v4, v14;
	v8 =	vadd.s32 v8, v10  }
0x1bf: {  	v2 =	vadd.s32 v2, v16;
	v6 =	vadd.s32 v6, v11;
	v9 =	vor.u32 v28, v18  }
0x1c0: {  	v10 =	vxor.u32 v3, v15;
	v11 =	vxor.u32 v5, v17;
	v13 =	vxor.u32 v7, v19  }
0x1c1: {  	v14 =	vxor.u32 v4, v20;
	v15 =	vxor.u32 v8, v21;
	v12 =	vxor.u32 v2, v12  }
0x1c2: {  	v10 =	vadd.s32 $0x85F65B87, v10;
	v11 =	vadd.s32 $0x85F65B87, v11;
	v9 =	vxor.u32 v6, v9  }
0x1c3: {  	v13 =	vadd.s32 $0x85F65B87, v13;
	v14 =	vadd.s32 $0x85F65B87, v14;
	v15 =	vadd.s32 $0x85F65B87, v15  }
0x1c4: {  	v12 =	vadd.s32 $0x85F65B87, v12;
	v3 =	vadd.s32 v10, v3;
	v9 =	vadd.s32 $0x85F65B87, v9  }
0x1c5: {  	v16 =	vshrl.u32 v10, $0x13;
	v10 =	vshll.u32 v10, $0xD;
	v5 =	vadd.s32 v11, v5  }
0x1c6: {  	v17 =	vshrl.u32 v11, $0x13;
	v11 =	vshll.u32 v11, $0xD;
	v7 =	vadd.s32 v13, v7  }
0x1c7: {  	v18 =	vshrl.u32 v13, $0x13;
	v13 =	vshll.u32 v13, $0xD;
	v4 =	vadd.s32 v14, v4  }
0x1c8: {  	v19 =	vshrl.u32 v14, $0x13;
	v14 =	vshll.u32 v14, $0xD;
	v8 =	vadd.s32 v15, v8  }
0x1c9: {  	v20 =	vshrl.u32 v15, $0x13;
	v15 =	vshll.u32 v15, $0xD;
	v2 =	vadd.s32 v12, v2  }
0x1ca: {  	v21 =	vshrl.u32 v12, $0x13;
	v12 =	vshll.u32 v12, $0xD;
	v6 =	vadd.s32 v9, v6  }
0x1cb: {  	v3 =	vadd.s32 $0x99F83BE, v3;
	v22 =	vshrl.u32 v9, $0x13;
	v9 =	vshll.u32 v9, $0xD  }
0x1cc: {  	v10 =	vor.u32 v16, v10;
	v5 =	vadd.s32 $0x99F83BE, v5;
	v11 =	vor.u32 v17, v11  }
0x1cd: {  	v7 =	vadd.s32 $0x99F83BE, v7;
	v13 =	vor.u32 v18, v13;
	v4 =	vadd.s32 $0x99F83BE, v4  }
0x1ce: {  	v14 =	vor.u32 v19, v14;
	v8 =	vadd.s32 $0x99F83BE, v8;
	v15 =	vor.u32 v20, v15  }
0x1cf: {  	v2 =	vadd.s32 $0x99F83BE, v2;
	v12 =	vor.u32 v21, v12;
	v6 =	vadd.s32 $0x99F83BE, v6  }
0x1d0: {  	v10 =	vxor.u32 v3, v10;
	v11 =	vxor.u32 v5, v11;
	v9 =	vor.u32 v22, v9  }
0x1d1: {  	v13 =	vxor.u32 v7, v13;
	v14 =	vxor.u32 v4, v14;
	v15 =	vxor.u32 v8, v15  }
0x1d2: {  	v12 =	vxor.u32 v2, v12;
	v16 =	vshrl.u32 v10, $0x11;
	v9 =	vxor.u32 v6, v9  }
0x1d3: {  	v17 =	vshll.u32 v10, $0xF;
	v18 =	vshrl.u32 v11, $0x11;
	v19 =	vshll.u32 v11, $0xF  }
0x1d4: {  	v20 =	vshrl.u32 v13, $0x11;
	v21 =	vshll.u32 v13, $0xF;
	v22 =	vshrl.u32 v14, $0x11  }
0x1d5: {  	v23 =	vshll.u32 v14, $0xF;
	v24 =	vshrl.u32 v15, $0x11;
	v25 =	vshll.u32 v15, $0xF  }
0x1d6: {  	v26 =	vshrl.u32 v12, $0x11;
	v27 =	vshll.u32 v12, $0xF;
	v28 =	vshrl.u32 v9, $0x11  }
0x1d7: {  	v16 =	vor.u32 v16, v17;
	v17 =	vor.u32 v18, v19;
	v18 =	vshll.u32 v9, $0xF  }
0x1d8: {  	v19 =	vor.u32 v20, v21;
	v20 =	vor.u32 v22, v23;
	v21 =	vor.u32 v24, v25  }
0x1d9: {  	v3 =	vadd.s32 v3, v10;
	v5 =	vadd.s32 v5, v11;
	v10 =	vor.u32 v26, v27  }
0x1da: {  	v7 =	vadd.s32 v7, v13;
	v4 =	vadd.s32 v4, v14;
	v8 =	vadd.s32 v8, v15  }
0x1db: {  	v2 =	vadd.s32 v2, v12;
	v6 =	vadd.s32 v6, v9;
	v9 =	vor.u32 v28, v18  }
0x1dc: {  	v11 =	vxor.u32 v3, v16;
	v12 =	vxor.u32 v5, v17;
	v13 =	vxor.u32 v7, v19  }
0x1dd: {  	v14 =	vxor.u32 v4, v20;
	v15 =	vxor.u32 v8, v21;
	v10 =	vxor.u32 v2, v10  }
0x1de: {  	v16 =	vshrl.u32 v11, $0x6;
	v17 =	vshll.u32 v11, $0x1A;
	v9 =	vxor.u32 v6, v9  }
0x1df: {  	v18 =	vshrl.u32 v12, $0x6;
	v19 =	vshll.u32 v12, $0x1A;
	v20 =	vshrl.u32 v13, $0x6  }
0x1e0: {  	v21 =	vshll.u32 v13, $0x1A;
	v22 =	vshrl.u32 v14, $0x6;
	v23 =	vshll.u32 v14, $0x1A  }
0x1e1: {  	v24 =	vshrl.u32 v15, $0x6;
	v25 =	vshll.u32 v15, $0x1A;
	v26 =	vshrl.u32 v10, $0x6  }
0x1e2: {  	v27 =	vshll.u32 v10, $0x1A;
	v28 =	vshrl.u32 v9, $0x6;
	v29 =	vshll.u32 v9, $0x1A  }
0x1e3: {  	v16 =	vor.u32 v16, v17;
	v17 =	vor.u32 v18, v19;
	v18 =	vor.u32 v20, v21  }
0x1e4: {  	v19 =	vor.u32 v22, v23;
	v20 =	vor.u32 v24, v25;
	v21 =	vor.u32 v26, v27  }
0x1e5: {  	v3 =	vadd.s32 v3, v11;
	v5 =	vadd.s32 v5, v12;
	v7 =	vadd.s32 v7, v13  }
0x1e6: {  	v4 =	vadd.s32 v4, v14;
	v8 =	vadd.s32 v8, v15;
	v2 =	vadd.s32 v2, v10  }
0x1e7: {  	v6 =	vadd.s32 v6, v9;
	v10 =	vxor.u32 v3, v16;
	v9 =	vor.u32 v28, v29  }
0x1e8: {  	v11 =	vxor.u32 v5, v17;
	v12 =	vxor.u32 v7, v18;
	v13 =	vxor.u32 v4, v19  }
0x1e9: {  	v14 =	vxor.u32 v8, v20;
	v15 =	vxor.u32 v2, v21;
	v9 =	vxor.u32 v6, v9  }
0x1ea: {  	v16 =	vshrl.u32 v10, $0x1A;
	v17 =	vshll.u32 v10, $0x6;
	v18 =	vshrl.u32 v11, $0x1A  }
0x1eb: {  	v19 =	vshll.u32 v11, $0x6;
	v20 =	vshrl.u32 v12, $0x1A;
	v21 =	vshll.u32 v12, $0x6  }
0x1ec: {  	v22 =	vshrl.u32 v13, $0x1A;
	v23 =	vshll.u32 v13, $0x6;
	v24 =	vshrl.u32 v14, $0x1A  }
0x1ed: {  	v25 =	vshll.u32 v14, $0x6;
	v26 =	vshrl.u32 v15, $0x1A;
	v27 =	vshll.u32 v15, $0x6  }
0x1ee: {  	v16 =	vor.u32 v16, v17;
	v17 =	vshrl.u32 v9, $0x1A;
	v28 =	vshll.u32 v9, $0x6  }
0x1ef: {  	v18 =	vor.u32 v18, v19;
	v19 =	vor.u32 v20, v21;
	v20 =	vor.u32 v22, v23  }
0x1f0: {  	v3 =	vadd.s32 v3, v10;
	v10 =	vor.u32 v24, v25;
	v21 =	vor.u32 v26, v27  }
0x1f1: {  	v5 =	vadd.s32 v5, v11;
	v7 =	vadd.s32 v7, v12;
	v4 =	vadd.s32 v4, v13  }
0x1f2: {  	v8 =	vadd.s32 v8, v14;
	v2 =	vadd.s32 v2, v15;
	v11 =	vor.u32 v17, v28  }
0x1f3: {  	v6 =	vadd.s32 v6, v9;
	v12 =	vxor.u32 v3, v16;
	v13 =	vxor.u32 v5, v18  }
0x1f4: {  	v9 =	vxor.u32 v7, v19;
	v14 =	vxor.u32 v4, v20;
	v10 =	vxor.u32 v8, v10  }
0x1f5: {  	v15 =	vxor.u32 v2, v21;
	v12 =	vadd.s32 $0x97B8C3E4, v12;
	v11 =	vxor.u32 v6, v11  }
0x1f6: {  	v13 =	vadd.s32 $0x97B8C3E4, v13;
	v9 =	vadd.s32 $0x97B8C3E4, v9;
	v14 =	vadd.s32 $0x97B8C3E4, v14  }
0x1f7: {  	v10 =	vadd.s32 $0x97B8C3E4, v10;
	v15 =	vadd.s32 $0x97B8C3E4, v15;
	v11 =	vadd.s32 $0x97B8C3E4, v11  }
0x1f8: {  	v3 =	vadd.s32 v12, v3;
	v16 =	vshrl.u32 v12, $0xF;
	v12 =	vshll.u32 v12, $0x11  }
0x1f9: {  	v5 =	vadd.s32 v13, v5;
	v17 =	vshrl.u32 v13, $0xF;
	v13 =	vshll.u32 v13, $0x11  }
0x1fa: {  	v7 =	vadd.s32 v9, v7;
	v18 =	vshrl.u32 v9, $0xF;
	v9 =	vshll.u32 v9, $0x11  }
0x1fb: {  	v4 =	vadd.s32 v14, v4;
	v19 =	vshrl.u32 v14, $0xF;
	v14 =	vshll.u32 v14, $0x11  }
0x1fc: {  	v8 =	vadd.s32 v10, v8;
	v20 =	vshrl.u32 v10, $0xF;
	v10 =	vshll.u32 v10, $0x11  }
0x1fd: {  	v2 =	vadd.s32 v15, v2;
	v21 =	vshrl.u32 v15, $0xF;
	v15 =	vshll.u32 v15, $0x11  }
0x1fe: {  	v6 =	vadd.s32 v11, v6;
	v22 =	vshrl.u32 v11, $0xF;
	v11 =	vshll.u32 v11, $0x11  }
0x1ff: {  	v3 =	vadd.s32 $0x85F65B85, v3;
	v12 =	vor.u32 v16, v12;
	v5 =	vadd.s32 $0x85F65B85, v5  }
0x200: {  	v13 =	vor.u32 v17, v13;
	v7 =	vadd.s32 $0x85F65B85, v7;
	v9 =	vor.u32 v18, v9  }
0x201: {  	v4 =	vadd.s32 $0x85F65B85, v4;
	v14 =	vor.u32 v19, v14;
	v8 =	vadd.s32 $0x85F65B85, v8  }
0x202: {  	v10 =	vor.u32 v20, v10;
	v2 =	vadd.s32 $0x85F65B85, v2;
	v15 =	vor.u32 v21, v15  }
0x203: {  	v12 =	vxor.u32 v3, v12;
	v6 =	vadd.s32 $0x85F65B85, v6;
	v11 =	vor.u32 v22, v11  }
0x204: {  	v13 =	vxor.u32 v5, v13;
	v9 =	vxor.u32 v7, v9;
	v14 =	vxor.u32 v4, v14  }
0x205: {  	v10 =	vxor.u32 v8, v10;
	v15 =	vxor.u32 v2, v15;
	v11 =	vxor.u32 v6, v11  }
0x206: {  	v16 =	vshrl.u32 v12, $0x3;
	v17 =	vshll.u32 v12, $0x1D;
	v18 =	vshrl.u32 v13, $0x3  }
0x207: {  	v19 =	vshll.u32 v13, $0x1D;
	v20 =	vshrl.u32 v9, $0x3;
	v21 =	vshll.u32 v9, $0x1D  }
0x208: {  	v22 =	vshrl.u32 v14, $0x3;
	v23 =	vshll.u32 v14, $0x1D;
	v24 =	vshrl.u32 v10, $0x3  }
0x209: {  	v25 =	vshll.u32 v10, $0x1D;
	v26 =	vshrl.u32 v15, $0x3;
	v27 =	vshll.u32 v15, $0x1D  }
0x20a: {  	v16 =	vor.u32 v16, v17;
	v17 =	vshrl.u32 v11, $0x3;
	v28 =	vshll.u32 v11, $0x1D  }
0x20b: {  	v18 =	vor.u32 v18, v19;
	v19 =	vor.u32 v20, v21;
	v20 =	vor.u32 v22, v23  }
0x20c: {  	v3 =	vadd.s32 v3, v12;
	v12 =	vor.u32 v24, v25;
	v21 =	vor.u32 v26, v27  }
0x20d: {  	v5 =	vadd.s32 v5, v13;
	v7 =	vadd.s32 v7, v9;
	v4 =	vadd.s32 v4, v14  }
0x20e: {  	v8 =	vadd.s32 v8, v10;
	v2 =	vadd.s32 v2, v15;
	v9 =	vor.u32 v17, v28  }
0x20f: {  	v6 =	vadd.s32 v6, v11;
	v10 =	vxor.u32 v3, v16;
	v13 =	vxor.u32 v5, v18  }
0x210: {  	v11 =	vxor.u32 v7, v19;
	v14 =	vxor.u32 v4, v20;
	v12 =	vxor.u32 v8, v12  }
0x211: {  	v16 =	vxor.u32 v2, v21;
	v15 =	vshrl.u32 v10, $0x10;
	v9 =	vxor.u32 v6, v9  }
0x212: {  	v17 =	vshll.u32 v10, $0x10;
	v18 =	vshrl.u32 v13, $0x10;
	v19 =	vshll.u32 v13, $0x10  }
0x213: {  	v20 =	vshrl.u32 v11, $0x10;
	v21 =	vshll.u32 v11, $0x10;
	v22 =	vshrl.u32 v14, $0x10  }
0x214: {  	v23 =	vshll.u32 v14, $0x10;
	v24 =	vshrl.u32 v12, $0x10;
	v25 =	vshll.u32 v12, $0x10  }
0x215: {  	v26 =	vshrl.u32 v16, $0x10;
	v27 =	vshll.u32 v16, $0x10;
	v28 =	vshrl.u32 v9, $0x10  }
0x216: {  	v15 =	vor.u32 v15, v17;
	v17 =	vor.u32 v18, v19;
	v18 =	vshll.u32 v9, $0x10  }
0x217: {  	v19 =	vor.u32 v20, v21;
	v20 =	vor.u32 v22, v23;
	v21 =	vor.u32 v24, v25  }
0x218: {  	v3 =	vadd.s32 v3, v10;
	v5 =	vadd.s32 v5, v13;
	v10 =	vor.u32 v26, v27  }
0x219: {  	v7 =	vadd.s32 v7, v11;
	v4 =	vadd.s32 v4, v14;
	v8 =	vadd.s32 v8, v12  }
0x21a: {  	v2 =	vadd.s32 v2, v16;
	v6 =	vadd.s32 v6, v9;
	v9 =	vor.u32 v28, v18  }
0x21b: {  	v11 =	vxor.u32 v3, v15;
	v12 =	vxor.u32 v5, v17;
	v13 =	vxor.u32 v7, v19  }
0x21c: {  	v14 =	vxor.u32 v4, v20;
	v15 =	vxor.u32 v8, v21;
	v10 =	vxor.u32 v2, v10  }
0x21d: {  	v16 =	vshrl.u32 v11, $0x8;
	v17 =	vshll.u32 v11, $0x18;
	v9 =	vxor.u32 v6, v9  }
0x21e: {  	v18 =	vshrl.u32 v12, $0x8;
	v19 =	vshll.u32 v12, $0x18;
	v20 =	vshrl.u32 v13, $0x8  }
0x21f: {  	v21 =	vshll.u32 v13, $0x18;
	v22 =	vshrl.u32 v14, $0x8;
	v23 =	vshll.u32 v14, $0x18  }
0x220: {  	v24 =	vshrl.u32 v15, $0x8;
	v25 =	vshll.u32 v15, $0x18;
	v26 =	vshrl.u32 v10, $0x8  }
0x221: {  	v27 =	vshll.u32 v10, $0x18;
	v28 =	vshrl.u32 v9, $0x8;
	v29 =	vshll.u32 v9, $0x18  }
0x222: {  	v16 =	vor.u32 v16, v17;
	v17 =	vor.u32 v18, v19;
	v18 =	vor.u32 v20, v21  }
0x223: {  	v19 =	vor.u32 v22, v23;
	v20 =	vor.u32 v24, v25;
	v21 =	vor.u32 v26, v27  }
0x224: {  	v3 =	vadd.s32 v3, v11;
	v5 =	vadd.s32 v5, v12;
	v7 =	vadd.s32 v7, v13  }
0x225: {  	v4 =	vadd.s32 v4, v14;
	v8 =	vadd.s32 v8, v15;
	v2 =	vadd.s32 v2, v10  }
0x226: {  	v6 =	vadd.s32 v6, v9;
	v10 =	vxor.u32 v3, v16;
	v9 =	vor.u32 v28, v29  }
0x227: {  	v11 =	vxor.u32 v5, v17;
	v12 =	vxor.u32 v7, v18;
	v13 =	vxor.u32 v4, v19  }
0x228: {  	v14 =	vxor.u32 v8, v20;
	v15 =	vxor.u32 v2, v21;
	v9 =	vxor.u32 v6, v9  }
0x229: {  	v10 =	vadd.s32 $0x99F83C2, v10;
	v11 =	vadd.s32 $0x99F83C2, v11;
	v12 =	vadd.s32 $0x99F83C2, v12  }
0x22a: {  	v13 =	vadd.s32 $0x99F83C2, v13;
	v14 =	vadd.s32 $0x99F83C2, v14;
	v15 =	vadd.s32 $0x99F83C2, v15  }
0x22b: {  	v3 =	vadd.s32 v10, v3;
	v16 =	vshrl.u32 v10, $0x13;
	v9 =	vadd.s32 $0x99F83C2, v9  }
0x22c: {  	v10 =	vshll.u32 v10, $0xD;
	v5 =	vadd.s32 v11, v5;
	v17 =	vshrl.u32 v11, $0x13  }
0x22d: {  	v11 =	vshll.u32 v11, $0xD;
	v7 =	vadd.s32 v12, v7;
	v18 =	vshrl.u32 v12, $0x13  }
0x22e: {  	v12 =	vshll.u32 v12, $0xD;
	v4 =	vadd.s32 v13, v4;
	v19 =	vshrl.u32 v13, $0x13  }
0x22f: {  	v13 =	vshll.u32 v13, $0xD;
	v8 =	vadd.s32 v14, v8;
	v20 =	vshrl.u32 v14, $0x13  }
0x230: {  	v14 =	vshll.u32 v14, $0xD;
	v2 =	vadd.s32 v15, v2;
	v21 =	vshrl.u32 v15, $0x13  }
0x231: {  	v15 =	vshll.u32 v15, $0xD;
	v6 =	vadd.s32 v9, v6;
	v22 =	vshrl.u32 v9, $0x13  }
0x232: {  	v3 =	vadd.s32 $0x97B8C3E1, v3;
	v10 =	vor.u32 v16, v10;
	v9 =	vshll.u32 v9, $0xD  }
0x233: {  	v5 =	vadd.s32 $0x97B8C3E1, v5;
	v11 =	vor.u32 v17, v11;
	v7 =	vadd.s32 $0x97B8C3E1, v7  }
0x234: {  	v12 =	vor.u32 v18, v12;
	v4 =	vadd.s32 $0x97B8C3E1, v4;
	v13 =	vor.u32 v19, v13  }
0x235: {  	v8 =	vadd.s32 $0x97B8C3E1, v8;
	v14 =	vor.u32 v20, v14;
	v2 =	vadd.s32 $0x97B8C3E1, v2  }
0x236: {  	v15 =	vor.u32 v21, v15;
	v6 =	vadd.s32 $0x97B8C3E1, v6;
	v9 =	vor.u32 v22, v9  }
0x237: {  	v10 =	vxor.u32 v3, v10;
	v11 =	vxor.u32 v5, v11;
	v12 =	vxor.u32 v7, v12  }
0x238: {  	v13 =	vxor.u32 v4, v13;
	v14 =	vxor.u32 v8, v14;
	v15 =	vxor.u32 v2, v15  }
0x239: {  	v16 =	vshrl.u32 v10, $0x11;
	v17 =	vshll.u32 v10, $0xF;
	v9 =	vxor.u32 v6, v9  }
0x23a: {  	v18 =	vshrl.u32 v11, $0x11;
	v19 =	vshll.u32 v11, $0xF;
	v20 =	vshrl.u32 v12, $0x11  }
0x23b: {  	v21 =	vshll.u32 v12, $0xF;
	v22 =	vshrl.u32 v13, $0x11;
	v23 =	vshll.u32 v13, $0xF  }
0x23c: {  	v24 =	vshrl.u32 v14, $0x11;
	v25 =	vshll.u32 v14, $0xF;
	v26 =	vshrl.u32 v15, $0x11  }
0x23d: {  	v27 =	vshll.u32 v15, $0xF;
	v28 =	vshrl.u32 v9, $0x11;
	v29 =	vshll.u32 v9, $0xF  }
0x23e: {  	v16 =	vor.u32 v16, v17;
	v17 =	vor.u32 v18, v19;
	v18 =	vor.u32 v20, v21  }
0x23f: {  	v19 =	vor.u32 v22, v23;
	v20 =	vor.u32 v24, v25;
	v21 =	vor.u32 v26, v27  }
0x240: {  	v3 =	vadd.s32 v3, v10;
	v5 =	vadd.s32 v5, v11;
	v7 =	vadd.s32 v7, v12  }
0x241: {  	v4 =	vadd.s32 v4, v13;
	v8 =	vadd.s32 v8, v14;
	v2 =	vadd.s32 v2, v15  }
0x242: {  	v6 =	vadd.s32 v6, v9;
	v10 =	vxor.u32 v3, v16;
	v9 =	vor.u32 v28, v29  }
0x243: {  	v11 =	vxor.u32 v5, v17;
	v12 =	vxor.u32 v7, v18;
	v13 =	vxor.u32 v4, v19  }
0x244: {  	v14 =	vxor.u32 v8, v20;
	v15 =	vxor.u32 v2, v21;
	v9 =	vxor.u32 v6, v9  }
0x245: {  	v16 =	vshrl.u32 v10, $0x6;
	v17 =	vshll.u32 v10, $0x1A;
	v18 =	vshrl.u32 v11, $0x6  }
0x246: {  	v19 =	vshll.u32 v11, $0x1A;
	v20 =	vshrl.u32 v12, $0x6;
	v21 =	vshll.u32 v12, $0x1A  }
0x247: {  	v22 =	vshrl.u32 v13, $0x6;
	v23 =	vshll.u32 v13, $0x1A;
	v24 =	vshrl.u32 v14, $0x6  }
0x248: {  	v25 =	vshll.u32 v14, $0x1A;
	v26 =	vshrl.u32 v15, $0x6;
	v27 =	vshll.u32 v15, $0x1A  }
0x249: {  	v16 =	vor.u32 v16, v17;
	v17 =	vshrl.u32 v9, $0x6;
	v28 =	vshll.u32 v9, $0x1A  }
0x24a: {  	v18 =	vor.u32 v18, v19;
	v19 =	vor.u32 v20, v21;
	v20 =	vor.u32 v22, v23  }
0x24b: {  	v3 =	vadd.s32 v3, v10;
	v10 =	vor.u32 v24, v25;
	v21 =	vor.u32 v26, v27  }
0x24c: {  	v5 =	vadd.s32 v5, v11;
	v7 =	vadd.s32 v7, v12;
	v4 =	vadd.s32 v4, v13  }
0x24d: {  	v8 =	vadd.s32 v8, v14;
	v2 =	vadd.s32 v2, v15;
	v11 =	vor.u32 v17, v28  }
0x24e: {  	v6 =	vadd.s32 v6, v9;
	v12 =	vxor.u32 v3, v16;
	v13 =	vxor.u32 v5, v18  }
0x24f: {  	v9 =	vxor.u32 v7, v19;
	v14 =	vxor.u32 v4, v20;
	v10 =	vxor.u32 v8, v10  }
0x250: {  	v16 =	vxor.u32 v2, v21;
	v15 =	vshrl.u32 v12, $0x1A;
	v11 =	vxor.u32 v6, v11  }
0x251: {  	v17 =	vshll.u32 v12, $0x6;
	v18 =	vshrl.u32 v13, $0x1A;
	v19 =	vshll.u32 v13, $0x6  }
0x252: {  	v20 =	vshrl.u32 v9, $0x1A;
	v21 =	vshll.u32 v9, $0x6;
	v22 =	vshrl.u32 v14, $0x1A  }
0x253: {  	v23 =	vshll.u32 v14, $0x6;
	v24 =	vshrl.u32 v10, $0x1A;
	v25 =	vshll.u32 v10, $0x6  }
0x254: {  	v26 =	vshrl.u32 v16, $0x1A;
	v27 =	vshll.u32 v16, $0x6;
	v28 =	vshrl.u32 v11, $0x1A  }
0x255: {  	v15 =	vor.u32 v15, v17;
	v17 =	vor.u32 v18, v19;
	v18 =	vshll.u32 v11, $0x6  }
0x256: {  	v19 =	vor.u32 v20, v21;
	v20 =	vor.u32 v22, v23;
	v21 =	vor.u32 v24, v25  }
0x257: {  	v3 =	vadd.s32 v3, v12;
	v5 =	vadd.s32 v5, v13;
	v12 =	vor.u32 v26, v27  }
0x258: {  	v7 =	vadd.s32 v7, v9;
	v4 =	vadd.s32 v4, v14;
	v8 =	vadd.s32 v8, v10  }
0x259: {  	v2 =	vadd.s32 v2, v16;
	v6 =	vadd.s32 v6, v11;
	v9 =	vor.u32 v28, v18  }
0x25a: {  	v10 =	vxor.u32 v3, v15;
	v11 =	vxor.u32 v5, v17;
	v13 =	vxor.u32 v7, v19  }
0x25b: {  	v14 =	vxor.u32 v4, v20;
	v15 =	vxor.u32 v8, v21;
	v12 =	vxor.u32 v2, v12  }
0x25c: {  	v10 =	vadd.s32 $0x85F65B8A, v10;
	v11 =	vadd.s32 $0x85F65B8A, v11;
	v9 =	vxor.u32 v6, v9  }
0x25d: {  	v13 =	vadd.s32 $0x85F65B8A, v13;
	v14 =	vadd.s32 $0x85F65B8A, v14;
	v15 =	vadd.s32 $0x85F65B8A, v15  }
.Ltmp0:
0x25e: {  	v16 =	vadd.s32 $0x99F83BE, v3;
	v12 =	vadd.s32 $0x85F65B8A, v12;
	v3 =	vadd.s32 $0x85F65B8A, v9;
	(pc) =	sbr.rel @p0 .LBB2_3-.Ltmp0, $4  }
0x25f: {  	v7 =	vadd.s32 $0x99F83BE, v7;
	v4 =	vadd.s32 $0x99F83BE, v4;
	v9 =	vadd.s32 $0x99F83BE, v5  }
0x260: {  	v17 =	vadd.s32 $0x99F83BE, v8;
	v2 =	vadd.s32 $0x99F83BE, v2;
	v5 =	vadd.s32 $0x99F83BE, v6  }
0x261: {  	v6 =	vxor.u32 v16, v10;
	v7 =	vxor.u32 v7, v13;
	v8 =	vxor.u32 v9, v11  }
0x262: {  	s14 =	sadd.s32 $0x80, s14;
	v2 =	vxor.u32 v2, v12;
	[tilespmem:s12+$0xFFFFFFC0] =	vst v6;
	v6 =	vxor.u32 v4, v14;
	v4 =	vxor.u32 v17, v15  }
0x263: {  	[tilespmem:s12+$0xFFFFFFD0] =	vst v8;
	s13 =	sshrl.u32 s11, $0x3  }
0x264: {  	[tilespmem:s12+$0xFFFFFFE0] =	vst v7;
	s31 =	sshll.u32 s11, $0x7;
	s13 =	smul.u32 $0xC4000, s13  }
0x265: {  	[tilespmem:s12+$0xFFFFFFF0] =	vst v6;
	s11 =	sand.u32 $0x380, s31  }
0x266: {  	[tilespmem:s12+$0x0] =	vst v4;
	s10 =	sadd.s32 $0x1, s10;
	s11 =	sor.u32 s11, s13  }
0x267: {  	v1 =	vxor.u32 v5, v3;
	[tilespmem:s12+$0x10] =	vst v2;
	p0 =	sne.s32 s10, $0x25;
	s11 =	sshrl.u32 s11, $0x3  }
.Ltmp1:
0x268: {  	[tilespmem:s12+$0x30] =	vst v1;
	s11 =	sadd.s32 s3, s11;
	(pc) =	sbr.rel @p0 .LBB2_2-.Ltmp1, $4  }
0x269: {  	[hbm4b:s11+s6] =	stream.strided.scatter [tilespmem:s2], [sflag:$0x1], $0x18800, s7, s6, $0x38;
	[tilespmem:$0x18800] =	vst v63  }
0x26a: {  	_ =	swait.ge [sflag:s8], $0x18800  }
0x26b: {  	[sflag:s8] =	ssyncset.done $0x0  }
0x26c: {  	[sflag:s8] =	ssyncadd.s32 $0xFFFE7800  }
0x26d: {  	s9 =	sadd.s32 $0x1, s9  }
0x26e: {  	p0 =	sne.s32 s9, s5  }
.Ltmp2:
0x26f: {  	_ = 	snop;
	(pc) =	sbr.rel @p0 .LBB2_1-.Ltmp2, $1  }
0x270: {  	_ =	sdelay $0x3  }
0x271: {  	_ =	sfence.sel $0x180000  }
0x272: {  	[bflag:$0x0] =	sbarrier.arrive $0xFFFF  }
0x273: {  	p0 =	sne.s32 s1, $0x0;
	_ =	strace $0x90000047  }
0x274: {  	s0 =	sadd.s32 @!p0 $0x100000, s0;
	[bflag:$0x2] =	sbarrier.arrive $0xFFFF  }
0x275: {  	[sflag:s0] =	ssyncadd.tile.s32 @!p0 $0x1;
	_ =	shalt  }
.Lfunc_end2:
_tile_overlayer_lowered:
.L_overlay_start_2:
0x276: {  	(tag) =	ssettag $0x2  }
0x277: {  	s0 =	rddreg [dreg:$0x0];
	s2 =	stileid.u32  }
0x278: {  	s1 =	rddreg [dreg:$0x1];
	p0 =	sne.s32 s2, $0x0  }
0x279: {  	s3 =	rddreg [dreg:$0x2];
	[bflag:$0x3] =	sbarrier.arrive $0xFFFF;
	s2 =	simm.s32 @!p0 $0x1C01  }
0x27a: {  	[timem:s3], [sflag:s2] =	dma.local @!p0 [hbm:s0], s1  }
0x27b: {  	s0 =	simm.s32 @!p0 $0x1  }
0x27c: {  	_ =	swait.ge @!p0 [sflag:s0], s1  }
0x27d: {  	s1 =	ssub.s32 @!p0 $0x0, s1;
	[sflag:s0] =	ssyncset.done @!p0 $0x0  }
0x27e: {  	[sflag:s0] =	ssyncadd.s32 @!p0 s1  }
0x27f: {  	[bflag:$0x3] =	sbarrier.arrive $0xFFFF  }
0x280: {  	_ =	shalt  }

</sc_bundles>
